<compile_context>
chip_gen: v7x
topology: tpu7x:2x2x1
jax: 0.10.2.dev20260603
libtpu: 0.0.44.dev20260713+nightly
codegen_flags: <defaults>
</compile_context>

<pallas_src>
import functools

import jax
import jax.numpy as jnp
from jax import lax
from jax.experimental import pallas as pl
from jax.experimental.pallas import tpu as pltpu
from jax.experimental.pallas import tpu_sc as plsc


def _lane_perm(x, idx):
    dnums = lax.GatherDimensionNumbers(
        offset_dims=(), collapsed_slice_dims=(0,), start_index_map=(0,))
    return lax.gather(x, idx[:, None], dnums, slice_sizes=(1,),
                      mode=lax.GatherScatterMode.PROMISE_IN_BOUNDS)


N_NODES = 10000
N_EDGES = 320000
D_FEAT = 128
D_WORDS = D_FEAT // 2

NUM_WORKERS = 32
EDGES_PER_WORKER = N_EDGES // NUM_WORKERS
CHUNK = 256
RING = 2
NUM_CHUNKS = -(-EDGES_PER_WORKER // CHUNK)
NUM_ROUNDS = NUM_CHUNKS // RING
LAST_START = EDGES_PER_WORKER - CHUNK


@functools.partial(
    pl.kernel,
    mesh=plsc.VectorSubcoreMesh(core_axis_name="c", subcore_axis_name="s"),
    out_type=jax.ShapeDtypeStruct((N_EDGES,), jnp.float32),
    scratch_types=[
        pltpu.VMEM((EDGES_PER_WORKER,), jnp.int32),
        pltpu.VMEM((EDGES_PER_WORKER,), jnp.int32),
        pltpu.VMEM((CHUNK, D_WORDS), jnp.int32),
        pltpu.VMEM((CHUNK, D_WORDS), jnp.int32),
        pltpu.VMEM((CHUNK, D_WORDS), jnp.int32),
        pltpu.VMEM((CHUNK, D_WORDS), jnp.int32),
        pltpu.VMEM((CHUNK,), jnp.float32),
        pltpu.VMEM((CHUNK,), jnp.float32),
        pltpu.SemaphoreType.DMA,
        pltpu.SemaphoreType.DMA,
        pltpu.SemaphoreType.DMA,
        pltpu.SemaphoreType.DMA,
        pltpu.VMEM_SHARED((N_NODES, D_WORDS), jnp.int32),
    ],
    compiler_params=pltpu.CompilerParams(use_tc_tiling_on_sc=False),
)
def _dot_scores(h_hbm, eidx_hbm, out_hbm,
                su_v, sv_v, hu0, hv0, hu1, hv1, out0, out1,
                sem0, sem1, semw0, semw1, h_sp):
    wid = lax.axis_index("s") * 2 + lax.axis_index("c")
    wbase = wid * EDGES_PER_WORKER
    lane = lax.iota(jnp.int32, 16)
    sel8 = (lane & 8) == 0
    sel4 = (lane & 4) == 0
    sel2 = (lane & 2) == 0
    sel1 = (lane & 1) == 0

    @pl.when(lax.axis_index("s") == 0)
    def _():
        pltpu.sync_copy(h_hbm, h_sp)

    pltpu.sync_copy(eidx_hbm.at[pl.ds(wbase, EDGES_PER_WORKER)], su_v)
    pltpu.sync_copy(eidx_hbm.at[pl.ds(N_EDGES + wbase, EDGES_PER_WORKER)], sv_v)
    plsc.subcore_barrier()

    def start_gather(c, hu, hv, sem):
        off = jnp.minimum(c * CHUNK, LAST_START)
        pltpu.async_copy(h_sp.at[su_v.at[pl.ds(off, CHUNK)]], hu, sem)
        pltpu.async_copy(h_sp.at[sv_v.at[pl.ds(off, CHUNK)]], hv, sem)

    def wait_gather(hu, hv, sem):
        pltpu.make_async_copy(h_hbm.at[pl.ds(0, CHUNK)], hu, sem).wait()
        pltpu.make_async_copy(h_hbm.at[pl.ds(0, CHUNK)], hv, sem).wait()


    def row_partial(hu, hv, r):
        acc = None
        for j in range(D_WORDS // 16):
            wu = hu[r, pl.ds(j * 16, 16)]
            wv = hv[r, pl.ds(j * 16, 16)]
            au = lax.bitcast_convert_type(wu << 16, jnp.float32)
            av = lax.bitcast_convert_type(wv << 16, jnp.float32)
            bu = lax.bitcast_convert_type(wu, jnp.float32)
            bv = lax.bitcast_convert_type(wv, jnp.float32)
            t = au * av + bu * bv
            acc = t if acc is None else acc + t
        return acc

    def compute_chunk(c, hu, hv, outb, semw):
        def group_body(g, carry):
            base_r = g * 16
            m = []
            for a in range(8):
                xa = row_partial(hu, hv, base_r + a)
                xb = row_partial(hu, hv, base_r + a + 8)
                sa = xa + _lane_perm(xa, lane ^ 8)
                sb = xb + _lane_perm(xb, lane ^ 8)
                m.append(jnp.where(sel8, sa, sb))
            u = []
            for a in range(4):
                t1 = m[a] + _lane_perm(m[a], lane ^ 4)
                t2 = m[a + 4] + _lane_perm(m[a + 4], lane ^ 4)
                u.append(jnp.where(sel4, t1, t2))
            w = []
            for a in range(2):
                t1 = u[a] + _lane_perm(u[a], lane ^ 2)
                t2 = u[a + 2] + _lane_perm(u[a + 2], lane ^ 2)
                w.append(jnp.where(sel2, t1, t2))
            t1 = w[0] + _lane_perm(w[0], lane ^ 1)
            t2 = w[1] + _lane_perm(w[1], lane ^ 1)
            outb[pl.ds(base_r, 16)] = jnp.where(sel1, t1, t2)
            return carry

        lax.fori_loop(0, CHUNK // 16, group_body, 0)
        off = jnp.minimum(c * CHUNK, LAST_START)
        pltpu.async_copy(outb, out_hbm.at[pl.ds(wbase + off, CHUNK)], semw)

    def wait_writeback(outb, semw):
        pltpu.make_async_copy(
            outb, out_hbm.at[pl.ds(wbase, CHUNK)], semw).wait()

    bufs = ((hu0, hv0, out0, sem0, semw0),
            (hu1, hv1, out1, sem1, semw1))

    for k in range(RING):
        start_gather(k, bufs[k][0], bufs[k][1], bufs[k][3])

    def round_body(i, carry):
        for k in range(RING):
            c = RING * i + k
            hu, hv, outb, sem, semw = bufs[k]
            wait_gather(hu, hv, sem)

            @pl.when(i > 0)
            def _():
                wait_writeback(outb, semw)

            compute_chunk(c, hu, hv, outb, semw)

            @pl.when(c + RING < NUM_CHUNKS)
            def _():
                start_gather(c + RING, hu, hv, sem)

        return carry

    lax.fori_loop(0, NUM_ROUNDS, round_body, 0)

    for k in range(RING):
        wait_writeback(bufs[k][2], bufs[k][4])


def kernel(h, edge_index):
    eidx = edge_index.astype(jnp.int32).reshape(-1)
    h_packed = lax.bitcast_convert_type(
        h.astype(jnp.bfloat16).reshape(N_NODES, D_WORDS, 2), jnp.int32)
    score = _dot_scores(h_packed, eidx)
    return score.reshape(N_EDGES, 1)

# --- scband reference (transcript-rebuilt; emitter-appended) ---
"""Pipeline reference for scband-dot-product-predictor-80942953660796 (READ-ONLY COPY).

The authoritative reference and input builder live on the scoring server;
editing this copy changes nothing except your own understanding.
"""

import jax, jax.numpy as jnp
import numpy as np

N_NODES = 10000
N_EDGES = 320000
D_FEAT = 128

def setup_inputs(seed: int = 0) -> dict:
    key = jax.random.key(seed)
    k1, k2 = jax.random.split(key)
    h = jax.random.normal(k1, (N_NODES, D_FEAT), dtype=jnp.float32)
    edge_index = jax.random.randint(k2, (2, N_EDGES), 0, N_NODES, dtype=jnp.int64)
    return {"h": h, "edge_index": edge_index}

def reference(h, edge_index):
    # DGL u_dot_v('h','h','score'): per-edge dot product of src and dst node features.
    src = edge_index[0]
    dst = edge_index[1]
    h_u = jnp.take(h, src, axis=0)   # gather [E, d]
    h_v = jnp.take(h, dst, axis=0)   # gather [E, d]
    score = jnp.sum(h_u * h_v, axis=-1, keepdims=True)  # [E, 1], matches DGL edata['score']
    return score

if __name__ == "__main__":
    import jax
    _d = setup_inputs()
    print(jax.jit(kernel)(*tuple(_d.values())))

</pallas_src>

<mosaic_0001>
#map = affine_map<(d0, d1) -> (0, 0)>
#map1 = affine_map<(d0, d1) -> (0)>
module attributes {stable_mosaic.version = 14 : i64} {
  func.func @_dot_scores(%arg0: i32, %arg1: i32, %arg2: memref<10000x64xi32, #tpu.memory_space<hbm>>, %arg3: memref<640000xi32, #tpu.memory_space<hbm>>, %arg4: memref<320000xf32, #tpu.memory_space<hbm>>, %arg5: memref<10000xi32, #tpu.memory_space<vmem>>, %arg6: memref<10000xi32, #tpu.memory_space<vmem>>, %arg7: memref<256x64xi32, #tpu.memory_space<vmem>>, %arg8: memref<256x64xi32, #tpu.memory_space<vmem>>, %arg9: memref<256x64xi32, #tpu.memory_space<vmem>>, %arg10: memref<256x64xi32, #tpu.memory_space<vmem>>, %arg11: memref<256xf32, #tpu.memory_space<vmem>>, %arg12: memref<256xf32, #tpu.memory_space<vmem>>, %arg13: memref<!tpu.dma_semaphore, #tpu.memory_space<semaphore_mem>>, %arg14: memref<!tpu.dma_semaphore, #tpu.memory_space<semaphore_mem>>, %arg15: memref<!tpu.dma_semaphore, #tpu.memory_space<semaphore_mem>>, %arg16: memref<!tpu.dma_semaphore, #tpu.memory_space<semaphore_mem>>, %arg17: memref<10000x64xi32, #tpu.memory_space<vmem_shared>>) attributes {dimension_semantics = [#tpu.dimension_semantics<core_parallel>, #tpu.dimension_semantics<subcore_parallel>], iteration_bounds = array<i64: 2, 16>, scalar_prefetch = 0 : i64, scratch_operands = 13 : i64, tpu.core_type = #tpu.core_type<sc_vector_subcore>, window_params = [{transform_indices = #map}, {transform_indices = #map1}, {transform_indices = #map1}]} {
    %mul3A = arith.constant 2 : i32
    %mul3A_0 = arith.muli %arg1, %mul3A : i32
    %add3A = arith.addi %mul3A_0, %arg0 : i32
    %mul3A_1 = arith.constant 10000 : i32
    %mul3A_2 = arith.muli %add3A, %mul3A_1 : i32
    %iota3A = tpu.iota {dimensions = array<i32: 0>} : vector<16xi32>
    %and3A = arith.constant 8 : i32
    %and3A_3 = vector.broadcast %and3A : i32 to vector<16xi32>
    %and3A_4 = arith.andi %iota3A, %and3A_3 : vector<16xi32>
    %eq3A = arith.constant 0 : i32
    %eq3A_5 = vector.broadcast %eq3A : i32 to vector<16xi32>
    %eq3A_6 = arith.cmpi eq, %and3A_4, %eq3A_5 : vector<16xi32>
    %and3A_7 = arith.constant 4 : i32
    %and3A_8 = vector.broadcast %and3A_7 : i32 to vector<16xi32>
    %and3A_9 = arith.andi %iota3A, %and3A_8 : vector<16xi32>
    %eq3A_10 = arith.constant 0 : i32
    %eq3A_11 = vector.broadcast %eq3A_10 : i32 to vector<16xi32>
    %eq3A_12 = arith.cmpi eq, %and3A_9, %eq3A_11 : vector<16xi32>
    %and3A_13 = arith.constant 2 : i32
    %and3A_14 = vector.broadcast %and3A_13 : i32 to vector<16xi32>
    %and3A_15 = arith.andi %iota3A, %and3A_14 : vector<16xi32>
    %eq3A_16 = arith.constant 0 : i32
    %eq3A_17 = vector.broadcast %eq3A_16 : i32 to vector<16xi32>
    %eq3A_18 = arith.cmpi eq, %and3A_15, %eq3A_17 : vector<16xi32>
    %and3A_19 = arith.constant 1 : i32
    %and3A_20 = vector.broadcast %and3A_19 : i32 to vector<16xi32>
    %and3A_21 = arith.andi %iota3A, %and3A_20 : vector<16xi32>
    %eq3A_22 = arith.constant 0 : i32
    %eq3A_23 = vector.broadcast %eq3A_22 : i32 to vector<16xi32>
    %eq3A_24 = arith.cmpi eq, %and3A_21, %eq3A_23 : vector<16xi32>
    %eq3A_25 = arith.constant 0 : i32
    %eq3A_26 = arith.cmpi eq, %arg1, %eq3A_25 : i32
    %convert_element_type3A = arith.extui %eq3A_26 : i1 to i32
    %cond3A = arith.constant 0 : i32
    %cond3A_27 = arith.cmpi ne, %convert_element_type3A, %cond3A : i32
    scf.if %cond3A_27 {
      "tpu.region"() ({
        %run_scoped3A = tpu.sem_alloc : memref<!tpu.dma_semaphore, #tpu.memory_space<semaphore_mem>>
        tpu.enqueue_dma source(%arg2 : memref<10000x64xi32, #tpu.memory_space<hbm>>) target(%arg17 : memref<10000x64xi32, #tpu.memory_space<vmem_shared>>) target_semaphore(%run_scoped3A : memref<!tpu.dma_semaphore, #tpu.memory_space<semaphore_mem>>)
        tpu.wait_dma2 semaphore(%run_scoped3A : memref<!tpu.dma_semaphore, #tpu.memory_space<semaphore_mem>>) src(%arg2 : memref<10000x64xi32, #tpu.memory_space<hbm>>) dst(%arg17 : memref<10000x64xi32, #tpu.memory_space<vmem_shared>>)
        tpu.yield
      }) : () -> ()
    } else {
    }
    "tpu.region"() ({
      %run_scoped3A = tpu.sem_alloc : memref<!tpu.dma_semaphore, #tpu.memory_space<semaphore_mem>>
      %dma_start3A_58 = tpu.memref_slice %arg3[%mul3A_2] : memref<640000xi32, #tpu.memory_space<hbm>> -> memref<10000xi32, #tpu.memory_space<hbm>>
      %dma_start3A_59 = tpu.memref_slice %arg3[%mul3A_2] : memref<640000xi32, #tpu.memory_space<hbm>> -> memref<10000xi32, #tpu.memory_space<hbm>>
      tpu.enqueue_dma source(%dma_start3A_59 : memref<10000xi32, #tpu.memory_space<hbm>>) target(%arg5 : memref<10000xi32, #tpu.memory_space<vmem>>) target_semaphore(%run_scoped3A : memref<!tpu.dma_semaphore, #tpu.memory_space<semaphore_mem>>)
      %dma_wait3A_60 = tpu.memref_slice %arg3[%mul3A_2] : memref<640000xi32, #tpu.memory_space<hbm>> -> memref<10000xi32, #tpu.memory_space<hbm>>
      %dma_wait3A_61 = tpu.memref_slice %arg3[%mul3A_2] : memref<640000xi32, #tpu.memory_space<hbm>> -> memref<10000xi32, #tpu.memory_space<hbm>>
      tpu.wait_dma2 semaphore(%run_scoped3A : memref<!tpu.dma_semaphore, #tpu.memory_space<semaphore_mem>>) src(%dma_wait3A_61 : memref<10000xi32, #tpu.memory_space<hbm>>) dst(%arg5 : memref<10000xi32, #tpu.memory_space<vmem>>)
      tpu.yield
    }) : () -> ()
    %add3A_28 = arith.constant 320000 : i32
    %add3A_29 = arith.addi %add3A_28, %mul3A_2 : i32
    "tpu.region"() ({
      %run_scoped3A = tpu.sem_alloc : memref<!tpu.dma_semaphore, #tpu.memory_space<semaphore_mem>>
      %dma_start3A_58 = tpu.memref_slice %arg3[%add3A_29] : memref<640000xi32, #tpu.memory_space<hbm>> -> memref<10000xi32, #tpu.memory_space<hbm>>
      %dma_start3A_59 = tpu.memref_slice %arg3[%add3A_29] : memref<640000xi32, #tpu.memory_space<hbm>> -> memref<10000xi32, #tpu.memory_space<hbm>>
      tpu.enqueue_dma source(%dma_start3A_59 : memref<10000xi32, #tpu.memory_space<hbm>>) target(%arg6 : memref<10000xi32, #tpu.memory_space<vmem>>) target_semaphore(%run_scoped3A : memref<!tpu.dma_semaphore, #tpu.memory_space<semaphore_mem>>)
      %dma_wait3A_60 = tpu.memref_slice %arg3[%add3A_29] : memref<640000xi32, #tpu.memory_space<hbm>> -> memref<10000xi32, #tpu.memory_space<hbm>>
      %dma_wait3A_61 = tpu.memref_slice %arg3[%add3A_29] : memref<640000xi32, #tpu.memory_space<hbm>> -> memref<10000xi32, #tpu.memory_space<hbm>>
      tpu.wait_dma2 semaphore(%run_scoped3A : memref<!tpu.dma_semaphore, #tpu.memory_space<semaphore_mem>>) src(%dma_wait3A_61 : memref<10000xi32, #tpu.memory_space<hbm>>) dst(%arg6 : memref<10000xi32, #tpu.memory_space<vmem>>)
      tpu.yield
    }) : () -> ()
    %barrier3A = arith.constant 0 : index
    tpu.barrier barrier_id(%barrier3A)
    %min3A = arith.constant 0 : i32
    %min3A_30 = arith.constant 9744 : i32
    %min3A_31 = arith.minsi %min3A, %min3A_30 : i32
    %dma_start3A = tpu.memref_slice %arg5[%min3A_31] : memref<10000xi32, #tpu.memory_space<vmem>> -> memref<256xi32, #tpu.memory_space<vmem>>
    %dma_start3A_32 = arith.constant 0 : i32
    %dma_start3A_33 = arith.constant 0 : i32
    %dma_start3A_34 = tpu.memref_slice %arg17[%dma_start3A_32, %dma_start3A_33] : memref<10000x64xi32, #tpu.memory_space<vmem_shared>> -> memref<10000x64xi32, #tpu.memory_space<vmem_shared>>
    tpu.enqueue_indirect_dma source(%dma_start3A_34 : memref<10000x64xi32, #tpu.memory_space<vmem_shared>>) target(%arg7 : memref<256x64xi32, #tpu.memory_space<vmem>>) offsets(%dma_start3A : memref<256xi32, #tpu.memory_space<vmem>>) semaphore(%arg13 : memref<!tpu.dma_semaphore, #tpu.memory_space<semaphore_mem>>)
    %dma_start3A_35 = tpu.memref_slice %arg6[%min3A_31] : memref<10000xi32, #tpu.memory_space<vmem>> -> memref<256xi32, #tpu.memory_space<vmem>>
    %dma_start3A_36 = arith.constant 0 : i32
    %dma_start3A_37 = arith.constant 0 : i32
    %dma_start3A_38 = tpu.memref_slice %arg17[%dma_start3A_36, %dma_start3A_37] : memref<10000x64xi32, #tpu.memory_space<vmem_shared>> -> memref<10000x64xi32, #tpu.memory_space<vmem_shared>>
    tpu.enqueue_indirect_dma source(%dma_start3A_38 : memref<10000x64xi32, #tpu.memory_space<vmem_shared>>) target(%arg8 : memref<256x64xi32, #tpu.memory_space<vmem>>) offsets(%dma_start3A_35 : memref<256xi32, #tpu.memory_space<vmem>>) semaphore(%arg13 : memref<!tpu.dma_semaphore, #tpu.memory_space<semaphore_mem>>)
    %min3A_39 = arith.constant 256 : i32
    %min3A_40 = arith.constant 9744 : i32
    %min3A_41 = arith.minsi %min3A_39, %min3A_40 : i32
    %dma_start3A_42 = tpu.memref_slice %arg5[%min3A_41] : memref<10000xi32, #tpu.memory_space<vmem>> -> memref<256xi32, #tpu.memory_space<vmem>>
    %dma_start3A_43 = arith.constant 0 : i32
    %dma_start3A_44 = arith.constant 0 : i32
    %dma_start3A_45 = tpu.memref_slice %arg17[%dma_start3A_43, %dma_start3A_44] : memref<10000x64xi32, #tpu.memory_space<vmem_shared>> -> memref<10000x64xi32, #tpu.memory_space<vmem_shared>>
    tpu.enqueue_indirect_dma source(%dma_start3A_45 : memref<10000x64xi32, #tpu.memory_space<vmem_shared>>) target(%arg9 : memref<256x64xi32, #tpu.memory_space<vmem>>) offsets(%dma_start3A_42 : memref<256xi32, #tpu.memory_space<vmem>>) semaphore(%arg14 : memref<!tpu.dma_semaphore, #tpu.memory_space<semaphore_mem>>)
    %dma_start3A_46 = tpu.memref_slice %arg6[%min3A_41] : memref<10000xi32, #tpu.memory_space<vmem>> -> memref<256xi32, #tpu.memory_space<vmem>>
    %dma_start3A_47 = arith.constant 0 : i32
    %dma_start3A_48 = arith.constant 0 : i32
    %dma_start3A_49 = tpu.memref_slice %arg17[%dma_start3A_47, %dma_start3A_48] : memref<10000x64xi32, #tpu.memory_space<vmem_shared>> -> memref<10000x64xi32, #tpu.memory_space<vmem_shared>>
    tpu.enqueue_indirect_dma source(%dma_start3A_49 : memref<10000x64xi32, #tpu.memory_space<vmem_shared>>) target(%arg10 : memref<256x64xi32, #tpu.memory_space<vmem>>) offsets(%dma_start3A_46 : memref<256xi32, #tpu.memory_space<vmem>>) semaphore(%arg14 : memref<!tpu.dma_semaphore, #tpu.memory_space<semaphore_mem>>)
    %scan3A = arith.constant 0 : i32
    %scan3A_50 = arith.constant 0 : i32
    %scan3A_51 = arith.constant 20 : i32
    %scan3A_52 = arith.addi %scan3A_50, %scan3A_51 : i32
    %scan3A_53 = arith.constant 1 : i32
    scf.for %scan3A_58 = %scan3A_50 to %scan3A_52 step %scan3A_53  : i32 {
      %mul3A_59 = arith.constant 2 : i32
      %mul3A_60 = arith.muli %mul3A_59, %scan3A_58 : i32
      %add3A_61 = arith.constant 0 : i32
      %add3A_62 = arith.addi %mul3A_60, %add3A_61 : i32
      %dma_wait3A_63 = arith.constant 0 : i32
      %dma_wait3A_64 = arith.constant 0 : i32
      %dma_wait3A_65 = tpu.memref_slice %arg2[%dma_wait3A_63, %dma_wait3A_64] : memref<10000x64xi32, #tpu.memory_space<hbm>> -> memref<256x64xi32, #tpu.memory_space<hbm>>
      %dma_wait3A_66 = arith.constant 0 : i32
      %dma_wait3A_67 = arith.constant 0 : i32
      %dma_wait3A_68 = tpu.memref_slice %arg2[%dma_wait3A_66, %dma_wait3A_67] : memref<10000x64xi32, #tpu.memory_space<hbm>> -> memref<256x64xi32, #tpu.memory_space<hbm>>
      tpu.wait_dma2 semaphore(%arg13 : memref<!tpu.dma_semaphore, #tpu.memory_space<semaphore_mem>>) src(%dma_wait3A_68 : memref<256x64xi32, #tpu.memory_space<hbm>>) dst(%arg7 : memref<256x64xi32, #tpu.memory_space<vmem>>)
      %dma_wait3A_69 = arith.constant 0 : i32
      %dma_wait3A_70 = arith.constant 0 : i32
      %dma_wait3A_71 = tpu.memref_slice %arg2[%dma_wait3A_69, %dma_wait3A_70] : memref<10000x64xi32, #tpu.memory_space<hbm>> -> memref<256x64xi32, #tpu.memory_space<hbm>>
      %dma_wait3A_72 = arith.constant 0 : i32
      %dma_wait3A_73 = arith.constant 0 : i32
      %dma_wait3A_74 = tpu.memref_slice %arg2[%dma_wait3A_72, %dma_wait3A_73] : memref<10000x64xi32, #tpu.memory_space<hbm>> -> memref<256x64xi32, #tpu.memory_space<hbm>>
      tpu.wait_dma2 semaphore(%arg13 : memref<!tpu.dma_semaphore, #tpu.memory_space<semaphore_mem>>) src(%dma_wait3A_74 : memref<256x64xi32, #tpu.memory_space<hbm>>) dst(%arg8 : memref<256x64xi32, #tpu.memory_space<vmem>>)
      %gt3A = arith.constant 0 : i32
      %gt3A_75 = arith.cmpi sgt, %scan3A_58, %gt3A : i32
      %convert_element_type3A_76 = arith.extui %gt3A_75 : i1 to i32
      %cond3A_77 = arith.constant 0 : i32
      %cond3A_78 = arith.cmpi ne, %convert_element_type3A_76, %cond3A_77 : i32
      scf.if %cond3A_78 {
        %dma_wait3A_139 = tpu.memref_slice %arg4[%mul3A_2] : memref<320000xf32, #tpu.memory_space<hbm>> -> memref<256xf32, #tpu.memory_space<hbm>>
        %dma_wait3A_140 = tpu.memref_slice %arg4[%mul3A_2] : memref<320000xf32, #tpu.memory_space<hbm>> -> memref<256xf32, #tpu.memory_space<hbm>>
        tpu.wait_dma2 semaphore(%arg15 : memref<!tpu.dma_semaphore, #tpu.memory_space<semaphore_mem>>) src(%arg11 : memref<256xf32, #tpu.memory_space<vmem>>) dst(%dma_wait3A_140 : memref<256xf32, #tpu.memory_space<hbm>>)
      } else {
      }
      %scan3A_79 = arith.constant 0 : i32
      %scan3A_80 = arith.constant 0 : i32
      %scan3A_81 = arith.constant 16 : i32
      %scan3A_82 = arith.addi %scan3A_80, %scan3A_81 : i32
      %scan3A_83 = arith.constant 1 : i32
      scf.for %scan3A_139 = %scan3A_80 to %scan3A_82 step %scan3A_83  : i32 {
        %mul3A_140 = arith.constant 16 : i32
        %mul3A_141 = arith.muli %scan3A_139, %mul3A_140 : i32
        %add3A_142 = arith.constant 0 : i32
        %add3A_143 = arith.addi %mul3A_141, %add3A_142 : i32
        %get3A = arith.index_cast %add3A_143 : i32 to index
        %get3A_144 = arith.constant 0 : index
        %get3A_145 = tpu.vector_load %arg7[%get3A, %get3A_144] {strides = array<i32>} : memref<256x64xi32, #tpu.memory_space<vmem>>, vector<1x16xi32>,
        %get3A_146 = vector.shape_cast %get3A_145 : vector<1x16xi32> to vector<16xi32>
        %get3A_147 = arith.index_cast %add3A_143 : i32 to index
        %get3A_148 = arith.constant 0 : index
        %get3A_149 = tpu.vector_load %arg8[%get3A_147, %get3A_148] {strides = array<i32>} : memref<256x64xi32, #tpu.memory_space<vmem>>, vector<1x16xi32>,
        %get3A_150 = vector.shape_cast %get3A_149 : vector<1x16xi32> to vector<16xi32>
        %shift_left3A = arith.constant 16 : i32
        %shift_left3A_151 = vector.broadcast %shift_left3A : i32 to vector<16xi32>
        %shift_left3A_152 = arith.shli %get3A_146, %shift_left3A_151 : vector<16xi32>
        %bitcast_convert_type3A = tpu.bitcast %shift_left3A_152 : vector<16xi32> -> vector<16xf32>
        %shift_left3A_153 = arith.constant 16 : i32
        %shift_left3A_154 = vector.broadcast %shift_left3A_153 : i32 to vector<16xi32>
        %shift_left3A_155 = arith.shli %get3A_150, %shift_left3A_154 : vector<16xi32>
        %bitcast_convert_type3A_156 = tpu.bitcast %shift_left3A_155 : vector<16xi32> -> vector<16xf32>
        %bitcast_convert_type3A_157 = tpu.bitcast %get3A_146 : vector<16xi32> -> vector<16xf32>
        %bitcast_convert_type3A_158 = tpu.bitcast %get3A_150 : vector<16xi32> -> vector<16xf32>
        %mul3A_159 = arith.mulf %bitcast_convert_type3A, %bitcast_convert_type3A_156 : vector<16xf32>
        %mul3A_160 = arith.mulf %bitcast_convert_type3A_157, %bitcast_convert_type3A_158 : vector<16xf32>
        %add3A_161 = arith.addf %mul3A_159, %mul3A_160 : vector<16xf32>
        %get3A_162 = arith.index_cast %add3A_143 : i32 to index
        %get3A_163 = arith.constant 16 : index
        %get3A_164 = tpu.vector_load %arg7[%get3A_162, %get3A_163] {strides = array<i32>} : memref<256x64xi32, #tpu.memory_space<vmem>>, vector<1x16xi32>,
        %get3A_165 = vector.shape_cast %get3A_164 : vector<1x16xi32> to vector<16xi32>
        %get3A_166 = arith.index_cast %add3A_143 : i32 to index
        %get3A_167 = arith.constant 16 : index
        %get3A_168 = tpu.vector_load %arg8[%get3A_166, %get3A_167] {strides = array<i32>} : memref<256x64xi32, #tpu.memory_space<vmem>>, vector<1x16xi32>,
        %get3A_169 = vector.shape_cast %get3A_168 : vector<1x16xi32> to vector<16xi32>
        %shift_left3A_170 = arith.constant 16 : i32
        %shift_left3A_171 = vector.broadcast %shift_left3A_170 : i32 to vector<16xi32>
        %shift_left3A_172 = arith.shli %get3A_165, %shift_left3A_171 : vector<16xi32>
        %bitcast_convert_type3A_173 = tpu.bitcast %shift_left3A_172 : vector<16xi32> -> vector<16xf32>
        %shift_left3A_174 = arith.constant 16 : i32
        %shift_left3A_175 = vector.broadcast %shift_left3A_174 : i32 to vector<16xi32>
        %shift_left3A_176 = arith.shli %get3A_169, %shift_left3A_175 : vector<16xi32>
        %bitcast_convert_type3A_177 = tpu.bitcast %shift_left3A_176 : vector<16xi32> -> vector<16xf32>
        %bitcast_convert_type3A_178 = tpu.bitcast %get3A_165 : vector<16xi32> -> vector<16xf32>
        %bitcast_convert_type3A_179 = tpu.bitcast %get3A_169 : vector<16xi32> -> vector<16xf32>
        %mul3A_180 = arith.mulf %bitcast_convert_type3A_173, %bitcast_convert_type3A_177 : vector<16xf32>
        %mul3A_181 = arith.mulf %bitcast_convert_type3A_178, %bitcast_convert_type3A_179 : vector<16xf32>
        %add3A_182 = arith.addf %mul3A_180, %mul3A_181 : vector<16xf32>
        %add3A_183 = arith.addf %add3A_161, %add3A_182 : vector<16xf32>
        %get3A_184 = arith.index_cast %add3A_143 : i32 to index
        %get3A_185 = arith.constant 32 : index
        %get3A_186 = tpu.vector_load %arg7[%get3A_184, %get3A_185] {strides = array<i32>} : memref<256x64xi32, #tpu.memory_space<vmem>>, vector<1x16xi32>,
        %get3A_187 = vector.shape_cast %get3A_186 : vector<1x16xi32> to vector<16xi32>
        %get3A_188 = arith.index_cast %add3A_143 : i32 to index
        %get3A_189 = arith.constant 32 : index
        %get3A_190 = tpu.vector_load %arg8[%get3A_188, %get3A_189] {strides = array<i32>} : memref<256x64xi32, #tpu.memory_space<vmem>>, vector<1x16xi32>,
        %get3A_191 = vector.shape_cast %get3A_190 : vector<1x16xi32> to vector<16xi32>
        %shift_left3A_192 = arith.constant 16 : i32
        %shift_left3A_193 = vector.broadcast %shift_left3A_192 : i32 to vector<16xi32>
        %shift_left3A_194 = arith.shli %get3A_187, %shift_left3A_193 : vector<16xi32>
        %bitcast_convert_type3A_195 = tpu.bitcast %shift_left3A_194 : vector<16xi32> -> vector<16xf32>
        %shift_left3A_196 = arith.constant 16 : i32
        %shift_left3A_197 = vector.broadcast %shift_left3A_196 : i32 to vector<16xi32>
        %shift_left3A_198 = arith.shli %get3A_191, %shift_left3A_197 : vector<16xi32>
        %bitcast_convert_type3A_199 = tpu.bitcast %shift_left3A_198 : vector<16xi32> -> vector<16xf32>
        %bitcast_convert_type3A_200 = tpu.bitcast %get3A_187 : vector<16xi32> -> vector<16xf32>
        %bitcast_convert_type3A_201 = tpu.bitcast %get3A_191 : vector<16xi32> -> vector<16xf32>
        %mul3A_202 = arith.mulf %bitcast_convert_type3A_195, %bitcast_convert_type3A_199 : vector<16xf32>
        %mul3A_203 = arith.mulf %bitcast_convert_type3A_200, %bitcast_convert_type3A_201 : vector<16xf32>
        %add3A_204 = arith.addf %mul3A_202, %mul3A_203 : vector<16xf32>
        %add3A_205 = arith.addf %add3A_183, %add3A_204 : vector<16xf32>
        %get3A_206 = arith.index_cast %add3A_143 : i32 to index
        %get3A_207 = arith.constant 48 : index
        %get3A_208 = tpu.vector_load %arg7[%get3A_206, %get3A_207] {strides = array<i32>} : memref<256x64xi32, #tpu.memory_space<vmem>>, vector<1x16xi32>,
        %get3A_209 = vector.shape_cast %get3A_208 : vector<1x16xi32> to vector<16xi32>
        %get3A_210 = arith.index_cast %add3A_143 : i32 to index
        %get3A_211 = arith.constant 48 : index
        %get3A_212 = tpu.vector_load %arg8[%get3A_210, %get3A_211] {strides = array<i32>} : memref<256x64xi32, #tpu.memory_space<vmem>>, vector<1x16xi32>,
        %get3A_213 = vector.shape_cast %get3A_212 : vector<1x16xi32> to vector<16xi32>
        %shift_left3A_214 = arith.constant 16 : i32
        %shift_left3A_215 = vector.broadcast %shift_left3A_214 : i32 to vector<16xi32>
        %shift_left3A_216 = arith.shli %get3A_209, %shift_left3A_215 : vector<16xi32>
        %bitcast_convert_type3A_217 = tpu.bitcast %shift_left3A_216 : vector<16xi32> -> vector<16xf32>
        %shift_left3A_218 = arith.constant 16 : i32
        %shift_left3A_219 = vector.broadcast %shift_left3A_218 : i32 to vector<16xi32>
        %shift_left3A_220 = arith.shli %get3A_213, %shift_left3A_219 : vector<16xi32>
        %bitcast_convert_type3A_221 = tpu.bitcast %shift_left3A_220 : vector<16xi32> -> vector<16xf32>
        %bitcast_convert_type3A_222 = tpu.bitcast %get3A_209 : vector<16xi32> -> vector<16xf32>
        %bitcast_convert_type3A_223 = tpu.bitcast %get3A_213 : vector<16xi32> -> vector<16xf32>
        %mul3A_224 = arith.mulf %bitcast_convert_type3A_217, %bitcast_convert_type3A_221 : vector<16xf32>
        %mul3A_225 = arith.mulf %bitcast_convert_type3A_222, %bitcast_convert_type3A_223 : vector<16xf32>
        %add3A_226 = arith.addf %mul3A_224, %mul3A_225 : vector<16xf32>
        %add3A_227 = arith.addf %add3A_205, %add3A_226 : vector<16xf32>
        %add3A_228 = arith.constant 0 : i32
        %add3A_229 = arith.addi %mul3A_141, %add3A_228 : i32
        %add3A_230 = arith.constant 8 : i32
        %add3A_231 = arith.addi %add3A_229, %add3A_230 : i32
        %get3A_232 = arith.index_cast %add3A_231 : i32 to index
        %get3A_233 = arith.constant 0 : index
        %get3A_234 = tpu.vector_load %arg7[%get3A_232, %get3A_233] {strides = array<i32>} : memref<256x64xi32, #tpu.memory_space<vmem>>, vector<1x16xi32>,
        %get3A_235 = vector.shape_cast %get3A_234 : vector<1x16xi32> to vector<16xi32>
        %get3A_236 = arith.index_cast %add3A_231 : i32 to index
        %get3A_237 = arith.constant 0 : index
        %get3A_238 = tpu.vector_load %arg8[%get3A_236, %get3A_237] {strides = array<i32>} : memref<256x64xi32, #tpu.memory_space<vmem>>, vector<1x16xi32>,
        %get3A_239 = vector.shape_cast %get3A_238 : vector<1x16xi32> to vector<16xi32>
        %shift_left3A_240 = arith.constant 16 : i32
        %shift_left3A_241 = vector.broadcast %shift_left3A_240 : i32 to vector<16xi32>
        %shift_left3A_242 = arith.shli %get3A_235, %shift_left3A_241 : vector<16xi32>
        %bitcast_convert_type3A_243 = tpu.bitcast %shift_left3A_242 : vector<16xi32> -> vector<16xf32>
        %shift_left3A_244 = arith.constant 16 : i32
        %shift_left3A_245 = vector.broadcast %shift_left3A_244 : i32 to vector<16xi32>
        %shift_left3A_246 = arith.shli %get3A_239, %shift_left3A_245 : vector<16xi32>
        %bitcast_convert_type3A_247 = tpu.bitcast %shift_left3A_246 : vector<16xi32> -> vector<16xf32>
        %bitcast_convert_type3A_248 = tpu.bitcast %get3A_235 : vector<16xi32> -> vector<16xf32>
        %bitcast_convert_type3A_249 = tpu.bitcast %get3A_239 : vector<16xi32> -> vector<16xf32>
        %mul3A_250 = arith.mulf %bitcast_convert_type3A_243, %bitcast_convert_type3A_247 : vector<16xf32>
        %mul3A_251 = arith.mulf %bitcast_convert_type3A_248, %bitcast_convert_type3A_249 : vector<16xf32>
        %add3A_252 = arith.addf %mul3A_250, %mul3A_251 : vector<16xf32>
        %get3A_253 = arith.index_cast %add3A_231 : i32 to index
        %get3A_254 = arith.constant 16 : index
        %get3A_255 = tpu.vector_load %arg7[%get3A_253, %get3A_254] {strides = array<i32>} : memref<256x64xi32, #tpu.memory_space<vmem>>, vector<1x16xi32>,
        %get3A_256 = vector.shape_cast %get3A_255 : vector<1x16xi32> to vector<16xi32>
        %get3A_257 = arith.index_cast %add3A_231 : i32 to index
        %get3A_258 = arith.constant 16 : index
        %get3A_259 = tpu.vector_load %arg8[%get3A_257, %get3A_258] {strides = array<i32>} : memref<256x64xi32, #tpu.memory_space<vmem>>, vector<1x16xi32>,
        %get3A_260 = vector.shape_cast %get3A_259 : vector<1x16xi32> to vector<16xi32>
        %shift_left3A_261 = arith.constant 16 : i32
        %shift_left3A_262 = vector.broadcast %shift_left3A_261 : i32 to vector<16xi32>
        %shift_left3A_263 = arith.shli %get3A_256, %shift_left3A_262 : vector<16xi32>
        %bitcast_convert_type3A_264 = tpu.bitcast %shift_left3A_263 : vector<16xi32> -> vector<16xf32>
        %shift_left3A_265 = arith.constant 16 : i32
        %shift_left3A_266 = vector.broadcast %shift_left3A_265 : i32 to vector<16xi32>
        %shift_left3A_267 = arith.shli %get3A_260, %shift_left3A_266 : vector<16xi32>
        %bitcast_convert_type3A_268 = tpu.bitcast %shift_left3A_267 : vector<16xi32> -> vector<16xf32>
        %bitcast_convert_type3A_269 = tpu.bitcast %get3A_256 : vector<16xi32> -> vector<16xf32>
        %bitcast_convert_type3A_270 = tpu.bitcast %get3A_260 : vector<16xi32> -> vector<16xf32>
        %mul3A_271 = arith.mulf %bitcast_convert_type3A_264, %bitcast_convert_type3A_268 : vector<16xf32>
        %mul3A_272 = arith.mulf %bitcast_convert_type3A_269, %bitcast_convert_type3A_270 : vector<16xf32>
        %add3A_273 = arith.addf %mul3A_271, %mul3A_272 : vector<16xf32>
        %add3A_274 = arith.addf %add3A_252, %add3A_273 : vector<16xf32>
        %get3A_275 = arith.index_cast %add3A_231 : i32 to index
        %get3A_276 = arith.constant 32 : index
        %get3A_277 = tpu.vector_load %arg7[%get3A_275, %get3A_276] {strides = array<i32>} : memref<256x64xi32, #tpu.memory_space<vmem>>, vector<1x16xi32>,
        %get3A_278 = vector.shape_cast %get3A_277 : vector<1x16xi32> to vector<16xi32>
        %get3A_279 = arith.index_cast %add3A_231 : i32 to index
        %get3A_280 = arith.constant 32 : index
        %get3A_281 = tpu.vector_load %arg8[%get3A_279, %get3A_280] {strides = array<i32>} : memref<256x64xi32, #tpu.memory_space<vmem>>, vector<1x16xi32>,
        %get3A_282 = vector.shape_cast %get3A_281 : vector<1x16xi32> to vector<16xi32>
        %shift_left3A_283 = arith.constant 16 : i32
        %shift_left3A_284 = vector.broadcast %shift_left3A_283 : i32 to vector<16xi32>
        %shift_left3A_285 = arith.shli %get3A_278, %shift_left3A_284 : vector<16xi32>
        %bitcast_convert_type3A_286 = tpu.bitcast %shift_left3A_285 : vector<16xi32> -> vector<16xf32>
        %shift_left3A_287 = arith.constant 16 : i32
        %shift_left3A_288 = vector.broadcast %shift_left3A_287 : i32 to vector<16xi32>
        %shift_left3A_289 = arith.shli %get3A_282, %shift_left3A_288 : vector<16xi32>
        %bitcast_convert_type3A_290 = tpu.bitcast %shift_left3A_289 : vector<16xi32> -> vector<16xf32>
        %bitcast_convert_type3A_291 = tpu.bitcast %get3A_278 : vector<16xi32> -> vector<16xf32>
        %bitcast_convert_type3A_292 = tpu.bitcast %get3A_282 : vector<16xi32> -> vector<16xf32>
        %mul3A_293 = arith.mulf %bitcast_convert_type3A_286, %bitcast_convert_type3A_290 : vector<16xf32>
        %mul3A_294 = arith.mulf %bitcast_convert_type3A_291, %bitcast_convert_type3A_292 : vector<16xf32>
        %add3A_295 = arith.addf %mul3A_293, %mul3A_294 : vector<16xf32>
        %add3A_296 = arith.addf %add3A_274, %add3A_295 : vector<16xf32>
        %get3A_297 = arith.index_cast %add3A_231 : i32 to index
        %get3A_298 = arith.constant 48 : index
        %get3A_299 = tpu.vector_load %arg7[%get3A_297, %get3A_298] {strides = array<i32>} : memref<256x64xi32, #tpu.memory_space<vmem>>, vector<1x16xi32>,
        %get3A_300 = vector.shape_cast %get3A_299 : vector<1x16xi32> to vector<16xi32>
        %get3A_301 = arith.index_cast %add3A_231 : i32 to index
        %get3A_302 = arith.constant 48 : index
        %get3A_303 = tpu.vector_load %arg8[%get3A_301, %get3A_302] {strides = array<i32>} : memref<256x64xi32, #tpu.memory_space<vmem>>, vector<1x16xi32>,
        %get3A_304 = vector.shape_cast %get3A_303 : vector<1x16xi32> to vector<16xi32>
        %shift_left3A_305 = arith.constant 16 : i32
        %shift_left3A_306 = vector.broadcast %shift_left3A_305 : i32 to vector<16xi32>
        %shift_left3A_307 = arith.shli %get3A_300, %shift_left3A_306 : vector<16xi32>
        %bitcast_convert_type3A_308 = tpu.bitcast %shift_left3A_307 : vector<16xi32> -> vector<16xf32>
        %shift_left3A_309 = arith.constant 16 : i32
        %shift_left3A_310 = vector.broadcast %shift_left3A_309 : i32 to vector<16xi32>
        %shift_left3A_311 = arith.shli %get3A_304, %shift_left3A_310 : vector<16xi32>
        %bitcast_convert_type3A_312 = tpu.bitcast %shift_left3A_311 : vector<16xi32> -> vector<16xf32>
        %bitcast_convert_type3A_313 = tpu.bitcast %get3A_300 : vector<16xi32> -> vector<16xf32>
        %bitcast_convert_type3A_314 = tpu.bitcast %get3A_304 : vector<16xi32> -> vector<16xf32>
        %mul3A_315 = arith.mulf %bitcast_convert_type3A_308, %bitcast_convert_type3A_312 : vector<16xf32>
        %mul3A_316 = arith.mulf %bitcast_convert_type3A_313, %bitcast_convert_type3A_314 : vector<16xf32>
        %add3A_317 = arith.addf %mul3A_315, %mul3A_316 : vector<16xf32>
        %add3A_318 = arith.addf %add3A_296, %add3A_317 : vector<16xf32>
        %xor3A = arith.constant 8 : i32
        %xor3A_319 = vector.broadcast %xor3A : i32 to vector<16xi32>
        %xor3A_320 = arith.xori %iota3A, %xor3A_319 : vector<16xi32>
        %broadcast_in_dim3A = vector.shape_cast %xor3A_320 : vector<16xi32> to vector<16x1xi32>
        %gather3A = vector.shape_cast %broadcast_in_dim3A : vector<16x1xi32> to vector<16xi32>
        %gather3A_321 = tpu.dynamic_gather %add3A_227[%gather3A] in [0] : vector<16xf32>, vector<16xi32> -> vector<16xf32>
        %add3A_322 = arith.addf %add3A_227, %gather3A_321 : vector<16xf32>
        %xor3A_323 = arith.constant 8 : i32
        %xor3A_324 = vector.broadcast %xor3A_323 : i32 to vector<16xi32>
        %xor3A_325 = arith.xori %iota3A, %xor3A_324 : vector<16xi32>
        %broadcast_in_dim3A_326 = vector.shape_cast %xor3A_325 : vector<16xi32> to vector<16x1xi32>
        %gather3A_327 = vector.shape_cast %broadcast_in_dim3A_326 : vector<16x1xi32> to vector<16xi32>
        %gather3A_328 = tpu.dynamic_gather %add3A_318[%gather3A_327] in [0] : vector<16xf32>, vector<16xi32> -> vector<16xf32>
        %add3A_329 = arith.addf %add3A_318, %gather3A_328 : vector<16xf32>
        %select_n3A = arith.select %eq3A_6, %add3A_322, %add3A_329 : vector<16xi1>, vector<16xf32>
        %add3A_330 = arith.constant 1 : i32
        %add3A_331 = arith.addi %mul3A_141, %add3A_330 : i32
        %get3A_332 = arith.index_cast %add3A_331 : i32 to index
        %get3A_333 = arith.constant 0 : index
        %get3A_334 = tpu.vector_load %arg7[%get3A_332, %get3A_333] {strides = array<i32>} : memref<256x64xi32, #tpu.memory_space<vmem>>, vector<1x16xi32>,
        %get3A_335 = vector.shape_cast %get3A_334 : vector<1x16xi32> to vector<16xi32>
        %get3A_336 = arith.index_cast %add3A_331 : i32 to index
        %get3A_337 = arith.constant 0 : index
        %get3A_338 = tpu.vector_load %arg8[%get3A_336, %get3A_337] {strides = array<i32>} : memref<256x64xi32, #tpu.memory_space<vmem>>, vector<1x16xi32>,
        %get3A_339 = vector.shape_cast %get3A_338 : vector<1x16xi32> to vector<16xi32>
        %shift_left3A_340 = arith.constant 16 : i32
        %shift_left3A_341 = vector.broadcast %shift_left3A_340 : i32 to vector<16xi32>
        %shift_left3A_342 = arith.shli %get3A_335, %shift_left3A_341 : vector<16xi32>
        %bitcast_convert_type3A_343 = tpu.bitcast %shift_left3A_342 : vector<16xi32> -> vector<16xf32>
        %shift_left3A_344 = arith.constant 16 : i32
        %shift_left3A_345 = vector.broadcast %shift_left3A_344 : i32 to vector<16xi32>
        %shift_left3A_346 = arith.shli %get3A_339, %shift_left3A_345 : vector<16xi32>
        %bitcast_convert_type3A_347 = tpu.bitcast %shift_left3A_346 : vector<16xi32> -> vector<16xf32>
        %bitcast_convert_type3A_348 = tpu.bitcast %get3A_335 : vector<16xi32> -> vector<16xf32>
        %bitcast_convert_type3A_349 = tpu.bitcast %get3A_339 : vector<16xi32> -> vector<16xf32>
        %mul3A_350 = arith.mulf %bitcast_convert_type3A_343, %bitcast_convert_type3A_347 : vector<16xf32>
        %mul3A_351 = arith.mulf %bitcast_convert_type3A_348, %bitcast_convert_type3A_349 : vector<16xf32>
        %add3A_352 = arith.addf %mul3A_350, %mul3A_351 : vector<16xf32>
        %get3A_353 = arith.index_cast %add3A_331 : i32 to index
        %get3A_354 = arith.constant 16 : index
        %get3A_355 = tpu.vector_load %arg7[%get3A_353, %get3A_354] {strides = array<i32>} : memref<256x64xi32, #tpu.memory_space<vmem>>, vector<1x16xi32>,
        %get3A_356 = vector.shape_cast %get3A_355 : vector<1x16xi32> to vector<16xi32>
        %get3A_357 = arith.index_cast %add3A_331 : i32 to index
        %get3A_358 = arith.constant 16 : index
        %get3A_359 = tpu.vector_load %arg8[%get3A_357, %get3A_358] {strides = array<i32>} : memref<256x64xi32, #tpu.memory_space<vmem>>, vector<1x16xi32>,
        %get3A_360 = vector.shape_cast %get3A_359 : vector<1x16xi32> to vector<16xi32>
        %shift_left3A_361 = arith.constant 16 : i32
        %shift_left3A_362 = vector.broadcast %shift_left3A_361 : i32 to vector<16xi32>
        %shift_left3A_363 = arith.shli %get3A_356, %shift_left3A_362 : vector<16xi32>
        %bitcast_convert_type3A_364 = tpu.bitcast %shift_left3A_363 : vector<16xi32> -> vector<16xf32>
        %shift_left3A_365 = arith.constant 16 : i32
        %shift_left3A_366 = vector.broadcast %shift_left3A_365 : i32 to vector<16xi32>
        %shift_left3A_367 = arith.shli %get3A_360, %shift_left3A_366 : vector<16xi32>
        %bitcast_convert_type3A_368 = tpu.bitcast %shift_left3A_367 : vector<16xi32> -> vector<16xf32>
        %bitcast_convert_type3A_369 = tpu.bitcast %get3A_356 : vector<16xi32> -> vector<16xf32>
        %bitcast_convert_type3A_370 = tpu.bitcast %get3A_360 : vector<16xi32> -> vector<16xf32>
        %mul3A_371 = arith.mulf %bitcast_convert_type3A_364, %bitcast_convert_type3A_368 : vector<16xf32>
        %mul3A_372 = arith.mulf %bitcast_convert_type3A_369, %bitcast_convert_type3A_370 : vector<16xf32>
        %add3A_373 = arith.addf %mul3A_371, %mul3A_372 : vector<16xf32>
        %add3A_374 = arith.addf %add3A_352, %add3A_373 : vector<16xf32>
        %get3A_375 = arith.index_cast %add3A_331 : i32 to index
        %get3A_376 = arith.constant 32 : index
        %get3A_377 = tpu.vector_load %arg7[%get3A_375, %get3A_376] {strides = array<i32>} : memref<256x64xi32, #tpu.memory_space<vmem>>, vector<1x16xi32>,
        %get3A_378 = vector.shape_cast %get3A_377 : vector<1x16xi32> to vector<16xi32>
        %get3A_379 = arith.index_cast %add3A_331 : i32 to index
        %get3A_380 = arith.constant 32 : index
        %get3A_381 = tpu.vector_load %arg8[%get3A_379, %get3A_380] {strides = array<i32>} : memref<256x64xi32, #tpu.memory_space<vmem>>, vector<1x16xi32>,
        %get3A_382 = vector.shape_cast %get3A_381 : vector<1x16xi32> to vector<16xi32>
        %shift_left3A_383 = arith.constant 16 : i32
        %shift_left3A_384 = vector.broadcast %shift_left3A_383 : i32 to vector<16xi32>
        %shift_left3A_385 = arith.shli %get3A_378, %shift_left3A_384 : vector<16xi32>
        %bitcast_convert_type3A_386 = tpu.bitcast %shift_left3A_385 : vector<16xi32> -> vector<16xf32>
        %shift_left3A_387 = arith.constant 16 : i32
        %shift_left3A_388 = vector.broadcast %shift_left3A_387 : i32 to vector<16xi32>
        %shift_left3A_389 = arith.shli %get3A_382, %shift_left3A_388 : vector<16xi32>
        %bitcast_convert_type3A_390 = tpu.bitcast %shift_left3A_389 : vector<16xi32> -> vector<16xf32>
        %bitcast_convert_type3A_391 = tpu.bitcast %get3A_378 : vector<16xi32> -> vector<16xf32>
        %bitcast_convert_type3A_392 = tpu.bitcast %get3A_382 : vector<16xi32> -> vector<16xf32>
        %mul3A_393 = arith.mulf %bitcast_convert_type3A_386, %bitcast_convert_type3A_390 : vector<16xf32>
        %mul3A_394 = arith.mulf %bitcast_convert_type3A_391, %bitcast_convert_type3A_392 : vector<16xf32>
        %add3A_395 = arith.addf %mul3A_393, %mul3A_394 : vector<16xf32>
        %add3A_396 = arith.addf %add3A_374, %add3A_395 : vector<16xf32>
        %get3A_397 = arith.index_cast %add3A_331 : i32 to index
        %get3A_398 = arith.constant 48 : index
        %get3A_399 = tpu.vector_load %arg7[%get3A_397, %get3A_398] {strides = array<i32>} : memref<256x64xi32, #tpu.memory_space<vmem>>, vector<1x16xi32>,
        %get3A_400 = vector.shape_cast %get3A_399 : vector<1x16xi32> to vector<16xi32>
        %get3A_401 = arith.index_cast %add3A_331 : i32 to index
        %get3A_402 = arith.constant 48 : index
        %get3A_403 = tpu.vector_load %arg8[%get3A_401, %get3A_402] {strides = array<i32>} : memref<256x64xi32, #tpu.memory_space<vmem>>, vector<1x16xi32>,
        %get3A_404 = vector.shape_cast %get3A_403 : vector<1x16xi32> to vector<16xi32>
        %shift_left3A_405 = arith.constant 16 : i32
        %shift_left3A_406 = vector.broadcast %shift_left3A_405 : i32 to vector<16xi32>
        %shift_left3A_407 = arith.shli %get3A_400, %shift_left3A_406 : vector<16xi32>
        %bitcast_convert_type3A_408 = tpu.bitcast %shift_left3A_407 : vector<16xi32> -> vector<16xf32>
        %shift_left3A_409 = arith.constant 16 : i32
        %shift_left3A_410 = vector.broadcast %shift_left3A_409 : i32 to vector<16xi32>
        %shift_left3A_411 = arith.shli %get3A_404, %shift_left3A_410 : vector<16xi32>
        %bitcast_convert_type3A_412 = tpu.bitcast %shift_left3A_411 : vector<16xi32> -> vector<16xf32>
        %bitcast_convert_type3A_413 = tpu.bitcast %get3A_400 : vector<16xi32> -> vector<16xf32>
        %bitcast_convert_type3A_414 = tpu.bitcast %get3A_404 : vector<16xi32> -> vector<16xf32>
        %mul3A_415 = arith.mulf %bitcast_convert_type3A_408, %bitcast_convert_type3A_412 : vector<16xf32>
        %mul3A_416 = arith.mulf %bitcast_convert_type3A_413, %bitcast_convert_type3A_414 : vector<16xf32>
        %add3A_417 = arith.addf %mul3A_415, %mul3A_416 : vector<16xf32>
        %add3A_418 = arith.addf %add3A_396, %add3A_417 : vector<16xf32>
        %add3A_419 = arith.constant 1 : i32
        %add3A_420 = arith.addi %mul3A_141, %add3A_419 : i32
        %add3A_421 = arith.constant 8 : i32
        %add3A_422 = arith.addi %add3A_420, %add3A_421 : i32
        %get3A_423 = arith.index_cast %add3A_422 : i32 to index
        %get3A_424 = arith.constant 0 : index
        %get3A_425 = tpu.vector_load %arg7[%get3A_423, %get3A_424] {strides = array<i32>} : memref<256x64xi32, #tpu.memory_space<vmem>>, vector<1x16xi32>,
        %get3A_426 = vector.shape_cast %get3A_425 : vector<1x16xi32> to vector<16xi32>
        %get3A_427 = arith.index_cast %add3A_422 : i32 to index
        %get3A_428 = arith.constant 0 : index
        %get3A_429 = tpu.vector_load %arg8[%get3A_427, %get3A_428] {strides = array<i32>} : memref<256x64xi32, #tpu.memory_space<vmem>>, vector<1x16xi32>,
        %get3A_430 = vector.shape_cast %get3A_429 : vector<1x16xi32> to vector<16xi32>
        %shift_left3A_431 = arith.constant 16 : i32
        %shift_left3A_432 = vector.broadcast %shift_left3A_431 : i32 to vector<16xi32>
        %shift_left3A_433 = arith.shli %get3A_426, %shift_left3A_432 : vector<16xi32>
        %bitcast_convert_type3A_434 = tpu.bitcast %shift_left3A_433 : vector<16xi32> -> vector<16xf32>
        %shift_left3A_435 = arith.constant 16 : i32
        %shift_left3A_436 = vector.broadcast %shift_left3A_435 : i32 to vector<16xi32>
        %shift_left3A_437 = arith.shli %get3A_430, %shift_left3A_436 : vector<16xi32>
        %bitcast_convert_type3A_438 = tpu.bitcast %shift_left3A_437 : vector<16xi32> -> vector<16xf32>
        %bitcast_convert_type3A_439 = tpu.bitcast %get3A_426 : vector<16xi32> -> vector<16xf32>
        %bitcast_convert_type3A_440 = tpu.bitcast %get3A_430 : vector<16xi32> -> vector<16xf32>
        %mul3A_441 = arith.mulf %bitcast_convert_type3A_434, %bitcast_convert_type3A_438 : vector<16xf32>
        %mul3A_442 = arith.mulf %bitcast_convert_type3A_439, %bitcast_convert_type3A_440 : vector<16xf32>
        %add3A_443 = arith.addf %mul3A_441, %mul3A_442 : vector<16xf32>
        %get3A_444 = arith.index_cast %add3A_422 : i32 to index
        %get3A_445 = arith.constant 16 : index
        %get3A_446 = tpu.vector_load %arg7[%get3A_444, %get3A_445] {strides = array<i32>} : memref<256x64xi32, #tpu.memory_space<vmem>>, vector<1x16xi32>,
        %get3A_447 = vector.shape_cast %get3A_446 : vector<1x16xi32> to vector<16xi32>
        %get3A_448 = arith.index_cast %add3A_422 : i32 to index
        %get3A_449 = arith.constant 16 : index
        %get3A_450 = tpu.vector_load %arg8[%get3A_448, %get3A_449] {strides = array<i32>} : memref<256x64xi32, #tpu.memory_space<vmem>>, vector<1x16xi32>,
        %get3A_451 = vector.shape_cast %get3A_450 : vector<1x16xi32> to vector<16xi32>
        %shift_left3A_452 = arith.constant 16 : i32
        %shift_left3A_453 = vector.broadcast %shift_left3A_452 : i32 to vector<16xi32>
        %shift_left3A_454 = arith.shli %get3A_447, %shift_left3A_453 : vector<16xi32>
        %bitcast_convert_type3A_455 = tpu.bitcast %shift_left3A_454 : vector<16xi32> -> vector<16xf32>
        %shift_left3A_456 = arith.constant 16 : i32
        %shift_left3A_457 = vector.broadcast %shift_left3A_456 : i32 to vector<16xi32>
        %shift_left3A_458 = arith.shli %get3A_451, %shift_left3A_457 : vector<16xi32>
        %bitcast_convert_type3A_459 = tpu.bitcast %shift_left3A_458 : vector<16xi32> -> vector<16xf32>
        %bitcast_convert_type3A_460 = tpu.bitcast %get3A_447 : vector<16xi32> -> vector<16xf32>
        %bitcast_convert_type3A_461 = tpu.bitcast %get3A_451 : vector<16xi32> -> vector<16xf32>
        %mul3A_462 = arith.mulf %bitcast_convert_type3A_455, %bitcast_convert_type3A_459 : vector<16xf32>
        %mul3A_463 = arith.mulf %bitcast_convert_type3A_460, %bitcast_convert_type3A_461 : vector<16xf32>
        %add3A_464 = arith.addf %mul3A_462, %mul3A_463 : vector<16xf32>
        %add3A_465 = arith.addf %add3A_443, %add3A_464 : vector<16xf32>
        %get3A_466 = arith.index_cast %add3A_422 : i32 to index
        %get3A_467 = arith.constant 32 : index
        %get3A_468 = tpu.vector_load %arg7[%get3A_466, %get3A_467] {strides = array<i32>} : memref<256x64xi32, #tpu.memory_space<vmem>>, vector<1x16xi32>,
        %get3A_469 = vector.shape_cast %get3A_468 : vector<1x16xi32> to vector<16xi32>
        %get3A_470 = arith.index_cast %add3A_422 : i32 to index
        %get3A_471 = arith.constant 32 : index
        %get3A_472 = tpu.vector_load %arg8[%get3A_470, %get3A_471] {strides = array<i32>} : memref<256x64xi32, #tpu.memory_space<vmem>>, vector<1x16xi32>,
        %get3A_473 = vector.shape_cast %get3A_472 : vector<1x16xi32> to vector<16xi32>
        %shift_left3A_474 = arith.constant 16 : i32
        %shift_left3A_475 = vector.broadcast %shift_left3A_474 : i32 to vector<16xi32>
        %shift_left3A_476 = arith.shli %get3A_469, %shift_left3A_475 : vector<16xi32>
        %bitcast_convert_type3A_477 = tpu.bitcast %shift_left3A_476 : vector<16xi32> -> vector<16xf32>
        %shift_left3A_478 = arith.constant 16 : i32
        %shift_left3A_479 = vector.broadcast %shift_left3A_478 : i32 to vector<16xi32>
        %shift_left3A_480 = arith.shli %get3A_473, %shift_left3A_479 : vector<16xi32>
        %bitcast_convert_type3A_481 = tpu.bitcast %shift_left3A_480 : vector<16xi32> -> vector<16xf32>
        %bitcast_convert_type3A_482 = tpu.bitcast %get3A_469 : vector<16xi32> -> vector<16xf32>
        %bitcast_convert_type3A_483 = tpu.bitcast %get3A_473 : vector<16xi32> -> vector<16xf32>
        %mul3A_484 = arith.mulf %bitcast_convert_type3A_477, %bitcast_convert_type3A_481 : vector<16xf32>
        %mul3A_485 = arith.mulf %bitcast_convert_type3A_482, %bitcast_convert_type3A_483 : vector<16xf32>
        %add3A_486 = arith.addf %mul3A_484, %mul3A_485 : vector<16xf32>
        %add3A_487 = arith.addf %add3A_465, %add3A_486 : vector<16xf32>
        %get3A_488 = arith.index_cast %add3A_422 : i32 to index
        %get3A_489 = arith.constant 48 : index
        %get3A_490 = tpu.vector_load %arg7[%get3A_488, %get3A_489] {strides = array<i32>} : memref<256x64xi32, #tpu.memory_space<vmem>>, vector<1x16xi32>,
        %get3A_491 = vector.shape_cast %get3A_490 : vector<1x16xi32> to vector<16xi32>
        %get3A_492 = arith.index_cast %add3A_422 : i32 to index
        %get3A_493 = arith.constant 48 : index
        %get3A_494 = tpu.vector_load %arg8[%get3A_492, %get3A_493] {strides = array<i32>} : memref<256x64xi32, #tpu.memory_space<vmem>>, vector<1x16xi32>,
        %get3A_495 = vector.shape_cast %get3A_494 : vector<1x16xi32> to vector<16xi32>
        %shift_left3A_496 = arith.constant 16 : i32
        %shift_left3A_497 = vector.broadcast %shift_left3A_496 : i32 to vector<16xi32>
        %shift_left3A_498 = arith.shli %get3A_491, %shift_left3A_497 : vector<16xi32>
        %bitcast_convert_type3A_499 = tpu.bitcast %shift_left3A_498 : vector<16xi32> -> vector<16xf32>
        %shift_left3A_500 = arith.constant 16 : i32
        %shift_left3A_501 = vector.broadcast %shift_left3A_500 : i32 to vector<16xi32>
        %shift_left3A_502 = arith.shli %get3A_495, %shift_left3A_501 : vector<16xi32>
        %bitcast_convert_type3A_503 = tpu.bitcast %shift_left3A_502 : vector<16xi32> -> vector<16xf32>
        %bitcast_convert_type3A_504 = tpu.bitcast %get3A_491 : vector<16xi32> -> vector<16xf32>
        %bitcast_convert_type3A_505 = tpu.bitcast %get3A_495 : vector<16xi32> -> vector<16xf32>
        %mul3A_506 = arith.mulf %bitcast_convert_type3A_499, %bitcast_convert_type3A_503 : vector<16xf32>
        %mul3A_507 = arith.mulf %bitcast_convert_type3A_504, %bitcast_convert_type3A_505 : vector<16xf32>
        %add3A_508 = arith.addf %mul3A_506, %mul3A_507 : vector<16xf32>
        %add3A_509 = arith.addf %add3A_487, %add3A_508 : vector<16xf32>
        %xor3A_510 = arith.constant 8 : i32
        %xor3A_511 = vector.broadcast %xor3A_510 : i32 to vector<16xi32>
        %xor3A_512 = arith.xori %iota3A, %xor3A_511 : vector<16xi32>
        %broadcast_in_dim3A_513 = vector.shape_cast %xor3A_512 : vector<16xi32> to vector<16x1xi32>
        %gather3A_514 = vector.shape_cast %broadcast_in_dim3A_513 : vector<16x1xi32> to vector<16xi32>
        %gather3A_515 = tpu.dynamic_gather %add3A_418[%gather3A_514] in [0] : vector<16xf32>, vector<16xi32> -> vector<16xf32>
        %add3A_516 = arith.addf %add3A_418, %gather3A_515 : vector<16xf32>
        %xor3A_517 = arith.constant 8 : i32
        %xor3A_518 = vector.broadcast %xor3A_517 : i32 to vector<16xi32>
        %xor3A_519 = arith.xori %iota3A, %xor3A_518 : vector<16xi32>
        %broadcast_in_dim3A_520 = vector.shape_cast %xor3A_519 : vector<16xi32> to vector<16x1xi32>
        %gather3A_521 = vector.shape_cast %broadcast_in_dim3A_520 : vector<16x1xi32> to vector<16xi32>
        %gather3A_522 = tpu.dynamic_gather %add3A_509[%gather3A_521] in [0] : vector<16xf32>, vector<16xi32> -> vector<16xf32>
        %add3A_523 = arith.addf %add3A_509, %gather3A_522 : vector<16xf32>
        %select_n3A_524 = arith.select %eq3A_6, %add3A_516, %add3A_523 : vector<16xi1>, vector<16xf32>
        %add3A_525 = arith.constant 2 : i32
        %add3A_526 = arith.addi %mul3A_141, %add3A_525 : i32
        %get3A_527 = arith.index_cast %add3A_526 : i32 to index
        %get3A_528 = arith.constant 0 : index
        %get3A_529 = tpu.vector_load %arg7[%get3A_527, %get3A_528] {strides = array<i32>} : memref<256x64xi32, #tpu.memory_space<vmem>>, vector<1x16xi32>,
        %get3A_530 = vector.shape_cast %get3A_529 : vector<1x16xi32> to vector<16xi32>
        %get3A_531 = arith.index_cast %add3A_526 : i32 to index
        %get3A_532 = arith.constant 0 : index
        %get3A_533 = tpu.vector_load %arg8[%get3A_531, %get3A_532] {strides = array<i32>} : memref<256x64xi32, #tpu.memory_space<vmem>>, vector<1x16xi32>,
        %get3A_534 = vector.shape_cast %get3A_533 : vector<1x16xi32> to vector<16xi32>
        %shift_left3A_535 = arith.constant 16 : i32
        %shift_left3A_536 = vector.broadcast %shift_left3A_535 : i32 to vector<16xi32>
        %shift_left3A_537 = arith.shli %get3A_530, %shift_left3A_536 : vector<16xi32>
        %bitcast_convert_type3A_538 = tpu.bitcast %shift_left3A_537 : vector<16xi32> -> vector<16xf32>
        %shift_left3A_539 = arith.constant 16 : i32
        %shift_left3A_540 = vector.broadcast %shift_left3A_539 : i32 to vector<16xi32>
        %shift_left3A_541 = arith.shli %get3A_534, %shift_left3A_540 : vector<16xi32>
        %bitcast_convert_type3A_542 = tpu.bitcast %shift_left3A_541 : vector<16xi32> -> vector<16xf32>
        %bitcast_convert_type3A_543 = tpu.bitcast %get3A_530 : vector<16xi32> -> vector<16xf32>
        %bitcast_convert_type3A_544 = tpu.bitcast %get3A_534 : vector<16xi32> -> vector<16xf32>
        %mul3A_545 = arith.mulf %bitcast_convert_type3A_538, %bitcast_convert_type3A_542 : vector<16xf32>
        %mul3A_546 = arith.mulf %bitcast_convert_type3A_543, %bitcast_convert_type3A_544 : vector<16xf32>
        %add3A_547 = arith.addf %mul3A_545, %mul3A_546 : vector<16xf32>
        %get3A_548 = arith.index_cast %add3A_526 : i32 to index
        %get3A_549 = arith.constant 16 : index
        %get3A_550 = tpu.vector_load %arg7[%get3A_548, %get3A_549] {strides = array<i32>} : memref<256x64xi32, #tpu.memory_space<vmem>>, vector<1x16xi32>,
        %get3A_551 = vector.shape_cast %get3A_550 : vector<1x16xi32> to vector<16xi32>
        %get3A_552 = arith.index_cast %add3A_526 : i32 to index
        %get3A_553 = arith.constant 16 : index
        %get3A_554 = tpu.vector_load %arg8[%get3A_552, %get3A_553] {strides = array<i32>} : memref<256x64xi32, #tpu.memory_space<vmem>>, vector<1x16xi32>,
        %get3A_555 = vector.shape_cast %get3A_554 : vector<1x16xi32> to vector<16xi32>
        %shift_left3A_556 = arith.constant 16 : i32
        %shift_left3A_557 = vector.broadcast %shift_left3A_556 : i32 to vector<16xi32>
        %shift_left3A_558 = arith.shli %get3A_551, %shift_left3A_557 : vector<16xi32>
        %bitcast_convert_type3A_559 = tpu.bitcast %shift_left3A_558 : vector<16xi32> -> vector<16xf32>
        %shift_left3A_560 = arith.constant 16 : i32
        %shift_left3A_561 = vector.broadcast %shift_left3A_560 : i32 to vector<16xi32>
        %shift_left3A_562 = arith.shli %get3A_555, %shift_left3A_561 : vector<16xi32>
        %bitcast_convert_type3A_563 = tpu.bitcast %shift_left3A_562 : vector<16xi32> -> vector<16xf32>
        %bitcast_convert_type3A_564 = tpu.bitcast %get3A_551 : vector<16xi32> -> vector<16xf32>
        %bitcast_convert_type3A_565 = tpu.bitcast %get3A_555 : vector<16xi32> -> vector<16xf32>
        %mul3A_566 = arith.mulf %bitcast_convert_type3A_559, %bitcast_convert_type3A_563 : vector<16xf32>
        %mul3A_567 = arith.mulf %bitcast_convert_type3A_564, %bitcast_convert_type3A_565 : vector<16xf32>
        %add3A_568 = arith.addf %mul3A_566, %mul3A_567 : vector<16xf32>
        %add3A_569 = arith.addf %add3A_547, %add3A_568 : vector<16xf32>
        %get3A_570 = arith.index_cast %add3A_526 : i32 to index
        %get3A_571 = arith.constant 32 : index
        %get3A_572 = tpu.vector_load %arg7[%get3A_570, %get3A_571] {strides = array<i32>} : memref<256x64xi32, #tpu.memory_space<vmem>>, vector<1x16xi32>,
        %get3A_573 = vector.shape_cast %get3A_572 : vector<1x16xi32> to vector<16xi32>
        %get3A_574 = arith.index_cast %add3A_526 : i32 to index
        %get3A_575 = arith.constant 32 : index
        %get3A_576 = tpu.vector_load %arg8[%get3A_574, %get3A_575] {strides = array<i32>} : memref<256x64xi32, #tpu.memory_space<vmem>>, vector<1x16xi32>,
        %get3A_577 = vector.shape_cast %get3A_576 : vector<1x16xi32> to vector<16xi32>
        %shift_left3A_578 = arith.constant 16 : i32
        %shift_left3A_579 = vector.broadcast %shift_left3A_578 : i32 to vector<16xi32>
        %shift_left3A_580 = arith.shli %get3A_573, %shift_left3A_579 : vector<16xi32>
        %bitcast_convert_type3A_581 = tpu.bitcast %shift_left3A_580 : vector<16xi32> -> vector<16xf32>
        %shift_left3A_582 = arith.constant 16 : i32
        %shift_left3A_583 = vector.broadcast %shift_left3A_582 : i32 to vector<16xi32>
        %shift_left3A_584 = arith.shli %get3A_577, %shift_left3A_583 : vector<16xi32>
        %bitcast_convert_type3A_585 = tpu.bitcast %shift_left3A_584 : vector<16xi32> -> vector<16xf32>
        %bitcast_convert_type3A_586 = tpu.bitcast %get3A_573 : vector<16xi32> -> vector<16xf32>
        %bitcast_convert_type3A_587 = tpu.bitcast %get3A_577 : vector<16xi32> -> vector<16xf32>
        %mul3A_588 = arith.mulf %bitcast_convert_type3A_581, %bitcast_convert_type3A_585 : vector<16xf32>
        %mul3A_589 = arith.mulf %bitcast_convert_type3A_586, %bitcast_convert_type3A_587 : vector<16xf32>
        %add3A_590 = arith.addf %mul3A_588, %mul3A_589 : vector<16xf32>
        %add3A_591 = arith.addf %add3A_569, %add3A_590 : vector<16xf32>
        %get3A_592 = arith.index_cast %add3A_526 : i32 to index
        %get3A_593 = arith.constant 48 : index
        %get3A_594 = tpu.vector_load %arg7[%get3A_592, %get3A_593] {strides = array<i32>} : memref<256x64xi32, #tpu.memory_space<vmem>>, vector<1x16xi32>,
        %get3A_595 = vector.shape_cast %get3A_594 : vector<1x16xi32> to vector<16xi32>
        %get3A_596 = arith.index_cast %add3A_526 : i32 to index
        %get3A_597 = arith.constant 48 : index
        %get3A_598 = tpu.vector_load %arg8[%get3A_596, %get3A_597] {strides = array<i32>} : memref<256x64xi32, #tpu.memory_space<vmem>>, vector<1x16xi32>,
        %get3A_599 = vector.shape_cast %get3A_598 : vector<1x16xi32> to vector<16xi32>
        %shift_left3A_600 = arith.constant 16 : i32
        %shift_left3A_601 = vector.broadcast %shift_left3A_600 : i32 to vector<16xi32>
        %shift_left3A_602 = arith.shli %get3A_595, %shift_left3A_601 : vector<16xi32>
        %bitcast_convert_type3A_603 = tpu.bitcast %shift_left3A_602 : vector<16xi32> -> vector<16xf32>
        %shift_left3A_604 = arith.constant 16 : i32
        %shift_left3A_605 = vector.broadcast %shift_left3A_604 : i32 to vector<16xi32>
        %shift_left3A_606 = arith.shli %get3A_599, %shift_left3A_605 : vector<16xi32>
        %bitcast_convert_type3A_607 = tpu.bitcast %shift_left3A_606 : vector<16xi32> -> vector<16xf32>
        %bitcast_convert_type3A_608 = tpu.bitcast %get3A_595 : vector<16xi32> -> vector<16xf32>
        %bitcast_convert_type3A_609 = tpu.bitcast %get3A_599 : vector<16xi32> -> vector<16xf32>
        %mul3A_610 = arith.mulf %bitcast_convert_type3A_603, %bitcast_convert_type3A_607 : vector<16xf32>
        %mul3A_611 = arith.mulf %bitcast_convert_type3A_608, %bitcast_convert_type3A_609 : vector<16xf32>
        %add3A_612 = arith.addf %mul3A_610, %mul3A_611 : vector<16xf32>
        %add3A_613 = arith.addf %add3A_591, %add3A_612 : vector<16xf32>
        %add3A_614 = arith.constant 2 : i32
        %add3A_615 = arith.addi %mul3A_141, %add3A_614 : i32
        %add3A_616 = arith.constant 8 : i32
        %add3A_617 = arith.addi %add3A_615, %add3A_616 : i32
        %get3A_618 = arith.index_cast %add3A_617 : i32 to index
        %get3A_619 = arith.constant 0 : index
        %get3A_620 = tpu.vector_load %arg7[%get3A_618, %get3A_619] {strides = array<i32>} : memref<256x64xi32, #tpu.memory_space<vmem>>, vector<1x16xi32>,
        %get3A_621 = vector.shape_cast %get3A_620 : vector<1x16xi32> to vector<16xi32>
        %get3A_622 = arith.index_cast %add3A_617 : i32 to index
        %get3A_623 = arith.constant 0 : index
        %get3A_624 = tpu.vector_load %arg8[%get3A_622, %get3A_623] {strides = array<i32>} : memref<256x64xi32, #tpu.memory_space<vmem>>, vector<1x16xi32>,
        %get3A_625 = vector.shape_cast %get3A_624 : vector<1x16xi32> to vector<16xi32>
        %shift_left3A_626 = arith.constant 16 : i32
        %shift_left3A_627 = vector.broadcast %shift_left3A_626 : i32 to vector<16xi32>
        %shift_left3A_628 = arith.shli %get3A_621, %shift_left3A_627 : vector<16xi32>
        %bitcast_convert_type3A_629 = tpu.bitcast %shift_left3A_628 : vector<16xi32> -> vector<16xf32>
        %shift_left3A_630 = arith.constant 16 : i32
        %shift_left3A_631 = vector.broadcast %shift_left3A_630 : i32 to vector<16xi32>
        %shift_left3A_632 = arith.shli %get3A_625, %shift_left3A_631 : vector<16xi32>
        %bitcast_convert_type3A_633 = tpu.bitcast %shift_left3A_632 : vector<16xi32> -> vector<16xf32>
        %bitcast_convert_type3A_634 = tpu.bitcast %get3A_621 : vector<16xi32> -> vector<16xf32>
        %bitcast_convert_type3A_635 = tpu.bitcast %get3A_625 : vector<16xi32> -> vector<16xf32>
        %mul3A_636 = arith.mulf %bitcast_convert_type3A_629, %bitcast_convert_type3A_633 : vector<16xf32>
        %mul3A_637 = arith.mulf %bitcast_convert_type3A_634, %bitcast_convert_type3A_635 : vector<16xf32>
        %add3A_638 = arith.addf %mul3A_636, %mul3A_637 : vector<16xf32>
        %get3A_639 = arith.index_cast %add3A_617 : i32 to index
        %get3A_640 = arith.constant 16 : index
        %get3A_641 = tpu.vector_load %arg7[%get3A_639, %get3A_640] {strides = array<i32>} : memref<256x64xi32, #tpu.memory_space<vmem>>, vector<1x16xi32>,
        %get3A_642 = vector.shape_cast %get3A_641 : vector<1x16xi32> to vector<16xi32>
        %get3A_643 = arith.index_cast %add3A_617 : i32 to index
        %get3A_644 = arith.constant 16 : index
        %get3A_645 = tpu.vector_load %arg8[%get3A_643, %get3A_644] {strides = array<i32>} : memref<256x64xi32, #tpu.memory_space<vmem>>, vector<1x16xi32>,
        %get3A_646 = vector.shape_cast %get3A_645 : vector<1x16xi32> to vector<16xi32>
        %shift_left3A_647 = arith.constant 16 : i32
        %shift_left3A_648 = vector.broadcast %shift_left3A_647 : i32 to vector<16xi32>
        %shift_left3A_649 = arith.shli %get3A_642, %shift_left3A_648 : vector<16xi32>
        %bitcast_convert_type3A_650 = tpu.bitcast %shift_left3A_649 : vector<16xi32> -> vector<16xf32>
        %shift_left3A_651 = arith.constant 16 : i32
        %shift_left3A_652 = vector.broadcast %shift_left3A_651 : i32 to vector<16xi32>
        %shift_left3A_653 = arith.shli %get3A_646, %shift_left3A_652 : vector<16xi32>
        %bitcast_convert_type3A_654 = tpu.bitcast %shift_left3A_653 : vector<16xi32> -> vector<16xf32>
        %bitcast_convert_type3A_655 = tpu.bitcast %get3A_642 : vector<16xi32> -> vector<16xf32>
        %bitcast_convert_type3A_656 = tpu.bitcast %get3A_646 : vector<16xi32> -> vector<16xf32>
        %mul3A_657 = arith.mulf %bitcast_convert_type3A_650, %bitcast_convert_type3A_654 : vector<16xf32>
        %mul3A_658 = arith.mulf %bitcast_convert_type3A_655, %bitcast_convert_type3A_656 : vector<16xf32>
        %add3A_659 = arith.addf %mul3A_657, %mul3A_658 : vector<16xf32>
        %add3A_660 = arith.addf %add3A_638, %add3A_659 : vector<16xf32>
        %get3A_661 = arith.index_cast %add3A_617 : i32 to index
        %get3A_662 = arith.constant 32 : index
        %get3A_663 = tpu.vector_load %arg7[%get3A_661, %get3A_662] {strides = array<i32>} : memref<256x64xi32, #tpu.memory_space<vmem>>, vector<1x16xi32>,
        %get3A_664 = vector.shape_cast %get3A_663 : vector<1x16xi32> to vector<16xi32>
        %get3A_665 = arith.index_cast %add3A_617 : i32 to index
        %get3A_666 = arith.constant 32 : index
        %get3A_667 = tpu.vector_load %arg8[%get3A_665, %get3A_666] {strides = array<i32>} : memref<256x64xi32, #tpu.memory_space<vmem>>, vector<1x16xi32>,
        %get3A_668 = vector.shape_cast %get3A_667 : vector<1x16xi32> to vector<16xi32>
        %shift_left3A_669 = arith.constant 16 : i32
        %shift_left3A_670 = vector.broadcast %shift_left3A_669 : i32 to vector<16xi32>
        %shift_left3A_671 = arith.shli %get3A_664, %shift_left3A_670 : vector<16xi32>
        %bitcast_convert_type3A_672 = tpu.bitcast %shift_left3A_671 : vector<16xi32> -> vector<16xf32>
        %shift_left3A_673 = arith.constant 16 : i32
        %shift_left3A_674 = vector.broadcast %shift_left3A_673 : i32 to vector<16xi32>
        %shift_left3A_675 = arith.shli %get3A_668, %shift_left3A_674 : vector<16xi32>
        %bitcast_convert_type3A_676 = tpu.bitcast %shift_left3A_675 : vector<16xi32> -> vector<16xf32>
        %bitcast_convert_type3A_677 = tpu.bitcast %get3A_664 : vector<16xi32> -> vector<16xf32>
        %bitcast_convert_type3A_678 = tpu.bitcast %get3A_668 : vector<16xi32> -> vector<16xf32>
        %mul3A_679 = arith.mulf %bitcast_convert_type3A_672, %bitcast_convert_type3A_676 : vector<16xf32>
        %mul3A_680 = arith.mulf %bitcast_convert_type3A_677, %bitcast_convert_type3A_678 : vector<16xf32>
        %add3A_681 = arith.addf %mul3A_679, %mul3A_680 : vector<16xf32>
        %add3A_682 = arith.addf %add3A_660, %add3A_681 : vector<16xf32>
        %get3A_683 = arith.index_cast %add3A_617 : i32 to index
        %get3A_684 = arith.constant 48 : index
        %get3A_685 = tpu.vector_load %arg7[%get3A_683, %get3A_684] {strides = array<i32>} : memref<256x64xi32, #tpu.memory_space<vmem>>, vector<1x16xi32>,
        %get3A_686 = vector.shape_cast %get3A_685 : vector<1x16xi32> to vector<16xi32>
        %get3A_687 = arith.index_cast %add3A_617 : i32 to index
        %get3A_688 = arith.constant 48 : index
        %get3A_689 = tpu.vector_load %arg8[%get3A_687, %get3A_688] {strides = array<i32>} : memref<256x64xi32, #tpu.memory_space<vmem>>, vector<1x16xi32>,
        %get3A_690 = vector.shape_cast %get3A_689 : vector<1x16xi32> to vector<16xi32>
        %shift_left3A_691 = arith.constant 16 : i32
        %shift_left3A_692 = vector.broadcast %shift_left3A_691 : i32 to vector<16xi32>
        %shift_left3A_693 = arith.shli %get3A_686, %shift_left3A_692 : vector<16xi32>
        %bitcast_convert_type3A_694 = tpu.bitcast %shift_left3A_693 : vector<16xi32> -> vector<16xf32>
        %shift_left3A_695 = arith.constant 16 : i32
        %shift_left3A_696 = vector.broadcast %shift_left3A_695 : i32 to vector<16xi32>
        %shift_left3A_697 = arith.shli %get3A_690, %shift_left3A_696 : vector<16xi32>
        %bitcast_convert_type3A_698 = tpu.bitcast %shift_left3A_697 : vector<16xi32> -> vector<16xf32>
        %bitcast_convert_type3A_699 = tpu.bitcast %get3A_686 : vector<16xi32> -> vector<16xf32>
        %bitcast_convert_type3A_700 = tpu.bitcast %get3A_690 : vector<16xi32> -> vector<16xf32>
        %mul3A_701 = arith.mulf %bitcast_convert_type3A_694, %bitcast_convert_type3A_698 : vector<16xf32>
        %mul3A_702 = arith.mulf %bitcast_convert_type3A_699, %bitcast_convert_type3A_700 : vector<16xf32>
        %add3A_703 = arith.addf %mul3A_701, %mul3A_702 : vector<16xf32>
        %add3A_704 = arith.addf %add3A_682, %add3A_703 : vector<16xf32>
        %xor3A_705 = arith.constant 8 : i32
        %xor3A_706 = vector.broadcast %xor3A_705 : i32 to vector<16xi32>
        %xor3A_707 = arith.xori %iota3A, %xor3A_706 : vector<16xi32>
        %broadcast_in_dim3A_708 = vector.shape_cast %xor3A_707 : vector<16xi32> to vector<16x1xi32>
        %gather3A_709 = vector.shape_cast %broadcast_in_dim3A_708 : vector<16x1xi32> to vector<16xi32>
        %gather3A_710 = tpu.dynamic_gather %add3A_613[%gather3A_709] in [0] : vector<16xf32>, vector<16xi32> -> vector<16xf32>
        %add3A_711 = arith.addf %add3A_613, %gather3A_710 : vector<16xf32>
        %xor3A_712 = arith.constant 8 : i32
        %xor3A_713 = vector.broadcast %xor3A_712 : i32 to vector<16xi32>
        %xor3A_714 = arith.xori %iota3A, %xor3A_713 : vector<16xi32>
        %broadcast_in_dim3A_715 = vector.shape_cast %xor3A_714 : vector<16xi32> to vector<16x1xi32>
        %gather3A_716 = vector.shape_cast %broadcast_in_dim3A_715 : vector<16x1xi32> to vector<16xi32>
        %gather3A_717 = tpu.dynamic_gather %add3A_704[%gather3A_716] in [0] : vector<16xf32>, vector<16xi32> -> vector<16xf32>
        %add3A_718 = arith.addf %add3A_704, %gather3A_717 : vector<16xf32>
        %select_n3A_719 = arith.select %eq3A_6, %add3A_711, %add3A_718 : vector<16xi1>, vector<16xf32>
        %add3A_720 = arith.constant 3 : i32
        %add3A_721 = arith.addi %mul3A_141, %add3A_720 : i32
        %get3A_722 = arith.index_cast %add3A_721 : i32 to index
        %get3A_723 = arith.constant 0 : index
        %get3A_724 = tpu.vector_load %arg7[%get3A_722, %get3A_723] {strides = array<i32>} : memref<256x64xi32, #tpu.memory_space<vmem>>, vector<1x16xi32>,
        %get3A_725 = vector.shape_cast %get3A_724 : vector<1x16xi32> to vector<16xi32>
        %get3A_726 = arith.index_cast %add3A_721 : i32 to index
        %get3A_727 = arith.constant 0 : index
        %get3A_728 = tpu.vector_load %arg8[%get3A_726, %get3A_727] {strides = array<i32>} : memref<256x64xi32, #tpu.memory_space<vmem>>, vector<1x16xi32>,
        %get3A_729 = vector.shape_cast %get3A_728 : vector<1x16xi32> to vector<16xi32>
        %shift_left3A_730 = arith.constant 16 : i32
        %shift_left3A_731 = vector.broadcast %shift_left3A_730 : i32 to vector<16xi32>
        %shift_left3A_732 = arith.shli %get3A_725, %shift_left3A_731 : vector<16xi32>
        %bitcast_convert_type3A_733 = tpu.bitcast %shift_left3A_732 : vector<16xi32> -> vector<16xf32>
        %shift_left3A_734 = arith.constant 16 : i32
        %shift_left3A_735 = vector.broadcast %shift_left3A_734 : i32 to vector<16xi32>
        %shift_left3A_736 = arith.shli %get3A_729, %shift_left3A_735 : vector<16xi32>
        %bitcast_convert_type3A_737 = tpu.bitcast %shift_left3A_736 : vector<16xi32> -> vector<16xf32>
        %bitcast_convert_type3A_738 = tpu.bitcast %get3A_725 : vector<16xi32> -> vector<16xf32>
        %bitcast_convert_type3A_739 = tpu.bitcast %get3A_729 : vector<16xi32> -> vector<16xf32>
        %mul3A_740 = arith.mulf %bitcast_convert_type3A_733, %bitcast_convert_type3A_737 : vector<16xf32>
        %mul3A_741 = arith.mulf %bitcast_convert_type3A_738, %bitcast_convert_type3A_739 : vector<16xf32>
        %add3A_742 = arith.addf %mul3A_740, %mul3A_741 : vector<16xf32>
        %get3A_743 = arith.index_cast %add3A_721 : i32 to index
        %get3A_744 = arith.constant 16 : index
        %get3A_745 = tpu.vector_load %arg7[%get3A_743, %get3A_744] {strides = array<i32>} : memref<256x64xi32, #tpu.memory_space<vmem>>, vector<1x16xi32>,
        %get3A_746 = vector.shape_cast %get3A_745 : vector<1x16xi32> to vector<16xi32>
        %get3A_747 = arith.index_cast %add3A_721 : i32 to index
        %get3A_748 = arith.constant 16 : index
        %get3A_749 = tpu.vector_load %arg8[%get3A_747, %get3A_748] {strides = array<i32>} : memref<256x64xi32, #tpu.memory_space<vmem>>, vector<1x16xi32>,
        %get3A_750 = vector.shape_cast %get3A_749 : vector<1x16xi32> to vector<16xi32>
        %shift_left3A_751 = arith.constant 16 : i32
        %shift_left3A_752 = vector.broadcast %shift_left3A_751 : i32 to vector<16xi32>
        %shift_left3A_753 = arith.shli %get3A_746, %shift_left3A_752 : vector<16xi32>
        %bitcast_convert_type3A_754 = tpu.bitcast %shift_left3A_753 : vector<16xi32> -> vector<16xf32>
        %shift_left3A_755 = arith.constant 16 : i32
        %shift_left3A_756 = vector.broadcast %shift_left3A_755 : i32 to vector<16xi32>
        %shift_left3A_757 = arith.shli %get3A_750, %shift_left3A_756 : vector<16xi32>
        %bitcast_convert_type3A_758 = tpu.bitcast %shift_left3A_757 : vector<16xi32> -> vector<16xf32>
        %bitcast_convert_type3A_759 = tpu.bitcast %get3A_746 : vector<16xi32> -> vector<16xf32>
        %bitcast_convert_type3A_760 = tpu.bitcast %get3A_750 : vector<16xi32> -> vector<16xf32>
        %mul3A_761 = arith.mulf %bitcast_convert_type3A_754, %bitcast_convert_type3A_758 : vector<16xf32>
        %mul3A_762 = arith.mulf %bitcast_convert_type3A_759, %bitcast_convert_type3A_760 : vector<16xf32>
        %add3A_763 = arith.addf %mul3A_761, %mul3A_762 : vector<16xf32>
        %add3A_764 = arith.addf %add3A_742, %add3A_763 : vector<16xf32>
        %get3A_765 = arith.index_cast %add3A_721 : i32 to index
        %get3A_766 = arith.constant 32 : index
        %get3A_767 = tpu.vector_load %arg7[%get3A_765, %get3A_766] {strides = array<i32>} : memref<256x64xi32, #tpu.memory_space<vmem>>, vector<1x16xi32>,
        %get3A_768 = vector.shape_cast %get3A_767 : vector<1x16xi32> to vector<16xi32>
        %get3A_769 = arith.index_cast %add3A_721 : i32 to index
        %get3A_770 = arith.constant 32 : index
        %get3A_771 = tpu.vector_load %arg8[%get3A_769, %get3A_770] {strides = array<i32>} : memref<256x64xi32, #tpu.memory_space<vmem>>, vector<1x16xi32>,
        %get3A_772 = vector.shape_cast %get3A_771 : vector<1x16xi32> to vector<16xi32>
        %shift_left3A_773 = arith.constant 16 : i32
        %shift_left3A_774 = vector.broadcast %shift_left3A_773 : i32 to vector<16xi32>
        %shift_left3A_775 = arith.shli %get3A_768, %shift_left3A_774 : vector<16xi32>
        %bitcast_convert_type3A_776 = tpu.bitcast %shift_left3A_775 : vector<16xi32> -> vector<16xf32>
        %shift_left3A_777 = arith.constant 16 : i32
        %shift_left3A_778 = vector.broadcast %shift_left3A_777 : i32 to vector<16xi32>
        %shift_left3A_779 = arith.shli %get3A_772, %shift_left3A_778 : vector<16xi32>
        %bitcast_convert_type3A_780 = tpu.bitcast %shift_left3A_779 : vector<16xi32> -> vector<16xf32>
        %bitcast_convert_type3A_781 = tpu.bitcast %get3A_768 : vector<16xi32> -> vector<16xf32>
        %bitcast_convert_type3A_782 = tpu.bitcast %get3A_772 : vector<16xi32> -> vector<16xf32>
        %mul3A_783 = arith.mulf %bitcast_convert_type3A_776, %bitcast_convert_type3A_780 : vector<16xf32>
        %mul3A_784 = arith.mulf %bitcast_convert_type3A_781, %bitcast_convert_type3A_782 : vector<16xf32>
        %add3A_785 = arith.addf %mul3A_783, %mul3A_784 : vector<16xf32>
        %add3A_786 = arith.addf %add3A_764, %add3A_785 : vector<16xf32>
        %get3A_787 = arith.index_cast %add3A_721 : i32 to index
        %get3A_788 = arith.constant 48 : index
        %get3A_789 = tpu.vector_load %arg7[%get3A_787, %get3A_788] {strides = array<i32>} : memref<256x64xi32, #tpu.memory_space<vmem>>, vector<1x16xi32>,
        %get3A_790 = vector.shape_cast %get3A_789 : vector<1x16xi32> to vector<16xi32>
        %get3A_791 = arith.index_cast %add3A_721 : i32 to index
        %get3A_792 = arith.constant 48 : index
        %get3A_793 = tpu.vector_load %arg8[%get3A_791, %get3A_792] {strides = array<i32>} : memref<256x64xi32, #tpu.memory_space<vmem>>, vector<1x16xi32>,
        %get3A_794 = vector.shape_cast %get3A_793 : vector<1x16xi32> to vector<16xi32>
        %shift_left3A_795 = arith.constant 16 : i32
        %shift_left3A_796 = vector.broadcast %shift_left3A_795 : i32 to vector<16xi32>
        %shift_left3A_797 = arith.shli %get3A_790, %shift_left3A_796 : vector<16xi32>
        %bitcast_convert_type3A_798 = tpu.bitcast %shift_left3A_797 : vector<16xi32> -> vector<16xf32>
        %shift_left3A_799 = arith.constant 16 : i32
        %shift_left3A_800 = vector.broadcast %shift_left3A_799 : i32 to vector<16xi32>
        %shift_left3A_801 = arith.shli %get3A_794, %shift_left3A_800 : vector<16xi32>
        %bitcast_convert_type3A_802 = tpu.bitcast %shift_left3A_801 : vector<16xi32> -> vector<16xf32>
        %bitcast_convert_type3A_803 = tpu.bitcast %get3A_790 : vector<16xi32> -> vector<16xf32>
        %bitcast_convert_type3A_804 = tpu.bitcast %get3A_794 : vector<16xi32> -> vector<16xf32>
        %mul3A_805 = arith.mulf %bitcast_convert_type3A_798, %bitcast_convert_type3A_802 : vector<16xf32>
        %mul3A_806 = arith.mulf %bitcast_convert_type3A_803, %bitcast_convert_type3A_804 : vector<16xf32>
        %add3A_807 = arith.addf %mul3A_805, %mul3A_806 : vector<16xf32>
        %add3A_808 = arith.addf %add3A_786, %add3A_807 : vector<16xf32>
        %add3A_809 = arith.constant 3 : i32
        %add3A_810 = arith.addi %mul3A_141, %add3A_809 : i32
        %add3A_811 = arith.constant 8 : i32
        %add3A_812 = arith.addi %add3A_810, %add3A_811 : i32
        %get3A_813 = arith.index_cast %add3A_812 : i32 to index
        %get3A_814 = arith.constant 0 : index
        %get3A_815 = tpu.vector_load %arg7[%get3A_813, %get3A_814] {strides = array<i32>} : memref<256x64xi32, #tpu.memory_space<vmem>>, vector<1x16xi32>,
        %get3A_816 = vector.shape_cast %get3A_815 : vector<1x16xi32> to vector<16xi32>
        %get3A_817 = arith.index_cast %add3A_812 : i32 to index
        %get3A_818 = arith.constant 0 : index
        %get3A_819 = tpu.vector_load %arg8[%get3A_817, %get3A_818] {strides = array<i32>} : memref<256x64xi32, #tpu.memory_space<vmem>>, vector<1x16xi32>,
        %get3A_820 = vector.shape_cast %get3A_819 : vector<1x16xi32> to vector<16xi32>
        %shift_left3A_821 = arith.constant 16 : i32
        %shift_left3A_822 = vector.broadcast %shift_left3A_821 : i32 to vector<16xi32>
        %shift_left3A_823 = arith.shli %get3A_816, %shift_left3A_822 : vector<16xi32>
        %bitcast_convert_type3A_824 = tpu.bitcast %shift_left3A_823 : vector<16xi32> -> vector<16xf32>
        %shift_left3A_825 = arith.constant 16 : i32
        %shift_left3A_826 = vector.broadcast %shift_left3A_825 : i32 to vector<16xi32>
        %shift_left3A_827 = arith.shli %get3A_820, %shift_left3A_826 : vector<16xi32>
        %bitcast_convert_type3A_828 = tpu.bitcast %shift_left3A_827 : vector<16xi32> -> vector<16xf32>
        %bitcast_convert_type3A_829 = tpu.bitcast %get3A_816 : vector<16xi32> -> vector<16xf32>
        %bitcast_convert_type3A_830 = tpu.bitcast %get3A_820 : vector<16xi32> -> vector<16xf32>
        %mul3A_831 = arith.mulf %bitcast_convert_type3A_824, %bitcast_convert_type3A_828 : vector<16xf32>
        %mul3A_832 = arith.mulf %bitcast_convert_type3A_829, %bitcast_convert_type3A_830 : vector<16xf32>
        %add3A_833 = arith.addf %mul3A_831, %mul3A_832 : vector<16xf32>
        %get3A_834 = arith.index_cast %add3A_812 : i32 to index
        %get3A_835 = arith.constant 16 : index
        %get3A_836 = tpu.vector_load %arg7[%get3A_834, %get3A_835] {strides = array<i32>} : memref<256x64xi32, #tpu.memory_space<vmem>>, vector<1x16xi32>,
        %get3A_837 = vector.shape_cast %get3A_836 : vector<1x16xi32> to vector<16xi32>
        %get3A_838 = arith.index_cast %add3A_812 : i32 to index
        %get3A_839 = arith.constant 16 : index
        %get3A_840 = tpu.vector_load %arg8[%get3A_838, %get3A_839] {strides = array<i32>} : memref<256x64xi32, #tpu.memory_space<vmem>>, vector<1x16xi32>,
        %get3A_841 = vector.shape_cast %get3A_840 : vector<1x16xi32> to vector<16xi32>
        %shift_left3A_842 = arith.constant 16 : i32
        %shift_left3A_843 = vector.broadcast %shift_left3A_842 : i32 to vector<16xi32>
        %shift_left3A_844 = arith.shli %get3A_837, %shift_left3A_843 : vector<16xi32>
        %bitcast_convert_type3A_845 = tpu.bitcast %shift_left3A_844 : vector<16xi32> -> vector<16xf32>
        %shift_left3A_846 = arith.constant 16 : i32
        %shift_left3A_847 = vector.broadcast %shift_left3A_846 : i32 to vector<16xi32>
        %shift_left3A_848 = arith.shli %get3A_841, %shift_left3A_847 : vector<16xi32>
        %bitcast_convert_type3A_849 = tpu.bitcast %shift_left3A_848 : vector<16xi32> -> vector<16xf32>
        %bitcast_convert_type3A_850 = tpu.bitcast %get3A_837 : vector<16xi32> -> vector<16xf32>
        %bitcast_convert_type3A_851 = tpu.bitcast %get3A_841 : vector<16xi32> -> vector<16xf32>
        %mul3A_852 = arith.mulf %bitcast_convert_type3A_845, %bitcast_convert_type3A_849 : vector<16xf32>
        %mul3A_853 = arith.mulf %bitcast_convert_type3A_850, %bitcast_convert_type3A_851 : vector<16xf32>
        %add3A_854 = arith.addf %mul3A_852, %mul3A_853 : vector<16xf32>
        %add3A_855 = arith.addf %add3A_833, %add3A_854 : vector<16xf32>
        %get3A_856 = arith.index_cast %add3A_812 : i32 to index
        %get3A_857 = arith.constant 32 : index
        %get3A_858 = tpu.vector_load %arg7[%get3A_856, %get3A_857] {strides = array<i32>} : memref<256x64xi32, #tpu.memory_space<vmem>>, vector<1x16xi32>,
        %get3A_859 = vector.shape_cast %get3A_858 : vector<1x16xi32> to vector<16xi32>
        %get3A_860 = arith.index_cast %add3A_812 : i32 to index
        %get3A_861 = arith.constant 32 : index
        %get3A_862 = tpu.vector_load %arg8[%get3A_860, %get3A_861] {strides = array<i32>} : memref<256x64xi32, #tpu.memory_space<vmem>>, vector<1x16xi32>,
        %get3A_863 = vector.shape_cast %get3A_862 : vector<1x16xi32> to vector<16xi32>
        %shift_left3A_864 = arith.constant 16 : i32
        %shift_left3A_865 = vector.broadcast %shift_left3A_864 : i32 to vector<16xi32>
        %shift_left3A_866 = arith.shli %get3A_859, %shift_left3A_865 : vector<16xi32>
        %bitcast_convert_type3A_867 = tpu.bitcast %shift_left3A_866 : vector<16xi32> -> vector<16xf32>
        %shift_left3A_868 = arith.constant 16 : i32
        %shift_left3A_869 = vector.broadcast %shift_left3A_868 : i32 to vector<16xi32>
        %shift_left3A_870 = arith.shli %get3A_863, %shift_left3A_869 : vector<16xi32>
        %bitcast_convert_type3A_871 = tpu.bitcast %shift_left3A_870 : vector<16xi32> -> vector<16xf32>
        %bitcast_convert_type3A_872 = tpu.bitcast %get3A_859 : vector<16xi32> -> vector<16xf32>
        %bitcast_convert_type3A_873 = tpu.bitcast %get3A_863 : vector<16xi32> -> vector<16xf32>
        %mul3A_874 = arith.mulf %bitcast_convert_type3A_867, %bitcast_convert_type3A_871 : vector<16xf32>
        %mul3A_875 = arith.mulf %bitcast_convert_type3A_872, %bitcast_convert_type3A_873 : vector<16xf32>
        %add3A_876 = arith.addf %mul3A_874, %mul3A_875 : vector<16xf32>
        %add3A_877 = arith.addf %add3A_855, %add3A_876 : vector<16xf32>
        %get3A_878 = arith.index_cast %add3A_812 : i32 to index
        %get3A_879 = arith.constant 48 : index
        %get3A_880 = tpu.vector_load %arg7[%get3A_878, %get3A_879] {strides = array<i32>} : memref<256x64xi32, #tpu.memory_space<vmem>>, vector<1x16xi32>,
        %get3A_881 = vector.shape_cast %get3A_880 : vector<1x16xi32> to vector<16xi32>
        %get3A_882 = arith.index_cast %add3A_812 : i32 to index
        %get3A_883 = arith.constant 48 : index
        %get3A_884 = tpu.vector_load %arg8[%get3A_882, %get3A_883] {strides = array<i32>} : memref<256x64xi32, #tpu.memory_space<vmem>>, vector<1x16xi32>,
        %get3A_885 = vector.shape_cast %get3A_884 : vector<1x16xi32> to vector<16xi32>
        %shift_left3A_886 = arith.constant 16 : i32
        %shift_left3A_887 = vector.broadcast %shift_left3A_886 : i32 to vector<16xi32>
        %shift_left3A_888 = arith.shli %get3A_881, %shift_left3A_887 : vector<16xi32>
        %bitcast_convert_type3A_889 = tpu.bitcast %shift_left3A_888 : vector<16xi32> -> vector<16xf32>
        %shift_left3A_890 = arith.constant 16 : i32
        %shift_left3A_891 = vector.broadcast %shift_left3A_890 : i32 to vector<16xi32>
        %shift_left3A_892 = arith.shli %get3A_885, %shift_left3A_891 : vector<16xi32>
        %bitcast_convert_type3A_893 = tpu.bitcast %shift_left3A_892 : vector<16xi32> -> vector<16xf32>
        %bitcast_convert_type3A_894 = tpu.bitcast %get3A_881 : vector<16xi32> -> vector<16xf32>
        %bitcast_convert_type3A_895 = tpu.bitcast %get3A_885 : vector<16xi32> -> vector<16xf32>
        %mul3A_896 = arith.mulf %bitcast_convert_type3A_889, %bitcast_convert_type3A_893 : vector<16xf32>
        %mul3A_897 = arith.mulf %bitcast_convert_type3A_894, %bitcast_convert_type3A_895 : vector<16xf32>
        %add3A_898 = arith.addf %mul3A_896, %mul3A_897 : vector<16xf32>
        %add3A_899 = arith.addf %add3A_877, %add3A_898 : vector<16xf32>
        %xor3A_900 = arith.constant 8 : i32
        %xor3A_901 = vector.broadcast %xor3A_900 : i32 to vector<16xi32>
        %xor3A_902 = arith.xori %iota3A, %xor3A_901 : vector<16xi32>
        %broadcast_in_dim3A_903 = vector.shape_cast %xor3A_902 : vector<16xi32> to vector<16x1xi32>
        %gather3A_904 = vector.shape_cast %broadcast_in_dim3A_903 : vector<16x1xi32> to vector<16xi32>
        %gather3A_905 = tpu.dynamic_gather %add3A_808[%gather3A_904] in [0] : vector<16xf32>, vector<16xi32> -> vector<16xf32>
        %add3A_906 = arith.addf %add3A_808, %gather3A_905 : vector<16xf32>
        %xor3A_907 = arith.constant 8 : i32
        %xor3A_908 = vector.broadcast %xor3A_907 : i32 to vector<16xi32>
        %xor3A_909 = arith.xori %iota3A, %xor3A_908 : vector<16xi32>
        %broadcast_in_dim3A_910 = vector.shape_cast %xor3A_909 : vector<16xi32> to vector<16x1xi32>
        %gather3A_911 = vector.shape_cast %broadcast_in_dim3A_910 : vector<16x1xi32> to vector<16xi32>
        %gather3A_912 = tpu.dynamic_gather %add3A_899[%gather3A_911] in [0] : vector<16xf32>, vector<16xi32> -> vector<16xf32>
        %add3A_913 = arith.addf %add3A_899, %gather3A_912 : vector<16xf32>
        %select_n3A_914 = arith.select %eq3A_6, %add3A_906, %add3A_913 : vector<16xi1>, vector<16xf32>
        %add3A_915 = arith.constant 4 : i32
        %add3A_916 = arith.addi %mul3A_141, %add3A_915 : i32
        %get3A_917 = arith.index_cast %add3A_916 : i32 to index
        %get3A_918 = arith.constant 0 : index
        %get3A_919 = tpu.vector_load %arg7[%get3A_917, %get3A_918] {strides = array<i32>} : memref<256x64xi32, #tpu.memory_space<vmem>>, vector<1x16xi32>,
        %get3A_920 = vector.shape_cast %get3A_919 : vector<1x16xi32> to vector<16xi32>
        %get3A_921 = arith.index_cast %add3A_916 : i32 to index
        %get3A_922 = arith.constant 0 : index
        %get3A_923 = tpu.vector_load %arg8[%get3A_921, %get3A_922] {strides = array<i32>} : memref<256x64xi32, #tpu.memory_space<vmem>>, vector<1x16xi32>,
        %get3A_924 = vector.shape_cast %get3A_923 : vector<1x16xi32> to vector<16xi32>
        %shift_left3A_925 = arith.constant 16 : i32
        %shift_left3A_926 = vector.broadcast %shift_left3A_925 : i32 to vector<16xi32>
        %shift_left3A_927 = arith.shli %get3A_920, %shift_left3A_926 : vector<16xi32>
        %bitcast_convert_type3A_928 = tpu.bitcast %shift_left3A_927 : vector<16xi32> -> vector<16xf32>
        %shift_left3A_929 = arith.constant 16 : i32
        %shift_left3A_930 = vector.broadcast %shift_left3A_929 : i32 to vector<16xi32>
        %shift_left3A_931 = arith.shli %get3A_924, %shift_left3A_930 : vector<16xi32>
        %bitcast_convert_type3A_932 = tpu.bitcast %shift_left3A_931 : vector<16xi32> -> vector<16xf32>
        %bitcast_convert_type3A_933 = tpu.bitcast %get3A_920 : vector<16xi32> -> vector<16xf32>
        %bitcast_convert_type3A_934 = tpu.bitcast %get3A_924 : vector<16xi32> -> vector<16xf32>
        %mul3A_935 = arith.mulf %bitcast_convert_type3A_928, %bitcast_convert_type3A_932 : vector<16xf32>
        %mul3A_936 = arith.mulf %bitcast_convert_type3A_933, %bitcast_convert_type3A_934 : vector<16xf32>
        %add3A_937 = arith.addf %mul3A_935, %mul3A_936 : vector<16xf32>
        %get3A_938 = arith.index_cast %add3A_916 : i32 to index
        %get3A_939 = arith.constant 16 : index
        %get3A_940 = tpu.vector_load %arg7[%get3A_938, %get3A_939] {strides = array<i32>} : memref<256x64xi32, #tpu.memory_space<vmem>>, vector<1x16xi32>,
        %get3A_941 = vector.shape_cast %get3A_940 : vector<1x16xi32> to vector<16xi32>
        %get3A_942 = arith.index_cast %add3A_916 : i32 to index
        %get3A_943 = arith.constant 16 : index
        %get3A_944 = tpu.vector_load %arg8[%get3A_942, %get3A_943] {strides = array<i32>} : memref<256x64xi32, #tpu.memory_space<vmem>>, vector<1x16xi32>,
        %get3A_945 = vector.shape_cast %get3A_944 : vector<1x16xi32> to vector<16xi32>
        %shift_left3A_946 = arith.constant 16 : i32
        %shift_left3A_947 = vector.broadcast %shift_left3A_946 : i32 to vector<16xi32>
        %shift_left3A_948 = arith.shli %get3A_941, %shift_left3A_947 : vector<16xi32>
        %bitcast_convert_type3A_949 = tpu.bitcast %shift_left3A_948 : vector<16xi32> -> vector<16xf32>
        %shift_left3A_950 = arith.constant 16 : i32
        %shift_left3A_951 = vector.broadcast %shift_left3A_950 : i32 to vector<16xi32>
        %shift_left3A_952 = arith.shli %get3A_945, %shift_left3A_951 : vector<16xi32>
        %bitcast_convert_type3A_953 = tpu.bitcast %shift_left3A_952 : vector<16xi32> -> vector<16xf32>
        %bitcast_convert_type3A_954 = tpu.bitcast %get3A_941 : vector<16xi32> -> vector<16xf32>
        %bitcast_convert_type3A_955 = tpu.bitcast %get3A_945 : vector<16xi32> -> vector<16xf32>
        %mul3A_956 = arith.mulf %bitcast_convert_type3A_949, %bitcast_convert_type3A_953 : vector<16xf32>
        %mul3A_957 = arith.mulf %bitcast_convert_type3A_954, %bitcast_convert_type3A_955 : vector<16xf32>
        %add3A_958 = arith.addf %mul3A_956, %mul3A_957 : vector<16xf32>
        %add3A_959 = arith.addf %add3A_937, %add3A_958 : vector<16xf32>
        %get3A_960 = arith.index_cast %add3A_916 : i32 to index
        %get3A_961 = arith.constant 32 : index
        %get3A_962 = tpu.vector_load %arg7[%get3A_960, %get3A_961] {strides = array<i32>} : memref<256x64xi32, #tpu.memory_space<vmem>>, vector<1x16xi32>,
        %get3A_963 = vector.shape_cast %get3A_962 : vector<1x16xi32> to vector<16xi32>
        %get3A_964 = arith.index_cast %add3A_916 : i32 to index
        %get3A_965 = arith.constant 32 : index
        %get3A_966 = tpu.vector_load %arg8[%get3A_964, %get3A_965] {strides = array<i32>} : memref<256x64xi32, #tpu.memory_space<vmem>>, vector<1x16xi32>,
        %get3A_967 = vector.shape_cast %get3A_966 : vector<1x16xi32> to vector<16xi32>
        %shift_left3A_968 = arith.constant 16 : i32
        %shift_left3A_969 = vector.broadcast %shift_left3A_968 : i32 to vector<16xi32>
        %shift_left3A_970 = arith.shli %get3A_963, %shift_left3A_969 : vector<16xi32>
        %bitcast_convert_type3A_971 = tpu.bitcast %shift_left3A_970 : vector<16xi32> -> vector<16xf32>
        %shift_left3A_972 = arith.constant 16 : i32
        %shift_left3A_973 = vector.broadcast %shift_left3A_972 : i32 to vector<16xi32>
        %shift_left3A_974 = arith.shli %get3A_967, %shift_left3A_973 : vector<16xi32>
        %bitcast_convert_type3A_975 = tpu.bitcast %shift_left3A_974 : vector<16xi32> -> vector<16xf32>
        %bitcast_convert_type3A_976 = tpu.bitcast %get3A_963 : vector<16xi32> -> vector<16xf32>
        %bitcast_convert_type3A_977 = tpu.bitcast %get3A_967 : vector<16xi32> -> vector<16xf32>
        %mul3A_978 = arith.mulf %bitcast_convert_type3A_971, %bitcast_convert_type3A_975 : vector<16xf32>
        %mul3A_979 = arith.mulf %bitcast_convert_type3A_976, %bitcast_convert_type3A_977 : vector<16xf32>
        %add3A_980 = arith.addf %mul3A_978, %mul3A_979 : vector<16xf32>
        %add3A_981 = arith.addf %add3A_959, %add3A_980 : vector<16xf32>
        %get3A_982 = arith.index_cast %add3A_916 : i32 to index
        %get3A_983 = arith.constant 48 : index
        %get3A_984 = tpu.vector_load %arg7[%get3A_982, %get3A_983] {strides = array<i32>} : memref<256x64xi32, #tpu.memory_space<vmem>>, vector<1x16xi32>,
        %get3A_985 = vector.shape_cast %get3A_984 : vector<1x16xi32> to vector<16xi32>
        %get3A_986 = arith.index_cast %add3A_916 : i32 to index
        %get3A_987 = arith.constant 48 : index
        %get3A_988 = tpu.vector_load %arg8[%get3A_986, %get3A_987] {strides = array<i32>} : memref<256x64xi32, #tpu.memory_space<vmem>>, vector<1x16xi32>,
        %get3A_989 = vector.shape_cast %get3A_988 : vector<1x16xi32> to vector<16xi32>
        %shift_left3A_990 = arith.constant 16 : i32
        %shift_left3A_991 = vector.broadcast %shift_left3A_990 : i32 to vector<16xi32>
        %shift_left3A_992 = arith.shli %get3A_985, %shift_left3A_991 : vector<16xi32>
        %bitcast_convert_type3A_993 = tpu.bitcast %shift_left3A_992 : vector<16xi32> -> vector<16xf32>
        %shift_left3A_994 = arith.constant 16 : i32
        %shift_left3A_995 = vector.broadcast %shift_left3A_994 : i32 to vector<16xi32>
        %shift_left3A_996 = arith.shli %get3A_989, %shift_left3A_995 : vector<16xi32>
        %bitcast_convert_type3A_997 = tpu.bitcast %shift_left3A_996 : vector<16xi32> -> vector<16xf32>
        %bitcast_convert_type3A_998 = tpu.bitcast %get3A_985 : vector<16xi32> -> vector<16xf32>
        %bitcast_convert_type3A_999 = tpu.bitcast %get3A_989 : vector<16xi32> -> vector<16xf32>
        %mul3A_1000 = arith.mulf %bitcast_convert_type3A_993, %bitcast_convert_type3A_997 : vector<16xf32>
        %mul3A_1001 = arith.mulf %bitcast_convert_type3A_998, %bitcast_convert_type3A_999 : vector<16xf32>
        %add3A_1002 = arith.addf %mul3A_1000, %mul3A_1001 : vector<16xf32>
        %add3A_1003 = arith.addf %add3A_981, %add3A_1002 : vector<16xf32>
        %add3A_1004 = arith.constant 4 : i32
        %add3A_1005 = arith.addi %mul3A_141, %add3A_1004 : i32
        %add3A_1006 = arith.constant 8 : i32
        %add3A_1007 = arith.addi %add3A_1005, %add3A_1006 : i32
        %get3A_1008 = arith.index_cast %add3A_1007 : i32 to index
        %get3A_1009 = arith.constant 0 : index
        %get3A_1010 = tpu.vector_load %arg7[%get3A_1008, %get3A_1009] {strides = array<i32>} : memref<256x64xi32, #tpu.memory_space<vmem>>, vector<1x16xi32>,
        %get3A_1011 = vector.shape_cast %get3A_1010 : vector<1x16xi32> to vector<16xi32>
        %get3A_1012 = arith.index_cast %add3A_1007 : i32 to index
        %get3A_1013 = arith.constant 0 : index
        %get3A_1014 = tpu.vector_load %arg8[%get3A_1012, %get3A_1013] {strides = array<i32>} : memref<256x64xi32, #tpu.memory_space<vmem>>, vector<1x16xi32>,
        %get3A_1015 = vector.shape_cast %get3A_1014 : vector<1x16xi32> to vector<16xi32>
        %shift_left3A_1016 = arith.constant 16 : i32
        %shift_left3A_1017 = vector.broadcast %shift_left3A_1016 : i32 to vector<16xi32>
        %shift_left3A_1018 = arith.shli %get3A_1011, %shift_left3A_1017 : vector<16xi32>
        %bitcast_convert_type3A_1019 = tpu.bitcast %shift_left3A_1018 : vector<16xi32> -> vector<16xf32>
        %shift_left3A_1020 = arith.constant 16 : i32
        %shift_left3A_1021 = vector.broadcast %shift_left3A_1020 : i32 to vector<16xi32>
        %shift_left3A_1022 = arith.shli %get3A_1015, %shift_left3A_1021 : vector<16xi32>
        %bitcast_convert_type3A_1023 = tpu.bitcast %shift_left3A_1022 : vector<16xi32> -> vector<16xf32>
        %bitcast_convert_type3A_1024 = tpu.bitcast %get3A_1011 : vector<16xi32> -> vector<16xf32>
        %bitcast_convert_type3A_1025 = tpu.bitcast %get3A_1015 : vector<16xi32> -> vector<16xf32>
        %mul3A_1026 = arith.mulf %bitcast_convert_type3A_1019, %bitcast_convert_type3A_1023 : vector<16xf32>
        %mul3A_1027 = arith.mulf %bitcast_convert_type3A_1024, %bitcast_convert_type3A_1025 : vector<16xf32>
        %add3A_1028 = arith.addf %mul3A_1026, %mul3A_1027 : vector<16xf32>
        %get3A_1029 = arith.index_cast %add3A_1007 : i32 to index
        %get3A_1030 = arith.constant 16 : index
        %get3A_1031 = tpu.vector_load %arg7[%get3A_1029, %get3A_1030] {strides = array<i32>} : memref<256x64xi32, #tpu.memory_space<vmem>>, vector<1x16xi32>,
        %get3A_1032 = vector.shape_cast %get3A_1031 : vector<1x16xi32> to vector<16xi32>
        %get3A_1033 = arith.index_cast %add3A_1007 : i32 to index
        %get3A_1034 = arith.constant 16 : index
        %get3A_1035 = tpu.vector_load %arg8[%get3A_1033, %get3A_1034] {strides = array<i32>} : memref<256x64xi32, #tpu.memory_space<vmem>>, vector<1x16xi32>,
        %get3A_1036 = vector.shape_cast %get3A_1035 : vector<1x16xi32> to vector<16xi32>
        %shift_left3A_1037 = arith.constant 16 : i32
        %shift_left3A_1038 = vector.broadcast %shift_left3A_1037 : i32 to vector<16xi32>
        %shift_left3A_1039 = arith.shli %get3A_1032, %shift_left3A_1038 : vector<16xi32>
        %bitcast_convert_type3A_1040 = tpu.bitcast %shift_left3A_1039 : vector<16xi32> -> vector<16xf32>
        %shift_left3A_1041 = arith.constant 16 : i32
        %shift_left3A_1042 = vector.broadcast %shift_left3A_1041 : i32 to vector<16xi32>
        %shift_left3A_1043 = arith.shli %get3A_1036, %shift_left3A_1042 : vector<16xi32>
        %bitcast_convert_type3A_1044 = tpu.bitcast %shift_left3A_1043 : vector<16xi32> -> vector<16xf32>
        %bitcast_convert_type3A_1045 = tpu.bitcast %get3A_1032 : vector<16xi32> -> vector<16xf32>
        %bitcast_convert_type3A_1046 = tpu.bitcast %get3A_1036 : vector<16xi32> -> vector<16xf32>
        %mul3A_1047 = arith.mulf %bitcast_convert_type3A_1040, %bitcast_convert_type3A_1044 : vector<16xf32>
        %mul3A_1048 = arith.mulf %bitcast_convert_type3A_1045, %bitcast_convert_type3A_1046 : vector<16xf32>
        %add3A_1049 = arith.addf %mul3A_1047, %mul3A_1048 : vector<16xf32>
        %add3A_1050 = arith.addf %add3A_1028, %add3A_1049 : vector<16xf32>
        %get3A_1051 = arith.index_cast %add3A_1007 : i32 to index
        %get3A_1052 = arith.constant 32 : index
        %get3A_1053 = tpu.vector_load %arg7[%get3A_1051, %get3A_1052] {strides = array<i32>} : memref<256x64xi32, #tpu.memory_space<vmem>>, vector<1x16xi32>,
        %get3A_1054 = vector.shape_cast %get3A_1053 : vector<1x16xi32> to vector<16xi32>
        %get3A_1055 = arith.index_cast %add3A_1007 : i32 to index
        %get3A_1056 = arith.constant 32 : index
        %get3A_1057 = tpu.vector_load %arg8[%get3A_1055, %get3A_1056] {strides = array<i32>} : memref<256x64xi32, #tpu.memory_space<vmem>>, vector<1x16xi32>,
        %get3A_1058 = vector.shape_cast %get3A_1057 : vector<1x16xi32> to vector<16xi32>
        %shift_left3A_1059 = arith.constant 16 : i32
        %shift_left3A_1060 = vector.broadcast %shift_left3A_1059 : i32 to vector<16xi32>
        %shift_left3A_1061 = arith.shli %get3A_1054, %shift_left3A_1060 : vector<16xi32>
        %bitcast_convert_type3A_1062 = tpu.bitcast %shift_left3A_1061 : vector<16xi32> -> vector<16xf32>
        %shift_left3A_1063 = arith.constant 16 : i32
        %shift_left3A_1064 = vector.broadcast %shift_left3A_1063 : i32 to vector<16xi32>
        %shift_left3A_1065 = arith.shli %get3A_1058, %shift_left3A_1064 : vector<16xi32>
        %bitcast_convert_type3A_1066 = tpu.bitcast %shift_left3A_1065 : vector<16xi32> -> vector<16xf32>
        %bitcast_convert_type3A_1067 = tpu.bitcast %get3A_1054 : vector<16xi32> -> vector<16xf32>
        %bitcast_convert_type3A_1068 = tpu.bitcast %get3A_1058 : vector<16xi32> -> vector<16xf32>
        %mul3A_1069 = arith.mulf %bitcast_convert_type3A_1062, %bitcast_convert_type3A_1066 : vector<16xf32>
        %mul3A_1070 = arith.mulf %bitcast_convert_type3A_1067, %bitcast_convert_type3A_1068 : vector<16xf32>
        %add3A_1071 = arith.addf %mul3A_1069, %mul3A_1070 : vector<16xf32>
        %add3A_1072 = arith.addf %add3A_1050, %add3A_1071 : vector<16xf32>
        %get3A_1073 = arith.index_cast %add3A_1007 : i32 to index
        %get3A_1074 = arith.constant 48 : index
        %get3A_1075 = tpu.vector_load %arg7[%get3A_1073, %get3A_1074] {strides = array<i32>} : memref<256x64xi32, #tpu.memory_space<vmem>>, vector<1x16xi32>,
        %get3A_1076 = vector.shape_cast %get3A_1075 : vector<1x16xi32> to vector<16xi32>
        %get3A_1077 = arith.index_cast %add3A_1007 : i32 to index
        %get3A_1078 = arith.constant 48 : index
        %get3A_1079 = tpu.vector_load %arg8[%get3A_1077, %get3A_1078] {strides = array<i32>} : memref<256x64xi32, #tpu.memory_space<vmem>>, vector<1x16xi32>,
        %get3A_1080 = vector.shape_cast %get3A_1079 : vector<1x16xi32> to vector<16xi32>
        %shift_left3A_1081 = arith.constant 16 : i32
        %shift_left3A_1082 = vector.broadcast %shift_left3A_1081 : i32 to vector<16xi32>
        %shift_left3A_1083 = arith.shli %get3A_1076, %shift_left3A_1082 : vector<16xi32>
        %bitcast_convert_type3A_1084 = tpu.bitcast %shift_left3A_1083 : vector<16xi32> -> vector<16xf32>
        %shift_left3A_1085 = arith.constant 16 : i32
        %shift_left3A_1086 = vector.broadcast %shift_left3A_1085 : i32 to vector<16xi32>
        %shift_left3A_1087 = arith.shli %get3A_1080, %shift_left3A_1086 : vector<16xi32>
        %bitcast_convert_type3A_1088 = tpu.bitcast %shift_left3A_1087 : vector<16xi32> -> vector<16xf32>
        %bitcast_convert_type3A_1089 = tpu.bitcast %get3A_1076 : vector<16xi32> -> vector<16xf32>
        %bitcast_convert_type3A_1090 = tpu.bitcast %get3A_1080 : vector<16xi32> -> vector<16xf32>
        %mul3A_1091 = arith.mulf %bitcast_convert_type3A_1084, %bitcast_convert_type3A_1088 : vector<16xf32>
        %mul3A_1092 = arith.mulf %bitcast_convert_type3A_1089, %bitcast_convert_type3A_1090 : vector<16xf32>
        %add3A_1093 = arith.addf %mul3A_1091, %mul3A_1092 : vector<16xf32>
        %add3A_1094 = arith.addf %add3A_1072, %add3A_1093 : vector<16xf32>
        %xor3A_1095 = arith.constant 8 : i32
        %xor3A_1096 = vector.broadcast %xor3A_1095 : i32 to vector<16xi32>
        %xor3A_1097 = arith.xori %iota3A, %xor3A_1096 : vector<16xi32>
        %broadcast_in_dim3A_1098 = vector.shape_cast %xor3A_1097 : vector<16xi32> to vector<16x1xi32>
        %gather3A_1099 = vector.shape_cast %broadcast_in_dim3A_1098 : vector<16x1xi32> to vector<16xi32>
        %gather3A_1100 = tpu.dynamic_gather %add3A_1003[%gather3A_1099] in [0] : vector<16xf32>, vector<16xi32> -> vector<16xf32>
        %add3A_1101 = arith.addf %add3A_1003, %gather3A_1100 : vector<16xf32>
        %xor3A_1102 = arith.constant 8 : i32
        %xor3A_1103 = vector.broadcast %xor3A_1102 : i32 to vector<16xi32>
        %xor3A_1104 = arith.xori %iota3A, %xor3A_1103 : vector<16xi32>
        %broadcast_in_dim3A_1105 = vector.shape_cast %xor3A_1104 : vector<16xi32> to vector<16x1xi32>
        %gather3A_1106 = vector.shape_cast %broadcast_in_dim3A_1105 : vector<16x1xi32> to vector<16xi32>
        %gather3A_1107 = tpu.dynamic_gather %add3A_1094[%gather3A_1106] in [0] : vector<16xf32>, vector<16xi32> -> vector<16xf32>
        %add3A_1108 = arith.addf %add3A_1094, %gather3A_1107 : vector<16xf32>
        %select_n3A_1109 = arith.select %eq3A_6, %add3A_1101, %add3A_1108 : vector<16xi1>, vector<16xf32>
        %add3A_1110 = arith.constant 5 : i32
        %add3A_1111 = arith.addi %mul3A_141, %add3A_1110 : i32
        %get3A_1112 = arith.index_cast %add3A_1111 : i32 to index
        %get3A_1113 = arith.constant 0 : index
        %get3A_1114 = tpu.vector_load %arg7[%get3A_1112, %get3A_1113] {strides = array<i32>} : memref<256x64xi32, #tpu.memory_space<vmem>>, vector<1x16xi32>,
        %get3A_1115 = vector.shape_cast %get3A_1114 : vector<1x16xi32> to vector<16xi32>
        %get3A_1116 = arith.index_cast %add3A_1111 : i32 to index
        %get3A_1117 = arith.constant 0 : index
        %get3A_1118 = tpu.vector_load %arg8[%get3A_1116, %get3A_1117] {strides = array<i32>} : memref<256x64xi32, #tpu.memory_space<vmem>>, vector<1x16xi32>,
        %get3A_1119 = vector.shape_cast %get3A_1118 : vector<1x16xi32> to vector<16xi32>
        %shift_left3A_1120 = arith.constant 16 : i32
        %shift_left3A_1121 = vector.broadcast %shift_left3A_1120 : i32 to vector<16xi32>
        %shift_left3A_1122 = arith.shli %get3A_1115, %shift_left3A_1121 : vector<16xi32>
        %bitcast_convert_type3A_1123 = tpu.bitcast %shift_left3A_1122 : vector<16xi32> -> vector<16xf32>
        %shift_left3A_1124 = arith.constant 16 : i32
        %shift_left3A_1125 = vector.broadcast %shift_left3A_1124 : i32 to vector<16xi32>
        %shift_left3A_1126 = arith.shli %get3A_1119, %shift_left3A_1125 : vector<16xi32>
        %bitcast_convert_type3A_1127 = tpu.bitcast %shift_left3A_1126 : vector<16xi32> -> vector<16xf32>
        %bitcast_convert_type3A_1128 = tpu.bitcast %get3A_1115 : vector<16xi32> -> vector<16xf32>
        %bitcast_convert_type3A_1129 = tpu.bitcast %get3A_1119 : vector<16xi32> -> vector<16xf32>
        %mul3A_1130 = arith.mulf %bitcast_convert_type3A_1123, %bitcast_convert_type3A_1127 : vector<16xf32>
        %mul3A_1131 = arith.mulf %bitcast_convert_type3A_1128, %bitcast_convert_type3A_1129 : vector<16xf32>
        %add3A_1132 = arith.addf %mul3A_1130, %mul3A_1131 : vector<16xf32>
        %get3A_1133 = arith.index_cast %add3A_1111 : i32 to index
        %get3A_1134 = arith.constant 16 : index
        %get3A_1135 = tpu.vector_load %arg7[%get3A_1133, %get3A_1134] {strides = array<i32>} : memref<256x64xi32, #tpu.memory_space<vmem>>, vector<1x16xi32>,
        %get3A_1136 = vector.shape_cast %get3A_1135 : vector<1x16xi32> to vector<16xi32>
        %get3A_1137 = arith.index_cast %add3A_1111 : i32 to index
        %get3A_1138 = arith.constant 16 : index
        %get3A_1139 = tpu.vector_load %arg8[%get3A_1137, %get3A_1138] {strides = array<i32>} : memref<256x64xi32, #tpu.memory_space<vmem>>, vector<1x16xi32>,
        %get3A_1140 = vector.shape_cast %get3A_1139 : vector<1x16xi32> to vector<16xi32>
        %shift_left3A_1141 = arith.constant 16 : i32
        %shift_left3A_1142 = vector.broadcast %shift_left3A_1141 : i32 to vector<16xi32>
        %shift_left3A_1143 = arith.shli %get3A_1136, %shift_left3A_1142 : vector<16xi32>
        %bitcast_convert_type3A_1144 = tpu.bitcast %shift_left3A_1143 : vector<16xi32> -> vector<16xf32>
        %shift_left3A_1145 = arith.constant 16 : i32
        %shift_left3A_1146 = vector.broadcast %shift_left3A_1145 : i32 to vector<16xi32>
        %shift_left3A_1147 = arith.shli %get3A_1140, %shift_left3A_1146 : vector<16xi32>
        %bitcast_convert_type3A_1148 = tpu.bitcast %shift_left3A_1147 : vector<16xi32> -> vector<16xf32>
        %bitcast_convert_type3A_1149 = tpu.bitcast %get3A_1136 : vector<16xi32> -> vector<16xf32>
        %bitcast_convert_type3A_1150 = tpu.bitcast %get3A_1140 : vector<16xi32> -> vector<16xf32>
        %mul3A_1151 = arith.mulf %bitcast_convert_type3A_1144, %bitcast_convert_type3A_1148 : vector<16xf32>
        %mul3A_1152 = arith.mulf %bitcast_convert_type3A_1149, %bitcast_convert_type3A_1150 : vector<16xf32>
        %add3A_1153 = arith.addf %mul3A_1151, %mul3A_1152 : vector<16xf32>
        %add3A_1154 = arith.addf %add3A_1132, %add3A_1153 : vector<16xf32>
        %get3A_1155 = arith.index_cast %add3A_1111 : i32 to index
        %get3A_1156 = arith.constant 32 : index
        %get3A_1157 = tpu.vector_load %arg7[%get3A_1155, %get3A_1156] {strides = array<i32>} : memref<256x64xi32, #tpu.memory_space<vmem>>, vector<1x16xi32>,
        %get3A_1158 = vector.shape_cast %get3A_1157 : vector<1x16xi32> to vector<16xi32>
        %get3A_1159 = arith.index_cast %add3A_1111 : i32 to index
        %get3A_1160 = arith.constant 32 : index
        %get3A_1161 = tpu.vector_load %arg8[%get3A_1159, %get3A_1160] {strides = array<i32>} : memref<256x64xi32, #tpu.memory_space<vmem>>, vector<1x16xi32>,
        %get3A_1162 = vector.shape_cast %get3A_1161 : vector<1x16xi32> to vector<16xi32>
        %shift_left3A_1163 = arith.constant 16 : i32
        %shift_left3A_1164 = vector.broadcast %shift_left3A_1163 : i32 to vector<16xi32>
        %shift_left3A_1165 = arith.shli %get3A_1158, %shift_left3A_1164 : vector<16xi32>
        %bitcast_convert_type3A_1166 = tpu.bitcast %shift_left3A_1165 : vector<16xi32> -> vector<16xf32>
        %shift_left3A_1167 = arith.constant 16 : i32
        %shift_left3A_1168 = vector.broadcast %shift_left3A_1167 : i32 to vector<16xi32>
        %shift_left3A_1169 = arith.shli %get3A_1162, %shift_left3A_1168 : vector<16xi32>
        %bitcast_convert_type3A_1170 = tpu.bitcast %shift_left3A_1169 : vector<16xi32> -> vector<16xf32>
        %bitcast_convert_type3A_1171 = tpu.bitcast %get3A_1158 : vector<16xi32> -> vector<16xf32>
        %bitcast_convert_type3A_1172 = tpu.bitcast %get3A_1162 : vector<16xi32> -> vector<16xf32>
        %mul3A_1173 = arith.mulf %bitcast_convert_type3A_1166, %bitcast_convert_type3A_1170 : vector<16xf32>
        %mul3A_1174 = arith.mulf %bitcast_convert_type3A_1171, %bitcast_convert_type3A_1172 : vector<16xf32>
        %add3A_1175 = arith.addf %mul3A_1173, %mul3A_1174 : vector<16xf32>
        %add3A_1176 = arith.addf %add3A_1154, %add3A_1175 : vector<16xf32>
        %get3A_1177 = arith.index_cast %add3A_1111 : i32 to index
        %get3A_1178 = arith.constant 48 : index
        %get3A_1179 = tpu.vector_load %arg7[%get3A_1177, %get3A_1178] {strides = array<i32>} : memref<256x64xi32, #tpu.memory_space<vmem>>, vector<1x16xi32>,
        %get3A_1180 = vector.shape_cast %get3A_1179 : vector<1x16xi32> to vector<16xi32>
        %get3A_1181 = arith.index_cast %add3A_1111 : i32 to index
        %get3A_1182 = arith.constant 48 : index
        %get3A_1183 = tpu.vector_load %arg8[%get3A_1181, %get3A_1182] {strides = array<i32>} : memref<256x64xi32, #tpu.memory_space<vmem>>, vector<1x16xi32>,
        %get3A_1184 = vector.shape_cast %get3A_1183 : vector<1x16xi32> to vector<16xi32>
        %shift_left3A_1185 = arith.constant 16 : i32
        %shift_left3A_1186 = vector.broadcast %shift_left3A_1185 : i32 to vector<16xi32>
        %shift_left3A_1187 = arith.shli %get3A_1180, %shift_left3A_1186 : vector<16xi32>
        %bitcast_convert_type3A_1188 = tpu.bitcast %shift_left3A_1187 : vector<16xi32> -> vector<16xf32>
        %shift_left3A_1189 = arith.constant 16 : i32
        %shift_left3A_1190 = vector.broadcast %shift_left3A_1189 : i32 to vector<16xi32>
        %shift_left3A_1191 = arith.shli %get3A_1184, %shift_left3A_1190 : vector<16xi32>
        %bitcast_convert_type3A_1192 = tpu.bitcast %shift_left3A_1191 : vector<16xi32> -> vector<16xf32>
        %bitcast_convert_type3A_1193 = tpu.bitcast %get3A_1180 : vector<16xi32> -> vector<16xf32>
        %bitcast_convert_type3A_1194 = tpu.bitcast %get3A_1184 : vector<16xi32> -> vector<16xf32>
        %mul3A_1195 = arith.mulf %bitcast_convert_type3A_1188, %bitcast_convert_type3A_1192 : vector<16xf32>
        %mul3A_1196 = arith.mulf %bitcast_convert_type3A_1193, %bitcast_convert_type3A_1194 : vector<16xf32>
        %add3A_1197 = arith.addf %mul3A_1195, %mul3A_1196 : vector<16xf32>
        %add3A_1198 = arith.addf %add3A_1176, %add3A_1197 : vector<16xf32>
        %add3A_1199 = arith.constant 5 : i32
        %add3A_1200 = arith.addi %mul3A_141, %add3A_1199 : i32
        %add3A_1201 = arith.constant 8 : i32
        %add3A_1202 = arith.addi %add3A_1200, %add3A_1201 : i32
        %get3A_1203 = arith.index_cast %add3A_1202 : i32 to index
        %get3A_1204 = arith.constant 0 : index
        %get3A_1205 = tpu.vector_load %arg7[%get3A_1203, %get3A_1204] {strides = array<i32>} : memref<256x64xi32, #tpu.memory_space<vmem>>, vector<1x16xi32>,
        %get3A_1206 = vector.shape_cast %get3A_1205 : vector<1x16xi32> to vector<16xi32>
        %get3A_1207 = arith.index_cast %add3A_1202 : i32 to index
        %get3A_1208 = arith.constant 0 : index
        %get3A_1209 = tpu.vector_load %arg8[%get3A_1207, %get3A_1208] {strides = array<i32>} : memref<256x64xi32, #tpu.memory_space<vmem>>, vector<1x16xi32>,
        %get3A_1210 = vector.shape_cast %get3A_1209 : vector<1x16xi32> to vector<16xi32>
        %shift_left3A_1211 = arith.constant 16 : i32
        %shift_left3A_1212 = vector.broadcast %shift_left3A_1211 : i32 to vector<16xi32>
        %shift_left3A_1213 = arith.shli %get3A_1206, %shift_left3A_1212 : vector<16xi32>
        %bitcast_convert_type3A_1214 = tpu.bitcast %shift_left3A_1213 : vector<16xi32> -> vector<16xf32>
        %shift_left3A_1215 = arith.constant 16 : i32
        %shift_left3A_1216 = vector.broadcast %shift_left3A_1215 : i32 to vector<16xi32>
        %shift_left3A_1217 = arith.shli %get3A_1210, %shift_left3A_1216 : vector<16xi32>
        %bitcast_convert_type3A_1218 = tpu.bitcast %shift_left3A_1217 : vector<16xi32> -> vector<16xf32>
        %bitcast_convert_type3A_1219 = tpu.bitcast %get3A_1206 : vector<16xi32> -> vector<16xf32>
        %bitcast_convert_type3A_1220 = tpu.bitcast %get3A_1210 : vector<16xi32> -> vector<16xf32>
        %mul3A_1221 = arith.mulf %bitcast_convert_type3A_1214, %bitcast_convert_type3A_1218 : vector<16xf32>
        %mul3A_1222 = arith.mulf %bitcast_convert_type3A_1219, %bitcast_convert_type3A_1220 : vector<16xf32>
        %add3A_1223 = arith.addf %mul3A_1221, %mul3A_1222 : vector<16xf32>
        %get3A_1224 = arith.index_cast %add3A_1202 : i32 to index
        %get3A_1225 = arith.constant 16 : index
        %get3A_1226 = tpu.vector_load %arg7[%get3A_1224, %get3A_1225] {strides = array<i32>} : memref<256x64xi32, #tpu.memory_space<vmem>>, vector<1x16xi32>,
        %get3A_1227 = vector.shape_cast %get3A_1226 : vector<1x16xi32> to vector<16xi32>
        %get3A_1228 = arith.index_cast %add3A_1202 : i32 to index
        %get3A_1229 = arith.constant 16 : index
        %get3A_1230 = tpu.vector_load %arg8[%get3A_1228, %get3A_1229] {strides = array<i32>} : memref<256x64xi32, #tpu.memory_space<vmem>>, vector<1x16xi32>,
        %get3A_1231 = vector.shape_cast %get3A_1230 : vector<1x16xi32> to vector<16xi32>
        %shift_left3A_1232 = arith.constant 16 : i32
        %shift_left3A_1233 = vector.broadcast %shift_left3A_1232 : i32 to vector<16xi32>
        %shift_left3A_1234 = arith.shli %get3A_1227, %shift_left3A_1233 : vector<16xi32>
        %bitcast_convert_type3A_1235 = tpu.bitcast %shift_left3A_1234 : vector<16xi32> -> vector<16xf32>
        %shift_left3A_1236 = arith.constant 16 : i32
        %shift_left3A_1237 = vector.broadcast %shift_left3A_1236 : i32 to vector<16xi32>
        %shift_left3A_1238 = arith.shli %get3A_1231, %shift_left3A_1237 : vector<16xi32>
        %bitcast_convert_type3A_1239 = tpu.bitcast %shift_left3A_1238 : vector<16xi32> -> vector<16xf32>
        %bitcast_convert_type3A_1240 = tpu.bitcast %get3A_1227 : vector<16xi32> -> vector<16xf32>
        %bitcast_convert_type3A_1241 = tpu.bitcast %get3A_1231 : vector<16xi32> -> vector<16xf32>
        %mul3A_1242 = arith.mulf %bitcast_convert_type3A_1235, %bitcast_convert_type3A_1239 : vector<16xf32>
        %mul3A_1243 = arith.mulf %bitcast_convert_type3A_1240, %bitcast_convert_type3A_1241 : vector<16xf32>
        %add3A_1244 = arith.addf %mul3A_1242, %mul3A_1243 : vector<16xf32>
        %add3A_1245 = arith.addf %add3A_1223, %add3A_1244 : vector<16xf32>
        %get3A_1246 = arith.index_cast %add3A_1202 : i32 to index
        %get3A_1247 = arith.constant 32 : index
        %get3A_1248 = tpu.vector_load %arg7[%get3A_1246, %get3A_1247] {strides = array<i32>} : memref<256x64xi32, #tpu.memory_space<vmem>>, vector<1x16xi32>,
        %get3A_1249 = vector.shape_cast %get3A_1248 : vector<1x16xi32> to vector<16xi32>
        %get3A_1250 = arith.index_cast %add3A_1202 : i32 to index
        %get3A_1251 = arith.constant 32 : index
        %get3A_1252 = tpu.vector_load %arg8[%get3A_1250, %get3A_1251] {strides = array<i32>} : memref<256x64xi32, #tpu.memory_space<vmem>>, vector<1x16xi32>,
        %get3A_1253 = vector.shape_cast %get3A_1252 : vector<1x16xi32> to vector<16xi32>
        %shift_left3A_1254 = arith.constant 16 : i32
        %shift_left3A_1255 = vector.broadcast %shift_left3A_1254 : i32 to vector<16xi32>
        %shift_left3A_1256 = arith.shli %get3A_1249, %shift_left3A_1255 : vector<16xi32>
        %bitcast_convert_type3A_1257 = tpu.bitcast %shift_left3A_1256 : vector<16xi32> -> vector<16xf32>
        %shift_left3A_1258 = arith.constant 16 : i32
        %shift_left3A_1259 = vector.broadcast %shift_left3A_1258 : i32 to vector<16xi32>
        %shift_left3A_1260 = arith.shli %get3A_1253, %shift_left3A_1259 : vector<16xi32>
        %bitcast_convert_type3A_1261 = tpu.bitcast %shift_left3A_1260 : vector<16xi32> -> vector<16xf32>
        %bitcast_convert_type3A_1262 = tpu.bitcast %get3A_1249 : vector<16xi32> -> vector<16xf32>
        %bitcast_convert_type3A_1263 = tpu.bitcast %get3A_1253 : vector<16xi32> -> vector<16xf32>
        %mul3A_1264 = arith.mulf %bitcast_convert_type3A_1257, %bitcast_convert_type3A_1261 : vector<16xf32>
        %mul3A_1265 = arith.mulf %bitcast_convert_type3A_1262, %bitcast_convert_type3A_1263 : vector<16xf32>
        %add3A_1266 = arith.addf %mul3A_1264, %mul3A_1265 : vector<16xf32>
        %add3A_1267 = arith.addf %add3A_1245, %add3A_1266 : vector<16xf32>
        %get3A_1268 = arith.index_cast %add3A_1202 : i32 to index
        %get3A_1269 = arith.constant 48 : index
        %get3A_1270 = tpu.vector_load %arg7[%get3A_1268, %get3A_1269] {strides = array<i32>} : memref<256x64xi32, #tpu.memory_space<vmem>>, vector<1x16xi32>,
        %get3A_1271 = vector.shape_cast %get3A_1270 : vector<1x16xi32> to vector<16xi32>
        %get3A_1272 = arith.index_cast %add3A_1202 : i32 to index
        %get3A_1273 = arith.constant 48 : index
        %get3A_1274 = tpu.vector_load %arg8[%get3A_1272, %get3A_1273] {strides = array<i32>} : memref<256x64xi32, #tpu.memory_space<vmem>>, vector<1x16xi32>,
        %get3A_1275 = vector.shape_cast %get3A_1274 : vector<1x16xi32> to vector<16xi32>
        %shift_left3A_1276 = arith.constant 16 : i32
        %shift_left3A_1277 = vector.broadcast %shift_left3A_1276 : i32 to vector<16xi32>
        %shift_left3A_1278 = arith.shli %get3A_1271, %shift_left3A_1277 : vector<16xi32>
        %bitcast_convert_type3A_1279 = tpu.bitcast %shift_left3A_1278 : vector<16xi32> -> vector<16xf32>
        %shift_left3A_1280 = arith.constant 16 : i32
        %shift_left3A_1281 = vector.broadcast %shift_left3A_1280 : i32 to vector<16xi32>
        %shift_left3A_1282 = arith.shli %get3A_1275, %shift_left3A_1281 : vector<16xi32>
        %bitcast_convert_type3A_1283 = tpu.bitcast %shift_left3A_1282 : vector<16xi32> -> vector<16xf32>
        %bitcast_convert_type3A_1284 = tpu.bitcast %get3A_1271 : vector<16xi32> -> vector<16xf32>
        %bitcast_convert_type3A_1285 = tpu.bitcast %get3A_1275 : vector<16xi32> -> vector<16xf32>
        %mul3A_1286 = arith.mulf %bitcast_convert_type3A_1279, %bitcast_convert_type3A_1283 : vector<16xf32>
        %mul3A_1287 = arith.mulf %bitcast_convert_type3A_1284, %bitcast_convert_type3A_1285 : vector<16xf32>
        %add3A_1288 = arith.addf %mul3A_1286, %mul3A_1287 : vector<16xf32>
        %add3A_1289 = arith.addf %add3A_1267, %add3A_1288 : vector<16xf32>
        %xor3A_1290 = arith.constant 8 : i32
        %xor3A_1291 = vector.broadcast %xor3A_1290 : i32 to vector<16xi32>
        %xor3A_1292 = arith.xori %iota3A, %xor3A_1291 : vector<16xi32>
        %broadcast_in_dim3A_1293 = vector.shape_cast %xor3A_1292 : vector<16xi32> to vector<16x1xi32>
        %gather3A_1294 = vector.shape_cast %broadcast_in_dim3A_1293 : vector<16x1xi32> to vector<16xi32>
        %gather3A_1295 = tpu.dynamic_gather %add3A_1198[%gather3A_1294] in [0] : vector<16xf32>, vector<16xi32> -> vector<16xf32>
        %add3A_1296 = arith.addf %add3A_1198, %gather3A_1295 : vector<16xf32>
        %xor3A_1297 = arith.constant 8 : i32
        %xor3A_1298 = vector.broadcast %xor3A_1297 : i32 to vector<16xi32>
        %xor3A_1299 = arith.xori %iota3A, %xor3A_1298 : vector<16xi32>
        %broadcast_in_dim3A_1300 = vector.shape_cast %xor3A_1299 : vector<16xi32> to vector<16x1xi32>
        %gather3A_1301 = vector.shape_cast %broadcast_in_dim3A_1300 : vector<16x1xi32> to vector<16xi32>
        %gather3A_1302 = tpu.dynamic_gather %add3A_1289[%gather3A_1301] in [0] : vector<16xf32>, vector<16xi32> -> vector<16xf32>
        %add3A_1303 = arith.addf %add3A_1289, %gather3A_1302 : vector<16xf32>
        %select_n3A_1304 = arith.select %eq3A_6, %add3A_1296, %add3A_1303 : vector<16xi1>, vector<16xf32>
        %add3A_1305 = arith.constant 6 : i32
        %add3A_1306 = arith.addi %mul3A_141, %add3A_1305 : i32
        %get3A_1307 = arith.index_cast %add3A_1306 : i32 to index
        %get3A_1308 = arith.constant 0 : index
        %get3A_1309 = tpu.vector_load %arg7[%get3A_1307, %get3A_1308] {strides = array<i32>} : memref<256x64xi32, #tpu.memory_space<vmem>>, vector<1x16xi32>,
        %get3A_1310 = vector.shape_cast %get3A_1309 : vector<1x16xi32> to vector<16xi32>
        %get3A_1311 = arith.index_cast %add3A_1306 : i32 to index
        %get3A_1312 = arith.constant 0 : index
        %get3A_1313 = tpu.vector_load %arg8[%get3A_1311, %get3A_1312] {strides = array<i32>} : memref<256x64xi32, #tpu.memory_space<vmem>>, vector<1x16xi32>,
        %get3A_1314 = vector.shape_cast %get3A_1313 : vector<1x16xi32> to vector<16xi32>
        %shift_left3A_1315 = arith.constant 16 : i32
        %shift_left3A_1316 = vector.broadcast %shift_left3A_1315 : i32 to vector<16xi32>
        %shift_left3A_1317 = arith.shli %get3A_1310, %shift_left3A_1316 : vector<16xi32>
        %bitcast_convert_type3A_1318 = tpu.bitcast %shift_left3A_1317 : vector<16xi32> -> vector<16xf32>
        %shift_left3A_1319 = arith.constant 16 : i32
        %shift_left3A_1320 = vector.broadcast %shift_left3A_1319 : i32 to vector<16xi32>
        %shift_left3A_1321 = arith.shli %get3A_1314, %shift_left3A_1320 : vector<16xi32>
        %bitcast_convert_type3A_1322 = tpu.bitcast %shift_left3A_1321 : vector<16xi32> -> vector<16xf32>
        %bitcast_convert_type3A_1323 = tpu.bitcast %get3A_1310 : vector<16xi32> -> vector<16xf32>
        %bitcast_convert_type3A_1324 = tpu.bitcast %get3A_1314 : vector<16xi32> -> vector<16xf32>
        %mul3A_1325 = arith.mulf %bitcast_convert_type3A_1318, %bitcast_convert_type3A_1322 : vector<16xf32>
        %mul3A_1326 = arith.mulf %bitcast_convert_type3A_1323, %bitcast_convert_type3A_1324 : vector<16xf32>
        %add3A_1327 = arith.addf %mul3A_1325, %mul3A_1326 : vector<16xf32>
        %get3A_1328 = arith.index_cast %add3A_1306 : i32 to index
        %get3A_1329 = arith.constant 16 : index
        %get3A_1330 = tpu.vector_load %arg7[%get3A_1328, %get3A_1329] {strides = array<i32>} : memref<256x64xi32, #tpu.memory_space<vmem>>, vector<1x16xi32>,
        %get3A_1331 = vector.shape_cast %get3A_1330 : vector<1x16xi32> to vector<16xi32>
        %get3A_1332 = arith.index_cast %add3A_1306 : i32 to index
        %get3A_1333 = arith.constant 16 : index
        %get3A_1334 = tpu.vector_load %arg8[%get3A_1332, %get3A_1333] {strides = array<i32>} : memref<256x64xi32, #tpu.memory_space<vmem>>, vector<1x16xi32>,
        %get3A_1335 = vector.shape_cast %get3A_1334 : vector<1x16xi32> to vector<16xi32>
        %shift_left3A_1336 = arith.constant 16 : i32
        %shift_left3A_1337 = vector.broadcast %shift_left3A_1336 : i32 to vector<16xi32>
        %shift_left3A_1338 = arith.shli %get3A_1331, %shift_left3A_1337 : vector<16xi32>
        %bitcast_convert_type3A_1339 = tpu.bitcast %shift_left3A_1338 : vector<16xi32> -> vector<16xf32>
        %shift_left3A_1340 = arith.constant 16 : i32
        %shift_left3A_1341 = vector.broadcast %shift_left3A_1340 : i32 to vector<16xi32>
        %shift_left3A_1342 = arith.shli %get3A_1335, %shift_left3A_1341 : vector<16xi32>
        %bitcast_convert_type3A_1343 = tpu.bitcast %shift_left3A_1342 : vector<16xi32> -> vector<16xf32>
        %bitcast_convert_type3A_1344 = tpu.bitcast %get3A_1331 : vector<16xi32> -> vector<16xf32>
        %bitcast_convert_type3A_1345 = tpu.bitcast %get3A_1335 : vector<16xi32> -> vector<16xf32>
        %mul3A_1346 = arith.mulf %bitcast_convert_type3A_1339, %bitcast_convert_type3A_1343 : vector<16xf32>
        %mul3A_1347 = arith.mulf %bitcast_convert_type3A_1344, %bitcast_convert_type3A_1345 : vector<16xf32>
        %add3A_1348 = arith.addf %mul3A_1346, %mul3A_1347 : vector<16xf32>
        %add3A_1349 = arith.addf %add3A_1327, %add3A_1348 : vector<16xf32>
        %get3A_1350 = arith.index_cast %add3A_1306 : i32 to index
        %get3A_1351 = arith.constant 32 : index
        %get3A_1352 = tpu.vector_load %arg7[%get3A_1350, %get3A_1351] {strides = array<i32>} : memref<256x64xi32, #tpu.memory_space<vmem>>, vector<1x16xi32>,
        %get3A_1353 = vector.shape_cast %get3A_1352 : vector<1x16xi32> to vector<16xi32>
        %get3A_1354 = arith.index_cast %add3A_1306 : i32 to index
        %get3A_1355 = arith.constant 32 : index
        %get3A_1356 = tpu.vector_load %arg8[%get3A_1354, %get3A_1355] {strides = array<i32>} : memref<256x64xi32, #tpu.memory_space<vmem>>, vector<1x16xi32>,
        %get3A_1357 = vector.shape_cast %get3A_1356 : vector<1x16xi32> to vector<16xi32>
        %shift_left3A_1358 = arith.constant 16 : i32
        %shift_left3A_1359 = vector.broadcast %shift_left3A_1358 : i32 to vector<16xi32>
        %shift_left3A_1360 = arith.shli %get3A_1353, %shift_left3A_1359 : vector<16xi32>
        %bitcast_convert_type3A_1361 = tpu.bitcast %shift_left3A_1360 : vector<16xi32> -> vector<16xf32>
        %shift_left3A_1362 = arith.constant 16 : i32
        %shift_left3A_1363 = vector.broadcast %shift_left3A_1362 : i32 to vector<16xi32>
        %shift_left3A_1364 = arith.shli %get3A_1357, %shift_left3A_1363 : vector<16xi32>
        %bitcast_convert_type3A_1365 = tpu.bitcast %shift_left3A_1364 : vector<16xi32> -> vector<16xf32>
        %bitcast_convert_type3A_1366 = tpu.bitcast %get3A_1353 : vector<16xi32> -> vector<16xf32>
        %bitcast_convert_type3A_1367 = tpu.bitcast %get3A_1357 : vector<16xi32> -> vector<16xf32>
        %mul3A_1368 = arith.mulf %bitcast_convert_type3A_1361, %bitcast_convert_type3A_1365 : vector<16xf32>
        %mul3A_1369 = arith.mulf %bitcast_convert_type3A_1366, %bitcast_convert_type3A_1367 : vector<16xf32>
        %add3A_1370 = arith.addf %mul3A_1368, %mul3A_1369 : vector<16xf32>
        %add3A_1371 = arith.addf %add3A_1349, %add3A_1370 : vector<16xf32>
        %get3A_1372 = arith.index_cast %add3A_1306 : i32 to index
        %get3A_1373 = arith.constant 48 : index
        %get3A_1374 = tpu.vector_load %arg7[%get3A_1372, %get3A_1373] {strides = array<i32>} : memref<256x64xi32, #tpu.memory_space<vmem>>, vector<1x16xi32>,
        %get3A_1375 = vector.shape_cast %get3A_1374 : vector<1x16xi32> to vector<16xi32>
        %get3A_1376 = arith.index_cast %add3A_1306 : i32 to index
        %get3A_1377 = arith.constant 48 : index
        %get3A_1378 = tpu.vector_load %arg8[%get3A_1376, %get3A_1377] {strides = array<i32>} : memref<256x64xi32, #tpu.memory_space<vmem>>, vector<1x16xi32>,
        %get3A_1379 = vector.shape_cast %get3A_1378 : vector<1x16xi32> to vector<16xi32>
        %shift_left3A_1380 = arith.constant 16 : i32
        %shift_left3A_1381 = vector.broadcast %shift_left3A_1380 : i32 to vector<16xi32>
        %shift_left3A_1382 = arith.shli %get3A_1375, %shift_left3A_1381 : vector<16xi32>
        %bitcast_convert_type3A_1383 = tpu.bitcast %shift_left3A_1382 : vector<16xi32> -> vector<16xf32>
        %shift_left3A_1384 = arith.constant 16 : i32
        %shift_left3A_1385 = vector.broadcast %shift_left3A_1384 : i32 to vector<16xi32>
        %shift_left3A_1386 = arith.shli %get3A_1379, %shift_left3A_1385 : vector<16xi32>
        %bitcast_convert_type3A_1387 = tpu.bitcast %shift_left3A_1386 : vector<16xi32> -> vector<16xf32>
        %bitcast_convert_type3A_1388 = tpu.bitcast %get3A_1375 : vector<16xi32> -> vector<16xf32>
        %bitcast_convert_type3A_1389 = tpu.bitcast %get3A_1379 : vector<16xi32> -> vector<16xf32>
        %mul3A_1390 = arith.mulf %bitcast_convert_type3A_1383, %bitcast_convert_type3A_1387 : vector<16xf32>
        %mul3A_1391 = arith.mulf %bitcast_convert_type3A_1388, %bitcast_convert_type3A_1389 : vector<16xf32>
        %add3A_1392 = arith.addf %mul3A_1390, %mul3A_1391 : vector<16xf32>
        %add3A_1393 = arith.addf %add3A_1371, %add3A_1392 : vector<16xf32>
        %add3A_1394 = arith.constant 6 : i32
        %add3A_1395 = arith.addi %mul3A_141, %add3A_1394 : i32
        %add3A_1396 = arith.constant 8 : i32
        %add3A_1397 = arith.addi %add3A_1395, %add3A_1396 : i32
        %get3A_1398 = arith.index_cast %add3A_1397 : i32 to index
        %get3A_1399 = arith.constant 0 : index
        %get3A_1400 = tpu.vector_load %arg7[%get3A_1398, %get3A_1399] {strides = array<i32>} : memref<256x64xi32, #tpu.memory_space<vmem>>, vector<1x16xi32>,
        %get3A_1401 = vector.shape_cast %get3A_1400 : vector<1x16xi32> to vector<16xi32>
        %get3A_1402 = arith.index_cast %add3A_1397 : i32 to index
        %get3A_1403 = arith.constant 0 : index
        %get3A_1404 = tpu.vector_load %arg8[%get3A_1402, %get3A_1403] {strides = array<i32>} : memref<256x64xi32, #tpu.memory_space<vmem>>, vector<1x16xi32>,
        %get3A_1405 = vector.shape_cast %get3A_1404 : vector<1x16xi32> to vector<16xi32>
        %shift_left3A_1406 = arith.constant 16 : i32
        %shift_left3A_1407 = vector.broadcast %shift_left3A_1406 : i32 to vector<16xi32>
        %shift_left3A_1408 = arith.shli %get3A_1401, %shift_left3A_1407 : vector<16xi32>
        %bitcast_convert_type3A_1409 = tpu.bitcast %shift_left3A_1408 : vector<16xi32> -> vector<16xf32>
        %shift_left3A_1410 = arith.constant 16 : i32
        %shift_left3A_1411 = vector.broadcast %shift_left3A_1410 : i32 to vector<16xi32>
        %shift_left3A_1412 = arith.shli %get3A_1405, %shift_left3A_1411 : vector<16xi32>
        %bitcast_convert_type3A_1413 = tpu.bitcast %shift_left3A_1412 : vector<16xi32> -> vector<16xf32>
        %bitcast_convert_type3A_1414 = tpu.bitcast %get3A_1401 : vector<16xi32> -> vector<16xf32>
        %bitcast_convert_type3A_1415 = tpu.bitcast %get3A_1405 : vector<16xi32> -> vector<16xf32>
        %mul3A_1416 = arith.mulf %bitcast_convert_type3A_1409, %bitcast_convert_type3A_1413 : vector<16xf32>
        %mul3A_1417 = arith.mulf %bitcast_convert_type3A_1414, %bitcast_convert_type3A_1415 : vector<16xf32>
        %add3A_1418 = arith.addf %mul3A_1416, %mul3A_1417 : vector<16xf32>
        %get3A_1419 = arith.index_cast %add3A_1397 : i32 to index
        %get3A_1420 = arith.constant 16 : index
        %get3A_1421 = tpu.vector_load %arg7[%get3A_1419, %get3A_1420] {strides = array<i32>} : memref<256x64xi32, #tpu.memory_space<vmem>>, vector<1x16xi32>,
        %get3A_1422 = vector.shape_cast %get3A_1421 : vector<1x16xi32> to vector<16xi32>
        %get3A_1423 = arith.index_cast %add3A_1397 : i32 to index
        %get3A_1424 = arith.constant 16 : index
        %get3A_1425 = tpu.vector_load %arg8[%get3A_1423, %get3A_1424] {strides = array<i32>} : memref<256x64xi32, #tpu.memory_space<vmem>>, vector<1x16xi32>,
        %get3A_1426 = vector.shape_cast %get3A_1425 : vector<1x16xi32> to vector<16xi32>
        %shift_left3A_1427 = arith.constant 16 : i32
        %shift_left3A_1428 = vector.broadcast %shift_left3A_1427 : i32 to vector<16xi32>
        %shift_left3A_1429 = arith.shli %get3A_1422, %shift_left3A_1428 : vector<16xi32>
        %bitcast_convert_type3A_1430 = tpu.bitcast %shift_left3A_1429 : vector<16xi32> -> vector<16xf32>
        %shift_left3A_1431 = arith.constant 16 : i32
        %shift_left3A_1432 = vector.broadcast %shift_left3A_1431 : i32 to vector<16xi32>
        %shift_left3A_1433 = arith.shli %get3A_1426, %shift_left3A_1432 : vector<16xi32>
        %bitcast_convert_type3A_1434 = tpu.bitcast %shift_left3A_1433 : vector<16xi32> -> vector<16xf32>
        %bitcast_convert_type3A_1435 = tpu.bitcast %get3A_1422 : vector<16xi32> -> vector<16xf32>
        %bitcast_convert_type3A_1436 = tpu.bitcast %get3A_1426 : vector<16xi32> -> vector<16xf32>
        %mul3A_1437 = arith.mulf %bitcast_convert_type3A_1430, %bitcast_convert_type3A_1434 : vector<16xf32>
        %mul3A_1438 = arith.mulf %bitcast_convert_type3A_1435, %bitcast_convert_type3A_1436 : vector<16xf32>
        %add3A_1439 = arith.addf %mul3A_1437, %mul3A_1438 : vector<16xf32>
        %add3A_1440 = arith.addf %add3A_1418, %add3A_1439 : vector<16xf32>
        %get3A_1441 = arith.index_cast %add3A_1397 : i32 to index
        %get3A_1442 = arith.constant 32 : index
        %get3A_1443 = tpu.vector_load %arg7[%get3A_1441, %get3A_1442] {strides = array<i32>} : memref<256x64xi32, #tpu.memory_space<vmem>>, vector<1x16xi32>,
        %get3A_1444 = vector.shape_cast %get3A_1443 : vector<1x16xi32> to vector<16xi32>
        %get3A_1445 = arith.index_cast %add3A_1397 : i32 to index
        %get3A_1446 = arith.constant 32 : index
        %get3A_1447 = tpu.vector_load %arg8[%get3A_1445, %get3A_1446] {strides = array<i32>} : memref<256x64xi32, #tpu.memory_space<vmem>>, vector<1x16xi32>,
        %get3A_1448 = vector.shape_cast %get3A_1447 : vector<1x16xi32> to vector<16xi32>
        %shift_left3A_1449 = arith.constant 16 : i32
        %shift_left3A_1450 = vector.broadcast %shift_left3A_1449 : i32 to vector<16xi32>
        %shift_left3A_1451 = arith.shli %get3A_1444, %shift_left3A_1450 : vector<16xi32>
        %bitcast_convert_type3A_1452 = tpu.bitcast %shift_left3A_1451 : vector<16xi32> -> vector<16xf32>
        %shift_left3A_1453 = arith.constant 16 : i32
        %shift_left3A_1454 = vector.broadcast %shift_left3A_1453 : i32 to vector<16xi32>
        %shift_left3A_1455 = arith.shli %get3A_1448, %shift_left3A_1454 : vector<16xi32>
        %bitcast_convert_type3A_1456 = tpu.bitcast %shift_left3A_1455 : vector<16xi32> -> vector<16xf32>
        %bitcast_convert_type3A_1457 = tpu.bitcast %get3A_1444 : vector<16xi32> -> vector<16xf32>
        %bitcast_convert_type3A_1458 = tpu.bitcast %get3A_1448 : vector<16xi32> -> vector<16xf32>
        %mul3A_1459 = arith.mulf %bitcast_convert_type3A_1452, %bitcast_convert_type3A_1456 : vector<16xf32>
        %mul3A_1460 = arith.mulf %bitcast_convert_type3A_1457, %bitcast_convert_type3A_1458 : vector<16xf32>
        %add3A_1461 = arith.addf %mul3A_1459, %mul3A_1460 : vector<16xf32>
        %add3A_1462 = arith.addf %add3A_1440, %add3A_1461 : vector<16xf32>
        %get3A_1463 = arith.index_cast %add3A_1397 : i32 to index
        %get3A_1464 = arith.constant 48 : index
        %get3A_1465 = tpu.vector_load %arg7[%get3A_1463, %get3A_1464] {strides = array<i32>} : memref<256x64xi32, #tpu.memory_space<vmem>>, vector<1x16xi32>,
        %get3A_1466 = vector.shape_cast %get3A_1465 : vector<1x16xi32> to vector<16xi32>
        %get3A_1467 = arith.index_cast %add3A_1397 : i32 to index
        %get3A_1468 = arith.constant 48 : index
        %get3A_1469 = tpu.vector_load %arg8[%get3A_1467, %get3A_1468] {strides = array<i32>} : memref<256x64xi32, #tpu.memory_space<vmem>>, vector<1x16xi32>,
        %get3A_1470 = vector.shape_cast %get3A_1469 : vector<1x16xi32> to vector<16xi32>
        %shift_left3A_1471 = arith.constant 16 : i32
        %shift_left3A_1472 = vector.broadcast %shift_left3A_1471 : i32 to vector<16xi32>
        %shift_left3A_1473 = arith.shli %get3A_1466, %shift_left3A_1472 : vector<16xi32>
        %bitcast_convert_type3A_1474 = tpu.bitcast %shift_left3A_1473 : vector<16xi32> -> vector<16xf32>
        %shift_left3A_1475 = arith.constant 16 : i32
        %shift_left3A_1476 = vector.broadcast %shift_left3A_1475 : i32 to vector<16xi32>
        %shift_left3A_1477 = arith.shli %get3A_1470, %shift_left3A_1476 : vector<16xi32>
        %bitcast_convert_type3A_1478 = tpu.bitcast %shift_left3A_1477 : vector<16xi32> -> vector<16xf32>
        %bitcast_convert_type3A_1479 = tpu.bitcast %get3A_1466 : vector<16xi32> -> vector<16xf32>
        %bitcast_convert_type3A_1480 = tpu.bitcast %get3A_1470 : vector<16xi32> -> vector<16xf32>
        %mul3A_1481 = arith.mulf %bitcast_convert_type3A_1474, %bitcast_convert_type3A_1478 : vector<16xf32>
        %mul3A_1482 = arith.mulf %bitcast_convert_type3A_1479, %bitcast_convert_type3A_1480 : vector<16xf32>
        %add3A_1483 = arith.addf %mul3A_1481, %mul3A_1482 : vector<16xf32>
        %add3A_1484 = arith.addf %add3A_1462, %add3A_1483 : vector<16xf32>
        %xor3A_1485 = arith.constant 8 : i32
        %xor3A_1486 = vector.broadcast %xor3A_1485 : i32 to vector<16xi32>
        %xor3A_1487 = arith.xori %iota3A, %xor3A_1486 : vector<16xi32>
        %broadcast_in_dim3A_1488 = vector.shape_cast %xor3A_1487 : vector<16xi32> to vector<16x1xi32>
        %gather3A_1489 = vector.shape_cast %broadcast_in_dim3A_1488 : vector<16x1xi32> to vector<16xi32>
        %gather3A_1490 = tpu.dynamic_gather %add3A_1393[%gather3A_1489] in [0] : vector<16xf32>, vector<16xi32> -> vector<16xf32>
        %add3A_1491 = arith.addf %add3A_1393, %gather3A_1490 : vector<16xf32>
        %xor3A_1492 = arith.constant 8 : i32
        %xor3A_1493 = vector.broadcast %xor3A_1492 : i32 to vector<16xi32>
        %xor3A_1494 = arith.xori %iota3A, %xor3A_1493 : vector<16xi32>
        %broadcast_in_dim3A_1495 = vector.shape_cast %xor3A_1494 : vector<16xi32> to vector<16x1xi32>
        %gather3A_1496 = vector.shape_cast %broadcast_in_dim3A_1495 : vector<16x1xi32> to vector<16xi32>
        %gather3A_1497 = tpu.dynamic_gather %add3A_1484[%gather3A_1496] in [0] : vector<16xf32>, vector<16xi32> -> vector<16xf32>
        %add3A_1498 = arith.addf %add3A_1484, %gather3A_1497 : vector<16xf32>
        %select_n3A_1499 = arith.select %eq3A_6, %add3A_1491, %add3A_1498 : vector<16xi1>, vector<16xf32>
        %add3A_1500 = arith.constant 7 : i32
        %add3A_1501 = arith.addi %mul3A_141, %add3A_1500 : i32
        %get3A_1502 = arith.index_cast %add3A_1501 : i32 to index
        %get3A_1503 = arith.constant 0 : index
        %get3A_1504 = tpu.vector_load %arg7[%get3A_1502, %get3A_1503] {strides = array<i32>} : memref<256x64xi32, #tpu.memory_space<vmem>>, vector<1x16xi32>,
        %get3A_1505 = vector.shape_cast %get3A_1504 : vector<1x16xi32> to vector<16xi32>
        %get3A_1506 = arith.index_cast %add3A_1501 : i32 to index
        %get3A_1507 = arith.constant 0 : index
        %get3A_1508 = tpu.vector_load %arg8[%get3A_1506, %get3A_1507] {strides = array<i32>} : memref<256x64xi32, #tpu.memory_space<vmem>>, vector<1x16xi32>,
        %get3A_1509 = vector.shape_cast %get3A_1508 : vector<1x16xi32> to vector<16xi32>
        %shift_left3A_1510 = arith.constant 16 : i32
        %shift_left3A_1511 = vector.broadcast %shift_left3A_1510 : i32 to vector<16xi32>
        %shift_left3A_1512 = arith.shli %get3A_1505, %shift_left3A_1511 : vector<16xi32>
        %bitcast_convert_type3A_1513 = tpu.bitcast %shift_left3A_1512 : vector<16xi32> -> vector<16xf32>
        %shift_left3A_1514 = arith.constant 16 : i32
        %shift_left3A_1515 = vector.broadcast %shift_left3A_1514 : i32 to vector<16xi32>
        %shift_left3A_1516 = arith.shli %get3A_1509, %shift_left3A_1515 : vector<16xi32>
        %bitcast_convert_type3A_1517 = tpu.bitcast %shift_left3A_1516 : vector<16xi32> -> vector<16xf32>
        %bitcast_convert_type3A_1518 = tpu.bitcast %get3A_1505 : vector<16xi32> -> vector<16xf32>
        %bitcast_convert_type3A_1519 = tpu.bitcast %get3A_1509 : vector<16xi32> -> vector<16xf32>
        %mul3A_1520 = arith.mulf %bitcast_convert_type3A_1513, %bitcast_convert_type3A_1517 : vector<16xf32>
        %mul3A_1521 = arith.mulf %bitcast_convert_type3A_1518, %bitcast_convert_type3A_1519 : vector<16xf32>
        %add3A_1522 = arith.addf %mul3A_1520, %mul3A_1521 : vector<16xf32>
        %get3A_1523 = arith.index_cast %add3A_1501 : i32 to index
        %get3A_1524 = arith.constant 16 : index
        %get3A_1525 = tpu.vector_load %arg7[%get3A_1523, %get3A_1524] {strides = array<i32>} : memref<256x64xi32, #tpu.memory_space<vmem>>, vector<1x16xi32>,
        %get3A_1526 = vector.shape_cast %get3A_1525 : vector<1x16xi32> to vector<16xi32>
        %get3A_1527 = arith.index_cast %add3A_1501 : i32 to index
        %get3A_1528 = arith.constant 16 : index
        %get3A_1529 = tpu.vector_load %arg8[%get3A_1527, %get3A_1528] {strides = array<i32>} : memref<256x64xi32, #tpu.memory_space<vmem>>, vector<1x16xi32>,
        %get3A_1530 = vector.shape_cast %get3A_1529 : vector<1x16xi32> to vector<16xi32>
        %shift_left3A_1531 = arith.constant 16 : i32
        %shift_left3A_1532 = vector.broadcast %shift_left3A_1531 : i32 to vector<16xi32>
        %shift_left3A_1533 = arith.shli %get3A_1526, %shift_left3A_1532 : vector<16xi32>
        %bitcast_convert_type3A_1534 = tpu.bitcast %shift_left3A_1533 : vector<16xi32> -> vector<16xf32>
        %shift_left3A_1535 = arith.constant 16 : i32
        %shift_left3A_1536 = vector.broadcast %shift_left3A_1535 : i32 to vector<16xi32>
        %shift_left3A_1537 = arith.shli %get3A_1530, %shift_left3A_1536 : vector<16xi32>
        %bitcast_convert_type3A_1538 = tpu.bitcast %shift_left3A_1537 : vector<16xi32> -> vector<16xf32>
        %bitcast_convert_type3A_1539 = tpu.bitcast %get3A_1526 : vector<16xi32> -> vector<16xf32>
        %bitcast_convert_type3A_1540 = tpu.bitcast %get3A_1530 : vector<16xi32> -> vector<16xf32>
        %mul3A_1541 = arith.mulf %bitcast_convert_type3A_1534, %bitcast_convert_type3A_1538 : vector<16xf32>
        %mul3A_1542 = arith.mulf %bitcast_convert_type3A_1539, %bitcast_convert_type3A_1540 : vector<16xf32>
        %add3A_1543 = arith.addf %mul3A_1541, %mul3A_1542 : vector<16xf32>
        %add3A_1544 = arith.addf %add3A_1522, %add3A_1543 : vector<16xf32>
        %get3A_1545 = arith.index_cast %add3A_1501 : i32 to index
        %get3A_1546 = arith.constant 32 : index
        %get3A_1547 = tpu.vector_load %arg7[%get3A_1545, %get3A_1546] {strides = array<i32>} : memref<256x64xi32, #tpu.memory_space<vmem>>, vector<1x16xi32>,
        %get3A_1548 = vector.shape_cast %get3A_1547 : vector<1x16xi32> to vector<16xi32>
        %get3A_1549 = arith.index_cast %add3A_1501 : i32 to index
        %get3A_1550 = arith.constant 32 : index
        %get3A_1551 = tpu.vector_load %arg8[%get3A_1549, %get3A_1550] {strides = array<i32>} : memref<256x64xi32, #tpu.memory_space<vmem>>, vector<1x16xi32>,
        %get3A_1552 = vector.shape_cast %get3A_1551 : vector<1x16xi32> to vector<16xi32>
        %shift_left3A_1553 = arith.constant 16 : i32
        %shift_left3A_1554 = vector.broadcast %shift_left3A_1553 : i32 to vector<16xi32>
        %shift_left3A_1555 = arith.shli %get3A_1548, %shift_left3A_1554 : vector<16xi32>
        %bitcast_convert_type3A_1556 = tpu.bitcast %shift_left3A_1555 : vector<16xi32> -> vector<16xf32>
        %shift_left3A_1557 = arith.constant 16 : i32
        %shift_left3A_1558 = vector.broadcast %shift_left3A_1557 : i32 to vector<16xi32>
        %shift_left3A_1559 = arith.shli %get3A_1552, %shift_left3A_1558 : vector<16xi32>
        %bitcast_convert_type3A_1560 = tpu.bitcast %shift_left3A_1559 : vector<16xi32> -> vector<16xf32>
        %bitcast_convert_type3A_1561 = tpu.bitcast %get3A_1548 : vector<16xi32> -> vector<16xf32>
        %bitcast_convert_type3A_1562 = tpu.bitcast %get3A_1552 : vector<16xi32> -> vector<16xf32>
        %mul3A_1563 = arith.mulf %bitcast_convert_type3A_1556, %bitcast_convert_type3A_1560 : vector<16xf32>
        %mul3A_1564 = arith.mulf %bitcast_convert_type3A_1561, %bitcast_convert_type3A_1562 : vector<16xf32>
        %add3A_1565 = arith.addf %mul3A_1563, %mul3A_1564 : vector<16xf32>
        %add3A_1566 = arith.addf %add3A_1544, %add3A_1565 : vector<16xf32>
        %get3A_1567 = arith.index_cast %add3A_1501 : i32 to index
        %get3A_1568 = arith.constant 48 : index
        %get3A_1569 = tpu.vector_load %arg7[%get3A_1567, %get3A_1568] {strides = array<i32>} : memref<256x64xi32, #tpu.memory_space<vmem>>, vector<1x16xi32>,
        %get3A_1570 = vector.shape_cast %get3A_1569 : vector<1x16xi32> to vector<16xi32>
        %get3A_1571 = arith.index_cast %add3A_1501 : i32 to index
        %get3A_1572 = arith.constant 48 : index
        %get3A_1573 = tpu.vector_load %arg8[%get3A_1571, %get3A_1572] {strides = array<i32>} : memref<256x64xi32, #tpu.memory_space<vmem>>, vector<1x16xi32>,
        %get3A_1574 = vector.shape_cast %get3A_1573 : vector<1x16xi32> to vector<16xi32>
        %shift_left3A_1575 = arith.constant 16 : i32
        %shift_left3A_1576 = vector.broadcast %shift_left3A_1575 : i32 to vector<16xi32>
        %shift_left3A_1577 = arith.shli %get3A_1570, %shift_left3A_1576 : vector<16xi32>
        %bitcast_convert_type3A_1578 = tpu.bitcast %shift_left3A_1577 : vector<16xi32> -> vector<16xf32>
        %shift_left3A_1579 = arith.constant 16 : i32
        %shift_left3A_1580 = vector.broadcast %shift_left3A_1579 : i32 to vector<16xi32>
        %shift_left3A_1581 = arith.shli %get3A_1574, %shift_left3A_1580 : vector<16xi32>
        %bitcast_convert_type3A_1582 = tpu.bitcast %shift_left3A_1581 : vector<16xi32> -> vector<16xf32>
        %bitcast_convert_type3A_1583 = tpu.bitcast %get3A_1570 : vector<16xi32> -> vector<16xf32>
        %bitcast_convert_type3A_1584 = tpu.bitcast %get3A_1574 : vector<16xi32> -> vector<16xf32>
        %mul3A_1585 = arith.mulf %bitcast_convert_type3A_1578, %bitcast_convert_type3A_1582 : vector<16xf32>
        %mul3A_1586 = arith.mulf %bitcast_convert_type3A_1583, %bitcast_convert_type3A_1584 : vector<16xf32>
        %add3A_1587 = arith.addf %mul3A_1585, %mul3A_1586 : vector<16xf32>
        %add3A_1588 = arith.addf %add3A_1566, %add3A_1587 : vector<16xf32>
        %add3A_1589 = arith.constant 7 : i32
        %add3A_1590 = arith.addi %mul3A_141, %add3A_1589 : i32
        %add3A_1591 = arith.constant 8 : i32
        %add3A_1592 = arith.addi %add3A_1590, %add3A_1591 : i32
        %get3A_1593 = arith.index_cast %add3A_1592 : i32 to index
        %get3A_1594 = arith.constant 0 : index
        %get3A_1595 = tpu.vector_load %arg7[%get3A_1593, %get3A_1594] {strides = array<i32>} : memref<256x64xi32, #tpu.memory_space<vmem>>, vector<1x16xi32>,
        %get3A_1596 = vector.shape_cast %get3A_1595 : vector<1x16xi32> to vector<16xi32>
        %get3A_1597 = arith.index_cast %add3A_1592 : i32 to index
        %get3A_1598 = arith.constant 0 : index
        %get3A_1599 = tpu.vector_load %arg8[%get3A_1597, %get3A_1598] {strides = array<i32>} : memref<256x64xi32, #tpu.memory_space<vmem>>, vector<1x16xi32>,
        %get3A_1600 = vector.shape_cast %get3A_1599 : vector<1x16xi32> to vector<16xi32>
        %shift_left3A_1601 = arith.constant 16 : i32
        %shift_left3A_1602 = vector.broadcast %shift_left3A_1601 : i32 to vector<16xi32>
        %shift_left3A_1603 = arith.shli %get3A_1596, %shift_left3A_1602 : vector<16xi32>
        %bitcast_convert_type3A_1604 = tpu.bitcast %shift_left3A_1603 : vector<16xi32> -> vector<16xf32>
        %shift_left3A_1605 = arith.constant 16 : i32
        %shift_left3A_1606 = vector.broadcast %shift_left3A_1605 : i32 to vector<16xi32>
        %shift_left3A_1607 = arith.shli %get3A_1600, %shift_left3A_1606 : vector<16xi32>
        %bitcast_convert_type3A_1608 = tpu.bitcast %shift_left3A_1607 : vector<16xi32> -> vector<16xf32>
        %bitcast_convert_type3A_1609 = tpu.bitcast %get3A_1596 : vector<16xi32> -> vector<16xf32>
        %bitcast_convert_type3A_1610 = tpu.bitcast %get3A_1600 : vector<16xi32> -> vector<16xf32>
        %mul3A_1611 = arith.mulf %bitcast_convert_type3A_1604, %bitcast_convert_type3A_1608 : vector<16xf32>
        %mul3A_1612 = arith.mulf %bitcast_convert_type3A_1609, %bitcast_convert_type3A_1610 : vector<16xf32>
        %add3A_1613 = arith.addf %mul3A_1611, %mul3A_1612 : vector<16xf32>
        %get3A_1614 = arith.index_cast %add3A_1592 : i32 to index
        %get3A_1615 = arith.constant 16 : index
        %get3A_1616 = tpu.vector_load %arg7[%get3A_1614, %get3A_1615] {strides = array<i32>} : memref<256x64xi32, #tpu.memory_space<vmem>>, vector<1x16xi32>,
        %get3A_1617 = vector.shape_cast %get3A_1616 : vector<1x16xi32> to vector<16xi32>
        %get3A_1618 = arith.index_cast %add3A_1592 : i32 to index
        %get3A_1619 = arith.constant 16 : index
        %get3A_1620 = tpu.vector_load %arg8[%get3A_1618, %get3A_1619] {strides = array<i32>} : memref<256x64xi32, #tpu.memory_space<vmem>>, vector<1x16xi32>,
        %get3A_1621 = vector.shape_cast %get3A_1620 : vector<1x16xi32> to vector<16xi32>
        %shift_left3A_1622 = arith.constant 16 : i32
        %shift_left3A_1623 = vector.broadcast %shift_left3A_1622 : i32 to vector<16xi32>
        %shift_left3A_1624 = arith.shli %get3A_1617, %shift_left3A_1623 : vector<16xi32>
        %bitcast_convert_type3A_1625 = tpu.bitcast %shift_left3A_1624 : vector<16xi32> -> vector<16xf32>
        %shift_left3A_1626 = arith.constant 16 : i32
        %shift_left3A_1627 = vector.broadcast %shift_left3A_1626 : i32 to vector<16xi32>
        %shift_left3A_1628 = arith.shli %get3A_1621, %shift_left3A_1627 : vector<16xi32>
        %bitcast_convert_type3A_1629 = tpu.bitcast %shift_left3A_1628 : vector<16xi32> -> vector<16xf32>
        %bitcast_convert_type3A_1630 = tpu.bitcast %get3A_1617 : vector<16xi32> -> vector<16xf32>
        %bitcast_convert_type3A_1631 = tpu.bitcast %get3A_1621 : vector<16xi32> -> vector<16xf32>
        %mul3A_1632 = arith.mulf %bitcast_convert_type3A_1625, %bitcast_convert_type3A_1629 : vector<16xf32>
        %mul3A_1633 = arith.mulf %bitcast_convert_type3A_1630, %bitcast_convert_type3A_1631 : vector<16xf32>
        %add3A_1634 = arith.addf %mul3A_1632, %mul3A_1633 : vector<16xf32>
        %add3A_1635 = arith.addf %add3A_1613, %add3A_1634 : vector<16xf32>
        %get3A_1636 = arith.index_cast %add3A_1592 : i32 to index
        %get3A_1637 = arith.constant 32 : index
        %get3A_1638 = tpu.vector_load %arg7[%get3A_1636, %get3A_1637] {strides = array<i32>} : memref<256x64xi32, #tpu.memory_space<vmem>>, vector<1x16xi32>,
        %get3A_1639 = vector.shape_cast %get3A_1638 : vector<1x16xi32> to vector<16xi32>
        %get3A_1640 = arith.index_cast %add3A_1592 : i32 to index
        %get3A_1641 = arith.constant 32 : index
        %get3A_1642 = tpu.vector_load %arg8[%get3A_1640, %get3A_1641] {strides = array<i32>} : memref<256x64xi32, #tpu.memory_space<vmem>>, vector<1x16xi32>,
        %get3A_1643 = vector.shape_cast %get3A_1642 : vector<1x16xi32> to vector<16xi32>
        %shift_left3A_1644 = arith.constant 16 : i32
        %shift_left3A_1645 = vector.broadcast %shift_left3A_1644 : i32 to vector<16xi32>
        %shift_left3A_1646 = arith.shli %get3A_1639, %shift_left3A_1645 : vector<16xi32>
        %bitcast_convert_type3A_1647 = tpu.bitcast %shift_left3A_1646 : vector<16xi32> -> vector<16xf32>
        %shift_left3A_1648 = arith.constant 16 : i32
        %shift_left3A_1649 = vector.broadcast %shift_left3A_1648 : i32 to vector<16xi32>
        %shift_left3A_1650 = arith.shli %get3A_1643, %shift_left3A_1649 : vector<16xi32>
        %bitcast_convert_type3A_1651 = tpu.bitcast %shift_left3A_1650 : vector<16xi32> -> vector<16xf32>
        %bitcast_convert_type3A_1652 = tpu.bitcast %get3A_1639 : vector<16xi32> -> vector<16xf32>
        %bitcast_convert_type3A_1653 = tpu.bitcast %get3A_1643 : vector<16xi32> -> vector<16xf32>
        %mul3A_1654 = arith.mulf %bitcast_convert_type3A_1647, %bitcast_convert_type3A_1651 : vector<16xf32>
        %mul3A_1655 = arith.mulf %bitcast_convert_type3A_1652, %bitcast_convert_type3A_1653 : vector<16xf32>
        %add3A_1656 = arith.addf %mul3A_1654, %mul3A_1655 : vector<16xf32>
        %add3A_1657 = arith.addf %add3A_1635, %add3A_1656 : vector<16xf32>
        %get3A_1658 = arith.index_cast %add3A_1592 : i32 to index
        %get3A_1659 = arith.constant 48 : index
        %get3A_1660 = tpu.vector_load %arg7[%get3A_1658, %get3A_1659] {strides = array<i32>} : memref<256x64xi32, #tpu.memory_space<vmem>>, vector<1x16xi32>,
        %get3A_1661 = vector.shape_cast %get3A_1660 : vector<1x16xi32> to vector<16xi32>
        %get3A_1662 = arith.index_cast %add3A_1592 : i32 to index
        %get3A_1663 = arith.constant 48 : index
        %get3A_1664 = tpu.vector_load %arg8[%get3A_1662, %get3A_1663] {strides = array<i32>} : memref<256x64xi32, #tpu.memory_space<vmem>>, vector<1x16xi32>,
        %get3A_1665 = vector.shape_cast %get3A_1664 : vector<1x16xi32> to vector<16xi32>
        %shift_left3A_1666 = arith.constant 16 : i32
        %shift_left3A_1667 = vector.broadcast %shift_left3A_1666 : i32 to vector<16xi32>
        %shift_left3A_1668 = arith.shli %get3A_1661, %shift_left3A_1667 : vector<16xi32>
        %bitcast_convert_type3A_1669 = tpu.bitcast %shift_left3A_1668 : vector<16xi32> -> vector<16xf32>
        %shift_left3A_1670 = arith.constant 16 : i32
        %shift_left3A_1671 = vector.broadcast %shift_left3A_1670 : i32 to vector<16xi32>
        %shift_left3A_1672 = arith.shli %get3A_1665, %shift_left3A_1671 : vector<16xi32>
        %bitcast_convert_type3A_1673 = tpu.bitcast %shift_left3A_1672 : vector<16xi32> -> vector<16xf32>
        %bitcast_convert_type3A_1674 = tpu.bitcast %get3A_1661 : vector<16xi32> -> vector<16xf32>
        %bitcast_convert_type3A_1675 = tpu.bitcast %get3A_1665 : vector<16xi32> -> vector<16xf32>
        %mul3A_1676 = arith.mulf %bitcast_convert_type3A_1669, %bitcast_convert_type3A_1673 : vector<16xf32>
        %mul3A_1677 = arith.mulf %bitcast_convert_type3A_1674, %bitcast_convert_type3A_1675 : vector<16xf32>
        %add3A_1678 = arith.addf %mul3A_1676, %mul3A_1677 : vector<16xf32>
        %add3A_1679 = arith.addf %add3A_1657, %add3A_1678 : vector<16xf32>
        %xor3A_1680 = arith.constant 8 : i32
        %xor3A_1681 = vector.broadcast %xor3A_1680 : i32 to vector<16xi32>
        %xor3A_1682 = arith.xori %iota3A, %xor3A_1681 : vector<16xi32>
        %broadcast_in_dim3A_1683 = vector.shape_cast %xor3A_1682 : vector<16xi32> to vector<16x1xi32>
        %gather3A_1684 = vector.shape_cast %broadcast_in_dim3A_1683 : vector<16x1xi32> to vector<16xi32>
        %gather3A_1685 = tpu.dynamic_gather %add3A_1588[%gather3A_1684] in [0] : vector<16xf32>, vector<16xi32> -> vector<16xf32>
        %add3A_1686 = arith.addf %add3A_1588, %gather3A_1685 : vector<16xf32>
        %xor3A_1687 = arith.constant 8 : i32
        %xor3A_1688 = vector.broadcast %xor3A_1687 : i32 to vector<16xi32>
        %xor3A_1689 = arith.xori %iota3A, %xor3A_1688 : vector<16xi32>
        %broadcast_in_dim3A_1690 = vector.shape_cast %xor3A_1689 : vector<16xi32> to vector<16x1xi32>
        %gather3A_1691 = vector.shape_cast %broadcast_in_dim3A_1690 : vector<16x1xi32> to vector<16xi32>
        %gather3A_1692 = tpu.dynamic_gather %add3A_1679[%gather3A_1691] in [0] : vector<16xf32>, vector<16xi32> -> vector<16xf32>
        %add3A_1693 = arith.addf %add3A_1679, %gather3A_1692 : vector<16xf32>
        %select_n3A_1694 = arith.select %eq3A_6, %add3A_1686, %add3A_1693 : vector<16xi1>, vector<16xf32>
        %xor3A_1695 = arith.constant 4 : i32
        %xor3A_1696 = vector.broadcast %xor3A_1695 : i32 to vector<16xi32>
        %xor3A_1697 = arith.xori %iota3A, %xor3A_1696 : vector<16xi32>
        %broadcast_in_dim3A_1698 = vector.shape_cast %xor3A_1697 : vector<16xi32> to vector<16x1xi32>
        %gather3A_1699 = vector.shape_cast %broadcast_in_dim3A_1698 : vector<16x1xi32> to vector<16xi32>
        %gather3A_1700 = tpu.dynamic_gather %select_n3A[%gather3A_1699] in [0] : vector<16xf32>, vector<16xi32> -> vector<16xf32>
        %add3A_1701 = arith.addf %select_n3A, %gather3A_1700 : vector<16xf32>
        %xor3A_1702 = arith.constant 4 : i32
        %xor3A_1703 = vector.broadcast %xor3A_1702 : i32 to vector<16xi32>
        %xor3A_1704 = arith.xori %iota3A, %xor3A_1703 : vector<16xi32>
        %broadcast_in_dim3A_1705 = vector.shape_cast %xor3A_1704 : vector<16xi32> to vector<16x1xi32>
        %gather3A_1706 = vector.shape_cast %broadcast_in_dim3A_1705 : vector<16x1xi32> to vector<16xi32>
        %gather3A_1707 = tpu.dynamic_gather %select_n3A_1109[%gather3A_1706] in [0] : vector<16xf32>, vector<16xi32> -> vector<16xf32>
        %add3A_1708 = arith.addf %select_n3A_1109, %gather3A_1707 : vector<16xf32>
        %select_n3A_1709 = arith.select %eq3A_12, %add3A_1701, %add3A_1708 : vector<16xi1>, vector<16xf32>
        %xor3A_1710 = arith.constant 4 : i32
        %xor3A_1711 = vector.broadcast %xor3A_1710 : i32 to vector<16xi32>
        %xor3A_1712 = arith.xori %iota3A, %xor3A_1711 : vector<16xi32>
        %broadcast_in_dim3A_1713 = vector.shape_cast %xor3A_1712 : vector<16xi32> to vector<16x1xi32>
        %gather3A_1714 = vector.shape_cast %broadcast_in_dim3A_1713 : vector<16x1xi32> to vector<16xi32>
        %gather3A_1715 = tpu.dynamic_gather %select_n3A_524[%gather3A_1714] in [0] : vector<16xf32>, vector<16xi32> -> vector<16xf32>
        %add3A_1716 = arith.addf %select_n3A_524, %gather3A_1715 : vector<16xf32>
        %xor3A_1717 = arith.constant 4 : i32
        %xor3A_1718 = vector.broadcast %xor3A_1717 : i32 to vector<16xi32>
        %xor3A_1719 = arith.xori %iota3A, %xor3A_1718 : vector<16xi32>
        %broadcast_in_dim3A_1720 = vector.shape_cast %xor3A_1719 : vector<16xi32> to vector<16x1xi32>
        %gather3A_1721 = vector.shape_cast %broadcast_in_dim3A_1720 : vector<16x1xi32> to vector<16xi32>
        %gather3A_1722 = tpu.dynamic_gather %select_n3A_1304[%gather3A_1721] in [0] : vector<16xf32>, vector<16xi32> -> vector<16xf32>
        %add3A_1723 = arith.addf %select_n3A_1304, %gather3A_1722 : vector<16xf32>
        %select_n3A_1724 = arith.select %eq3A_12, %add3A_1716, %add3A_1723 : vector<16xi1>, vector<16xf32>
        %xor3A_1725 = arith.constant 4 : i32
        %xor3A_1726 = vector.broadcast %xor3A_1725 : i32 to vector<16xi32>
        %xor3A_1727 = arith.xori %iota3A, %xor3A_1726 : vector<16xi32>
        %broadcast_in_dim3A_1728 = vector.shape_cast %xor3A_1727 : vector<16xi32> to vector<16x1xi32>
        %gather3A_1729 = vector.shape_cast %broadcast_in_dim3A_1728 : vector<16x1xi32> to vector<16xi32>
        %gather3A_1730 = tpu.dynamic_gather %select_n3A_719[%gather3A_1729] in [0] : vector<16xf32>, vector<16xi32> -> vector<16xf32>
        %add3A_1731 = arith.addf %select_n3A_719, %gather3A_1730 : vector<16xf32>
        %xor3A_1732 = arith.constant 4 : i32
        %xor3A_1733 = vector.broadcast %xor3A_1732 : i32 to vector<16xi32>
        %xor3A_1734 = arith.xori %iota3A, %xor3A_1733 : vector<16xi32>
        %broadcast_in_dim3A_1735 = vector.shape_cast %xor3A_1734 : vector<16xi32> to vector<16x1xi32>
        %gather3A_1736 = vector.shape_cast %broadcast_in_dim3A_1735 : vector<16x1xi32> to vector<16xi32>
        %gather3A_1737 = tpu.dynamic_gather %select_n3A_1499[%gather3A_1736] in [0] : vector<16xf32>, vector<16xi32> -> vector<16xf32>
        %add3A_1738 = arith.addf %select_n3A_1499, %gather3A_1737 : vector<16xf32>
        %select_n3A_1739 = arith.select %eq3A_12, %add3A_1731, %add3A_1738 : vector<16xi1>, vector<16xf32>
        %xor3A_1740 = arith.constant 4 : i32
        %xor3A_1741 = vector.broadcast %xor3A_1740 : i32 to vector<16xi32>
        %xor3A_1742 = arith.xori %iota3A, %xor3A_1741 : vector<16xi32>
        %broadcast_in_dim3A_1743 = vector.shape_cast %xor3A_1742 : vector<16xi32> to vector<16x1xi32>
        %gather3A_1744 = vector.shape_cast %broadcast_in_dim3A_1743 : vector<16x1xi32> to vector<16xi32>
        %gather3A_1745 = tpu.dynamic_gather %select_n3A_914[%gather3A_1744] in [0] : vector<16xf32>, vector<16xi32> -> vector<16xf32>
        %add3A_1746 = arith.addf %select_n3A_914, %gather3A_1745 : vector<16xf32>
        %xor3A_1747 = arith.constant 4 : i32
        %xor3A_1748 = vector.broadcast %xor3A_1747 : i32 to vector<16xi32>
        %xor3A_1749 = arith.xori %iota3A, %xor3A_1748 : vector<16xi32>
        %broadcast_in_dim3A_1750 = vector.shape_cast %xor3A_1749 : vector<16xi32> to vector<16x1xi32>
        %gather3A_1751 = vector.shape_cast %broadcast_in_dim3A_1750 : vector<16x1xi32> to vector<16xi32>
        %gather3A_1752 = tpu.dynamic_gather %select_n3A_1694[%gather3A_1751] in [0] : vector<16xf32>, vector<16xi32> -> vector<16xf32>
        %add3A_1753 = arith.addf %select_n3A_1694, %gather3A_1752 : vector<16xf32>
        %select_n3A_1754 = arith.select %eq3A_12, %add3A_1746, %add3A_1753 : vector<16xi1>, vector<16xf32>
        %xor3A_1755 = arith.constant 2 : i32
        %xor3A_1756 = vector.broadcast %xor3A_1755 : i32 to vector<16xi32>
        %xor3A_1757 = arith.xori %iota3A, %xor3A_1756 : vector<16xi32>
        %broadcast_in_dim3A_1758 = vector.shape_cast %xor3A_1757 : vector<16xi32> to vector<16x1xi32>
        %gather3A_1759 = vector.shape_cast %broadcast_in_dim3A_1758 : vector<16x1xi32> to vector<16xi32>
        %gather3A_1760 = tpu.dynamic_gather %select_n3A_1709[%gather3A_1759] in [0] : vector<16xf32>, vector<16xi32> -> vector<16xf32>
        %add3A_1761 = arith.addf %select_n3A_1709, %gather3A_1760 : vector<16xf32>
        %xor3A_1762 = arith.constant 2 : i32
        %xor3A_1763 = vector.broadcast %xor3A_1762 : i32 to vector<16xi32>
        %xor3A_1764 = arith.xori %iota3A, %xor3A_1763 : vector<16xi32>
        %broadcast_in_dim3A_1765 = vector.shape_cast %xor3A_1764 : vector<16xi32> to vector<16x1xi32>
        %gather3A_1766 = vector.shape_cast %broadcast_in_dim3A_1765 : vector<16x1xi32> to vector<16xi32>
        %gather3A_1767 = tpu.dynamic_gather %select_n3A_1739[%gather3A_1766] in [0] : vector<16xf32>, vector<16xi32> -> vector<16xf32>
        %add3A_1768 = arith.addf %select_n3A_1739, %gather3A_1767 : vector<16xf32>
        %select_n3A_1769 = arith.select %eq3A_18, %add3A_1761, %add3A_1768 : vector<16xi1>, vector<16xf32>
        %xor3A_1770 = arith.constant 2 : i32
        %xor3A_1771 = vector.broadcast %xor3A_1770 : i32 to vector<16xi32>
        %xor3A_1772 = arith.xori %iota3A, %xor3A_1771 : vector<16xi32>
        %broadcast_in_dim3A_1773 = vector.shape_cast %xor3A_1772 : vector<16xi32> to vector<16x1xi32>
        %gather3A_1774 = vector.shape_cast %broadcast_in_dim3A_1773 : vector<16x1xi32> to vector<16xi32>
        %gather3A_1775 = tpu.dynamic_gather %select_n3A_1724[%gather3A_1774] in [0] : vector<16xf32>, vector<16xi32> -> vector<16xf32>
        %add3A_1776 = arith.addf %select_n3A_1724, %gather3A_1775 : vector<16xf32>
        %xor3A_1777 = arith.constant 2 : i32
        %xor3A_1778 = vector.broadcast %xor3A_1777 : i32 to vector<16xi32>
        %xor3A_1779 = arith.xori %iota3A, %xor3A_1778 : vector<16xi32>
        %broadcast_in_dim3A_1780 = vector.shape_cast %xor3A_1779 : vector<16xi32> to vector<16x1xi32>
        %gather3A_1781 = vector.shape_cast %broadcast_in_dim3A_1780 : vector<16x1xi32> to vector<16xi32>
        %gather3A_1782 = tpu.dynamic_gather %select_n3A_1754[%gather3A_1781] in [0] : vector<16xf32>, vector<16xi32> -> vector<16xf32>
        %add3A_1783 = arith.addf %select_n3A_1754, %gather3A_1782 : vector<16xf32>
        %select_n3A_1784 = arith.select %eq3A_18, %add3A_1776, %add3A_1783 : vector<16xi1>, vector<16xf32>
        %xor3A_1785 = arith.constant 1 : i32
        %xor3A_1786 = vector.broadcast %xor3A_1785 : i32 to vector<16xi32>
        %xor3A_1787 = arith.xori %iota3A, %xor3A_1786 : vector<16xi32>
        %broadcast_in_dim3A_1788 = vector.shape_cast %xor3A_1787 : vector<16xi32> to vector<16x1xi32>
        %gather3A_1789 = vector.shape_cast %broadcast_in_dim3A_1788 : vector<16x1xi32> to vector<16xi32>
        %gather3A_1790 = tpu.dynamic_gather %select_n3A_1769[%gather3A_1789] in [0] : vector<16xf32>, vector<16xi32> -> vector<16xf32>
        %add3A_1791 = arith.addf %select_n3A_1769, %gather3A_1790 : vector<16xf32>
        %xor3A_1792 = arith.constant 1 : i32
        %xor3A_1793 = vector.broadcast %xor3A_1792 : i32 to vector<16xi32>
        %xor3A_1794 = arith.xori %iota3A, %xor3A_1793 : vector<16xi32>
        %broadcast_in_dim3A_1795 = vector.shape_cast %xor3A_1794 : vector<16xi32> to vector<16x1xi32>
        %gather3A_1796 = vector.shape_cast %broadcast_in_dim3A_1795 : vector<16x1xi32> to vector<16xi32>
        %gather3A_1797 = tpu.dynamic_gather %select_n3A_1784[%gather3A_1796] in [0] : vector<16xf32>, vector<16xi32> -> vector<16xf32>
        %add3A_1798 = arith.addf %select_n3A_1784, %gather3A_1797 : vector<16xf32>
        %select_n3A_1799 = arith.select %eq3A_24, %add3A_1791, %add3A_1798 : vector<16xi1>, vector<16xf32>
        %swap3A = arith.index_cast %mul3A_141 : i32 to index
        %swap3A_1800 = tpu.vector_load %arg11[%swap3A] {strides = array<i32>} : memref<256xf32, #tpu.memory_space<vmem>>, vector<16xf32>,
        %swap3A_1801 = vector.shape_cast %swap3A_1800 : vector<16xf32> to vector<16xf32>
        %swap3A_1802 = vector.shape_cast %select_n3A_1799 : vector<16xf32> to vector<16xf32>
        tpu.vector_store %arg11[%swap3A], %swap3A_1802 {strides = array<i32>} : memref<256xf32, #tpu.memory_space<vmem>>, vector<16xf32>,
      }
      %scan3A_84 = arith.constant 16 : i32
      %mul3A_85 = arith.constant 256 : i32
      %mul3A_86 = arith.muli %add3A_62, %mul3A_85 : i32
      %min3A_87 = arith.constant 9744 : i32
      %min3A_88 = arith.minsi %mul3A_86, %min3A_87 : i32
      %add3A_89 = arith.addi %mul3A_2, %min3A_88 : i32
      %dma_start3A_90 = tpu.memref_slice %arg4[%add3A_89] : memref<320000xf32, #tpu.memory_space<hbm>> -> memref<256xf32, #tpu.memory_space<hbm>>
      %dma_start3A_91 = tpu.memref_slice %arg4[%add3A_89] : memref<320000xf32, #tpu.memory_space<hbm>> -> memref<256xf32, #tpu.memory_space<hbm>>
      tpu.enqueue_dma source(%arg11 : memref<256xf32, #tpu.memory_space<vmem>>) target(%dma_start3A_91 : memref<256xf32, #tpu.memory_space<hbm>>) target_semaphore(%arg15 : memref<!tpu.dma_semaphore, #tpu.memory_space<semaphore_mem>>)
      %add3A_92 = arith.constant 2 : i32
      %add3A_93 = arith.addi %add3A_62, %add3A_92 : i32
      %lt3A = arith.constant 40 : i32
      %lt3A_94 = arith.cmpi slt, %add3A_93, %lt3A : i32
      %convert_element_type3A_95 = arith.extui %lt3A_94 : i1 to i32
      %cond3A_96 = arith.constant 0 : i32
      %cond3A_97 = arith.cmpi ne, %convert_element_type3A_95, %cond3A_96 : i32
      scf.if %cond3A_97 {
        %add3A_139 = arith.constant 2 : i32
        %add3A_140 = arith.addi %add3A_62, %add3A_139 : i32
        %mul3A_141 = arith.constant 256 : i32
        %mul3A_142 = arith.muli %add3A_140, %mul3A_141 : i32
        %min3A_143 = arith.constant 9744 : i32
        %min3A_144 = arith.minsi %mul3A_142, %min3A_143 : i32
        %dma_start3A_145 = tpu.memref_slice %arg5[%min3A_144] : memref<10000xi32, #tpu.memory_space<vmem>> -> memref<256xi32, #tpu.memory_space<vmem>>
        %dma_start3A_146 = arith.constant 0 : i32
        %dma_start3A_147 = arith.constant 0 : i32
        %dma_start3A_148 = tpu.memref_slice %arg17[%dma_start3A_146, %dma_start3A_147] : memref<10000x64xi32, #tpu.memory_space<vmem_shared>> -> memref<10000x64xi32, #tpu.memory_space<vmem_shared>>
        tpu.enqueue_indirect_dma source(%dma_start3A_148 : memref<10000x64xi32, #tpu.memory_space<vmem_shared>>) target(%arg7 : memref<256x64xi32, #tpu.memory_space<vmem>>) offsets(%dma_start3A_145 : memref<256xi32, #tpu.memory_space<vmem>>) semaphore(%arg13 : memref<!tpu.dma_semaphore, #tpu.memory_space<semaphore_mem>>)
        %dma_start3A_149 = tpu.memref_slice %arg6[%min3A_144] : memref<10000xi32, #tpu.memory_space<vmem>> -> memref<256xi32, #tpu.memory_space<vmem>>
        %dma_start3A_150 = arith.constant 0 : i32
        %dma_start3A_151 = arith.constant 0 : i32
        %dma_start3A_152 = tpu.memref_slice %arg17[%dma_start3A_150, %dma_start3A_151] : memref<10000x64xi32, #tpu.memory_space<vmem_shared>> -> memref<10000x64xi32, #tpu.memory_space<vmem_shared>>
        tpu.enqueue_indirect_dma source(%dma_start3A_152 : memref<10000x64xi32, #tpu.memory_space<vmem_shared>>) target(%arg8 : memref<256x64xi32, #tpu.memory_space<vmem>>) offsets(%dma_start3A_149 : memref<256xi32, #tpu.memory_space<vmem>>) semaphore(%arg13 : memref<!tpu.dma_semaphore, #tpu.memory_space<semaphore_mem>>)
      } else {
      }
      %mul3A_98 = arith.constant 2 : i32
      %mul3A_99 = arith.muli %mul3A_98, %scan3A_58 : i32
      %add3A_100 = arith.constant 1 : i32
      %add3A_101 = arith.addi %mul3A_99, %add3A_100 : i32
      %dma_wait3A_102 = arith.constant 0 : i32
      %dma_wait3A_103 = arith.constant 0 : i32
      %dma_wait3A_104 = tpu.memref_slice %arg2[%dma_wait3A_102, %dma_wait3A_103] : memref<10000x64xi32, #tpu.memory_space<hbm>> -> memref<256x64xi32, #tpu.memory_space<hbm>>
      %dma_wait3A_105 = arith.constant 0 : i32
      %dma_wait3A_106 = arith.constant 0 : i32
      %dma_wait3A_107 = tpu.memref_slice %arg2[%dma_wait3A_105, %dma_wait3A_106] : memref<10000x64xi32, #tpu.memory_space<hbm>> -> memref<256x64xi32, #tpu.memory_space<hbm>>
      tpu.wait_dma2 semaphore(%arg14 : memref<!tpu.dma_semaphore, #tpu.memory_space<semaphore_mem>>) src(%dma_wait3A_107 : memref<256x64xi32, #tpu.memory_space<hbm>>) dst(%arg9 : memref<256x64xi32, #tpu.memory_space<vmem>>)
      %dma_wait3A_108 = arith.constant 0 : i32
      %dma_wait3A_109 = arith.constant 0 : i32
      %dma_wait3A_110 = tpu.memref_slice %arg2[%dma_wait3A_108, %dma_wait3A_109] : memref<10000x64xi32, #tpu.memory_space<hbm>> -> memref<256x64xi32, #tpu.memory_space<hbm>>
      %dma_wait3A_111 = arith.constant 0 : i32
      %dma_wait3A_112 = arith.constant 0 : i32
      %dma_wait3A_113 = tpu.memref_slice %arg2[%dma_wait3A_111, %dma_wait3A_112] : memref<10000x64xi32, #tpu.memory_space<hbm>> -> memref<256x64xi32, #tpu.memory_space<hbm>>
      tpu.wait_dma2 semaphore(%arg14 : memref<!tpu.dma_semaphore, #tpu.memory_space<semaphore_mem>>) src(%dma_wait3A_113 : memref<256x64xi32, #tpu.memory_space<hbm>>) dst(%arg10 : memref<256x64xi32, #tpu.memory_space<vmem>>)
      %gt3A_114 = arith.constant 0 : i32
      %gt3A_115 = arith.cmpi sgt, %scan3A_58, %gt3A_114 : i32
      %convert_element_type3A_116 = arith.extui %gt3A_115 : i1 to i32
      %cond3A_117 = arith.constant 0 : i32
      %cond3A_118 = arith.cmpi ne, %convert_element_type3A_116, %cond3A_117 : i32
      scf.if %cond3A_118 {
        %dma_wait3A_139 = tpu.memref_slice %arg4[%mul3A_2] : memref<320000xf32, #tpu.memory_space<hbm>> -> memref<256xf32, #tpu.memory_space<hbm>>
        %dma_wait3A_140 = tpu.memref_slice %arg4[%mul3A_2] : memref<320000xf32, #tpu.memory_space<hbm>> -> memref<256xf32, #tpu.memory_space<hbm>>
        tpu.wait_dma2 semaphore(%arg16 : memref<!tpu.dma_semaphore, #tpu.memory_space<semaphore_mem>>) src(%arg12 : memref<256xf32, #tpu.memory_space<vmem>>) dst(%dma_wait3A_140 : memref<256xf32, #tpu.memory_space<hbm>>)
      } else {
      }
      %scan3A_119 = arith.constant 0 : i32
      %scan3A_120 = arith.constant 0 : i32
      %scan3A_121 = arith.constant 16 : i32
      %scan3A_122 = arith.addi %scan3A_120, %scan3A_121 : i32
      %scan3A_123 = arith.constant 1 : i32
      scf.for %scan3A_139 = %scan3A_120 to %scan3A_122 step %scan3A_123  : i32 {
        %mul3A_140 = arith.constant 16 : i32
        %mul3A_141 = arith.muli %scan3A_139, %mul3A_140 : i32
        %add3A_142 = arith.constant 0 : i32
        %add3A_143 = arith.addi %mul3A_141, %add3A_142 : i32
        %get3A = arith.index_cast %add3A_143 : i32 to index
        %get3A_144 = arith.constant 0 : index
        %get3A_145 = tpu.vector_load %arg9[%get3A, %get3A_144] {strides = array<i32>} : memref<256x64xi32, #tpu.memory_space<vmem>>, vector<1x16xi32>,
        %get3A_146 = vector.shape_cast %get3A_145 : vector<1x16xi32> to vector<16xi32>
        %get3A_147 = arith.index_cast %add3A_143 : i32 to index
        %get3A_148 = arith.constant 0 : index
        %get3A_149 = tpu.vector_load %arg10[%get3A_147, %get3A_148] {strides = array<i32>} : memref<256x64xi32, #tpu.memory_space<vmem>>, vector<1x16xi32>,
        %get3A_150 = vector.shape_cast %get3A_149 : vector<1x16xi32> to vector<16xi32>
        %shift_left3A = arith.constant 16 : i32
        %shift_left3A_151 = vector.broadcast %shift_left3A : i32 to vector<16xi32>
        %shift_left3A_152 = arith.shli %get3A_146, %shift_left3A_151 : vector<16xi32>
        %bitcast_convert_type3A = tpu.bitcast %shift_left3A_152 : vector<16xi32> -> vector<16xf32>
        %shift_left3A_153 = arith.constant 16 : i32
        %shift_left3A_154 = vector.broadcast %shift_left3A_153 : i32 to vector<16xi32>
        %shift_left3A_155 = arith.shli %get3A_150, %shift_left3A_154 : vector<16xi32>
        %bitcast_convert_type3A_156 = tpu.bitcast %shift_left3A_155 : vector<16xi32> -> vector<16xf32>
        %bitcast_convert_type3A_157 = tpu.bitcast %get3A_146 : vector<16xi32> -> vector<16xf32>
        %bitcast_convert_type3A_158 = tpu.bitcast %get3A_150 : vector<16xi32> -> vector<16xf32>
        %mul3A_159 = arith.mulf %bitcast_convert_type3A, %bitcast_convert_type3A_156 : vector<16xf32>
        %mul3A_160 = arith.mulf %bitcast_convert_type3A_157, %bitcast_convert_type3A_158 : vector<16xf32>
        %add3A_161 = arith.addf %mul3A_159, %mul3A_160 : vector<16xf32>
        %get3A_162 = arith.index_cast %add3A_143 : i32 to index
        %get3A_163 = arith.constant 16 : index
        %get3A_164 = tpu.vector_load %arg9[%get3A_162, %get3A_163] {strides = array<i32>} : memref<256x64xi32, #tpu.memory_space<vmem>>, vector<1x16xi32>,
        %get3A_165 = vector.shape_cast %get3A_164 : vector<1x16xi32> to vector<16xi32>
        %get3A_166 = arith.index_cast %add3A_143 : i32 to index
        %get3A_167 = arith.constant 16 : index
        %get3A_168 = tpu.vector_load %arg10[%get3A_166, %get3A_167] {strides = array<i32>} : memref<256x64xi32, #tpu.memory_space<vmem>>, vector<1x16xi32>,
        %get3A_169 = vector.shape_cast %get3A_168 : vector<1x16xi32> to vector<16xi32>
        %shift_left3A_170 = arith.constant 16 : i32
        %shift_left3A_171 = vector.broadcast %shift_left3A_170 : i32 to vector<16xi32>
        %shift_left3A_172 = arith.shli %get3A_165, %shift_left3A_171 : vector<16xi32>
        %bitcast_convert_type3A_173 = tpu.bitcast %shift_left3A_172 : vector<16xi32> -> vector<16xf32>
        %shift_left3A_174 = arith.constant 16 : i32
        %shift_left3A_175 = vector.broadcast %shift_left3A_174 : i32 to vector<16xi32>
        %shift_left3A_176 = arith.shli %get3A_169, %shift_left3A_175 : vector<16xi32>
        %bitcast_convert_type3A_177 = tpu.bitcast %shift_left3A_176 : vector<16xi32> -> vector<16xf32>
        %bitcast_convert_type3A_178 = tpu.bitcast %get3A_165 : vector<16xi32> -> vector<16xf32>
        %bitcast_convert_type3A_179 = tpu.bitcast %get3A_169 : vector<16xi32> -> vector<16xf32>
        %mul3A_180 = arith.mulf %bitcast_convert_type3A_173, %bitcast_convert_type3A_177 : vector<16xf32>
        %mul3A_181 = arith.mulf %bitcast_convert_type3A_178, %bitcast_convert_type3A_179 : vector<16xf32>
        %add3A_182 = arith.addf %mul3A_180, %mul3A_181 : vector<16xf32>
        %add3A_183 = arith.addf %add3A_161, %add3A_182 : vector<16xf32>
        %get3A_184 = arith.index_cast %add3A_143 : i32 to index
        %get3A_185 = arith.constant 32 : index
        %get3A_186 = tpu.vector_load %arg9[%get3A_184, %get3A_185] {strides = array<i32>} : memref<256x64xi32, #tpu.memory_space<vmem>>, vector<1x16xi32>,
        %get3A_187 = vector.shape_cast %get3A_186 : vector<1x16xi32> to vector<16xi32>
        %get3A_188 = arith.index_cast %add3A_143 : i32 to index
        %get3A_189 = arith.constant 32 : index
        %get3A_190 = tpu.vector_load %arg10[%get3A_188, %get3A_189] {strides = array<i32>} : memref<256x64xi32, #tpu.memory_space<vmem>>, vector<1x16xi32>,
        %get3A_191 = vector.shape_cast %get3A_190 : vector<1x16xi32> to vector<16xi32>
        %shift_left3A_192 = arith.constant 16 : i32
        %shift_left3A_193 = vector.broadcast %shift_left3A_192 : i32 to vector<16xi32>
        %shift_left3A_194 = arith.shli %get3A_187, %shift_left3A_193 : vector<16xi32>
        %bitcast_convert_type3A_195 = tpu.bitcast %shift_left3A_194 : vector<16xi32> -> vector<16xf32>
        %shift_left3A_196 = arith.constant 16 : i32
        %shift_left3A_197 = vector.broadcast %shift_left3A_196 : i32 to vector<16xi32>
        %shift_left3A_198 = arith.shli %get3A_191, %shift_left3A_197 : vector<16xi32>
        %bitcast_convert_type3A_199 = tpu.bitcast %shift_left3A_198 : vector<16xi32> -> vector<16xf32>
        %bitcast_convert_type3A_200 = tpu.bitcast %get3A_187 : vector<16xi32> -> vector<16xf32>
        %bitcast_convert_type3A_201 = tpu.bitcast %get3A_191 : vector<16xi32> -> vector<16xf32>
        %mul3A_202 = arith.mulf %bitcast_convert_type3A_195, %bitcast_convert_type3A_199 : vector<16xf32>
        %mul3A_203 = arith.mulf %bitcast_convert_type3A_200, %bitcast_convert_type3A_201 : vector<16xf32>
        %add3A_204 = arith.addf %mul3A_202, %mul3A_203 : vector<16xf32>
        %add3A_205 = arith.addf %add3A_183, %add3A_204 : vector<16xf32>
        %get3A_206 = arith.index_cast %add3A_143 : i32 to index
        %get3A_207 = arith.constant 48 : index
        %get3A_208 = tpu.vector_load %arg9[%get3A_206, %get3A_207] {strides = array<i32>} : memref<256x64xi32, #tpu.memory_space<vmem>>, vector<1x16xi32>,
        %get3A_209 = vector.shape_cast %get3A_208 : vector<1x16xi32> to vector<16xi32>
        %get3A_210 = arith.index_cast %add3A_143 : i32 to index
        %get3A_211 = arith.constant 48 : index
        %get3A_212 = tpu.vector_load %arg10[%get3A_210, %get3A_211] {strides = array<i32>} : memref<256x64xi32, #tpu.memory_space<vmem>>, vector<1x16xi32>,
        %get3A_213 = vector.shape_cast %get3A_212 : vector<1x16xi32> to vector<16xi32>
        %shift_left3A_214 = arith.constant 16 : i32
        %shift_left3A_215 = vector.broadcast %shift_left3A_214 : i32 to vector<16xi32>
        %shift_left3A_216 = arith.shli %get3A_209, %shift_left3A_215 : vector<16xi32>
        %bitcast_convert_type3A_217 = tpu.bitcast %shift_left3A_216 : vector<16xi32> -> vector<16xf32>
        %shift_left3A_218 = arith.constant 16 : i32
        %shift_left3A_219 = vector.broadcast %shift_left3A_218 : i32 to vector<16xi32>
        %shift_left3A_220 = arith.shli %get3A_213, %shift_left3A_219 : vector<16xi32>
        %bitcast_convert_type3A_221 = tpu.bitcast %shift_left3A_220 : vector<16xi32> -> vector<16xf32>
        %bitcast_convert_type3A_222 = tpu.bitcast %get3A_209 : vector<16xi32> -> vector<16xf32>
        %bitcast_convert_type3A_223 = tpu.bitcast %get3A_213 : vector<16xi32> -> vector<16xf32>
        %mul3A_224 = arith.mulf %bitcast_convert_type3A_217, %bitcast_convert_type3A_221 : vector<16xf32>
        %mul3A_225 = arith.mulf %bitcast_convert_type3A_222, %bitcast_convert_type3A_223 : vector<16xf32>
        %add3A_226 = arith.addf %mul3A_224, %mul3A_225 : vector<16xf32>
        %add3A_227 = arith.addf %add3A_205, %add3A_226 : vector<16xf32>
        %add3A_228 = arith.constant 0 : i32
        %add3A_229 = arith.addi %mul3A_141, %add3A_228 : i32
        %add3A_230 = arith.constant 8 : i32
        %add3A_231 = arith.addi %add3A_229, %add3A_230 : i32
        %get3A_232 = arith.index_cast %add3A_231 : i32 to index
        %get3A_233 = arith.constant 0 : index
        %get3A_234 = tpu.vector_load %arg9[%get3A_232, %get3A_233] {strides = array<i32>} : memref<256x64xi32, #tpu.memory_space<vmem>>, vector<1x16xi32>,
        %get3A_235 = vector.shape_cast %get3A_234 : vector<1x16xi32> to vector<16xi32>
        %get3A_236 = arith.index_cast %add3A_231 : i32 to index
        %get3A_237 = arith.constant 0 : index
        %get3A_238 = tpu.vector_load %arg10[%get3A_236, %get3A_237] {strides = array<i32>} : memref<256x64xi32, #tpu.memory_space<vmem>>, vector<1x16xi32>,
        %get3A_239 = vector.shape_cast %get3A_238 : vector<1x16xi32> to vector<16xi32>
        %shift_left3A_240 = arith.constant 16 : i32
        %shift_left3A_241 = vector.broadcast %shift_left3A_240 : i32 to vector<16xi32>
        %shift_left3A_242 = arith.shli %get3A_235, %shift_left3A_241 : vector<16xi32>
        %bitcast_convert_type3A_243 = tpu.bitcast %shift_left3A_242 : vector<16xi32> -> vector<16xf32>
        %shift_left3A_244 = arith.constant 16 : i32
        %shift_left3A_245 = vector.broadcast %shift_left3A_244 : i32 to vector<16xi32>
        %shift_left3A_246 = arith.shli %get3A_239, %shift_left3A_245 : vector<16xi32>
        %bitcast_convert_type3A_247 = tpu.bitcast %shift_left3A_246 : vector<16xi32> -> vector<16xf32>
        %bitcast_convert_type3A_248 = tpu.bitcast %get3A_235 : vector<16xi32> -> vector<16xf32>
        %bitcast_convert_type3A_249 = tpu.bitcast %get3A_239 : vector<16xi32> -> vector<16xf32>
        %mul3A_250 = arith.mulf %bitcast_convert_type3A_243, %bitcast_convert_type3A_247 : vector<16xf32>
        %mul3A_251 = arith.mulf %bitcast_convert_type3A_248, %bitcast_convert_type3A_249 : vector<16xf32>
        %add3A_252 = arith.addf %mul3A_250, %mul3A_251 : vector<16xf32>
        %get3A_253 = arith.index_cast %add3A_231 : i32 to index
        %get3A_254 = arith.constant 16 : index
        %get3A_255 = tpu.vector_load %arg9[%get3A_253, %get3A_254] {strides = array<i32>} : memref<256x64xi32, #tpu.memory_space<vmem>>, vector<1x16xi32>,
        %get3A_256 = vector.shape_cast %get3A_255 : vector<1x16xi32> to vector<16xi32>
        %get3A_257 = arith.index_cast %add3A_231 : i32 to index
        %get3A_258 = arith.constant 16 : index
        %get3A_259 = tpu.vector_load %arg10[%get3A_257, %get3A_258] {strides = array<i32>} : memref<256x64xi32, #tpu.memory_space<vmem>>, vector<1x16xi32>,
        %get3A_260 = vector.shape_cast %get3A_259 : vector<1x16xi32> to vector<16xi32>
        %shift_left3A_261 = arith.constant 16 : i32
        %shift_left3A_262 = vector.broadcast %shift_left3A_261 : i32 to vector<16xi32>
        %shift_left3A_263 = arith.shli %get3A_256, %shift_left3A_262 : vector<16xi32>
        %bitcast_convert_type3A_264 = tpu.bitcast %shift_left3A_263 : vector<16xi32> -> vector<16xf32>
        %shift_left3A_265 = arith.constant 16 : i32
        %shift_left3A_266 = vector.broadcast %shift_left3A_265 : i32 to vector<16xi32>
        %shift_left3A_267 = arith.shli %get3A_260, %shift_left3A_266 : vector<16xi32>
        %bitcast_convert_type3A_268 = tpu.bitcast %shift_left3A_267 : vector<16xi32> -> vector<16xf32>
        %bitcast_convert_type3A_269 = tpu.bitcast %get3A_256 : vector<16xi32> -> vector<16xf32>
        %bitcast_convert_type3A_270 = tpu.bitcast %get3A_260 : vector<16xi32> -> vector<16xf32>
        %mul3A_271 = arith.mulf %bitcast_convert_type3A_264, %bitcast_convert_type3A_268 : vector<16xf32>
        %mul3A_272 = arith.mulf %bitcast_convert_type3A_269, %bitcast_convert_type3A_270 : vector<16xf32>
        %add3A_273 = arith.addf %mul3A_271, %mul3A_272 : vector<16xf32>
        %add3A_274 = arith.addf %add3A_252, %add3A_273 : vector<16xf32>
        %get3A_275 = arith.index_cast %add3A_231 : i32 to index
        %get3A_276 = arith.constant 32 : index
        %get3A_277 = tpu.vector_load %arg9[%get3A_275, %get3A_276] {strides = array<i32>} : memref<256x64xi32, #tpu.memory_space<vmem>>, vector<1x16xi32>,
        %get3A_278 = vector.shape_cast %get3A_277 : vector<1x16xi32> to vector<16xi32>
        %get3A_279 = arith.index_cast %add3A_231 : i32 to index
        %get3A_280 = arith.constant 32 : index
        %get3A_281 = tpu.vector_load %arg10[%get3A_279, %get3A_280] {strides = array<i32>} : memref<256x64xi32, #tpu.memory_space<vmem>>, vector<1x16xi32>,
        %get3A_282 = vector.shape_cast %get3A_281 : vector<1x16xi32> to vector<16xi32>
        %shift_left3A_283 = arith.constant 16 : i32
        %shift_left3A_284 = vector.broadcast %shift_left3A_283 : i32 to vector<16xi32>
        %shift_left3A_285 = arith.shli %get3A_278, %shift_left3A_284 : vector<16xi32>
        %bitcast_convert_type3A_286 = tpu.bitcast %shift_left3A_285 : vector<16xi32> -> vector<16xf32>
        %shift_left3A_287 = arith.constant 16 : i32
        %shift_left3A_288 = vector.broadcast %shift_left3A_287 : i32 to vector<16xi32>
        %shift_left3A_289 = arith.shli %get3A_282, %shift_left3A_288 : vector<16xi32>
        %bitcast_convert_type3A_290 = tpu.bitcast %shift_left3A_289 : vector<16xi32> -> vector<16xf32>
        %bitcast_convert_type3A_291 = tpu.bitcast %get3A_278 : vector<16xi32> -> vector<16xf32>
        %bitcast_convert_type3A_292 = tpu.bitcast %get3A_282 : vector<16xi32> -> vector<16xf32>
        %mul3A_293 = arith.mulf %bitcast_convert_type3A_286, %bitcast_convert_type3A_290 : vector<16xf32>
        %mul3A_294 = arith.mulf %bitcast_convert_type3A_291, %bitcast_convert_type3A_292 : vector<16xf32>
        %add3A_295 = arith.addf %mul3A_293, %mul3A_294 : vector<16xf32>
        %add3A_296 = arith.addf %add3A_274, %add3A_295 : vector<16xf32>
        %get3A_297 = arith.index_cast %add3A_231 : i32 to index
        %get3A_298 = arith.constant 48 : index
        %get3A_299 = tpu.vector_load %arg9[%get3A_297, %get3A_298] {strides = array<i32>} : memref<256x64xi32, #tpu.memory_space<vmem>>, vector<1x16xi32>,
        %get3A_300 = vector.shape_cast %get3A_299 : vector<1x16xi32> to vector<16xi32>
        %get3A_301 = arith.index_cast %add3A_231 : i32 to index
        %get3A_302 = arith.constant 48 : index
        %get3A_303 = tpu.vector_load %arg10[%get3A_301, %get3A_302] {strides = array<i32>} : memref<256x64xi32, #tpu.memory_space<vmem>>, vector<1x16xi32>,
        %get3A_304 = vector.shape_cast %get3A_303 : vector<1x16xi32> to vector<16xi32>
        %shift_left3A_305 = arith.constant 16 : i32
        %shift_left3A_306 = vector.broadcast %shift_left3A_305 : i32 to vector<16xi32>
        %shift_left3A_307 = arith.shli %get3A_300, %shift_left3A_306 : vector<16xi32>
        %bitcast_convert_type3A_308 = tpu.bitcast %shift_left3A_307 : vector<16xi32> -> vector<16xf32>
        %shift_left3A_309 = arith.constant 16 : i32
        %shift_left3A_310 = vector.broadcast %shift_left3A_309 : i32 to vector<16xi32>
        %shift_left3A_311 = arith.shli %get3A_304, %shift_left3A_310 : vector<16xi32>
        %bitcast_convert_type3A_312 = tpu.bitcast %shift_left3A_311 : vector<16xi32> -> vector<16xf32>
        %bitcast_convert_type3A_313 = tpu.bitcast %get3A_300 : vector<16xi32> -> vector<16xf32>
        %bitcast_convert_type3A_314 = tpu.bitcast %get3A_304 : vector<16xi32> -> vector<16xf32>
        %mul3A_315 = arith.mulf %bitcast_convert_type3A_308, %bitcast_convert_type3A_312 : vector<16xf32>
        %mul3A_316 = arith.mulf %bitcast_convert_type3A_313, %bitcast_convert_type3A_314 : vector<16xf32>
        %add3A_317 = arith.addf %mul3A_315, %mul3A_316 : vector<16xf32>
        %add3A_318 = arith.addf %add3A_296, %add3A_317 : vector<16xf32>
        %xor3A = arith.constant 8 : i32
        %xor3A_319 = vector.broadcast %xor3A : i32 to vector<16xi32>
        %xor3A_320 = arith.xori %iota3A, %xor3A_319 : vector<16xi32>
        %broadcast_in_dim3A = vector.shape_cast %xor3A_320 : vector<16xi32> to vector<16x1xi32>
        %gather3A = vector.shape_cast %broadcast_in_dim3A : vector<16x1xi32> to vector<16xi32>
        %gather3A_321 = tpu.dynamic_gather %add3A_227[%gather3A] in [0] : vector<16xf32>, vector<16xi32> -> vector<16xf32>
        %add3A_322 = arith.addf %add3A_227, %gather3A_321 : vector<16xf32>
        %xor3A_323 = arith.constant 8 : i32
        %xor3A_324 = vector.broadcast %xor3A_323 : i32 to vector<16xi32>
        %xor3A_325 = arith.xori %iota3A, %xor3A_324 : vector<16xi32>
        %broadcast_in_dim3A_326 = vector.shape_cast %xor3A_325 : vector<16xi32> to vector<16x1xi32>
        %gather3A_327 = vector.shape_cast %broadcast_in_dim3A_326 : vector<16x1xi32> to vector<16xi32>
        %gather3A_328 = tpu.dynamic_gather %add3A_318[%gather3A_327] in [0] : vector<16xf32>, vector<16xi32> -> vector<16xf32>
        %add3A_329 = arith.addf %add3A_318, %gather3A_328 : vector<16xf32>
        %select_n3A = arith.select %eq3A_6, %add3A_322, %add3A_329 : vector<16xi1>, vector<16xf32>
        %add3A_330 = arith.constant 1 : i32
        %add3A_331 = arith.addi %mul3A_141, %add3A_330 : i32
        %get3A_332 = arith.index_cast %add3A_331 : i32 to index
        %get3A_333 = arith.constant 0 : index
        %get3A_334 = tpu.vector_load %arg9[%get3A_332, %get3A_333] {strides = array<i32>} : memref<256x64xi32, #tpu.memory_space<vmem>>, vector<1x16xi32>,
        %get3A_335 = vector.shape_cast %get3A_334 : vector<1x16xi32> to vector<16xi32>
        %get3A_336 = arith.index_cast %add3A_331 : i32 to index
        %get3A_337 = arith.constant 0 : index
        %get3A_338 = tpu.vector_load %arg10[%get3A_336, %get3A_337] {strides = array<i32>} : memref<256x64xi32, #tpu.memory_space<vmem>>, vector<1x16xi32>,
        %get3A_339 = vector.shape_cast %get3A_338 : vector<1x16xi32> to vector<16xi32>
        %shift_left3A_340 = arith.constant 16 : i32
        %shift_left3A_341 = vector.broadcast %shift_left3A_340 : i32 to vector<16xi32>
        %shift_left3A_342 = arith.shli %get3A_335, %shift_left3A_341 : vector<16xi32>
        %bitcast_convert_type3A_343 = tpu.bitcast %shift_left3A_342 : vector<16xi32> -> vector<16xf32>
        %shift_left3A_344 = arith.constant 16 : i32
        %shift_left3A_345 = vector.broadcast %shift_left3A_344 : i32 to vector<16xi32>
        %shift_left3A_346 = arith.shli %get3A_339, %shift_left3A_345 : vector<16xi32>
        %bitcast_convert_type3A_347 = tpu.bitcast %shift_left3A_346 : vector<16xi32> -> vector<16xf32>
        %bitcast_convert_type3A_348 = tpu.bitcast %get3A_335 : vector<16xi32> -> vector<16xf32>
        %bitcast_convert_type3A_349 = tpu.bitcast %get3A_339 : vector<16xi32> -> vector<16xf32>
        %mul3A_350 = arith.mulf %bitcast_convert_type3A_343, %bitcast_convert_type3A_347 : vector<16xf32>
        %mul3A_351 = arith.mulf %bitcast_convert_type3A_348, %bitcast_convert_type3A_349 : vector<16xf32>
        %add3A_352 = arith.addf %mul3A_350, %mul3A_351 : vector<16xf32>
        %get3A_353 = arith.index_cast %add3A_331 : i32 to index
        %get3A_354 = arith.constant 16 : index
        %get3A_355 = tpu.vector_load %arg9[%get3A_353, %get3A_354] {strides = array<i32>} : memref<256x64xi32, #tpu.memory_space<vmem>>, vector<1x16xi32>,
        %get3A_356 = vector.shape_cast %get3A_355 : vector<1x16xi32> to vector<16xi32>
        %get3A_357 = arith.index_cast %add3A_331 : i32 to index
        %get3A_358 = arith.constant 16 : index
        %get3A_359 = tpu.vector_load %arg10[%get3A_357, %get3A_358] {strides = array<i32>} : memref<256x64xi32, #tpu.memory_space<vmem>>, vector<1x16xi32>,
        %get3A_360 = vector.shape_cast %get3A_359 : vector<1x16xi32> to vector<16xi32>
        %shift_left3A_361 = arith.constant 16 : i32
        %shift_left3A_362 = vector.broadcast %shift_left3A_361 : i32 to vector<16xi32>
        %shift_left3A_363 = arith.shli %get3A_356, %shift_left3A_362 : vector<16xi32>
        %bitcast_convert_type3A_364 = tpu.bitcast %shift_left3A_363 : vector<16xi32> -> vector<16xf32>
        %shift_left3A_365 = arith.constant 16 : i32
        %shift_left3A_366 = vector.broadcast %shift_left3A_365 : i32 to vector<16xi32>
        %shift_left3A_367 = arith.shli %get3A_360, %shift_left3A_366 : vector<16xi32>
        %bitcast_convert_type3A_368 = tpu.bitcast %shift_left3A_367 : vector<16xi32> -> vector<16xf32>
        %bitcast_convert_type3A_369 = tpu.bitcast %get3A_356 : vector<16xi32> -> vector<16xf32>
        %bitcast_convert_type3A_370 = tpu.bitcast %get3A_360 : vector<16xi32> -> vector<16xf32>
        %mul3A_371 = arith.mulf %bitcast_convert_type3A_364, %bitcast_convert_type3A_368 : vector<16xf32>
        %mul3A_372 = arith.mulf %bitcast_convert_type3A_369, %bitcast_convert_type3A_370 : vector<16xf32>
        %add3A_373 = arith.addf %mul3A_371, %mul3A_372 : vector<16xf32>
        %add3A_374 = arith.addf %add3A_352, %add3A_373 : vector<16xf32>
        %get3A_375 = arith.index_cast %add3A_331 : i32 to index
        %get3A_376 = arith.constant 32 : index
        %get3A_377 = tpu.vector_load %arg9[%get3A_375, %get3A_376] {strides = array<i32>} : memref<256x64xi32, #tpu.memory_space<vmem>>, vector<1x16xi32>,
        %get3A_378 = vector.shape_cast %get3A_377 : vector<1x16xi32> to vector<16xi32>
        %get3A_379 = arith.index_cast %add3A_331 : i32 to index
        %get3A_380 = arith.constant 32 : index
        %get3A_381 = tpu.vector_load %arg10[%get3A_379, %get3A_380] {strides = array<i32>} : memref<256x64xi32, #tpu.memory_space<vmem>>, vector<1x16xi32>,
        %get3A_382 = vector.shape_cast %get3A_381 : vector<1x16xi32> to vector<16xi32>
        %shift_left3A_383 = arith.constant 16 : i32
        %shift_left3A_384 = vector.broadcast %shift_left3A_383 : i32 to vector<16xi32>
        %shift_left3A_385 = arith.shli %get3A_378, %shift_left3A_384 : vector<16xi32>
        %bitcast_convert_type3A_386 = tpu.bitcast %shift_left3A_385 : vector<16xi32> -> vector<16xf32>
        %shift_left3A_387 = arith.constant 16 : i32
        %shift_left3A_388 = vector.broadcast %shift_left3A_387 : i32 to vector<16xi32>
        %shift_left3A_389 = arith.shli %get3A_382, %shift_left3A_388 : vector<16xi32>
        %bitcast_convert_type3A_390 = tpu.bitcast %shift_left3A_389 : vector<16xi32> -> vector<16xf32>
        %bitcast_convert_type3A_391 = tpu.bitcast %get3A_378 : vector<16xi32> -> vector<16xf32>
        %bitcast_convert_type3A_392 = tpu.bitcast %get3A_382 : vector<16xi32> -> vector<16xf32>
        %mul3A_393 = arith.mulf %bitcast_convert_type3A_386, %bitcast_convert_type3A_390 : vector<16xf32>
        %mul3A_394 = arith.mulf %bitcast_convert_type3A_391, %bitcast_convert_type3A_392 : vector<16xf32>
        %add3A_395 = arith.addf %mul3A_393, %mul3A_394 : vector<16xf32>
        %add3A_396 = arith.addf %add3A_374, %add3A_395 : vector<16xf32>
        %get3A_397 = arith.index_cast %add3A_331 : i32 to index
        %get3A_398 = arith.constant 48 : index
        %get3A_399 = tpu.vector_load %arg9[%get3A_397, %get3A_398] {strides = array<i32>} : memref<256x64xi32, #tpu.memory_space<vmem>>, vector<1x16xi32>,
        %get3A_400 = vector.shape_cast %get3A_399 : vector<1x16xi32> to vector<16xi32>
        %get3A_401 = arith.index_cast %add3A_331 : i32 to index
        %get3A_402 = arith.constant 48 : index
        %get3A_403 = tpu.vector_load %arg10[%get3A_401, %get3A_402] {strides = array<i32>} : memref<256x64xi32, #tpu.memory_space<vmem>>, vector<1x16xi32>,
        %get3A_404 = vector.shape_cast %get3A_403 : vector<1x16xi32> to vector<16xi32>
        %shift_left3A_405 = arith.constant 16 : i32
        %shift_left3A_406 = vector.broadcast %shift_left3A_405 : i32 to vector<16xi32>
        %shift_left3A_407 = arith.shli %get3A_400, %shift_left3A_406 : vector<16xi32>
        %bitcast_convert_type3A_408 = tpu.bitcast %shift_left3A_407 : vector<16xi32> -> vector<16xf32>
        %shift_left3A_409 = arith.constant 16 : i32
        %shift_left3A_410 = vector.broadcast %shift_left3A_409 : i32 to vector<16xi32>
        %shift_left3A_411 = arith.shli %get3A_404, %shift_left3A_410 : vector<16xi32>
        %bitcast_convert_type3A_412 = tpu.bitcast %shift_left3A_411 : vector<16xi32> -> vector<16xf32>
        %bitcast_convert_type3A_413 = tpu.bitcast %get3A_400 : vector<16xi32> -> vector<16xf32>
        %bitcast_convert_type3A_414 = tpu.bitcast %get3A_404 : vector<16xi32> -> vector<16xf32>
        %mul3A_415 = arith.mulf %bitcast_convert_type3A_408, %bitcast_convert_type3A_412 : vector<16xf32>
        %mul3A_416 = arith.mulf %bitcast_convert_type3A_413, %bitcast_convert_type3A_414 : vector<16xf32>
        %add3A_417 = arith.addf %mul3A_415, %mul3A_416 : vector<16xf32>
        %add3A_418 = arith.addf %add3A_396, %add3A_417 : vector<16xf32>
        %add3A_419 = arith.constant 1 : i32
        %add3A_420 = arith.addi %mul3A_141, %add3A_419 : i32
        %add3A_421 = arith.constant 8 : i32
        %add3A_422 = arith.addi %add3A_420, %add3A_421 : i32
        %get3A_423 = arith.index_cast %add3A_422 : i32 to index
        %get3A_424 = arith.constant 0 : index
        %get3A_425 = tpu.vector_load %arg9[%get3A_423, %get3A_424] {strides = array<i32>} : memref<256x64xi32, #tpu.memory_space<vmem>>, vector<1x16xi32>,
        %get3A_426 = vector.shape_cast %get3A_425 : vector<1x16xi32> to vector<16xi32>
        %get3A_427 = arith.index_cast %add3A_422 : i32 to index
        %get3A_428 = arith.constant 0 : index
        %get3A_429 = tpu.vector_load %arg10[%get3A_427, %get3A_428] {strides = array<i32>} : memref<256x64xi32, #tpu.memory_space<vmem>>, vector<1x16xi32>,
        %get3A_430 = vector.shape_cast %get3A_429 : vector<1x16xi32> to vector<16xi32>
        %shift_left3A_431 = arith.constant 16 : i32
        %shift_left3A_432 = vector.broadcast %shift_left3A_431 : i32 to vector<16xi32>
        %shift_left3A_433 = arith.shli %get3A_426, %shift_left3A_432 : vector<16xi32>
        %bitcast_convert_type3A_434 = tpu.bitcast %shift_left3A_433 : vector<16xi32> -> vector<16xf32>
        %shift_left3A_435 = arith.constant 16 : i32
        %shift_left3A_436 = vector.broadcast %shift_left3A_435 : i32 to vector<16xi32>
        %shift_left3A_437 = arith.shli %get3A_430, %shift_left3A_436 : vector<16xi32>
        %bitcast_convert_type3A_438 = tpu.bitcast %shift_left3A_437 : vector<16xi32> -> vector<16xf32>
        %bitcast_convert_type3A_439 = tpu.bitcast %get3A_426 : vector<16xi32> -> vector<16xf32>
        %bitcast_convert_type3A_440 = tpu.bitcast %get3A_430 : vector<16xi32> -> vector<16xf32>
        %mul3A_441 = arith.mulf %bitcast_convert_type3A_434, %bitcast_convert_type3A_438 : vector<16xf32>
        %mul3A_442 = arith.mulf %bitcast_convert_type3A_439, %bitcast_convert_type3A_440 : vector<16xf32>
        %add3A_443 = arith.addf %mul3A_441, %mul3A_442 : vector<16xf32>
        %get3A_444 = arith.index_cast %add3A_422 : i32 to index
        %get3A_445 = arith.constant 16 : index
        %get3A_446 = tpu.vector_load %arg9[%get3A_444, %get3A_445] {strides = array<i32>} : memref<256x64xi32, #tpu.memory_space<vmem>>, vector<1x16xi32>,
        %get3A_447 = vector.shape_cast %get3A_446 : vector<1x16xi32> to vector<16xi32>
        %get3A_448 = arith.index_cast %add3A_422 : i32 to index
        %get3A_449 = arith.constant 16 : index
        %get3A_450 = tpu.vector_load %arg10[%get3A_448, %get3A_449] {strides = array<i32>} : memref<256x64xi32, #tpu.memory_space<vmem>>, vector<1x16xi32>,
        %get3A_451 = vector.shape_cast %get3A_450 : vector<1x16xi32> to vector<16xi32>
        %shift_left3A_452 = arith.constant 16 : i32
        %shift_left3A_453 = vector.broadcast %shift_left3A_452 : i32 to vector<16xi32>
        %shift_left3A_454 = arith.shli %get3A_447, %shift_left3A_453 : vector<16xi32>
        %bitcast_convert_type3A_455 = tpu.bitcast %shift_left3A_454 : vector<16xi32> -> vector<16xf32>
        %shift_left3A_456 = arith.constant 16 : i32
        %shift_left3A_457 = vector.broadcast %shift_left3A_456 : i32 to vector<16xi32>
        %shift_left3A_458 = arith.shli %get3A_451, %shift_left3A_457 : vector<16xi32>
        %bitcast_convert_type3A_459 = tpu.bitcast %shift_left3A_458 : vector<16xi32> -> vector<16xf32>
        %bitcast_convert_type3A_460 = tpu.bitcast %get3A_447 : vector<16xi32> -> vector<16xf32>
        %bitcast_convert_type3A_461 = tpu.bitcast %get3A_451 : vector<16xi32> -> vector<16xf32>
        %mul3A_462 = arith.mulf %bitcast_convert_type3A_455, %bitcast_convert_type3A_459 : vector<16xf32>
        %mul3A_463 = arith.mulf %bitcast_convert_type3A_460, %bitcast_convert_type3A_461 : vector<16xf32>
        %add3A_464 = arith.addf %mul3A_462, %mul3A_463 : vector<16xf32>
        %add3A_465 = arith.addf %add3A_443, %add3A_464 : vector<16xf32>
        %get3A_466 = arith.index_cast %add3A_422 : i32 to index
        %get3A_467 = arith.constant 32 : index
        %get3A_468 = tpu.vector_load %arg9[%get3A_466, %get3A_467] {strides = array<i32>} : memref<256x64xi32, #tpu.memory_space<vmem>>, vector<1x16xi32>,
        %get3A_469 = vector.shape_cast %get3A_468 : vector<1x16xi32> to vector<16xi32>
        %get3A_470 = arith.index_cast %add3A_422 : i32 to index
        %get3A_471 = arith.constant 32 : index
        %get3A_472 = tpu.vector_load %arg10[%get3A_470, %get3A_471] {strides = array<i32>} : memref<256x64xi32, #tpu.memory_space<vmem>>, vector<1x16xi32>,
        %get3A_473 = vector.shape_cast %get3A_472 : vector<1x16xi32> to vector<16xi32>
        %shift_left3A_474 = arith.constant 16 : i32
        %shift_left3A_475 = vector.broadcast %shift_left3A_474 : i32 to vector<16xi32>
        %shift_left3A_476 = arith.shli %get3A_469, %shift_left3A_475 : vector<16xi32>
        %bitcast_convert_type3A_477 = tpu.bitcast %shift_left3A_476 : vector<16xi32> -> vector<16xf32>
        %shift_left3A_478 = arith.constant 16 : i32
        %shift_left3A_479 = vector.broadcast %shift_left3A_478 : i32 to vector<16xi32>
        %shift_left3A_480 = arith.shli %get3A_473, %shift_left3A_479 : vector<16xi32>
        %bitcast_convert_type3A_481 = tpu.bitcast %shift_left3A_480 : vector<16xi32> -> vector<16xf32>
        %bitcast_convert_type3A_482 = tpu.bitcast %get3A_469 : vector<16xi32> -> vector<16xf32>
        %bitcast_convert_type3A_483 = tpu.bitcast %get3A_473 : vector<16xi32> -> vector<16xf32>
        %mul3A_484 = arith.mulf %bitcast_convert_type3A_477, %bitcast_convert_type3A_481 : vector<16xf32>
        %mul3A_485 = arith.mulf %bitcast_convert_type3A_482, %bitcast_convert_type3A_483 : vector<16xf32>
        %add3A_486 = arith.addf %mul3A_484, %mul3A_485 : vector<16xf32>
        %add3A_487 = arith.addf %add3A_465, %add3A_486 : vector<16xf32>
        %get3A_488 = arith.index_cast %add3A_422 : i32 to index
        %get3A_489 = arith.constant 48 : index
        %get3A_490 = tpu.vector_load %arg9[%get3A_488, %get3A_489] {strides = array<i32>} : memref<256x64xi32, #tpu.memory_space<vmem>>, vector<1x16xi32>,
        %get3A_491 = vector.shape_cast %get3A_490 : vector<1x16xi32> to vector<16xi32>
        %get3A_492 = arith.index_cast %add3A_422 : i32 to index
        %get3A_493 = arith.constant 48 : index
        %get3A_494 = tpu.vector_load %arg10[%get3A_492, %get3A_493] {strides = array<i32>} : memref<256x64xi32, #tpu.memory_space<vmem>>, vector<1x16xi32>,
        %get3A_495 = vector.shape_cast %get3A_494 : vector<1x16xi32> to vector<16xi32>
        %shift_left3A_496 = arith.constant 16 : i32
        %shift_left3A_497 = vector.broadcast %shift_left3A_496 : i32 to vector<16xi32>
        %shift_left3A_498 = arith.shli %get3A_491, %shift_left3A_497 : vector<16xi32>
        %bitcast_convert_type3A_499 = tpu.bitcast %shift_left3A_498 : vector<16xi32> -> vector<16xf32>
        %shift_left3A_500 = arith.constant 16 : i32
        %shift_left3A_501 = vector.broadcast %shift_left3A_500 : i32 to vector<16xi32>
        %shift_left3A_502 = arith.shli %get3A_495, %shift_left3A_501 : vector<16xi32>
        %bitcast_convert_type3A_503 = tpu.bitcast %shift_left3A_502 : vector<16xi32> -> vector<16xf32>
        %bitcast_convert_type3A_504 = tpu.bitcast %get3A_491 : vector<16xi32> -> vector<16xf32>
        %bitcast_convert_type3A_505 = tpu.bitcast %get3A_495 : vector<16xi32> -> vector<16xf32>
        %mul3A_506 = arith.mulf %bitcast_convert_type3A_499, %bitcast_convert_type3A_503 : vector<16xf32>
        %mul3A_507 = arith.mulf %bitcast_convert_type3A_504, %bitcast_convert_type3A_505 : vector<16xf32>
        %add3A_508 = arith.addf %mul3A_506, %mul3A_507 : vector<16xf32>
        %add3A_509 = arith.addf %add3A_487, %add3A_508 : vector<16xf32>
        %xor3A_510 = arith.constant 8 : i32
        %xor3A_511 = vector.broadcast %xor3A_510 : i32 to vector<16xi32>
        %xor3A_512 = arith.xori %iota3A, %xor3A_511 : vector<16xi32>
        %broadcast_in_dim3A_513 = vector.shape_cast %xor3A_512 : vector<16xi32> to vector<16x1xi32>
        %gather3A_514 = vector.shape_cast %broadcast_in_dim3A_513 : vector<16x1xi32> to vector<16xi32>
        %gather3A_515 = tpu.dynamic_gather %add3A_418[%gather3A_514] in [0] : vector<16xf32>, vector<16xi32> -> vector<16xf32>
        %add3A_516 = arith.addf %add3A_418, %gather3A_515 : vector<16xf32>
        %xor3A_517 = arith.constant 8 : i32
        %xor3A_518 = vector.broadcast %xor3A_517 : i32 to vector<16xi32>
        %xor3A_519 = arith.xori %iota3A, %xor3A_518 : vector<16xi32>
        %broadcast_in_dim3A_520 = vector.shape_cast %xor3A_519 : vector<16xi32> to vector<16x1xi32>
        %gather3A_521 = vector.shape_cast %broadcast_in_dim3A_520 : vector<16x1xi32> to vector<16xi32>
        %gather3A_522 = tpu.dynamic_gather %add3A_509[%gather3A_521] in [0] : vector<16xf32>, vector<16xi32> -> vector<16xf32>
        %add3A_523 = arith.addf %add3A_509, %gather3A_522 : vector<16xf32>
        %select_n3A_524 = arith.select %eq3A_6, %add3A_516, %add3A_523 : vector<16xi1>, vector<16xf32>
        %add3A_525 = arith.constant 2 : i32
        %add3A_526 = arith.addi %mul3A_141, %add3A_525 : i32
        %get3A_527 = arith.index_cast %add3A_526 : i32 to index
        %get3A_528 = arith.constant 0 : index
        %get3A_529 = tpu.vector_load %arg9[%get3A_527, %get3A_528] {strides = array<i32>} : memref<256x64xi32, #tpu.memory_space<vmem>>, vector<1x16xi32>,
        %get3A_530 = vector.shape_cast %get3A_529 : vector<1x16xi32> to vector<16xi32>
        %get3A_531 = arith.index_cast %add3A_526 : i32 to index
        %get3A_532 = arith.constant 0 : index
        %get3A_533 = tpu.vector_load %arg10[%get3A_531, %get3A_532] {strides = array<i32>} : memref<256x64xi32, #tpu.memory_space<vmem>>, vector<1x16xi32>,
        %get3A_534 = vector.shape_cast %get3A_533 : vector<1x16xi32> to vector<16xi32>
        %shift_left3A_535 = arith.constant 16 : i32
        %shift_left3A_536 = vector.broadcast %shift_left3A_535 : i32 to vector<16xi32>
        %shift_left3A_537 = arith.shli %get3A_530, %shift_left3A_536 : vector<16xi32>
        %bitcast_convert_type3A_538 = tpu.bitcast %shift_left3A_537 : vector<16xi32> -> vector<16xf32>
        %shift_left3A_539 = arith.constant 16 : i32
        %shift_left3A_540 = vector.broadcast %shift_left3A_539 : i32 to vector<16xi32>
        %shift_left3A_541 = arith.shli %get3A_534, %shift_left3A_540 : vector<16xi32>
        %bitcast_convert_type3A_542 = tpu.bitcast %shift_left3A_541 : vector<16xi32> -> vector<16xf32>
        %bitcast_convert_type3A_543 = tpu.bitcast %get3A_530 : vector<16xi32> -> vector<16xf32>
        %bitcast_convert_type3A_544 = tpu.bitcast %get3A_534 : vector<16xi32> -> vector<16xf32>
        %mul3A_545 = arith.mulf %bitcast_convert_type3A_538, %bitcast_convert_type3A_542 : vector<16xf32>
        %mul3A_546 = arith.mulf %bitcast_convert_type3A_543, %bitcast_convert_type3A_544 : vector<16xf32>
        %add3A_547 = arith.addf %mul3A_545, %mul3A_546 : vector<16xf32>
        %get3A_548 = arith.index_cast %add3A_526 : i32 to index
        %get3A_549 = arith.constant 16 : index
        %get3A_550 = tpu.vector_load %arg9[%get3A_548, %get3A_549] {strides = array<i32>} : memref<256x64xi32, #tpu.memory_space<vmem>>, vector<1x16xi32>,
        %get3A_551 = vector.shape_cast %get3A_550 : vector<1x16xi32> to vector<16xi32>
        %get3A_552 = arith.index_cast %add3A_526 : i32 to index
        %get3A_553 = arith.constant 16 : index
        %get3A_554 = tpu.vector_load %arg10[%get3A_552, %get3A_553] {strides = array<i32>} : memref<256x64xi32, #tpu.memory_space<vmem>>, vector<1x16xi32>,
        %get3A_555 = vector.shape_cast %get3A_554 : vector<1x16xi32> to vector<16xi32>
        %shift_left3A_556 = arith.constant 16 : i32
        %shift_left3A_557 = vector.broadcast %shift_left3A_556 : i32 to vector<16xi32>
        %shift_left3A_558 = arith.shli %get3A_551, %shift_left3A_557 : vector<16xi32>
        %bitcast_convert_type3A_559 = tpu.bitcast %shift_left3A_558 : vector<16xi32> -> vector<16xf32>
        %shift_left3A_560 = arith.constant 16 : i32
        %shift_left3A_561 = vector.broadcast %shift_left3A_560 : i32 to vector<16xi32>
        %shift_left3A_562 = arith.shli %get3A_555, %shift_left3A_561 : vector<16xi32>
        %bitcast_convert_type3A_563 = tpu.bitcast %shift_left3A_562 : vector<16xi32> -> vector<16xf32>
        %bitcast_convert_type3A_564 = tpu.bitcast %get3A_551 : vector<16xi32> -> vector<16xf32>
        %bitcast_convert_type3A_565 = tpu.bitcast %get3A_555 : vector<16xi32> -> vector<16xf32>
        %mul3A_566 = arith.mulf %bitcast_convert_type3A_559, %bitcast_convert_type3A_563 : vector<16xf32>
        %mul3A_567 = arith.mulf %bitcast_convert_type3A_564, %bitcast_convert_type3A_565 : vector<16xf32>
        %add3A_568 = arith.addf %mul3A_566, %mul3A_567 : vector<16xf32>
        %add3A_569 = arith.addf %add3A_547, %add3A_568 : vector<16xf32>
        %get3A_570 = arith.index_cast %add3A_526 : i32 to index
        %get3A_571 = arith.constant 32 : index
        %get3A_572 = tpu.vector_load %arg9[%get3A_570, %get3A_571] {strides = array<i32>} : memref<256x64xi32, #tpu.memory_space<vmem>>, vector<1x16xi32>,
        %get3A_573 = vector.shape_cast %get3A_572 : vector<1x16xi32> to vector<16xi32>
        %get3A_574 = arith.index_cast %add3A_526 : i32 to index
        %get3A_575 = arith.constant 32 : index
        %get3A_576 = tpu.vector_load %arg10[%get3A_574, %get3A_575] {strides = array<i32>} : memref<256x64xi32, #tpu.memory_space<vmem>>, vector<1x16xi32>,
        %get3A_577 = vector.shape_cast %get3A_576 : vector<1x16xi32> to vector<16xi32>
        %shift_left3A_578 = arith.constant 16 : i32
        %shift_left3A_579 = vector.broadcast %shift_left3A_578 : i32 to vector<16xi32>
        %shift_left3A_580 = arith.shli %get3A_573, %shift_left3A_579 : vector<16xi32>
        %bitcast_convert_type3A_581 = tpu.bitcast %shift_left3A_580 : vector<16xi32> -> vector<16xf32>
        %shift_left3A_582 = arith.constant 16 : i32
        %shift_left3A_583 = vector.broadcast %shift_left3A_582 : i32 to vector<16xi32>
        %shift_left3A_584 = arith.shli %get3A_577, %shift_left3A_583 : vector<16xi32>
        %bitcast_convert_type3A_585 = tpu.bitcast %shift_left3A_584 : vector<16xi32> -> vector<16xf32>
        %bitcast_convert_type3A_586 = tpu.bitcast %get3A_573 : vector<16xi32> -> vector<16xf32>
        %bitcast_convert_type3A_587 = tpu.bitcast %get3A_577 : vector<16xi32> -> vector<16xf32>
        %mul3A_588 = arith.mulf %bitcast_convert_type3A_581, %bitcast_convert_type3A_585 : vector<16xf32>
        %mul3A_589 = arith.mulf %bitcast_convert_type3A_586, %bitcast_convert_type3A_587 : vector<16xf32>
        %add3A_590 = arith.addf %mul3A_588, %mul3A_589 : vector<16xf32>
        %add3A_591 = arith.addf %add3A_569, %add3A_590 : vector<16xf32>
        %get3A_592 = arith.index_cast %add3A_526 : i32 to index
        %get3A_593 = arith.constant 48 : index
        %get3A_594 = tpu.vector_load %arg9[%get3A_592, %get3A_593] {strides = array<i32>} : memref<256x64xi32, #tpu.memory_space<vmem>>, vector<1x16xi32>,
        %get3A_595 = vector.shape_cast %get3A_594 : vector<1x16xi32> to vector<16xi32>
        %get3A_596 = arith.index_cast %add3A_526 : i32 to index
        %get3A_597 = arith.constant 48 : index
        %get3A_598 = tpu.vector_load %arg10[%get3A_596, %get3A_597] {strides = array<i32>} : memref<256x64xi32, #tpu.memory_space<vmem>>, vector<1x16xi32>,
        %get3A_599 = vector.shape_cast %get3A_598 : vector<1x16xi32> to vector<16xi32>
        %shift_left3A_600 = arith.constant 16 : i32
        %shift_left3A_601 = vector.broadcast %shift_left3A_600 : i32 to vector<16xi32>
        %shift_left3A_602 = arith.shli %get3A_595, %shift_left3A_601 : vector<16xi32>
        %bitcast_convert_type3A_603 = tpu.bitcast %shift_left3A_602 : vector<16xi32> -> vector<16xf32>
        %shift_left3A_604 = arith.constant 16 : i32
        %shift_left3A_605 = vector.broadcast %shift_left3A_604 : i32 to vector<16xi32>
        %shift_left3A_606 = arith.shli %get3A_599, %shift_left3A_605 : vector<16xi32>
        %bitcast_convert_type3A_607 = tpu.bitcast %shift_left3A_606 : vector<16xi32> -> vector<16xf32>
        %bitcast_convert_type3A_608 = tpu.bitcast %get3A_595 : vector<16xi32> -> vector<16xf32>
        %bitcast_convert_type3A_609 = tpu.bitcast %get3A_599 : vector<16xi32> -> vector<16xf32>
        %mul3A_610 = arith.mulf %bitcast_convert_type3A_603, %bitcast_convert_type3A_607 : vector<16xf32>
        %mul3A_611 = arith.mulf %bitcast_convert_type3A_608, %bitcast_convert_type3A_609 : vector<16xf32>
        %add3A_612 = arith.addf %mul3A_610, %mul3A_611 : vector<16xf32>
        %add3A_613 = arith.addf %add3A_591, %add3A_612 : vector<16xf32>
        %add3A_614 = arith.constant 2 : i32
        %add3A_615 = arith.addi %mul3A_141, %add3A_614 : i32
        %add3A_616 = arith.constant 8 : i32
        %add3A_617 = arith.addi %add3A_615, %add3A_616 : i32
        %get3A_618 = arith.index_cast %add3A_617 : i32 to index
        %get3A_619 = arith.constant 0 : index
        %get3A_620 = tpu.vector_load %arg9[%get3A_618, %get3A_619] {strides = array<i32>} : memref<256x64xi32, #tpu.memory_space<vmem>>, vector<1x16xi32>,
        %get3A_621 = vector.shape_cast %get3A_620 : vector<1x16xi32> to vector<16xi32>
        %get3A_622 = arith.index_cast %add3A_617 : i32 to index
        %get3A_623 = arith.constant 0 : index
        %get3A_624 = tpu.vector_load %arg10[%get3A_622, %get3A_623] {strides = array<i32>} : memref<256x64xi32, #tpu.memory_space<vmem>>, vector<1x16xi32>,
        %get3A_625 = vector.shape_cast %get3A_624 : vector<1x16xi32> to vector<16xi32>
        %shift_left3A_626 = arith.constant 16 : i32
        %shift_left3A_627 = vector.broadcast %shift_left3A_626 : i32 to vector<16xi32>
        %shift_left3A_628 = arith.shli %get3A_621, %shift_left3A_627 : vector<16xi32>
        %bitcast_convert_type3A_629 = tpu.bitcast %shift_left3A_628 : vector<16xi32> -> vector<16xf32>
        %shift_left3A_630 = arith.constant 16 : i32
        %shift_left3A_631 = vector.broadcast %shift_left3A_630 : i32 to vector<16xi32>
        %shift_left3A_632 = arith.shli %get3A_625, %shift_left3A_631 : vector<16xi32>
        %bitcast_convert_type3A_633 = tpu.bitcast %shift_left3A_632 : vector<16xi32> -> vector<16xf32>
        %bitcast_convert_type3A_634 = tpu.bitcast %get3A_621 : vector<16xi32> -> vector<16xf32>
        %bitcast_convert_type3A_635 = tpu.bitcast %get3A_625 : vector<16xi32> -> vector<16xf32>
        %mul3A_636 = arith.mulf %bitcast_convert_type3A_629, %bitcast_convert_type3A_633 : vector<16xf32>
        %mul3A_637 = arith.mulf %bitcast_convert_type3A_634, %bitcast_convert_type3A_635 : vector<16xf32>
        %add3A_638 = arith.addf %mul3A_636, %mul3A_637 : vector<16xf32>
        %get3A_639 = arith.index_cast %add3A_617 : i32 to index
        %get3A_640 = arith.constant 16 : index
        %get3A_641 = tpu.vector_load %arg9[%get3A_639, %get3A_640] {strides = array<i32>} : memref<256x64xi32, #tpu.memory_space<vmem>>, vector<1x16xi32>,
        %get3A_642 = vector.shape_cast %get3A_641 : vector<1x16xi32> to vector<16xi32>
        %get3A_643 = arith.index_cast %add3A_617 : i32 to index
        %get3A_644 = arith.constant 16 : index
        %get3A_645 = tpu.vector_load %arg10[%get3A_643, %get3A_644] {strides = array<i32>} : memref<256x64xi32, #tpu.memory_space<vmem>>, vector<1x16xi32>,
        %get3A_646 = vector.shape_cast %get3A_645 : vector<1x16xi32> to vector<16xi32>
        %shift_left3A_647 = arith.constant 16 : i32
        %shift_left3A_648 = vector.broadcast %shift_left3A_647 : i32 to vector<16xi32>
        %shift_left3A_649 = arith.shli %get3A_642, %shift_left3A_648 : vector<16xi32>
        %bitcast_convert_type3A_650 = tpu.bitcast %shift_left3A_649 : vector<16xi32> -> vector<16xf32>
        %shift_left3A_651 = arith.constant 16 : i32
        %shift_left3A_652 = vector.broadcast %shift_left3A_651 : i32 to vector<16xi32>
        %shift_left3A_653 = arith.shli %get3A_646, %shift_left3A_652 : vector<16xi32>
        %bitcast_convert_type3A_654 = tpu.bitcast %shift_left3A_653 : vector<16xi32> -> vector<16xf32>
        %bitcast_convert_type3A_655 = tpu.bitcast %get3A_642 : vector<16xi32> -> vector<16xf32>
        %bitcast_convert_type3A_656 = tpu.bitcast %get3A_646 : vector<16xi32> -> vector<16xf32>
        %mul3A_657 = arith.mulf %bitcast_convert_type3A_650, %bitcast_convert_type3A_654 : vector<16xf32>
        %mul3A_658 = arith.mulf %bitcast_convert_type3A_655, %bitcast_convert_type3A_656 : vector<16xf32>
        %add3A_659 = arith.addf %mul3A_657, %mul3A_658 : vector<16xf32>
        %add3A_660 = arith.addf %add3A_638, %add3A_659 : vector<16xf32>
        %get3A_661 = arith.index_cast %add3A_617 : i32 to index
        %get3A_662 = arith.constant 32 : index
        %get3A_663 = tpu.vector_load %arg9[%get3A_661, %get3A_662] {strides = array<i32>} : memref<256x64xi32, #tpu.memory_space<vmem>>, vector<1x16xi32>,
        %get3A_664 = vector.shape_cast %get3A_663 : vector<1x16xi32> to vector<16xi32>
        %get3A_665 = arith.index_cast %add3A_617 : i32 to index
        %get3A_666 = arith.constant 32 : index
        %get3A_667 = tpu.vector_load %arg10[%get3A_665, %get3A_666] {strides = array<i32>} : memref<256x64xi32, #tpu.memory_space<vmem>>, vector<1x16xi32>,
        %get3A_668 = vector.shape_cast %get3A_667 : vector<1x16xi32> to vector<16xi32>
        %shift_left3A_669 = arith.constant 16 : i32
        %shift_left3A_670 = vector.broadcast %shift_left3A_669 : i32 to vector<16xi32>
        %shift_left3A_671 = arith.shli %get3A_664, %shift_left3A_670 : vector<16xi32>
        %bitcast_convert_type3A_672 = tpu.bitcast %shift_left3A_671 : vector<16xi32> -> vector<16xf32>
        %shift_left3A_673 = arith.constant 16 : i32
        %shift_left3A_674 = vector.broadcast %shift_left3A_673 : i32 to vector<16xi32>
        %shift_left3A_675 = arith.shli %get3A_668, %shift_left3A_674 : vector<16xi32>
        %bitcast_convert_type3A_676 = tpu.bitcast %shift_left3A_675 : vector<16xi32> -> vector<16xf32>
        %bitcast_convert_type3A_677 = tpu.bitcast %get3A_664 : vector<16xi32> -> vector<16xf32>
        %bitcast_convert_type3A_678 = tpu.bitcast %get3A_668 : vector<16xi32> -> vector<16xf32>
        %mul3A_679 = arith.mulf %bitcast_convert_type3A_672, %bitcast_convert_type3A_676 : vector<16xf32>
        %mul3A_680 = arith.mulf %bitcast_convert_type3A_677, %bitcast_convert_type3A_678 : vector<16xf32>
        %add3A_681 = arith.addf %mul3A_679, %mul3A_680 : vector<16xf32>
        %add3A_682 = arith.addf %add3A_660, %add3A_681 : vector<16xf32>
        %get3A_683 = arith.index_cast %add3A_617 : i32 to index
        %get3A_684 = arith.constant 48 : index
        %get3A_685 = tpu.vector_load %arg9[%get3A_683, %get3A_684] {strides = array<i32>} : memref<256x64xi32, #tpu.memory_space<vmem>>, vector<1x16xi32>,
        %get3A_686 = vector.shape_cast %get3A_685 : vector<1x16xi32> to vector<16xi32>
        %get3A_687 = arith.index_cast %add3A_617 : i32 to index
        %get3A_688 = arith.constant 48 : index
        %get3A_689 = tpu.vector_load %arg10[%get3A_687, %get3A_688] {strides = array<i32>} : memref<256x64xi32, #tpu.memory_space<vmem>>, vector<1x16xi32>,
        %get3A_690 = vector.shape_cast %get3A_689 : vector<1x16xi32> to vector<16xi32>
        %shift_left3A_691 = arith.constant 16 : i32
        %shift_left3A_692 = vector.broadcast %shift_left3A_691 : i32 to vector<16xi32>
        %shift_left3A_693 = arith.shli %get3A_686, %shift_left3A_692 : vector<16xi32>
        %bitcast_convert_type3A_694 = tpu.bitcast %shift_left3A_693 : vector<16xi32> -> vector<16xf32>
        %shift_left3A_695 = arith.constant 16 : i32
        %shift_left3A_696 = vector.broadcast %shift_left3A_695 : i32 to vector<16xi32>
        %shift_left3A_697 = arith.shli %get3A_690, %shift_left3A_696 : vector<16xi32>
        %bitcast_convert_type3A_698 = tpu.bitcast %shift_left3A_697 : vector<16xi32> -> vector<16xf32>
        %bitcast_convert_type3A_699 = tpu.bitcast %get3A_686 : vector<16xi32> -> vector<16xf32>
        %bitcast_convert_type3A_700 = tpu.bitcast %get3A_690 : vector<16xi32> -> vector<16xf32>
        %mul3A_701 = arith.mulf %bitcast_convert_type3A_694, %bitcast_convert_type3A_698 : vector<16xf32>
        %mul3A_702 = arith.mulf %bitcast_convert_type3A_699, %bitcast_convert_type3A_700 : vector<16xf32>
        %add3A_703 = arith.addf %mul3A_701, %mul3A_702 : vector<16xf32>
        %add3A_704 = arith.addf %add3A_682, %add3A_703 : vector<16xf32>
        %xor3A_705 = arith.constant 8 : i32
        %xor3A_706 = vector.broadcast %xor3A_705 : i32 to vector<16xi32>
        %xor3A_707 = arith.xori %iota3A, %xor3A_706 : vector<16xi32>
        %broadcast_in_dim3A_708 = vector.shape_cast %xor3A_707 : vector<16xi32> to vector<16x1xi32>
        %gather3A_709 = vector.shape_cast %broadcast_in_dim3A_708 : vector<16x1xi32> to vector<16xi32>
        %gather3A_710 = tpu.dynamic_gather %add3A_613[%gather3A_709] in [0] : vector<16xf32>, vector<16xi32> -> vector<16xf32>
        %add3A_711 = arith.addf %add3A_613, %gather3A_710 : vector<16xf32>
        %xor3A_712 = arith.constant 8 : i32
        %xor3A_713 = vector.broadcast %xor3A_712 : i32 to vector<16xi32>
        %xor3A_714 = arith.xori %iota3A, %xor3A_713 : vector<16xi32>
        %broadcast_in_dim3A_715 = vector.shape_cast %xor3A_714 : vector<16xi32> to vector<16x1xi32>
        %gather3A_716 = vector.shape_cast %broadcast_in_dim3A_715 : vector<16x1xi32> to vector<16xi32>
        %gather3A_717 = tpu.dynamic_gather %add3A_704[%gather3A_716] in [0] : vector<16xf32>, vector<16xi32> -> vector<16xf32>
        %add3A_718 = arith.addf %add3A_704, %gather3A_717 : vector<16xf32>
        %select_n3A_719 = arith.select %eq3A_6, %add3A_711, %add3A_718 : vector<16xi1>, vector<16xf32>
        %add3A_720 = arith.constant 3 : i32
        %add3A_721 = arith.addi %mul3A_141, %add3A_720 : i32
        %get3A_722 = arith.index_cast %add3A_721 : i32 to index
        %get3A_723 = arith.constant 0 : index
        %get3A_724 = tpu.vector_load %arg9[%get3A_722, %get3A_723] {strides = array<i32>} : memref<256x64xi32, #tpu.memory_space<vmem>>, vector<1x16xi32>,
        %get3A_725 = vector.shape_cast %get3A_724 : vector<1x16xi32> to vector<16xi32>
        %get3A_726 = arith.index_cast %add3A_721 : i32 to index
        %get3A_727 = arith.constant 0 : index
        %get3A_728 = tpu.vector_load %arg10[%get3A_726, %get3A_727] {strides = array<i32>} : memref<256x64xi32, #tpu.memory_space<vmem>>, vector<1x16xi32>,
        %get3A_729 = vector.shape_cast %get3A_728 : vector<1x16xi32> to vector<16xi32>
        %shift_left3A_730 = arith.constant 16 : i32
        %shift_left3A_731 = vector.broadcast %shift_left3A_730 : i32 to vector<16xi32>
        %shift_left3A_732 = arith.shli %get3A_725, %shift_left3A_731 : vector<16xi32>
        %bitcast_convert_type3A_733 = tpu.bitcast %shift_left3A_732 : vector<16xi32> -> vector<16xf32>
        %shift_left3A_734 = arith.constant 16 : i32
        %shift_left3A_735 = vector.broadcast %shift_left3A_734 : i32 to vector<16xi32>
        %shift_left3A_736 = arith.shli %get3A_729, %shift_left3A_735 : vector<16xi32>
        %bitcast_convert_type3A_737 = tpu.bitcast %shift_left3A_736 : vector<16xi32> -> vector<16xf32>
        %bitcast_convert_type3A_738 = tpu.bitcast %get3A_725 : vector<16xi32> -> vector<16xf32>
        %bitcast_convert_type3A_739 = tpu.bitcast %get3A_729 : vector<16xi32> -> vector<16xf32>
        %mul3A_740 = arith.mulf %bitcast_convert_type3A_733, %bitcast_convert_type3A_737 : vector<16xf32>
        %mul3A_741 = arith.mulf %bitcast_convert_type3A_738, %bitcast_convert_type3A_739 : vector<16xf32>
        %add3A_742 = arith.addf %mul3A_740, %mul3A_741 : vector<16xf32>
        %get3A_743 = arith.index_cast %add3A_721 : i32 to index
        %get3A_744 = arith.constant 16 : index
        %get3A_745 = tpu.vector_load %arg9[%get3A_743, %get3A_744] {strides = array<i32>} : memref<256x64xi32, #tpu.memory_space<vmem>>, vector<1x16xi32>,
        %get3A_746 = vector.shape_cast %get3A_745 : vector<1x16xi32> to vector<16xi32>
        %get3A_747 = arith.index_cast %add3A_721 : i32 to index
        %get3A_748 = arith.constant 16 : index
        %get3A_749 = tpu.vector_load %arg10[%get3A_747, %get3A_748] {strides = array<i32>} : memref<256x64xi32, #tpu.memory_space<vmem>>, vector<1x16xi32>,
        %get3A_750 = vector.shape_cast %get3A_749 : vector<1x16xi32> to vector<16xi32>
        %shift_left3A_751 = arith.constant 16 : i32
        %shift_left3A_752 = vector.broadcast %shift_left3A_751 : i32 to vector<16xi32>
        %shift_left3A_753 = arith.shli %get3A_746, %shift_left3A_752 : vector<16xi32>
        %bitcast_convert_type3A_754 = tpu.bitcast %shift_left3A_753 : vector<16xi32> -> vector<16xf32>
        %shift_left3A_755 = arith.constant 16 : i32
        %shift_left3A_756 = vector.broadcast %shift_left3A_755 : i32 to vector<16xi32>
        %shift_left3A_757 = arith.shli %get3A_750, %shift_left3A_756 : vector<16xi32>
        %bitcast_convert_type3A_758 = tpu.bitcast %shift_left3A_757 : vector<16xi32> -> vector<16xf32>
        %bitcast_convert_type3A_759 = tpu.bitcast %get3A_746 : vector<16xi32> -> vector<16xf32>
        %bitcast_convert_type3A_760 = tpu.bitcast %get3A_750 : vector<16xi32> -> vector<16xf32>
        %mul3A_761 = arith.mulf %bitcast_convert_type3A_754, %bitcast_convert_type3A_758 : vector<16xf32>
        %mul3A_762 = arith.mulf %bitcast_convert_type3A_759, %bitcast_convert_type3A_760 : vector<16xf32>
        %add3A_763 = arith.addf %mul3A_761, %mul3A_762 : vector<16xf32>
        %add3A_764 = arith.addf %add3A_742, %add3A_763 : vector<16xf32>
        %get3A_765 = arith.index_cast %add3A_721 : i32 to index
        %get3A_766 = arith.constant 32 : index
        %get3A_767 = tpu.vector_load %arg9[%get3A_765, %get3A_766] {strides = array<i32>} : memref<256x64xi32, #tpu.memory_space<vmem>>, vector<1x16xi32>,
        %get3A_768 = vector.shape_cast %get3A_767 : vector<1x16xi32> to vector<16xi32>
        %get3A_769 = arith.index_cast %add3A_721 : i32 to index
        %get3A_770 = arith.constant 32 : index
        %get3A_771 = tpu.vector_load %arg10[%get3A_769, %get3A_770] {strides = array<i32>} : memref<256x64xi32, #tpu.memory_space<vmem>>, vector<1x16xi32>,
        %get3A_772 = vector.shape_cast %get3A_771 : vector<1x16xi32> to vector<16xi32>
        %shift_left3A_773 = arith.constant 16 : i32
        %shift_left3A_774 = vector.broadcast %shift_left3A_773 : i32 to vector<16xi32>
        %shift_left3A_775 = arith.shli %get3A_768, %shift_left3A_774 : vector<16xi32>
        %bitcast_convert_type3A_776 = tpu.bitcast %shift_left3A_775 : vector<16xi32> -> vector<16xf32>
        %shift_left3A_777 = arith.constant 16 : i32
        %shift_left3A_778 = vector.broadcast %shift_left3A_777 : i32 to vector<16xi32>
        %shift_left3A_779 = arith.shli %get3A_772, %shift_left3A_778 : vector<16xi32>
        %bitcast_convert_type3A_780 = tpu.bitcast %shift_left3A_779 : vector<16xi32> -> vector<16xf32>
        %bitcast_convert_type3A_781 = tpu.bitcast %get3A_768 : vector<16xi32> -> vector<16xf32>
        %bitcast_convert_type3A_782 = tpu.bitcast %get3A_772 : vector<16xi32> -> vector<16xf32>
        %mul3A_783 = arith.mulf %bitcast_convert_type3A_776, %bitcast_convert_type3A_780 : vector<16xf32>
        %mul3A_784 = arith.mulf %bitcast_convert_type3A_781, %bitcast_convert_type3A_782 : vector<16xf32>
        %add3A_785 = arith.addf %mul3A_783, %mul3A_784 : vector<16xf32>
        %add3A_786 = arith.addf %add3A_764, %add3A_785 : vector<16xf32>
        %get3A_787 = arith.index_cast %add3A_721 : i32 to index
        %get3A_788 = arith.constant 48 : index
        %get3A_789 = tpu.vector_load %arg9[%get3A_787, %get3A_788] {strides = array<i32>} : memref<256x64xi32, #tpu.memory_space<vmem>>, vector<1x16xi32>,
        %get3A_790 = vector.shape_cast %get3A_789 : vector<1x16xi32> to vector<16xi32>
        %get3A_791 = arith.index_cast %add3A_721 : i32 to index
        %get3A_792 = arith.constant 48 : index
        %get3A_793 = tpu.vector_load %arg10[%get3A_791, %get3A_792] {strides = array<i32>} : memref<256x64xi32, #tpu.memory_space<vmem>>, vector<1x16xi32>,
        %get3A_794 = vector.shape_cast %get3A_793 : vector<1x16xi32> to vector<16xi32>
        %shift_left3A_795 = arith.constant 16 : i32
        %shift_left3A_796 = vector.broadcast %shift_left3A_795 : i32 to vector<16xi32>
        %shift_left3A_797 = arith.shli %get3A_790, %shift_left3A_796 : vector<16xi32>
        %bitcast_convert_type3A_798 = tpu.bitcast %shift_left3A_797 : vector<16xi32> -> vector<16xf32>
        %shift_left3A_799 = arith.constant 16 : i32
        %shift_left3A_800 = vector.broadcast %shift_left3A_799 : i32 to vector<16xi32>
        %shift_left3A_801 = arith.shli %get3A_794, %shift_left3A_800 : vector<16xi32>
        %bitcast_convert_type3A_802 = tpu.bitcast %shift_left3A_801 : vector<16xi32> -> vector<16xf32>
        %bitcast_convert_type3A_803 = tpu.bitcast %get3A_790 : vector<16xi32> -> vector<16xf32>
        %bitcast_convert_type3A_804 = tpu.bitcast %get3A_794 : vector<16xi32> -> vector<16xf32>
        %mul3A_805 = arith.mulf %bitcast_convert_type3A_798, %bitcast_convert_type3A_802 : vector<16xf32>
        %mul3A_806 = arith.mulf %bitcast_convert_type3A_803, %bitcast_convert_type3A_804 : vector<16xf32>
        %add3A_807 = arith.addf %mul3A_805, %mul3A_806 : vector<16xf32>
        %add3A_808 = arith.addf %add3A_786, %add3A_807 : vector<16xf32>
        %add3A_809 = arith.constant 3 : i32
        %add3A_810 = arith.addi %mul3A_141, %add3A_809 : i32
        %add3A_811 = arith.constant 8 : i32
        %add3A_812 = arith.addi %add3A_810, %add3A_811 : i32
        %get3A_813 = arith.index_cast %add3A_812 : i32 to index
        %get3A_814 = arith.constant 0 : index
        %get3A_815 = tpu.vector_load %arg9[%get3A_813, %get3A_814] {strides = array<i32>} : memref<256x64xi32, #tpu.memory_space<vmem>>, vector<1x16xi32>,
        %get3A_816 = vector.shape_cast %get3A_815 : vector<1x16xi32> to vector<16xi32>
        %get3A_817 = arith.index_cast %add3A_812 : i32 to index
        %get3A_818 = arith.constant 0 : index
        %get3A_819 = tpu.vector_load %arg10[%get3A_817, %get3A_818] {strides = array<i32>} : memref<256x64xi32, #tpu.memory_space<vmem>>, vector<1x16xi32>,
        %get3A_820 = vector.shape_cast %get3A_819 : vector<1x16xi32> to vector<16xi32>
        %shift_left3A_821 = arith.constant 16 : i32
        %shift_left3A_822 = vector.broadcast %shift_left3A_821 : i32 to vector<16xi32>
        %shift_left3A_823 = arith.shli %get3A_816, %shift_left3A_822 : vector<16xi32>
        %bitcast_convert_type3A_824 = tpu.bitcast %shift_left3A_823 : vector<16xi32> -> vector<16xf32>
        %shift_left3A_825 = arith.constant 16 : i32
        %shift_left3A_826 = vector.broadcast %shift_left3A_825 : i32 to vector<16xi32>
        %shift_left3A_827 = arith.shli %get3A_820, %shift_left3A_826 : vector<16xi32>
        %bitcast_convert_type3A_828 = tpu.bitcast %shift_left3A_827 : vector<16xi32> -> vector<16xf32>
        %bitcast_convert_type3A_829 = tpu.bitcast %get3A_816 : vector<16xi32> -> vector<16xf32>
        %bitcast_convert_type3A_830 = tpu.bitcast %get3A_820 : vector<16xi32> -> vector<16xf32>
        %mul3A_831 = arith.mulf %bitcast_convert_type3A_824, %bitcast_convert_type3A_828 : vector<16xf32>
        %mul3A_832 = arith.mulf %bitcast_convert_type3A_829, %bitcast_convert_type3A_830 : vector<16xf32>
        %add3A_833 = arith.addf %mul3A_831, %mul3A_832 : vector<16xf32>
        %get3A_834 = arith.index_cast %add3A_812 : i32 to index
        %get3A_835 = arith.constant 16 : index
        %get3A_836 = tpu.vector_load %arg9[%get3A_834, %get3A_835] {strides = array<i32>} : memref<256x64xi32, #tpu.memory_space<vmem>>, vector<1x16xi32>,
        %get3A_837 = vector.shape_cast %get3A_836 : vector<1x16xi32> to vector<16xi32>
        %get3A_838 = arith.index_cast %add3A_812 : i32 to index
        %get3A_839 = arith.constant 16 : index
        %get3A_840 = tpu.vector_load %arg10[%get3A_838, %get3A_839] {strides = array<i32>} : memref<256x64xi32, #tpu.memory_space<vmem>>, vector<1x16xi32>,
        %get3A_841 = vector.shape_cast %get3A_840 : vector<1x16xi32> to vector<16xi32>
        %shift_left3A_842 = arith.constant 16 : i32
        %shift_left3A_843 = vector.broadcast %shift_left3A_842 : i32 to vector<16xi32>
        %shift_left3A_844 = arith.shli %get3A_837, %shift_left3A_843 : vector<16xi32>
        %bitcast_convert_type3A_845 = tpu.bitcast %shift_left3A_844 : vector<16xi32> -> vector<16xf32>
        %shift_left3A_846 = arith.constant 16 : i32
        %shift_left3A_847 = vector.broadcast %shift_left3A_846 : i32 to vector<16xi32>
        %shift_left3A_848 = arith.shli %get3A_841, %shift_left3A_847 : vector<16xi32>
        %bitcast_convert_type3A_849 = tpu.bitcast %shift_left3A_848 : vector<16xi32> -> vector<16xf32>
        %bitcast_convert_type3A_850 = tpu.bitcast %get3A_837 : vector<16xi32> -> vector<16xf32>
        %bitcast_convert_type3A_851 = tpu.bitcast %get3A_841 : vector<16xi32> -> vector<16xf32>
        %mul3A_852 = arith.mulf %bitcast_convert_type3A_845, %bitcast_convert_type3A_849 : vector<16xf32>
        %mul3A_853 = arith.mulf %bitcast_convert_type3A_850, %bitcast_convert_type3A_851 : vector<16xf32>
        %add3A_854 = arith.addf %mul3A_852, %mul3A_853 : vector<16xf32>
        %add3A_855 = arith.addf %add3A_833, %add3A_854 : vector<16xf32>
        %get3A_856 = arith.index_cast %add3A_812 : i32 to index
        %get3A_857 = arith.constant 32 : index
        %get3A_858 = tpu.vector_load %arg9[%get3A_856, %get3A_857] {strides = array<i32>} : memref<256x64xi32, #tpu.memory_space<vmem>>, vector<1x16xi32>,
        %get3A_859 = vector.shape_cast %get3A_858 : vector<1x16xi32> to vector<16xi32>
        %get3A_860 = arith.index_cast %add3A_812 : i32 to index
        %get3A_861 = arith.constant 32 : index
        %get3A_862 = tpu.vector_load %arg10[%get3A_860, %get3A_861] {strides = array<i32>} : memref<256x64xi32, #tpu.memory_space<vmem>>, vector<1x16xi32>,
        %get3A_863 = vector.shape_cast %get3A_862 : vector<1x16xi32> to vector<16xi32>
        %shift_left3A_864 = arith.constant 16 : i32
        %shift_left3A_865 = vector.broadcast %shift_left3A_864 : i32 to vector<16xi32>
        %shift_left3A_866 = arith.shli %get3A_859, %shift_left3A_865 : vector<16xi32>
        %bitcast_convert_type3A_867 = tpu.bitcast %shift_left3A_866 : vector<16xi32> -> vector<16xf32>
        %shift_left3A_868 = arith.constant 16 : i32
        %shift_left3A_869 = vector.broadcast %shift_left3A_868 : i32 to vector<16xi32>
        %shift_left3A_870 = arith.shli %get3A_863, %shift_left3A_869 : vector<16xi32>
        %bitcast_convert_type3A_871 = tpu.bitcast %shift_left3A_870 : vector<16xi32> -> vector<16xf32>
        %bitcast_convert_type3A_872 = tpu.bitcast %get3A_859 : vector<16xi32> -> vector<16xf32>
        %bitcast_convert_type3A_873 = tpu.bitcast %get3A_863 : vector<16xi32> -> vector<16xf32>
        %mul3A_874 = arith.mulf %bitcast_convert_type3A_867, %bitcast_convert_type3A_871 : vector<16xf32>
        %mul3A_875 = arith.mulf %bitcast_convert_type3A_872, %bitcast_convert_type3A_873 : vector<16xf32>
        %add3A_876 = arith.addf %mul3A_874, %mul3A_875 : vector<16xf32>
        %add3A_877 = arith.addf %add3A_855, %add3A_876 : vector<16xf32>
        %get3A_878 = arith.index_cast %add3A_812 : i32 to index
        %get3A_879 = arith.constant 48 : index
        %get3A_880 = tpu.vector_load %arg9[%get3A_878, %get3A_879] {strides = array<i32>} : memref<256x64xi32, #tpu.memory_space<vmem>>, vector<1x16xi32>,
        %get3A_881 = vector.shape_cast %get3A_880 : vector<1x16xi32> to vector<16xi32>
        %get3A_882 = arith.index_cast %add3A_812 : i32 to index
        %get3A_883 = arith.constant 48 : index
        %get3A_884 = tpu.vector_load %arg10[%get3A_882, %get3A_883] {strides = array<i32>} : memref<256x64xi32, #tpu.memory_space<vmem>>, vector<1x16xi32>,
        %get3A_885 = vector.shape_cast %get3A_884 : vector<1x16xi32> to vector<16xi32>
        %shift_left3A_886 = arith.constant 16 : i32
        %shift_left3A_887 = vector.broadcast %shift_left3A_886 : i32 to vector<16xi32>
        %shift_left3A_888 = arith.shli %get3A_881, %shift_left3A_887 : vector<16xi32>
        %bitcast_convert_type3A_889 = tpu.bitcast %shift_left3A_888 : vector<16xi32> -> vector<16xf32>
        %shift_left3A_890 = arith.constant 16 : i32
        %shift_left3A_891 = vector.broadcast %shift_left3A_890 : i32 to vector<16xi32>
        %shift_left3A_892 = arith.shli %get3A_885, %shift_left3A_891 : vector<16xi32>
        %bitcast_convert_type3A_893 = tpu.bitcast %shift_left3A_892 : vector<16xi32> -> vector<16xf32>
        %bitcast_convert_type3A_894 = tpu.bitcast %get3A_881 : vector<16xi32> -> vector<16xf32>
        %bitcast_convert_type3A_895 = tpu.bitcast %get3A_885 : vector<16xi32> -> vector<16xf32>
        %mul3A_896 = arith.mulf %bitcast_convert_type3A_889, %bitcast_convert_type3A_893 : vector<16xf32>
        %mul3A_897 = arith.mulf %bitcast_convert_type3A_894, %bitcast_convert_type3A_895 : vector<16xf32>
        %add3A_898 = arith.addf %mul3A_896, %mul3A_897 : vector<16xf32>
        %add3A_899 = arith.addf %add3A_877, %add3A_898 : vector<16xf32>
        %xor3A_900 = arith.constant 8 : i32
        %xor3A_901 = vector.broadcast %xor3A_900 : i32 to vector<16xi32>
        %xor3A_902 = arith.xori %iota3A, %xor3A_901 : vector<16xi32>
        %broadcast_in_dim3A_903 = vector.shape_cast %xor3A_902 : vector<16xi32> to vector<16x1xi32>
        %gather3A_904 = vector.shape_cast %broadcast_in_dim3A_903 : vector<16x1xi32> to vector<16xi32>
        %gather3A_905 = tpu.dynamic_gather %add3A_808[%gather3A_904] in [0] : vector<16xf32>, vector<16xi32> -> vector<16xf32>
        %add3A_906 = arith.addf %add3A_808, %gather3A_905 : vector<16xf32>
        %xor3A_907 = arith.constant 8 : i32
        %xor3A_908 = vector.broadcast %xor3A_907 : i32 to vector<16xi32>
        %xor3A_909 = arith.xori %iota3A, %xor3A_908 : vector<16xi32>
        %broadcast_in_dim3A_910 = vector.shape_cast %xor3A_909 : vector<16xi32> to vector<16x1xi32>
        %gather3A_911 = vector.shape_cast %broadcast_in_dim3A_910 : vector<16x1xi32> to vector<16xi32>
        %gather3A_912 = tpu.dynamic_gather %add3A_899[%gather3A_911] in [0] : vector<16xf32>, vector<16xi32> -> vector<16xf32>
        %add3A_913 = arith.addf %add3A_899, %gather3A_912 : vector<16xf32>
        %select_n3A_914 = arith.select %eq3A_6, %add3A_906, %add3A_913 : vector<16xi1>, vector<16xf32>
        %add3A_915 = arith.constant 4 : i32
        %add3A_916 = arith.addi %mul3A_141, %add3A_915 : i32
        %get3A_917 = arith.index_cast %add3A_916 : i32 to index
        %get3A_918 = arith.constant 0 : index
        %get3A_919 = tpu.vector_load %arg9[%get3A_917, %get3A_918] {strides = array<i32>} : memref<256x64xi32, #tpu.memory_space<vmem>>, vector<1x16xi32>,
        %get3A_920 = vector.shape_cast %get3A_919 : vector<1x16xi32> to vector<16xi32>
        %get3A_921 = arith.index_cast %add3A_916 : i32 to index
        %get3A_922 = arith.constant 0 : index
        %get3A_923 = tpu.vector_load %arg10[%get3A_921, %get3A_922] {strides = array<i32>} : memref<256x64xi32, #tpu.memory_space<vmem>>, vector<1x16xi32>,
        %get3A_924 = vector.shape_cast %get3A_923 : vector<1x16xi32> to vector<16xi32>
        %shift_left3A_925 = arith.constant 16 : i32
        %shift_left3A_926 = vector.broadcast %shift_left3A_925 : i32 to vector<16xi32>
        %shift_left3A_927 = arith.shli %get3A_920, %shift_left3A_926 : vector<16xi32>
        %bitcast_convert_type3A_928 = tpu.bitcast %shift_left3A_927 : vector<16xi32> -> vector<16xf32>
        %shift_left3A_929 = arith.constant 16 : i32
        %shift_left3A_930 = vector.broadcast %shift_left3A_929 : i32 to vector<16xi32>
        %shift_left3A_931 = arith.shli %get3A_924, %shift_left3A_930 : vector<16xi32>
        %bitcast_convert_type3A_932 = tpu.bitcast %shift_left3A_931 : vector<16xi32> -> vector<16xf32>
        %bitcast_convert_type3A_933 = tpu.bitcast %get3A_920 : vector<16xi32> -> vector<16xf32>
        %bitcast_convert_type3A_934 = tpu.bitcast %get3A_924 : vector<16xi32> -> vector<16xf32>
        %mul3A_935 = arith.mulf %bitcast_convert_type3A_928, %bitcast_convert_type3A_932 : vector<16xf32>
        %mul3A_936 = arith.mulf %bitcast_convert_type3A_933, %bitcast_convert_type3A_934 : vector<16xf32>
        %add3A_937 = arith.addf %mul3A_935, %mul3A_936 : vector<16xf32>
        %get3A_938 = arith.index_cast %add3A_916 : i32 to index
        %get3A_939 = arith.constant 16 : index
        %get3A_940 = tpu.vector_load %arg9[%get3A_938, %get3A_939] {strides = array<i32>} : memref<256x64xi32, #tpu.memory_space<vmem>>, vector<1x16xi32>,
        %get3A_941 = vector.shape_cast %get3A_940 : vector<1x16xi32> to vector<16xi32>
        %get3A_942 = arith.index_cast %add3A_916 : i32 to index
        %get3A_943 = arith.constant 16 : index
        %get3A_944 = tpu.vector_load %arg10[%get3A_942, %get3A_943] {strides = array<i32>} : memref<256x64xi32, #tpu.memory_space<vmem>>, vector<1x16xi32>,
        %get3A_945 = vector.shape_cast %get3A_944 : vector<1x16xi32> to vector<16xi32>
        %shift_left3A_946 = arith.constant 16 : i32
        %shift_left3A_947 = vector.broadcast %shift_left3A_946 : i32 to vector<16xi32>
        %shift_left3A_948 = arith.shli %get3A_941, %shift_left3A_947 : vector<16xi32>
        %bitcast_convert_type3A_949 = tpu.bitcast %shift_left3A_948 : vector<16xi32> -> vector<16xf32>
        %shift_left3A_950 = arith.constant 16 : i32
        %shift_left3A_951 = vector.broadcast %shift_left3A_950 : i32 to vector<16xi32>
        %shift_left3A_952 = arith.shli %get3A_945, %shift_left3A_951 : vector<16xi32>
        %bitcast_convert_type3A_953 = tpu.bitcast %shift_left3A_952 : vector<16xi32> -> vector<16xf32>
        %bitcast_convert_type3A_954 = tpu.bitcast %get3A_941 : vector<16xi32> -> vector<16xf32>
        %bitcast_convert_type3A_955 = tpu.bitcast %get3A_945 : vector<16xi32> -> vector<16xf32>
        %mul3A_956 = arith.mulf %bitcast_convert_type3A_949, %bitcast_convert_type3A_953 : vector<16xf32>
        %mul3A_957 = arith.mulf %bitcast_convert_type3A_954, %bitcast_convert_type3A_955 : vector<16xf32>
        %add3A_958 = arith.addf %mul3A_956, %mul3A_957 : vector<16xf32>
        %add3A_959 = arith.addf %add3A_937, %add3A_958 : vector<16xf32>
        %get3A_960 = arith.index_cast %add3A_916 : i32 to index
        %get3A_961 = arith.constant 32 : index
        %get3A_962 = tpu.vector_load %arg9[%get3A_960, %get3A_961] {strides = array<i32>} : memref<256x64xi32, #tpu.memory_space<vmem>>, vector<1x16xi32>,
        %get3A_963 = vector.shape_cast %get3A_962 : vector<1x16xi32> to vector<16xi32>
        %get3A_964 = arith.index_cast %add3A_916 : i32 to index
        %get3A_965 = arith.constant 32 : index
        %get3A_966 = tpu.vector_load %arg10[%get3A_964, %get3A_965] {strides = array<i32>} : memref<256x64xi32, #tpu.memory_space<vmem>>, vector<1x16xi32>,
        %get3A_967 = vector.shape_cast %get3A_966 : vector<1x16xi32> to vector<16xi32>
        %shift_left3A_968 = arith.constant 16 : i32
        %shift_left3A_969 = vector.broadcast %shift_left3A_968 : i32 to vector<16xi32>
        %shift_left3A_970 = arith.shli %get3A_963, %shift_left3A_969 : vector<16xi32>
        %bitcast_convert_type3A_971 = tpu.bitcast %shift_left3A_970 : vector<16xi32> -> vector<16xf32>
        %shift_left3A_972 = arith.constant 16 : i32
        %shift_left3A_973 = vector.broadcast %shift_left3A_972 : i32 to vector<16xi32>
        %shift_left3A_974 = arith.shli %get3A_967, %shift_left3A_973 : vector<16xi32>
        %bitcast_convert_type3A_975 = tpu.bitcast %shift_left3A_974 : vector<16xi32> -> vector<16xf32>
        %bitcast_convert_type3A_976 = tpu.bitcast %get3A_963 : vector<16xi32> -> vector<16xf32>
        %bitcast_convert_type3A_977 = tpu.bitcast %get3A_967 : vector<16xi32> -> vector<16xf32>
        %mul3A_978 = arith.mulf %bitcast_convert_type3A_971, %bitcast_convert_type3A_975 : vector<16xf32>
        %mul3A_979 = arith.mulf %bitcast_convert_type3A_976, %bitcast_convert_type3A_977 : vector<16xf32>
        %add3A_980 = arith.addf %mul3A_978, %mul3A_979 : vector<16xf32>
        %add3A_981 = arith.addf %add3A_959, %add3A_980 : vector<16xf32>
        %get3A_982 = arith.index_cast %add3A_916 : i32 to index
        %get3A_983 = arith.constant 48 : index
        %get3A_984 = tpu.vector_load %arg9[%get3A_982, %get3A_983] {strides = array<i32>} : memref<256x64xi32, #tpu.memory_space<vmem>>, vector<1x16xi32>,
        %get3A_985 = vector.shape_cast %get3A_984 : vector<1x16xi32> to vector<16xi32>
        %get3A_986 = arith.index_cast %add3A_916 : i32 to index
        %get3A_987 = arith.constant 48 : index
        %get3A_988 = tpu.vector_load %arg10[%get3A_986, %get3A_987] {strides = array<i32>} : memref<256x64xi32, #tpu.memory_space<vmem>>, vector<1x16xi32>,
        %get3A_989 = vector.shape_cast %get3A_988 : vector<1x16xi32> to vector<16xi32>
        %shift_left3A_990 = arith.constant 16 : i32
        %shift_left3A_991 = vector.broadcast %shift_left3A_990 : i32 to vector<16xi32>
        %shift_left3A_992 = arith.shli %get3A_985, %shift_left3A_991 : vector<16xi32>
        %bitcast_convert_type3A_993 = tpu.bitcast %shift_left3A_992 : vector<16xi32> -> vector<16xf32>
        %shift_left3A_994 = arith.constant 16 : i32
        %shift_left3A_995 = vector.broadcast %shift_left3A_994 : i32 to vector<16xi32>
        %shift_left3A_996 = arith.shli %get3A_989, %shift_left3A_995 : vector<16xi32>
        %bitcast_convert_type3A_997 = tpu.bitcast %shift_left3A_996 : vector<16xi32> -> vector<16xf32>
        %bitcast_convert_type3A_998 = tpu.bitcast %get3A_985 : vector<16xi32> -> vector<16xf32>
        %bitcast_convert_type3A_999 = tpu.bitcast %get3A_989 : vector<16xi32> -> vector<16xf32>
        %mul3A_1000 = arith.mulf %bitcast_convert_type3A_993, %bitcast_convert_type3A_997 : vector<16xf32>
        %mul3A_1001 = arith.mulf %bitcast_convert_type3A_998, %bitcast_convert_type3A_999 : vector<16xf32>
        %add3A_1002 = arith.addf %mul3A_1000, %mul3A_1001 : vector<16xf32>
        %add3A_1003 = arith.addf %add3A_981, %add3A_1002 : vector<16xf32>
        %add3A_1004 = arith.constant 4 : i32
        %add3A_1005 = arith.addi %mul3A_141, %add3A_1004 : i32
        %add3A_1006 = arith.constant 8 : i32
        %add3A_1007 = arith.addi %add3A_1005, %add3A_1006 : i32
        %get3A_1008 = arith.index_cast %add3A_1007 : i32 to index
        %get3A_1009 = arith.constant 0 : index
        %get3A_1010 = tpu.vector_load %arg9[%get3A_1008, %get3A_1009] {strides = array<i32>} : memref<256x64xi32, #tpu.memory_space<vmem>>, vector<1x16xi32>,
        %get3A_1011 = vector.shape_cast %get3A_1010 : vector<1x16xi32> to vector<16xi32>
        %get3A_1012 = arith.index_cast %add3A_1007 : i32 to index
        %get3A_1013 = arith.constant 0 : index
        %get3A_1014 = tpu.vector_load %arg10[%get3A_1012, %get3A_1013] {strides = array<i32>} : memref<256x64xi32, #tpu.memory_space<vmem>>, vector<1x16xi32>,
        %get3A_1015 = vector.shape_cast %get3A_1014 : vector<1x16xi32> to vector<16xi32>
        %shift_left3A_1016 = arith.constant 16 : i32
        %shift_left3A_1017 = vector.broadcast %shift_left3A_1016 : i32 to vector<16xi32>
        %shift_left3A_1018 = arith.shli %get3A_1011, %shift_left3A_1017 : vector<16xi32>
        %bitcast_convert_type3A_1019 = tpu.bitcast %shift_left3A_1018 : vector<16xi32> -> vector<16xf32>
        %shift_left3A_1020 = arith.constant 16 : i32
        %shift_left3A_1021 = vector.broadcast %shift_left3A_1020 : i32 to vector<16xi32>
        %shift_left3A_1022 = arith.shli %get3A_1015, %shift_left3A_1021 : vector<16xi32>
        %bitcast_convert_type3A_1023 = tpu.bitcast %shift_left3A_1022 : vector<16xi32> -> vector<16xf32>
        %bitcast_convert_type3A_1024 = tpu.bitcast %get3A_1011 : vector<16xi32> -> vector<16xf32>
        %bitcast_convert_type3A_1025 = tpu.bitcast %get3A_1015 : vector<16xi32> -> vector<16xf32>
        %mul3A_1026 = arith.mulf %bitcast_convert_type3A_1019, %bitcast_convert_type3A_1023 : vector<16xf32>
        %mul3A_1027 = arith.mulf %bitcast_convert_type3A_1024, %bitcast_convert_type3A_1025 : vector<16xf32>
        %add3A_1028 = arith.addf %mul3A_1026, %mul3A_1027 : vector<16xf32>
        %get3A_1029 = arith.index_cast %add3A_1007 : i32 to index
        %get3A_1030 = arith.constant 16 : index
        %get3A_1031 = tpu.vector_load %arg9[%get3A_1029, %get3A_1030] {strides = array<i32>} : memref<256x64xi32, #tpu.memory_space<vmem>>, vector<1x16xi32>,
        %get3A_1032 = vector.shape_cast %get3A_1031 : vector<1x16xi32> to vector<16xi32>
        %get3A_1033 = arith.index_cast %add3A_1007 : i32 to index
        %get3A_1034 = arith.constant 16 : index
        %get3A_1035 = tpu.vector_load %arg10[%get3A_1033, %get3A_1034] {strides = array<i32>} : memref<256x64xi32, #tpu.memory_space<vmem>>, vector<1x16xi32>,
        %get3A_1036 = vector.shape_cast %get3A_1035 : vector<1x16xi32> to vector<16xi32>
        %shift_left3A_1037 = arith.constant 16 : i32
        %shift_left3A_1038 = vector.broadcast %shift_left3A_1037 : i32 to vector<16xi32>
        %shift_left3A_1039 = arith.shli %get3A_1032, %shift_left3A_1038 : vector<16xi32>
        %bitcast_convert_type3A_1040 = tpu.bitcast %shift_left3A_1039 : vector<16xi32> -> vector<16xf32>
        %shift_left3A_1041 = arith.constant 16 : i32
        %shift_left3A_1042 = vector.broadcast %shift_left3A_1041 : i32 to vector<16xi32>
        %shift_left3A_1043 = arith.shli %get3A_1036, %shift_left3A_1042 : vector<16xi32>
        %bitcast_convert_type3A_1044 = tpu.bitcast %shift_left3A_1043 : vector<16xi32> -> vector<16xf32>
        %bitcast_convert_type3A_1045 = tpu.bitcast %get3A_1032 : vector<16xi32> -> vector<16xf32>
        %bitcast_convert_type3A_1046 = tpu.bitcast %get3A_1036 : vector<16xi32> -> vector<16xf32>
        %mul3A_1047 = arith.mulf %bitcast_convert_type3A_1040, %bitcast_convert_type3A_1044 : vector<16xf32>
        %mul3A_1048 = arith.mulf %bitcast_convert_type3A_1045, %bitcast_convert_type3A_1046 : vector<16xf32>
        %add3A_1049 = arith.addf %mul3A_1047, %mul3A_1048 : vector<16xf32>
        %add3A_1050 = arith.addf %add3A_1028, %add3A_1049 : vector<16xf32>
        %get3A_1051 = arith.index_cast %add3A_1007 : i32 to index
        %get3A_1052 = arith.constant 32 : index
        %get3A_1053 = tpu.vector_load %arg9[%get3A_1051, %get3A_1052] {strides = array<i32>} : memref<256x64xi32, #tpu.memory_space<vmem>>, vector<1x16xi32>,
        %get3A_1054 = vector.shape_cast %get3A_1053 : vector<1x16xi32> to vector<16xi32>
        %get3A_1055 = arith.index_cast %add3A_1007 : i32 to index
        %get3A_1056 = arith.constant 32 : index
        %get3A_1057 = tpu.vector_load %arg10[%get3A_1055, %get3A_1056] {strides = array<i32>} : memref<256x64xi32, #tpu.memory_space<vmem>>, vector<1x16xi32>,
        %get3A_1058 = vector.shape_cast %get3A_1057 : vector<1x16xi32> to vector<16xi32>
        %shift_left3A_1059 = arith.constant 16 : i32
        %shift_left3A_1060 = vector.broadcast %shift_left3A_1059 : i32 to vector<16xi32>
        %shift_left3A_1061 = arith.shli %get3A_1054, %shift_left3A_1060 : vector<16xi32>
        %bitcast_convert_type3A_1062 = tpu.bitcast %shift_left3A_1061 : vector<16xi32> -> vector<16xf32>
        %shift_left3A_1063 = arith.constant 16 : i32
        %shift_left3A_1064 = vector.broadcast %shift_left3A_1063 : i32 to vector<16xi32>
        %shift_left3A_1065 = arith.shli %get3A_1058, %shift_left3A_1064 : vector<16xi32>
        %bitcast_convert_type3A_1066 = tpu.bitcast %shift_left3A_1065 : vector<16xi32> -> vector<16xf32>
        %bitcast_convert_type3A_1067 = tpu.bitcast %get3A_1054 : vector<16xi32> -> vector<16xf32>
        %bitcast_convert_type3A_1068 = tpu.bitcast %get3A_1058 : vector<16xi32> -> vector<16xf32>
        %mul3A_1069 = arith.mulf %bitcast_convert_type3A_1062, %bitcast_convert_type3A_1066 : vector<16xf32>
        %mul3A_1070 = arith.mulf %bitcast_convert_type3A_1067, %bitcast_convert_type3A_1068 : vector<16xf32>
        %add3A_1071 = arith.addf %mul3A_1069, %mul3A_1070 : vector<16xf32>
        %add3A_1072 = arith.addf %add3A_1050, %add3A_1071 : vector<16xf32>
        %get3A_1073 = arith.index_cast %add3A_1007 : i32 to index
        %get3A_1074 = arith.constant 48 : index
        %get3A_1075 = tpu.vector_load %arg9[%get3A_1073, %get3A_1074] {strides = array<i32>} : memref<256x64xi32, #tpu.memory_space<vmem>>, vector<1x16xi32>,
        %get3A_1076 = vector.shape_cast %get3A_1075 : vector<1x16xi32> to vector<16xi32>
        %get3A_1077 = arith.index_cast %add3A_1007 : i32 to index
        %get3A_1078 = arith.constant 48 : index
        %get3A_1079 = tpu.vector_load %arg10[%get3A_1077, %get3A_1078] {strides = array<i32>} : memref<256x64xi32, #tpu.memory_space<vmem>>, vector<1x16xi32>,
        %get3A_1080 = vector.shape_cast %get3A_1079 : vector<1x16xi32> to vector<16xi32>
        %shift_left3A_1081 = arith.constant 16 : i32
        %shift_left3A_1082 = vector.broadcast %shift_left3A_1081 : i32 to vector<16xi32>
        %shift_left3A_1083 = arith.shli %get3A_1076, %shift_left3A_1082 : vector<16xi32>
        %bitcast_convert_type3A_1084 = tpu.bitcast %shift_left3A_1083 : vector<16xi32> -> vector<16xf32>
        %shift_left3A_1085 = arith.constant 16 : i32
        %shift_left3A_1086 = vector.broadcast %shift_left3A_1085 : i32 to vector<16xi32>
        %shift_left3A_1087 = arith.shli %get3A_1080, %shift_left3A_1086 : vector<16xi32>
        %bitcast_convert_type3A_1088 = tpu.bitcast %shift_left3A_1087 : vector<16xi32> -> vector<16xf32>
        %bitcast_convert_type3A_1089 = tpu.bitcast %get3A_1076 : vector<16xi32> -> vector<16xf32>
        %bitcast_convert_type3A_1090 = tpu.bitcast %get3A_1080 : vector<16xi32> -> vector<16xf32>
        %mul3A_1091 = arith.mulf %bitcast_convert_type3A_1084, %bitcast_convert_type3A_1088 : vector<16xf32>
        %mul3A_1092 = arith.mulf %bitcast_convert_type3A_1089, %bitcast_convert_type3A_1090 : vector<16xf32>
        %add3A_1093 = arith.addf %mul3A_1091, %mul3A_1092 : vector<16xf32>
        %add3A_1094 = arith.addf %add3A_1072, %add3A_1093 : vector<16xf32>
        %xor3A_1095 = arith.constant 8 : i32
        %xor3A_1096 = vector.broadcast %xor3A_1095 : i32 to vector<16xi32>
        %xor3A_1097 = arith.xori %iota3A, %xor3A_1096 : vector<16xi32>
        %broadcast_in_dim3A_1098 = vector.shape_cast %xor3A_1097 : vector<16xi32> to vector<16x1xi32>
        %gather3A_1099 = vector.shape_cast %broadcast_in_dim3A_1098 : vector<16x1xi32> to vector<16xi32>
        %gather3A_1100 = tpu.dynamic_gather %add3A_1003[%gather3A_1099] in [0] : vector<16xf32>, vector<16xi32> -> vector<16xf32>
        %add3A_1101 = arith.addf %add3A_1003, %gather3A_1100 : vector<16xf32>
        %xor3A_1102 = arith.constant 8 : i32
        %xor3A_1103 = vector.broadcast %xor3A_1102 : i32 to vector<16xi32>
        %xor3A_1104 = arith.xori %iota3A, %xor3A_1103 : vector<16xi32>
        %broadcast_in_dim3A_1105 = vector.shape_cast %xor3A_1104 : vector<16xi32> to vector<16x1xi32>
        %gather3A_1106 = vector.shape_cast %broadcast_in_dim3A_1105 : vector<16x1xi32> to vector<16xi32>
        %gather3A_1107 = tpu.dynamic_gather %add3A_1094[%gather3A_1106] in [0] : vector<16xf32>, vector<16xi32> -> vector<16xf32>
        %add3A_1108 = arith.addf %add3A_1094, %gather3A_1107 : vector<16xf32>
        %select_n3A_1109 = arith.select %eq3A_6, %add3A_1101, %add3A_1108 : vector<16xi1>, vector<16xf32>
        %add3A_1110 = arith.constant 5 : i32
        %add3A_1111 = arith.addi %mul3A_141, %add3A_1110 : i32
        %get3A_1112 = arith.index_cast %add3A_1111 : i32 to index
        %get3A_1113 = arith.constant 0 : index
        %get3A_1114 = tpu.vector_load %arg9[%get3A_1112, %get3A_1113] {strides = array<i32>} : memref<256x64xi32, #tpu.memory_space<vmem>>, vector<1x16xi32>,
        %get3A_1115 = vector.shape_cast %get3A_1114 : vector<1x16xi32> to vector<16xi32>
        %get3A_1116 = arith.index_cast %add3A_1111 : i32 to index
        %get3A_1117 = arith.constant 0 : index
        %get3A_1118 = tpu.vector_load %arg10[%get3A_1116, %get3A_1117] {strides = array<i32>} : memref<256x64xi32, #tpu.memory_space<vmem>>, vector<1x16xi32>,
        %get3A_1119 = vector.shape_cast %get3A_1118 : vector<1x16xi32> to vector<16xi32>
        %shift_left3A_1120 = arith.constant 16 : i32
        %shift_left3A_1121 = vector.broadcast %shift_left3A_1120 : i32 to vector<16xi32>
        %shift_left3A_1122 = arith.shli %get3A_1115, %shift_left3A_1121 : vector<16xi32>
        %bitcast_convert_type3A_1123 = tpu.bitcast %shift_left3A_1122 : vector<16xi32> -> vector<16xf32>
        %shift_left3A_1124 = arith.constant 16 : i32
        %shift_left3A_1125 = vector.broadcast %shift_left3A_1124 : i32 to vector<16xi32>
        %shift_left3A_1126 = arith.shli %get3A_1119, %shift_left3A_1125 : vector<16xi32>
        %bitcast_convert_type3A_1127 = tpu.bitcast %shift_left3A_1126 : vector<16xi32> -> vector<16xf32>
        %bitcast_convert_type3A_1128 = tpu.bitcast %get3A_1115 : vector<16xi32> -> vector<16xf32>
        %bitcast_convert_type3A_1129 = tpu.bitcast %get3A_1119 : vector<16xi32> -> vector<16xf32>
        %mul3A_1130 = arith.mulf %bitcast_convert_type3A_1123, %bitcast_convert_type3A_1127 : vector<16xf32>
        %mul3A_1131 = arith.mulf %bitcast_convert_type3A_1128, %bitcast_convert_type3A_1129 : vector<16xf32>
        %add3A_1132 = arith.addf %mul3A_1130, %mul3A_1131 : vector<16xf32>
        %get3A_1133 = arith.index_cast %add3A_1111 : i32 to index
        %get3A_1134 = arith.constant 16 : index
        %get3A_1135 = tpu.vector_load %arg9[%get3A_1133, %get3A_1134] {strides = array<i32>} : memref<256x64xi32, #tpu.memory_space<vmem>>, vector<1x16xi32>,
        %get3A_1136 = vector.shape_cast %get3A_1135 : vector<1x16xi32> to vector<16xi32>
        %get3A_1137 = arith.index_cast %add3A_1111 : i32 to index
        %get3A_1138 = arith.constant 16 : index
        %get3A_1139 = tpu.vector_load %arg10[%get3A_1137, %get3A_1138] {strides = array<i32>} : memref<256x64xi32, #tpu.memory_space<vmem>>, vector<1x16xi32>,
        %get3A_1140 = vector.shape_cast %get3A_1139 : vector<1x16xi32> to vector<16xi32>
        %shift_left3A_1141 = arith.constant 16 : i32
        %shift_left3A_1142 = vector.broadcast %shift_left3A_1141 : i32 to vector<16xi32>
        %shift_left3A_1143 = arith.shli %get3A_1136, %shift_left3A_1142 : vector<16xi32>
        %bitcast_convert_type3A_1144 = tpu.bitcast %shift_left3A_1143 : vector<16xi32> -> vector<16xf32>
        %shift_left3A_1145 = arith.constant 16 : i32
        %shift_left3A_1146 = vector.broadcast %shift_left3A_1145 : i32 to vector<16xi32>
        %shift_left3A_1147 = arith.shli %get3A_1140, %shift_left3A_1146 : vector<16xi32>
        %bitcast_convert_type3A_1148 = tpu.bitcast %shift_left3A_1147 : vector<16xi32> -> vector<16xf32>
        %bitcast_convert_type3A_1149 = tpu.bitcast %get3A_1136 : vector<16xi32> -> vector<16xf32>
        %bitcast_convert_type3A_1150 = tpu.bitcast %get3A_1140 : vector<16xi32> -> vector<16xf32>
        %mul3A_1151 = arith.mulf %bitcast_convert_type3A_1144, %bitcast_convert_type3A_1148 : vector<16xf32>
        %mul3A_1152 = arith.mulf %bitcast_convert_type3A_1149, %bitcast_convert_type3A_1150 : vector<16xf32>
        %add3A_1153 = arith.addf %mul3A_1151, %mul3A_1152 : vector<16xf32>
        %add3A_1154 = arith.addf %add3A_1132, %add3A_1153 : vector<16xf32>
        %get3A_1155 = arith.index_cast %add3A_1111 : i32 to index
        %get3A_1156 = arith.constant 32 : index
        %get3A_1157 = tpu.vector_load %arg9[%get3A_1155, %get3A_1156] {strides = array<i32>} : memref<256x64xi32, #tpu.memory_space<vmem>>, vector<1x16xi32>,
        %get3A_1158 = vector.shape_cast %get3A_1157 : vector<1x16xi32> to vector<16xi32>
        %get3A_1159 = arith.index_cast %add3A_1111 : i32 to index
        %get3A_1160 = arith.constant 32 : index
        %get3A_1161 = tpu.vector_load %arg10[%get3A_1159, %get3A_1160] {strides = array<i32>} : memref<256x64xi32, #tpu.memory_space<vmem>>, vector<1x16xi32>,
        %get3A_1162 = vector.shape_cast %get3A_1161 : vector<1x16xi32> to vector<16xi32>
        %shift_left3A_1163 = arith.constant 16 : i32
        %shift_left3A_1164 = vector.broadcast %shift_left3A_1163 : i32 to vector<16xi32>
        %shift_left3A_1165 = arith.shli %get3A_1158, %shift_left3A_1164 : vector<16xi32>
        %bitcast_convert_type3A_1166 = tpu.bitcast %shift_left3A_1165 : vector<16xi32> -> vector<16xf32>
        %shift_left3A_1167 = arith.constant 16 : i32
        %shift_left3A_1168 = vector.broadcast %shift_left3A_1167 : i32 to vector<16xi32>
        %shift_left3A_1169 = arith.shli %get3A_1162, %shift_left3A_1168 : vector<16xi32>
        %bitcast_convert_type3A_1170 = tpu.bitcast %shift_left3A_1169 : vector<16xi32> -> vector<16xf32>
        %bitcast_convert_type3A_1171 = tpu.bitcast %get3A_1158 : vector<16xi32> -> vector<16xf32>
        %bitcast_convert_type3A_1172 = tpu.bitcast %get3A_1162 : vector<16xi32> -> vector<16xf32>
        %mul3A_1173 = arith.mulf %bitcast_convert_type3A_1166, %bitcast_convert_type3A_1170 : vector<16xf32>
        %mul3A_1174 = arith.mulf %bitcast_convert_type3A_1171, %bitcast_convert_type3A_1172 : vector<16xf32>
        %add3A_1175 = arith.addf %mul3A_1173, %mul3A_1174 : vector<16xf32>
        %add3A_1176 = arith.addf %add3A_1154, %add3A_1175 : vector<16xf32>
        %get3A_1177 = arith.index_cast %add3A_1111 : i32 to index
        %get3A_1178 = arith.constant 48 : index
        %get3A_1179 = tpu.vector_load %arg9[%get3A_1177, %get3A_1178] {strides = array<i32>} : memref<256x64xi32, #tpu.memory_space<vmem>>, vector<1x16xi32>,
        %get3A_1180 = vector.shape_cast %get3A_1179 : vector<1x16xi32> to vector<16xi32>
        %get3A_1181 = arith.index_cast %add3A_1111 : i32 to index
        %get3A_1182 = arith.constant 48 : index
        %get3A_1183 = tpu.vector_load %arg10[%get3A_1181, %get3A_1182] {strides = array<i32>} : memref<256x64xi32, #tpu.memory_space<vmem>>, vector<1x16xi32>,
        %get3A_1184 = vector.shape_cast %get3A_1183 : vector<1x16xi32> to vector<16xi32>
        %shift_left3A_1185 = arith.constant 16 : i32
        %shift_left3A_1186 = vector.broadcast %shift_left3A_1185 : i32 to vector<16xi32>
        %shift_left3A_1187 = arith.shli %get3A_1180, %shift_left3A_1186 : vector<16xi32>
        %bitcast_convert_type3A_1188 = tpu.bitcast %shift_left3A_1187 : vector<16xi32> -> vector<16xf32>
        %shift_left3A_1189 = arith.constant 16 : i32
        %shift_left3A_1190 = vector.broadcast %shift_left3A_1189 : i32 to vector<16xi32>
        %shift_left3A_1191 = arith.shli %get3A_1184, %shift_left3A_1190 : vector<16xi32>
        %bitcast_convert_type3A_1192 = tpu.bitcast %shift_left3A_1191 : vector<16xi32> -> vector<16xf32>
        %bitcast_convert_type3A_1193 = tpu.bitcast %get3A_1180 : vector<16xi32> -> vector<16xf32>
        %bitcast_convert_type3A_1194 = tpu.bitcast %get3A_1184 : vector<16xi32> -> vector<16xf32>
        %mul3A_1195 = arith.mulf %bitcast_convert_type3A_1188, %bitcast_convert_type3A_1192 : vector<16xf32>
        %mul3A_1196 = arith.mulf %bitcast_convert_type3A_1193, %bitcast_convert_type3A_1194 : vector<16xf32>
        %add3A_1197 = arith.addf %mul3A_1195, %mul3A_1196 : vector<16xf32>
        %add3A_1198 = arith.addf %add3A_1176, %add3A_1197 : vector<16xf32>
        %add3A_1199 = arith.constant 5 : i32
        %add3A_1200 = arith.addi %mul3A_141, %add3A_1199 : i32
        %add3A_1201 = arith.constant 8 : i32
        %add3A_1202 = arith.addi %add3A_1200, %add3A_1201 : i32
        %get3A_1203 = arith.index_cast %add3A_1202 : i32 to index
        %get3A_1204 = arith.constant 0 : index
        %get3A_1205 = tpu.vector_load %arg9[%get3A_1203, %get3A_1204] {strides = array<i32>} : memref<256x64xi32, #tpu.memory_space<vmem>>, vector<1x16xi32>,
        %get3A_1206 = vector.shape_cast %get3A_1205 : vector<1x16xi32> to vector<16xi32>
        %get3A_1207 = arith.index_cast %add3A_1202 : i32 to index
        %get3A_1208 = arith.constant 0 : index
        %get3A_1209 = tpu.vector_load %arg10[%get3A_1207, %get3A_1208] {strides = array<i32>} : memref<256x64xi32, #tpu.memory_space<vmem>>, vector<1x16xi32>,
        %get3A_1210 = vector.shape_cast %get3A_1209 : vector<1x16xi32> to vector<16xi32>
        %shift_left3A_1211 = arith.constant 16 : i32
        %shift_left3A_1212 = vector.broadcast %shift_left3A_1211 : i32 to vector<16xi32>
        %shift_left3A_1213 = arith.shli %get3A_1206, %shift_left3A_1212 : vector<16xi32>
        %bitcast_convert_type3A_1214 = tpu.bitcast %shift_left3A_1213 : vector<16xi32> -> vector<16xf32>
        %shift_left3A_1215 = arith.constant 16 : i32
        %shift_left3A_1216 = vector.broadcast %shift_left3A_1215 : i32 to vector<16xi32>
        %shift_left3A_1217 = arith.shli %get3A_1210, %shift_left3A_1216 : vector<16xi32>
        %bitcast_convert_type3A_1218 = tpu.bitcast %shift_left3A_1217 : vector<16xi32> -> vector<16xf32>
        %bitcast_convert_type3A_1219 = tpu.bitcast %get3A_1206 : vector<16xi32> -> vector<16xf32>
        %bitcast_convert_type3A_1220 = tpu.bitcast %get3A_1210 : vector<16xi32> -> vector<16xf32>
        %mul3A_1221 = arith.mulf %bitcast_convert_type3A_1214, %bitcast_convert_type3A_1218 : vector<16xf32>
        %mul3A_1222 = arith.mulf %bitcast_convert_type3A_1219, %bitcast_convert_type3A_1220 : vector<16xf32>
        %add3A_1223 = arith.addf %mul3A_1221, %mul3A_1222 : vector<16xf32>
        %get3A_1224 = arith.index_cast %add3A_1202 : i32 to index
        %get3A_1225 = arith.constant 16 : index
        %get3A_1226 = tpu.vector_load %arg9[%get3A_1224, %get3A_1225] {strides = array<i32>} : memref<256x64xi32, #tpu.memory_space<vmem>>, vector<1x16xi32>,
        %get3A_1227 = vector.shape_cast %get3A_1226 : vector<1x16xi32> to vector<16xi32>
        %get3A_1228 = arith.index_cast %add3A_1202 : i32 to index
        %get3A_1229 = arith.constant 16 : index
        %get3A_1230 = tpu.vector_load %arg10[%get3A_1228, %get3A_1229] {strides = array<i32>} : memref<256x64xi32, #tpu.memory_space<vmem>>, vector<1x16xi32>,
        %get3A_1231 = vector.shape_cast %get3A_1230 : vector<1x16xi32> to vector<16xi32>
        %shift_left3A_1232 = arith.constant 16 : i32
        %shift_left3A_1233 = vector.broadcast %shift_left3A_1232 : i32 to vector<16xi32>
        %shift_left3A_1234 = arith.shli %get3A_1227, %shift_left3A_1233 : vector<16xi32>
        %bitcast_convert_type3A_1235 = tpu.bitcast %shift_left3A_1234 : vector<16xi32> -> vector<16xf32>
        %shift_left3A_1236 = arith.constant 16 : i32
        %shift_left3A_1237 = vector.broadcast %shift_left3A_1236 : i32 to vector<16xi32>
        %shift_left3A_1238 = arith.shli %get3A_1231, %shift_left3A_1237 : vector<16xi32>
        %bitcast_convert_type3A_1239 = tpu.bitcast %shift_left3A_1238 : vector<16xi32> -> vector<16xf32>
        %bitcast_convert_type3A_1240 = tpu.bitcast %get3A_1227 : vector<16xi32> -> vector<16xf32>
        %bitcast_convert_type3A_1241 = tpu.bitcast %get3A_1231 : vector<16xi32> -> vector<16xf32>
        %mul3A_1242 = arith.mulf %bitcast_convert_type3A_1235, %bitcast_convert_type3A_1239 : vector<16xf32>
        %mul3A_1243 = arith.mulf %bitcast_convert_type3A_1240, %bitcast_convert_type3A_1241 : vector<16xf32>
        %add3A_1244 = arith.addf %mul3A_1242, %mul3A_1243 : vector<16xf32>
        %add3A_1245 = arith.addf %add3A_1223, %add3A_1244 : vector<16xf32>
        %get3A_1246 = arith.index_cast %add3A_1202 : i32 to index
        %get3A_1247 = arith.constant 32 : index
        %get3A_1248 = tpu.vector_load %arg9[%get3A_1246, %get3A_1247] {strides = array<i32>} : memref<256x64xi32, #tpu.memory_space<vmem>>, vector<1x16xi32>,
        %get3A_1249 = vector.shape_cast %get3A_1248 : vector<1x16xi32> to vector<16xi32>
        %get3A_1250 = arith.index_cast %add3A_1202 : i32 to index
        %get3A_1251 = arith.constant 32 : index
        %get3A_1252 = tpu.vector_load %arg10[%get3A_1250, %get3A_1251] {strides = array<i32>} : memref<256x64xi32, #tpu.memory_space<vmem>>, vector<1x16xi32>,
        %get3A_1253 = vector.shape_cast %get3A_1252 : vector<1x16xi32> to vector<16xi32>
        %shift_left3A_1254 = arith.constant 16 : i32
        %shift_left3A_1255 = vector.broadcast %shift_left3A_1254 : i32 to vector<16xi32>
        %shift_left3A_1256 = arith.shli %get3A_1249, %shift_left3A_1255 : vector<16xi32>
        %bitcast_convert_type3A_1257 = tpu.bitcast %shift_left3A_1256 : vector<16xi32> -> vector<16xf32>
        %shift_left3A_1258 = arith.constant 16 : i32
        %shift_left3A_1259 = vector.broadcast %shift_left3A_1258 : i32 to vector<16xi32>
        %shift_left3A_1260 = arith.shli %get3A_1253, %shift_left3A_1259 : vector<16xi32>
        %bitcast_convert_type3A_1261 = tpu.bitcast %shift_left3A_1260 : vector<16xi32> -> vector<16xf32>
        %bitcast_convert_type3A_1262 = tpu.bitcast %get3A_1249 : vector<16xi32> -> vector<16xf32>
        %bitcast_convert_type3A_1263 = tpu.bitcast %get3A_1253 : vector<16xi32> -> vector<16xf32>
        %mul3A_1264 = arith.mulf %bitcast_convert_type3A_1257, %bitcast_convert_type3A_1261 : vector<16xf32>
        %mul3A_1265 = arith.mulf %bitcast_convert_type3A_1262, %bitcast_convert_type3A_1263 : vector<16xf32>
        %add3A_1266 = arith.addf %mul3A_1264, %mul3A_1265 : vector<16xf32>
        %add3A_1267 = arith.addf %add3A_1245, %add3A_1266 : vector<16xf32>
        %get3A_1268 = arith.index_cast %add3A_1202 : i32 to index
        %get3A_1269 = arith.constant 48 : index
        %get3A_1270 = tpu.vector_load %arg9[%get3A_1268, %get3A_1269] {strides = array<i32>} : memref<256x64xi32, #tpu.memory_space<vmem>>, vector<1x16xi32>,
        %get3A_1271 = vector.shape_cast %get3A_1270 : vector<1x16xi32> to vector<16xi32>
        %get3A_1272 = arith.index_cast %add3A_1202 : i32 to index
        %get3A_1273 = arith.constant 48 : index
        %get3A_1274 = tpu.vector_load %arg10[%get3A_1272, %get3A_1273] {strides = array<i32>} : memref<256x64xi32, #tpu.memory_space<vmem>>, vector<1x16xi32>,
        %get3A_1275 = vector.shape_cast %get3A_1274 : vector<1x16xi32> to vector<16xi32>
        %shift_left3A_1276 = arith.constant 16 : i32
        %shift_left3A_1277 = vector.broadcast %shift_left3A_1276 : i32 to vector<16xi32>
        %shift_left3A_1278 = arith.shli %get3A_1271, %shift_left3A_1277 : vector<16xi32>
        %bitcast_convert_type3A_1279 = tpu.bitcast %shift_left3A_1278 : vector<16xi32> -> vector<16xf32>
        %shift_left3A_1280 = arith.constant 16 : i32
        %shift_left3A_1281 = vector.broadcast %shift_left3A_1280 : i32 to vector<16xi32>
        %shift_left3A_1282 = arith.shli %get3A_1275, %shift_left3A_1281 : vector<16xi32>
        %bitcast_convert_type3A_1283 = tpu.bitcast %shift_left3A_1282 : vector<16xi32> -> vector<16xf32>
        %bitcast_convert_type3A_1284 = tpu.bitcast %get3A_1271 : vector<16xi32> -> vector<16xf32>
        %bitcast_convert_type3A_1285 = tpu.bitcast %get3A_1275 : vector<16xi32> -> vector<16xf32>
        %mul3A_1286 = arith.mulf %bitcast_convert_type3A_1279, %bitcast_convert_type3A_1283 : vector<16xf32>
        %mul3A_1287 = arith.mulf %bitcast_convert_type3A_1284, %bitcast_convert_type3A_1285 : vector<16xf32>
        %add3A_1288 = arith.addf %mul3A_1286, %mul3A_1287 : vector<16xf32>
        %add3A_1289 = arith.addf %add3A_1267, %add3A_1288 : vector<16xf32>
        %xor3A_1290 = arith.constant 8 : i32
        %xor3A_1291 = vector.broadcast %xor3A_1290 : i32 to vector<16xi32>
        %xor3A_1292 = arith.xori %iota3A, %xor3A_1291 : vector<16xi32>
        %broadcast_in_dim3A_1293 = vector.shape_cast %xor3A_1292 : vector<16xi32> to vector<16x1xi32>
        %gather3A_1294 = vector.shape_cast %broadcast_in_dim3A_1293 : vector<16x1xi32> to vector<16xi32>
        %gather3A_1295 = tpu.dynamic_gather %add3A_1198[%gather3A_1294] in [0] : vector<16xf32>, vector<16xi32> -> vector<16xf32>
        %add3A_1296 = arith.addf %add3A_1198, %gather3A_1295 : vector<16xf32>
        %xor3A_1297 = arith.constant 8 : i32
        %xor3A_1298 = vector.broadcast %xor3A_1297 : i32 to vector<16xi32>
        %xor3A_1299 = arith.xori %iota3A, %xor3A_1298 : vector<16xi32>
        %broadcast_in_dim3A_1300 = vector.shape_cast %xor3A_1299 : vector<16xi32> to vector<16x1xi32>
        %gather3A_1301 = vector.shape_cast %broadcast_in_dim3A_1300 : vector<16x1xi32> to vector<16xi32>
        %gather3A_1302 = tpu.dynamic_gather %add3A_1289[%gather3A_1301] in [0] : vector<16xf32>, vector<16xi32> -> vector<16xf32>
        %add3A_1303 = arith.addf %add3A_1289, %gather3A_1302 : vector<16xf32>
        %select_n3A_1304 = arith.select %eq3A_6, %add3A_1296, %add3A_1303 : vector<16xi1>, vector<16xf32>
        %add3A_1305 = arith.constant 6 : i32
        %add3A_1306 = arith.addi %mul3A_141, %add3A_1305 : i32
        %get3A_1307 = arith.index_cast %add3A_1306 : i32 to index
        %get3A_1308 = arith.constant 0 : index
        %get3A_1309 = tpu.vector_load %arg9[%get3A_1307, %get3A_1308] {strides = array<i32>} : memref<256x64xi32, #tpu.memory_space<vmem>>, vector<1x16xi32>,
        %get3A_1310 = vector.shape_cast %get3A_1309 : vector<1x16xi32> to vector<16xi32>
        %get3A_1311 = arith.index_cast %add3A_1306 : i32 to index
        %get3A_1312 = arith.constant 0 : index
        %get3A_1313 = tpu.vector_load %arg10[%get3A_1311, %get3A_1312] {strides = array<i32>} : memref<256x64xi32, #tpu.memory_space<vmem>>, vector<1x16xi32>,
        %get3A_1314 = vector.shape_cast %get3A_1313 : vector<1x16xi32> to vector<16xi32>
        %shift_left3A_1315 = arith.constant 16 : i32
        %shift_left3A_1316 = vector.broadcast %shift_left3A_1315 : i32 to vector<16xi32>
        %shift_left3A_1317 = arith.shli %get3A_1310, %shift_left3A_1316 : vector<16xi32>
        %bitcast_convert_type3A_1318 = tpu.bitcast %shift_left3A_1317 : vector<16xi32> -> vector<16xf32>
        %shift_left3A_1319 = arith.constant 16 : i32
        %shift_left3A_1320 = vector.broadcast %shift_left3A_1319 : i32 to vector<16xi32>
        %shift_left3A_1321 = arith.shli %get3A_1314, %shift_left3A_1320 : vector<16xi32>
        %bitcast_convert_type3A_1322 = tpu.bitcast %shift_left3A_1321 : vector<16xi32> -> vector<16xf32>
        %bitcast_convert_type3A_1323 = tpu.bitcast %get3A_1310 : vector<16xi32> -> vector<16xf32>
        %bitcast_convert_type3A_1324 = tpu.bitcast %get3A_1314 : vector<16xi32> -> vector<16xf32>
        %mul3A_1325 = arith.mulf %bitcast_convert_type3A_1318, %bitcast_convert_type3A_1322 : vector<16xf32>
        %mul3A_1326 = arith.mulf %bitcast_convert_type3A_1323, %bitcast_convert_type3A_1324 : vector<16xf32>
        %add3A_1327 = arith.addf %mul3A_1325, %mul3A_1326 : vector<16xf32>
        %get3A_1328 = arith.index_cast %add3A_1306 : i32 to index
        %get3A_1329 = arith.constant 16 : index
        %get3A_1330 = tpu.vector_load %arg9[%get3A_1328, %get3A_1329] {strides = array<i32>} : memref<256x64xi32, #tpu.memory_space<vmem>>, vector<1x16xi32>,
        %get3A_1331 = vector.shape_cast %get3A_1330 : vector<1x16xi32> to vector<16xi32>
        %get3A_1332 = arith.index_cast %add3A_1306 : i32 to index
        %get3A_1333 = arith.constant 16 : index
        %get3A_1334 = tpu.vector_load %arg10[%get3A_1332, %get3A_1333] {strides = array<i32>} : memref<256x64xi32, #tpu.memory_space<vmem>>, vector<1x16xi32>,
        %get3A_1335 = vector.shape_cast %get3A_1334 : vector<1x16xi32> to vector<16xi32>
        %shift_left3A_1336 = arith.constant 16 : i32
        %shift_left3A_1337 = vector.broadcast %shift_left3A_1336 : i32 to vector<16xi32>
        %shift_left3A_1338 = arith.shli %get3A_1331, %shift_left3A_1337 : vector<16xi32>
        %bitcast_convert_type3A_1339 = tpu.bitcast %shift_left3A_1338 : vector<16xi32> -> vector<16xf32>
        %shift_left3A_1340 = arith.constant 16 : i32
        %shift_left3A_1341 = vector.broadcast %shift_left3A_1340 : i32 to vector<16xi32>
        %shift_left3A_1342 = arith.shli %get3A_1335, %shift_left3A_1341 : vector<16xi32>
        %bitcast_convert_type3A_1343 = tpu.bitcast %shift_left3A_1342 : vector<16xi32> -> vector<16xf32>
        %bitcast_convert_type3A_1344 = tpu.bitcast %get3A_1331 : vector<16xi32> -> vector<16xf32>
        %bitcast_convert_type3A_1345 = tpu.bitcast %get3A_1335 : vector<16xi32> -> vector<16xf32>
        %mul3A_1346 = arith.mulf %bitcast_convert_type3A_1339, %bitcast_convert_type3A_1343 : vector<16xf32>
        %mul3A_1347 = arith.mulf %bitcast_convert_type3A_1344, %bitcast_convert_type3A_1345 : vector<16xf32>
        %add3A_1348 = arith.addf %mul3A_1346, %mul3A_1347 : vector<16xf32>
        %add3A_1349 = arith.addf %add3A_1327, %add3A_1348 : vector<16xf32>
        %get3A_1350 = arith.index_cast %add3A_1306 : i32 to index
        %get3A_1351 = arith.constant 32 : index
        %get3A_1352 = tpu.vector_load %arg9[%get3A_1350, %get3A_1351] {strides = array<i32>} : memref<256x64xi32, #tpu.memory_space<vmem>>, vector<1x16xi32>,
        %get3A_1353 = vector.shape_cast %get3A_1352 : vector<1x16xi32> to vector<16xi32>
        %get3A_1354 = arith.index_cast %add3A_1306 : i32 to index
        %get3A_1355 = arith.constant 32 : index
        %get3A_1356 = tpu.vector_load %arg10[%get3A_1354, %get3A_1355] {strides = array<i32>} : memref<256x64xi32, #tpu.memory_space<vmem>>, vector<1x16xi32>,
        %get3A_1357 = vector.shape_cast %get3A_1356 : vector<1x16xi32> to vector<16xi32>
        %shift_left3A_1358 = arith.constant 16 : i32
        %shift_left3A_1359 = vector.broadcast %shift_left3A_1358 : i32 to vector<16xi32>
        %shift_left3A_1360 = arith.shli %get3A_1353, %shift_left3A_1359 : vector<16xi32>
        %bitcast_convert_type3A_1361 = tpu.bitcast %shift_left3A_1360 : vector<16xi32> -> vector<16xf32>
        %shift_left3A_1362 = arith.constant 16 : i32
        %shift_left3A_1363 = vector.broadcast %shift_left3A_1362 : i32 to vector<16xi32>
        %shift_left3A_1364 = arith.shli %get3A_1357, %shift_left3A_1363 : vector<16xi32>
        %bitcast_convert_type3A_1365 = tpu.bitcast %shift_left3A_1364 : vector<16xi32> -> vector<16xf32>
        %bitcast_convert_type3A_1366 = tpu.bitcast %get3A_1353 : vector<16xi32> -> vector<16xf32>
        %bitcast_convert_type3A_1367 = tpu.bitcast %get3A_1357 : vector<16xi32> -> vector<16xf32>
        %mul3A_1368 = arith.mulf %bitcast_convert_type3A_1361, %bitcast_convert_type3A_1365 : vector<16xf32>
        %mul3A_1369 = arith.mulf %bitcast_convert_type3A_1366, %bitcast_convert_type3A_1367 : vector<16xf32>
        %add3A_1370 = arith.addf %mul3A_1368, %mul3A_1369 : vector<16xf32>
        %add3A_1371 = arith.addf %add3A_1349, %add3A_1370 : vector<16xf32>
        %get3A_1372 = arith.index_cast %add3A_1306 : i32 to index
        %get3A_1373 = arith.constant 48 : index
        %get3A_1374 = tpu.vector_load %arg9[%get3A_1372, %get3A_1373] {strides = array<i32>} : memref<256x64xi32, #tpu.memory_space<vmem>>, vector<1x16xi32>,
        %get3A_1375 = vector.shape_cast %get3A_1374 : vector<1x16xi32> to vector<16xi32>
        %get3A_1376 = arith.index_cast %add3A_1306 : i32 to index
        %get3A_1377 = arith.constant 48 : index
        %get3A_1378 = tpu.vector_load %arg10[%get3A_1376, %get3A_1377] {strides = array<i32>} : memref<256x64xi32, #tpu.memory_space<vmem>>, vector<1x16xi32>,
        %get3A_1379 = vector.shape_cast %get3A_1378 : vector<1x16xi32> to vector<16xi32>
        %shift_left3A_1380 = arith.constant 16 : i32
        %shift_left3A_1381 = vector.broadcast %shift_left3A_1380 : i32 to vector<16xi32>
        %shift_left3A_1382 = arith.shli %get3A_1375, %shift_left3A_1381 : vector<16xi32>
        %bitcast_convert_type3A_1383 = tpu.bitcast %shift_left3A_1382 : vector<16xi32> -> vector<16xf32>
        %shift_left3A_1384 = arith.constant 16 : i32
        %shift_left3A_1385 = vector.broadcast %shift_left3A_1384 : i32 to vector<16xi32>
        %shift_left3A_1386 = arith.shli %get3A_1379, %shift_left3A_1385 : vector<16xi32>
        %bitcast_convert_type3A_1387 = tpu.bitcast %shift_left3A_1386 : vector<16xi32> -> vector<16xf32>
        %bitcast_convert_type3A_1388 = tpu.bitcast %get3A_1375 : vector<16xi32> -> vector<16xf32>
        %bitcast_convert_type3A_1389 = tpu.bitcast %get3A_1379 : vector<16xi32> -> vector<16xf32>
        %mul3A_1390 = arith.mulf %bitcast_convert_type3A_1383, %bitcast_convert_type3A_1387 : vector<16xf32>
        %mul3A_1391 = arith.mulf %bitcast_convert_type3A_1388, %bitcast_convert_type3A_1389 : vector<16xf32>
        %add3A_1392 = arith.addf %mul3A_1390, %mul3A_1391 : vector<16xf32>
        %add3A_1393 = arith.addf %add3A_1371, %add3A_1392 : vector<16xf32>
        %add3A_1394 = arith.constant 6 : i32
        %add3A_1395 = arith.addi %mul3A_141, %add3A_1394 : i32
        %add3A_1396 = arith.constant 8 : i32
        %add3A_1397 = arith.addi %add3A_1395, %add3A_1396 : i32
        %get3A_1398 = arith.index_cast %add3A_1397 : i32 to index
        %get3A_1399 = arith.constant 0 : index
        %get3A_1400 = tpu.vector_load %arg9[%get3A_1398, %get3A_1399] {strides = array<i32>} : memref<256x64xi32, #tpu.memory_space<vmem>>, vector<1x16xi32>,
        %get3A_1401 = vector.shape_cast %get3A_1400 : vector<1x16xi32> to vector<16xi32>
        %get3A_1402 = arith.index_cast %add3A_1397 : i32 to index
        %get3A_1403 = arith.constant 0 : index
        %get3A_1404 = tpu.vector_load %arg10[%get3A_1402, %get3A_1403] {strides = array<i32>} : memref<256x64xi32, #tpu.memory_space<vmem>>, vector<1x16xi32>,
        %get3A_1405 = vector.shape_cast %get3A_1404 : vector<1x16xi32> to vector<16xi32>
        %shift_left3A_1406 = arith.constant 16 : i32
        %shift_left3A_1407 = vector.broadcast %shift_left3A_1406 : i32 to vector<16xi32>
        %shift_left3A_1408 = arith.shli %get3A_1401, %shift_left3A_1407 : vector<16xi32>
        %bitcast_convert_type3A_1409 = tpu.bitcast %shift_left3A_1408 : vector<16xi32> -> vector<16xf32>
        %shift_left3A_1410 = arith.constant 16 : i32
        %shift_left3A_1411 = vector.broadcast %shift_left3A_1410 : i32 to vector<16xi32>
        %shift_left3A_1412 = arith.shli %get3A_1405, %shift_left3A_1411 : vector<16xi32>
        %bitcast_convert_type3A_1413 = tpu.bitcast %shift_left3A_1412 : vector<16xi32> -> vector<16xf32>
        %bitcast_convert_type3A_1414 = tpu.bitcast %get3A_1401 : vector<16xi32> -> vector<16xf32>
        %bitcast_convert_type3A_1415 = tpu.bitcast %get3A_1405 : vector<16xi32> -> vector<16xf32>
        %mul3A_1416 = arith.mulf %bitcast_convert_type3A_1409, %bitcast_convert_type3A_1413 : vector<16xf32>
        %mul3A_1417 = arith.mulf %bitcast_convert_type3A_1414, %bitcast_convert_type3A_1415 : vector<16xf32>
        %add3A_1418 = arith.addf %mul3A_1416, %mul3A_1417 : vector<16xf32>
        %get3A_1419 = arith.index_cast %add3A_1397 : i32 to index
        %get3A_1420 = arith.constant 16 : index
        %get3A_1421 = tpu.vector_load %arg9[%get3A_1419, %get3A_1420] {strides = array<i32>} : memref<256x64xi32, #tpu.memory_space<vmem>>, vector<1x16xi32>,
        %get3A_1422 = vector.shape_cast %get3A_1421 : vector<1x16xi32> to vector<16xi32>
        %get3A_1423 = arith.index_cast %add3A_1397 : i32 to index
        %get3A_1424 = arith.constant 16 : index
        %get3A_1425 = tpu.vector_load %arg10[%get3A_1423, %get3A_1424] {strides = array<i32>} : memref<256x64xi32, #tpu.memory_space<vmem>>, vector<1x16xi32>,
        %get3A_1426 = vector.shape_cast %get3A_1425 : vector<1x16xi32> to vector<16xi32>
        %shift_left3A_1427 = arith.constant 16 : i32
        %shift_left3A_1428 = vector.broadcast %shift_left3A_1427 : i32 to vector<16xi32>
        %shift_left3A_1429 = arith.shli %get3A_1422, %shift_left3A_1428 : vector<16xi32>
        %bitcast_convert_type3A_1430 = tpu.bitcast %shift_left3A_1429 : vector<16xi32> -> vector<16xf32>
        %shift_left3A_1431 = arith.constant 16 : i32
        %shift_left3A_1432 = vector.broadcast %shift_left3A_1431 : i32 to vector<16xi32>
        %shift_left3A_1433 = arith.shli %get3A_1426, %shift_left3A_1432 : vector<16xi32>
        %bitcast_convert_type3A_1434 = tpu.bitcast %shift_left3A_1433 : vector<16xi32> -> vector<16xf32>
        %bitcast_convert_type3A_1435 = tpu.bitcast %get3A_1422 : vector<16xi32> -> vector<16xf32>
        %bitcast_convert_type3A_1436 = tpu.bitcast %get3A_1426 : vector<16xi32> -> vector<16xf32>
        %mul3A_1437 = arith.mulf %bitcast_convert_type3A_1430, %bitcast_convert_type3A_1434 : vector<16xf32>
        %mul3A_1438 = arith.mulf %bitcast_convert_type3A_1435, %bitcast_convert_type3A_1436 : vector<16xf32>
        %add3A_1439 = arith.addf %mul3A_1437, %mul3A_1438 : vector<16xf32>
        %add3A_1440 = arith.addf %add3A_1418, %add3A_1439 : vector<16xf32>
        %get3A_1441 = arith.index_cast %add3A_1397 : i32 to index
        %get3A_1442 = arith.constant 32 : index
        %get3A_1443 = tpu.vector_load %arg9[%get3A_1441, %get3A_1442] {strides = array<i32>} : memref<256x64xi32, #tpu.memory_space<vmem>>, vector<1x16xi32>,
        %get3A_1444 = vector.shape_cast %get3A_1443 : vector<1x16xi32> to vector<16xi32>
        %get3A_1445 = arith.index_cast %add3A_1397 : i32 to index
        %get3A_1446 = arith.constant 32 : index
        %get3A_1447 = tpu.vector_load %arg10[%get3A_1445, %get3A_1446] {strides = array<i32>} : memref<256x64xi32, #tpu.memory_space<vmem>>, vector<1x16xi32>,
        %get3A_1448 = vector.shape_cast %get3A_1447 : vector<1x16xi32> to vector<16xi32>
        %shift_left3A_1449 = arith.constant 16 : i32
        %shift_left3A_1450 = vector.broadcast %shift_left3A_1449 : i32 to vector<16xi32>
        %shift_left3A_1451 = arith.shli %get3A_1444, %shift_left3A_1450 : vector<16xi32>
        %bitcast_convert_type3A_1452 = tpu.bitcast %shift_left3A_1451 : vector<16xi32> -> vector<16xf32>
        %shift_left3A_1453 = arith.constant 16 : i32
        %shift_left3A_1454 = vector.broadcast %shift_left3A_1453 : i32 to vector<16xi32>
        %shift_left3A_1455 = arith.shli %get3A_1448, %shift_left3A_1454 : vector<16xi32>
        %bitcast_convert_type3A_1456 = tpu.bitcast %shift_left3A_1455 : vector<16xi32> -> vector<16xf32>
        %bitcast_convert_type3A_1457 = tpu.bitcast %get3A_1444 : vector<16xi32> -> vector<16xf32>
        %bitcast_convert_type3A_1458 = tpu.bitcast %get3A_1448 : vector<16xi32> -> vector<16xf32>
        %mul3A_1459 = arith.mulf %bitcast_convert_type3A_1452, %bitcast_convert_type3A_1456 : vector<16xf32>
        %mul3A_1460 = arith.mulf %bitcast_convert_type3A_1457, %bitcast_convert_type3A_1458 : vector<16xf32>
        %add3A_1461 = arith.addf %mul3A_1459, %mul3A_1460 : vector<16xf32>
        %add3A_1462 = arith.addf %add3A_1440, %add3A_1461 : vector<16xf32>
        %get3A_1463 = arith.index_cast %add3A_1397 : i32 to index
        %get3A_1464 = arith.constant 48 : index
        %get3A_1465 = tpu.vector_load %arg9[%get3A_1463, %get3A_1464] {strides = array<i32>} : memref<256x64xi32, #tpu.memory_space<vmem>>, vector<1x16xi32>,
        %get3A_1466 = vector.shape_cast %get3A_1465 : vector<1x16xi32> to vector<16xi32>
        %get3A_1467 = arith.index_cast %add3A_1397 : i32 to index
        %get3A_1468 = arith.constant 48 : index
        %get3A_1469 = tpu.vector_load %arg10[%get3A_1467, %get3A_1468] {strides = array<i32>} : memref<256x64xi32, #tpu.memory_space<vmem>>, vector<1x16xi32>,
        %get3A_1470 = vector.shape_cast %get3A_1469 : vector<1x16xi32> to vector<16xi32>
        %shift_left3A_1471 = arith.constant 16 : i32
        %shift_left3A_1472 = vector.broadcast %shift_left3A_1471 : i32 to vector<16xi32>
        %shift_left3A_1473 = arith.shli %get3A_1466, %shift_left3A_1472 : vector<16xi32>
        %bitcast_convert_type3A_1474 = tpu.bitcast %shift_left3A_1473 : vector<16xi32> -> vector<16xf32>
        %shift_left3A_1475 = arith.constant 16 : i32
        %shift_left3A_1476 = vector.broadcast %shift_left3A_1475 : i32 to vector<16xi32>
        %shift_left3A_1477 = arith.shli %get3A_1470, %shift_left3A_1476 : vector<16xi32>
        %bitcast_convert_type3A_1478 = tpu.bitcast %shift_left3A_1477 : vector<16xi32> -> vector<16xf32>
        %bitcast_convert_type3A_1479 = tpu.bitcast %get3A_1466 : vector<16xi32> -> vector<16xf32>
        %bitcast_convert_type3A_1480 = tpu.bitcast %get3A_1470 : vector<16xi32> -> vector<16xf32>
        %mul3A_1481 = arith.mulf %bitcast_convert_type3A_1474, %bitcast_convert_type3A_1478 : vector<16xf32>
        %mul3A_1482 = arith.mulf %bitcast_convert_type3A_1479, %bitcast_convert_type3A_1480 : vector<16xf32>
        %add3A_1483 = arith.addf %mul3A_1481, %mul3A_1482 : vector<16xf32>
        %add3A_1484 = arith.addf %add3A_1462, %add3A_1483 : vector<16xf32>
        %xor3A_1485 = arith.constant 8 : i32
        %xor3A_1486 = vector.broadcast %xor3A_1485 : i32 to vector<16xi32>
        %xor3A_1487 = arith.xori %iota3A, %xor3A_1486 : vector<16xi32>
        %broadcast_in_dim3A_1488 = vector.shape_cast %xor3A_1487 : vector<16xi32> to vector<16x1xi32>
        %gather3A_1489 = vector.shape_cast %broadcast_in_dim3A_1488 : vector<16x1xi32> to vector<16xi32>
        %gather3A_1490 = tpu.dynamic_gather %add3A_1393[%gather3A_1489] in [0] : vector<16xf32>, vector<16xi32> -> vector<16xf32>
        %add3A_1491 = arith.addf %add3A_1393, %gather3A_1490 : vector<16xf32>
        %xor3A_1492 = arith.constant 8 : i32
        %xor3A_1493 = vector.broadcast %xor3A_1492 : i32 to vector<16xi32>
        %xor3A_1494 = arith.xori %iota3A, %xor3A_1493 : vector<16xi32>
        %broadcast_in_dim3A_1495 = vector.shape_cast %xor3A_1494 : vector<16xi32> to vector<16x1xi32>
        %gather3A_1496 = vector.shape_cast %broadcast_in_dim3A_1495 : vector<16x1xi32> to vector<16xi32>
        %gather3A_1497 = tpu.dynamic_gather %add3A_1484[%gather3A_1496] in [0] : vector<16xf32>, vector<16xi32> -> vector<16xf32>
        %add3A_1498 = arith.addf %add3A_1484, %gather3A_1497 : vector<16xf32>
        %select_n3A_1499 = arith.select %eq3A_6, %add3A_1491, %add3A_1498 : vector<16xi1>, vector<16xf32>
        %add3A_1500 = arith.constant 7 : i32
        %add3A_1501 = arith.addi %mul3A_141, %add3A_1500 : i32
        %get3A_1502 = arith.index_cast %add3A_1501 : i32 to index
        %get3A_1503 = arith.constant 0 : index
        %get3A_1504 = tpu.vector_load %arg9[%get3A_1502, %get3A_1503] {strides = array<i32>} : memref<256x64xi32, #tpu.memory_space<vmem>>, vector<1x16xi32>,
        %get3A_1505 = vector.shape_cast %get3A_1504 : vector<1x16xi32> to vector<16xi32>
        %get3A_1506 = arith.index_cast %add3A_1501 : i32 to index
        %get3A_1507 = arith.constant 0 : index
        %get3A_1508 = tpu.vector_load %arg10[%get3A_1506, %get3A_1507] {strides = array<i32>} : memref<256x64xi32, #tpu.memory_space<vmem>>, vector<1x16xi32>,
        %get3A_1509 = vector.shape_cast %get3A_1508 : vector<1x16xi32> to vector<16xi32>
        %shift_left3A_1510 = arith.constant 16 : i32
        %shift_left3A_1511 = vector.broadcast %shift_left3A_1510 : i32 to vector<16xi32>
        %shift_left3A_1512 = arith.shli %get3A_1505, %shift_left3A_1511 : vector<16xi32>
        %bitcast_convert_type3A_1513 = tpu.bitcast %shift_left3A_1512 : vector<16xi32> -> vector<16xf32>
        %shift_left3A_1514 = arith.constant 16 : i32
        %shift_left3A_1515 = vector.broadcast %shift_left3A_1514 : i32 to vector<16xi32>
        %shift_left3A_1516 = arith.shli %get3A_1509, %shift_left3A_1515 : vector<16xi32>
        %bitcast_convert_type3A_1517 = tpu.bitcast %shift_left3A_1516 : vector<16xi32> -> vector<16xf32>
        %bitcast_convert_type3A_1518 = tpu.bitcast %get3A_1505 : vector<16xi32> -> vector<16xf32>
        %bitcast_convert_type3A_1519 = tpu.bitcast %get3A_1509 : vector<16xi32> -> vector<16xf32>
        %mul3A_1520 = arith.mulf %bitcast_convert_type3A_1513, %bitcast_convert_type3A_1517 : vector<16xf32>
        %mul3A_1521 = arith.mulf %bitcast_convert_type3A_1518, %bitcast_convert_type3A_1519 : vector<16xf32>
        %add3A_1522 = arith.addf %mul3A_1520, %mul3A_1521 : vector<16xf32>
        %get3A_1523 = arith.index_cast %add3A_1501 : i32 to index
        %get3A_1524 = arith.constant 16 : index
        %get3A_1525 = tpu.vector_load %arg9[%get3A_1523, %get3A_1524] {strides = array<i32>} : memref<256x64xi32, #tpu.memory_space<vmem>>, vector<1x16xi32>,
        %get3A_1526 = vector.shape_cast %get3A_1525 : vector<1x16xi32> to vector<16xi32>
        %get3A_1527 = arith.index_cast %add3A_1501 : i32 to index
        %get3A_1528 = arith.constant 16 : index
        %get3A_1529 = tpu.vector_load %arg10[%get3A_1527, %get3A_1528] {strides = array<i32>} : memref<256x64xi32, #tpu.memory_space<vmem>>, vector<1x16xi32>,
        %get3A_1530 = vector.shape_cast %get3A_1529 : vector<1x16xi32> to vector<16xi32>
        %shift_left3A_1531 = arith.constant 16 : i32
        %shift_left3A_1532 = vector.broadcast %shift_left3A_1531 : i32 to vector<16xi32>
        %shift_left3A_1533 = arith.shli %get3A_1526, %shift_left3A_1532 : vector<16xi32>
        %bitcast_convert_type3A_1534 = tpu.bitcast %shift_left3A_1533 : vector<16xi32> -> vector<16xf32>
        %shift_left3A_1535 = arith.constant 16 : i32
        %shift_left3A_1536 = vector.broadcast %shift_left3A_1535 : i32 to vector<16xi32>
        %shift_left3A_1537 = arith.shli %get3A_1530, %shift_left3A_1536 : vector<16xi32>
        %bitcast_convert_type3A_1538 = tpu.bitcast %shift_left3A_1537 : vector<16xi32> -> vector<16xf32>
        %bitcast_convert_type3A_1539 = tpu.bitcast %get3A_1526 : vector<16xi32> -> vector<16xf32>
        %bitcast_convert_type3A_1540 = tpu.bitcast %get3A_1530 : vector<16xi32> -> vector<16xf32>
        %mul3A_1541 = arith.mulf %bitcast_convert_type3A_1534, %bitcast_convert_type3A_1538 : vector<16xf32>
        %mul3A_1542 = arith.mulf %bitcast_convert_type3A_1539, %bitcast_convert_type3A_1540 : vector<16xf32>
        %add3A_1543 = arith.addf %mul3A_1541, %mul3A_1542 : vector<16xf32>
        %add3A_1544 = arith.addf %add3A_1522, %add3A_1543 : vector<16xf32>
        %get3A_1545 = arith.index_cast %add3A_1501 : i32 to index
        %get3A_1546 = arith.constant 32 : index
        %get3A_1547 = tpu.vector_load %arg9[%get3A_1545, %get3A_1546] {strides = array<i32>} : memref<256x64xi32, #tpu.memory_space<vmem>>, vector<1x16xi32>,
        %get3A_1548 = vector.shape_cast %get3A_1547 : vector<1x16xi32> to vector<16xi32>
        %get3A_1549 = arith.index_cast %add3A_1501 : i32 to index
        %get3A_1550 = arith.constant 32 : index
        %get3A_1551 = tpu.vector_load %arg10[%get3A_1549, %get3A_1550] {strides = array<i32>} : memref<256x64xi32, #tpu.memory_space<vmem>>, vector<1x16xi32>,
        %get3A_1552 = vector.shape_cast %get3A_1551 : vector<1x16xi32> to vector<16xi32>
        %shift_left3A_1553 = arith.constant 16 : i32
        %shift_left3A_1554 = vector.broadcast %shift_left3A_1553 : i32 to vector<16xi32>
        %shift_left3A_1555 = arith.shli %get3A_1548, %shift_left3A_1554 : vector<16xi32>
        %bitcast_convert_type3A_1556 = tpu.bitcast %shift_left3A_1555 : vector<16xi32> -> vector<16xf32>
        %shift_left3A_1557 = arith.constant 16 : i32
        %shift_left3A_1558 = vector.broadcast %shift_left3A_1557 : i32 to vector<16xi32>
        %shift_left3A_1559 = arith.shli %get3A_1552, %shift_left3A_1558 : vector<16xi32>
        %bitcast_convert_type3A_1560 = tpu.bitcast %shift_left3A_1559 : vector<16xi32> -> vector<16xf32>
        %bitcast_convert_type3A_1561 = tpu.bitcast %get3A_1548 : vector<16xi32> -> vector<16xf32>
        %bitcast_convert_type3A_1562 = tpu.bitcast %get3A_1552 : vector<16xi32> -> vector<16xf32>
        %mul3A_1563 = arith.mulf %bitcast_convert_type3A_1556, %bitcast_convert_type3A_1560 : vector<16xf32>
        %mul3A_1564 = arith.mulf %bitcast_convert_type3A_1561, %bitcast_convert_type3A_1562 : vector<16xf32>
        %add3A_1565 = arith.addf %mul3A_1563, %mul3A_1564 : vector<16xf32>
        %add3A_1566 = arith.addf %add3A_1544, %add3A_1565 : vector<16xf32>
        %get3A_1567 = arith.index_cast %add3A_1501 : i32 to index
        %get3A_1568 = arith.constant 48 : index
        %get3A_1569 = tpu.vector_load %arg9[%get3A_1567, %get3A_1568] {strides = array<i32>} : memref<256x64xi32, #tpu.memory_space<vmem>>, vector<1x16xi32>,
        %get3A_1570 = vector.shape_cast %get3A_1569 : vector<1x16xi32> to vector<16xi32>
        %get3A_1571 = arith.index_cast %add3A_1501 : i32 to index
        %get3A_1572 = arith.constant 48 : index
        %get3A_1573 = tpu.vector_load %arg10[%get3A_1571, %get3A_1572] {strides = array<i32>} : memref<256x64xi32, #tpu.memory_space<vmem>>, vector<1x16xi32>,
        %get3A_1574 = vector.shape_cast %get3A_1573 : vector<1x16xi32> to vector<16xi32>
        %shift_left3A_1575 = arith.constant 16 : i32
        %shift_left3A_1576 = vector.broadcast %shift_left3A_1575 : i32 to vector<16xi32>
        %shift_left3A_1577 = arith.shli %get3A_1570, %shift_left3A_1576 : vector<16xi32>
        %bitcast_convert_type3A_1578 = tpu.bitcast %shift_left3A_1577 : vector<16xi32> -> vector<16xf32>
        %shift_left3A_1579 = arith.constant 16 : i32
        %shift_left3A_1580 = vector.broadcast %shift_left3A_1579 : i32 to vector<16xi32>
        %shift_left3A_1581 = arith.shli %get3A_1574, %shift_left3A_1580 : vector<16xi32>
        %bitcast_convert_type3A_1582 = tpu.bitcast %shift_left3A_1581 : vector<16xi32> -> vector<16xf32>
        %bitcast_convert_type3A_1583 = tpu.bitcast %get3A_1570 : vector<16xi32> -> vector<16xf32>
        %bitcast_convert_type3A_1584 = tpu.bitcast %get3A_1574 : vector<16xi32> -> vector<16xf32>
        %mul3A_1585 = arith.mulf %bitcast_convert_type3A_1578, %bitcast_convert_type3A_1582 : vector<16xf32>
        %mul3A_1586 = arith.mulf %bitcast_convert_type3A_1583, %bitcast_convert_type3A_1584 : vector<16xf32>
        %add3A_1587 = arith.addf %mul3A_1585, %mul3A_1586 : vector<16xf32>
        %add3A_1588 = arith.addf %add3A_1566, %add3A_1587 : vector<16xf32>
        %add3A_1589 = arith.constant 7 : i32
        %add3A_1590 = arith.addi %mul3A_141, %add3A_1589 : i32
        %add3A_1591 = arith.constant 8 : i32
        %add3A_1592 = arith.addi %add3A_1590, %add3A_1591 : i32
        %get3A_1593 = arith.index_cast %add3A_1592 : i32 to index
        %get3A_1594 = arith.constant 0 : index
        %get3A_1595 = tpu.vector_load %arg9[%get3A_1593, %get3A_1594] {strides = array<i32>} : memref<256x64xi32, #tpu.memory_space<vmem>>, vector<1x16xi32>,
        %get3A_1596 = vector.shape_cast %get3A_1595 : vector<1x16xi32> to vector<16xi32>
        %get3A_1597 = arith.index_cast %add3A_1592 : i32 to index
        %get3A_1598 = arith.constant 0 : index
        %get3A_1599 = tpu.vector_load %arg10[%get3A_1597, %get3A_1598] {strides = array<i32>} : memref<256x64xi32, #tpu.memory_space<vmem>>, vector<1x16xi32>,
        %get3A_1600 = vector.shape_cast %get3A_1599 : vector<1x16xi32> to vector<16xi32>
        %shift_left3A_1601 = arith.constant 16 : i32
        %shift_left3A_1602 = vector.broadcast %shift_left3A_1601 : i32 to vector<16xi32>
        %shift_left3A_1603 = arith.shli %get3A_1596, %shift_left3A_1602 : vector<16xi32>
        %bitcast_convert_type3A_1604 = tpu.bitcast %shift_left3A_1603 : vector<16xi32> -> vector<16xf32>
        %shift_left3A_1605 = arith.constant 16 : i32
        %shift_left3A_1606 = vector.broadcast %shift_left3A_1605 : i32 to vector<16xi32>
        %shift_left3A_1607 = arith.shli %get3A_1600, %shift_left3A_1606 : vector<16xi32>
        %bitcast_convert_type3A_1608 = tpu.bitcast %shift_left3A_1607 : vector<16xi32> -> vector<16xf32>
        %bitcast_convert_type3A_1609 = tpu.bitcast %get3A_1596 : vector<16xi32> -> vector<16xf32>
        %bitcast_convert_type3A_1610 = tpu.bitcast %get3A_1600 : vector<16xi32> -> vector<16xf32>
        %mul3A_1611 = arith.mulf %bitcast_convert_type3A_1604, %bitcast_convert_type3A_1608 : vector<16xf32>
        %mul3A_1612 = arith.mulf %bitcast_convert_type3A_1609, %bitcast_convert_type3A_1610 : vector<16xf32>
        %add3A_1613 = arith.addf %mul3A_1611, %mul3A_1612 : vector<16xf32>
        %get3A_1614 = arith.index_cast %add3A_1592 : i32 to index
        %get3A_1615 = arith.constant 16 : index
        %get3A_1616 = tpu.vector_load %arg9[%get3A_1614, %get3A_1615] {strides = array<i32>} : memref<256x64xi32, #tpu.memory_space<vmem>>, vector<1x16xi32>,
        %get3A_1617 = vector.shape_cast %get3A_1616 : vector<1x16xi32> to vector<16xi32>
        %get3A_1618 = arith.index_cast %add3A_1592 : i32 to index
        %get3A_1619 = arith.constant 16 : index
        %get3A_1620 = tpu.vector_load %arg10[%get3A_1618, %get3A_1619] {strides = array<i32>} : memref<256x64xi32, #tpu.memory_space<vmem>>, vector<1x16xi32>,
        %get3A_1621 = vector.shape_cast %get3A_1620 : vector<1x16xi32> to vector<16xi32>
        %shift_left3A_1622 = arith.constant 16 : i32
        %shift_left3A_1623 = vector.broadcast %shift_left3A_1622 : i32 to vector<16xi32>
        %shift_left3A_1624 = arith.shli %get3A_1617, %shift_left3A_1623 : vector<16xi32>
        %bitcast_convert_type3A_1625 = tpu.bitcast %shift_left3A_1624 : vector<16xi32> -> vector<16xf32>
        %shift_left3A_1626 = arith.constant 16 : i32
        %shift_left3A_1627 = vector.broadcast %shift_left3A_1626 : i32 to vector<16xi32>
        %shift_left3A_1628 = arith.shli %get3A_1621, %shift_left3A_1627 : vector<16xi32>
        %bitcast_convert_type3A_1629 = tpu.bitcast %shift_left3A_1628 : vector<16xi32> -> vector<16xf32>
        %bitcast_convert_type3A_1630 = tpu.bitcast %get3A_1617 : vector<16xi32> -> vector<16xf32>
        %bitcast_convert_type3A_1631 = tpu.bitcast %get3A_1621 : vector<16xi32> -> vector<16xf32>
        %mul3A_1632 = arith.mulf %bitcast_convert_type3A_1625, %bitcast_convert_type3A_1629 : vector<16xf32>
        %mul3A_1633 = arith.mulf %bitcast_convert_type3A_1630, %bitcast_convert_type3A_1631 : vector<16xf32>
        %add3A_1634 = arith.addf %mul3A_1632, %mul3A_1633 : vector<16xf32>
        %add3A_1635 = arith.addf %add3A_1613, %add3A_1634 : vector<16xf32>
        %get3A_1636 = arith.index_cast %add3A_1592 : i32 to index
        %get3A_1637 = arith.constant 32 : index
        %get3A_1638 = tpu.vector_load %arg9[%get3A_1636, %get3A_1637] {strides = array<i32>} : memref<256x64xi32, #tpu.memory_space<vmem>>, vector<1x16xi32>,
        %get3A_1639 = vector.shape_cast %get3A_1638 : vector<1x16xi32> to vector<16xi32>
        %get3A_1640 = arith.index_cast %add3A_1592 : i32 to index
        %get3A_1641 = arith.constant 32 : index
        %get3A_1642 = tpu.vector_load %arg10[%get3A_1640, %get3A_1641] {strides = array<i32>} : memref<256x64xi32, #tpu.memory_space<vmem>>, vector<1x16xi32>,
        %get3A_1643 = vector.shape_cast %get3A_1642 : vector<1x16xi32> to vector<16xi32>
        %shift_left3A_1644 = arith.constant 16 : i32
        %shift_left3A_1645 = vector.broadcast %shift_left3A_1644 : i32 to vector<16xi32>
        %shift_left3A_1646 = arith.shli %get3A_1639, %shift_left3A_1645 : vector<16xi32>
        %bitcast_convert_type3A_1647 = tpu.bitcast %shift_left3A_1646 : vector<16xi32> -> vector<16xf32>
        %shift_left3A_1648 = arith.constant 16 : i32
        %shift_left3A_1649 = vector.broadcast %shift_left3A_1648 : i32 to vector<16xi32>
        %shift_left3A_1650 = arith.shli %get3A_1643, %shift_left3A_1649 : vector<16xi32>
        %bitcast_convert_type3A_1651 = tpu.bitcast %shift_left3A_1650 : vector<16xi32> -> vector<16xf32>
        %bitcast_convert_type3A_1652 = tpu.bitcast %get3A_1639 : vector<16xi32> -> vector<16xf32>
        %bitcast_convert_type3A_1653 = tpu.bitcast %get3A_1643 : vector<16xi32> -> vector<16xf32>
        %mul3A_1654 = arith.mulf %bitcast_convert_type3A_1647, %bitcast_convert_type3A_1651 : vector<16xf32>
        %mul3A_1655 = arith.mulf %bitcast_convert_type3A_1652, %bitcast_convert_type3A_1653 : vector<16xf32>
        %add3A_1656 = arith.addf %mul3A_1654, %mul3A_1655 : vector<16xf32>
        %add3A_1657 = arith.addf %add3A_1635, %add3A_1656 : vector<16xf32>
        %get3A_1658 = arith.index_cast %add3A_1592 : i32 to index
        %get3A_1659 = arith.constant 48 : index
        %get3A_1660 = tpu.vector_load %arg9[%get3A_1658, %get3A_1659] {strides = array<i32>} : memref<256x64xi32, #tpu.memory_space<vmem>>, vector<1x16xi32>,
        %get3A_1661 = vector.shape_cast %get3A_1660 : vector<1x16xi32> to vector<16xi32>
        %get3A_1662 = arith.index_cast %add3A_1592 : i32 to index
        %get3A_1663 = arith.constant 48 : index
        %get3A_1664 = tpu.vector_load %arg10[%get3A_1662, %get3A_1663] {strides = array<i32>} : memref<256x64xi32, #tpu.memory_space<vmem>>, vector<1x16xi32>,
        %get3A_1665 = vector.shape_cast %get3A_1664 : vector<1x16xi32> to vector<16xi32>
        %shift_left3A_1666 = arith.constant 16 : i32
        %shift_left3A_1667 = vector.broadcast %shift_left3A_1666 : i32 to vector<16xi32>
        %shift_left3A_1668 = arith.shli %get3A_1661, %shift_left3A_1667 : vector<16xi32>
        %bitcast_convert_type3A_1669 = tpu.bitcast %shift_left3A_1668 : vector<16xi32> -> vector<16xf32>
        %shift_left3A_1670 = arith.constant 16 : i32
        %shift_left3A_1671 = vector.broadcast %shift_left3A_1670 : i32 to vector<16xi32>
        %shift_left3A_1672 = arith.shli %get3A_1665, %shift_left3A_1671 : vector<16xi32>
        %bitcast_convert_type3A_1673 = tpu.bitcast %shift_left3A_1672 : vector<16xi32> -> vector<16xf32>
        %bitcast_convert_type3A_1674 = tpu.bitcast %get3A_1661 : vector<16xi32> -> vector<16xf32>
        %bitcast_convert_type3A_1675 = tpu.bitcast %get3A_1665 : vector<16xi32> -> vector<16xf32>
        %mul3A_1676 = arith.mulf %bitcast_convert_type3A_1669, %bitcast_convert_type3A_1673 : vector<16xf32>
        %mul3A_1677 = arith.mulf %bitcast_convert_type3A_1674, %bitcast_convert_type3A_1675 : vector<16xf32>
        %add3A_1678 = arith.addf %mul3A_1676, %mul3A_1677 : vector<16xf32>
        %add3A_1679 = arith.addf %add3A_1657, %add3A_1678 : vector<16xf32>
        %xor3A_1680 = arith.constant 8 : i32
        %xor3A_1681 = vector.broadcast %xor3A_1680 : i32 to vector<16xi32>
        %xor3A_1682 = arith.xori %iota3A, %xor3A_1681 : vector<16xi32>
        %broadcast_in_dim3A_1683 = vector.shape_cast %xor3A_1682 : vector<16xi32> to vector<16x1xi32>
        %gather3A_1684 = vector.shape_cast %broadcast_in_dim3A_1683 : vector<16x1xi32> to vector<16xi32>
        %gather3A_1685 = tpu.dynamic_gather %add3A_1588[%gather3A_1684] in [0] : vector<16xf32>, vector<16xi32> -> vector<16xf32>
        %add3A_1686 = arith.addf %add3A_1588, %gather3A_1685 : vector<16xf32>
        %xor3A_1687 = arith.constant 8 : i32
        %xor3A_1688 = vector.broadcast %xor3A_1687 : i32 to vector<16xi32>
        %xor3A_1689 = arith.xori %iota3A, %xor3A_1688 : vector<16xi32>
        %broadcast_in_dim3A_1690 = vector.shape_cast %xor3A_1689 : vector<16xi32> to vector<16x1xi32>
        %gather3A_1691 = vector.shape_cast %broadcast_in_dim3A_1690 : vector<16x1xi32> to vector<16xi32>
        %gather3A_1692 = tpu.dynamic_gather %add3A_1679[%gather3A_1691] in [0] : vector<16xf32>, vector<16xi32> -> vector<16xf32>
        %add3A_1693 = arith.addf %add3A_1679, %gather3A_1692 : vector<16xf32>
        %select_n3A_1694 = arith.select %eq3A_6, %add3A_1686, %add3A_1693 : vector<16xi1>, vector<16xf32>
        %xor3A_1695 = arith.constant 4 : i32
        %xor3A_1696 = vector.broadcast %xor3A_1695 : i32 to vector<16xi32>
        %xor3A_1697 = arith.xori %iota3A, %xor3A_1696 : vector<16xi32>
        %broadcast_in_dim3A_1698 = vector.shape_cast %xor3A_1697 : vector<16xi32> to vector<16x1xi32>
        %gather3A_1699 = vector.shape_cast %broadcast_in_dim3A_1698 : vector<16x1xi32> to vector<16xi32>
        %gather3A_1700 = tpu.dynamic_gather %select_n3A[%gather3A_1699] in [0] : vector<16xf32>, vector<16xi32> -> vector<16xf32>
        %add3A_1701 = arith.addf %select_n3A, %gather3A_1700 : vector<16xf32>
        %xor3A_1702 = arith.constant 4 : i32
        %xor3A_1703 = vector.broadcast %xor3A_1702 : i32 to vector<16xi32>
        %xor3A_1704 = arith.xori %iota3A, %xor3A_1703 : vector<16xi32>
        %broadcast_in_dim3A_1705 = vector.shape_cast %xor3A_1704 : vector<16xi32> to vector<16x1xi32>
        %gather3A_1706 = vector.shape_cast %broadcast_in_dim3A_1705 : vector<16x1xi32> to vector<16xi32>
        %gather3A_1707 = tpu.dynamic_gather %select_n3A_1109[%gather3A_1706] in [0] : vector<16xf32>, vector<16xi32> -> vector<16xf32>
        %add3A_1708 = arith.addf %select_n3A_1109, %gather3A_1707 : vector<16xf32>
        %select_n3A_1709 = arith.select %eq3A_12, %add3A_1701, %add3A_1708 : vector<16xi1>, vector<16xf32>
        %xor3A_1710 = arith.constant 4 : i32
        %xor3A_1711 = vector.broadcast %xor3A_1710 : i32 to vector<16xi32>
        %xor3A_1712 = arith.xori %iota3A, %xor3A_1711 : vector<16xi32>
        %broadcast_in_dim3A_1713 = vector.shape_cast %xor3A_1712 : vector<16xi32> to vector<16x1xi32>
        %gather3A_1714 = vector.shape_cast %broadcast_in_dim3A_1713 : vector<16x1xi32> to vector<16xi32>
        %gather3A_1715 = tpu.dynamic_gather %select_n3A_524[%gather3A_1714] in [0] : vector<16xf32>, vector<16xi32> -> vector<16xf32>
        %add3A_1716 = arith.addf %select_n3A_524, %gather3A_1715 : vector<16xf32>
        %xor3A_1717 = arith.constant 4 : i32
        %xor3A_1718 = vector.broadcast %xor3A_1717 : i32 to vector<16xi32>
        %xor3A_1719 = arith.xori %iota3A, %xor3A_1718 : vector<16xi32>
        %broadcast_in_dim3A_1720 = vector.shape_cast %xor3A_1719 : vector<16xi32> to vector<16x1xi32>
        %gather3A_1721 = vector.shape_cast %broadcast_in_dim3A_1720 : vector<16x1xi32> to vector<16xi32>
        %gather3A_1722 = tpu.dynamic_gather %select_n3A_1304[%gather3A_1721] in [0] : vector<16xf32>, vector<16xi32> -> vector<16xf32>
        %add3A_1723 = arith.addf %select_n3A_1304, %gather3A_1722 : vector<16xf32>
        %select_n3A_1724 = arith.select %eq3A_12, %add3A_1716, %add3A_1723 : vector<16xi1>, vector<16xf32>
        %xor3A_1725 = arith.constant 4 : i32
        %xor3A_1726 = vector.broadcast %xor3A_1725 : i32 to vector<16xi32>
        %xor3A_1727 = arith.xori %iota3A, %xor3A_1726 : vector<16xi32>
        %broadcast_in_dim3A_1728 = vector.shape_cast %xor3A_1727 : vector<16xi32> to vector<16x1xi32>
        %gather3A_1729 = vector.shape_cast %broadcast_in_dim3A_1728 : vector<16x1xi32> to vector<16xi32>
        %gather3A_1730 = tpu.dynamic_gather %select_n3A_719[%gather3A_1729] in [0] : vector<16xf32>, vector<16xi32> -> vector<16xf32>
        %add3A_1731 = arith.addf %select_n3A_719, %gather3A_1730 : vector<16xf32>
        %xor3A_1732 = arith.constant 4 : i32
        %xor3A_1733 = vector.broadcast %xor3A_1732 : i32 to vector<16xi32>
        %xor3A_1734 = arith.xori %iota3A, %xor3A_1733 : vector<16xi32>
        %broadcast_in_dim3A_1735 = vector.shape_cast %xor3A_1734 : vector<16xi32> to vector<16x1xi32>
        %gather3A_1736 = vector.shape_cast %broadcast_in_dim3A_1735 : vector<16x1xi32> to vector<16xi32>
        %gather3A_1737 = tpu.dynamic_gather %select_n3A_1499[%gather3A_1736] in [0] : vector<16xf32>, vector<16xi32> -> vector<16xf32>
        %add3A_1738 = arith.addf %select_n3A_1499, %gather3A_1737 : vector<16xf32>
        %select_n3A_1739 = arith.select %eq3A_12, %add3A_1731, %add3A_1738 : vector<16xi1>, vector<16xf32>
        %xor3A_1740 = arith.constant 4 : i32
        %xor3A_1741 = vector.broadcast %xor3A_1740 : i32 to vector<16xi32>
        %xor3A_1742 = arith.xori %iota3A, %xor3A_1741 : vector<16xi32>
        %broadcast_in_dim3A_1743 = vector.shape_cast %xor3A_1742 : vector<16xi32> to vector<16x1xi32>
        %gather3A_1744 = vector.shape_cast %broadcast_in_dim3A_1743 : vector<16x1xi32> to vector<16xi32>
        %gather3A_1745 = tpu.dynamic_gather %select_n3A_914[%gather3A_1744] in [0] : vector<16xf32>, vector<16xi32> -> vector<16xf32>
        %add3A_1746 = arith.addf %select_n3A_914, %gather3A_1745 : vector<16xf32>
        %xor3A_1747 = arith.constant 4 : i32
        %xor3A_1748 = vector.broadcast %xor3A_1747 : i32 to vector<16xi32>
        %xor3A_1749 = arith.xori %iota3A, %xor3A_1748 : vector<16xi32>
        %broadcast_in_dim3A_1750 = vector.shape_cast %xor3A_1749 : vector<16xi32> to vector<16x1xi32>
        %gather3A_1751 = vector.shape_cast %broadcast_in_dim3A_1750 : vector<16x1xi32> to vector<16xi32>
        %gather3A_1752 = tpu.dynamic_gather %select_n3A_1694[%gather3A_1751] in [0] : vector<16xf32>, vector<16xi32> -> vector<16xf32>
        %add3A_1753 = arith.addf %select_n3A_1694, %gather3A_1752 : vector<16xf32>
        %select_n3A_1754 = arith.select %eq3A_12, %add3A_1746, %add3A_1753 : vector<16xi1>, vector<16xf32>
        %xor3A_1755 = arith.constant 2 : i32
        %xor3A_1756 = vector.broadcast %xor3A_1755 : i32 to vector<16xi32>
        %xor3A_1757 = arith.xori %iota3A, %xor3A_1756 : vector<16xi32>
        %broadcast_in_dim3A_1758 = vector.shape_cast %xor3A_1757 : vector<16xi32> to vector<16x1xi32>
        %gather3A_1759 = vector.shape_cast %broadcast_in_dim3A_1758 : vector<16x1xi32> to vector<16xi32>
        %gather3A_1760 = tpu.dynamic_gather %select_n3A_1709[%gather3A_1759] in [0] : vector<16xf32>, vector<16xi32> -> vector<16xf32>
        %add3A_1761 = arith.addf %select_n3A_1709, %gather3A_1760 : vector<16xf32>
        %xor3A_1762 = arith.constant 2 : i32
        %xor3A_1763 = vector.broadcast %xor3A_1762 : i32 to vector<16xi32>
        %xor3A_1764 = arith.xori %iota3A, %xor3A_1763 : vector<16xi32>
        %broadcast_in_dim3A_1765 = vector.shape_cast %xor3A_1764 : vector<16xi32> to vector<16x1xi32>
        %gather3A_1766 = vector.shape_cast %broadcast_in_dim3A_1765 : vector<16x1xi32> to vector<16xi32>
        %gather3A_1767 = tpu.dynamic_gather %select_n3A_1739[%gather3A_1766] in [0] : vector<16xf32>, vector<16xi32> -> vector<16xf32>
        %add3A_1768 = arith.addf %select_n3A_1739, %gather3A_1767 : vector<16xf32>
        %select_n3A_1769 = arith.select %eq3A_18, %add3A_1761, %add3A_1768 : vector<16xi1>, vector<16xf32>
        %xor3A_1770 = arith.constant 2 : i32
        %xor3A_1771 = vector.broadcast %xor3A_1770 : i32 to vector<16xi32>
        %xor3A_1772 = arith.xori %iota3A, %xor3A_1771 : vector<16xi32>
        %broadcast_in_dim3A_1773 = vector.shape_cast %xor3A_1772 : vector<16xi32> to vector<16x1xi32>
        %gather3A_1774 = vector.shape_cast %broadcast_in_dim3A_1773 : vector<16x1xi32> to vector<16xi32>
        %gather3A_1775 = tpu.dynamic_gather %select_n3A_1724[%gather3A_1774] in [0] : vector<16xf32>, vector<16xi32> -> vector<16xf32>
        %add3A_1776 = arith.addf %select_n3A_1724, %gather3A_1775 : vector<16xf32>
        %xor3A_1777 = arith.constant 2 : i32
        %xor3A_1778 = vector.broadcast %xor3A_1777 : i32 to vector<16xi32>
        %xor3A_1779 = arith.xori %iota3A, %xor3A_1778 : vector<16xi32>
        %broadcast_in_dim3A_1780 = vector.shape_cast %xor3A_1779 : vector<16xi32> to vector<16x1xi32>
        %gather3A_1781 = vector.shape_cast %broadcast_in_dim3A_1780 : vector<16x1xi32> to vector<16xi32>
        %gather3A_1782 = tpu.dynamic_gather %select_n3A_1754[%gather3A_1781] in [0] : vector<16xf32>, vector<16xi32> -> vector<16xf32>
        %add3A_1783 = arith.addf %select_n3A_1754, %gather3A_1782 : vector<16xf32>
        %select_n3A_1784 = arith.select %eq3A_18, %add3A_1776, %add3A_1783 : vector<16xi1>, vector<16xf32>
        %xor3A_1785 = arith.constant 1 : i32
        %xor3A_1786 = vector.broadcast %xor3A_1785 : i32 to vector<16xi32>
        %xor3A_1787 = arith.xori %iota3A, %xor3A_1786 : vector<16xi32>
        %broadcast_in_dim3A_1788 = vector.shape_cast %xor3A_1787 : vector<16xi32> to vector<16x1xi32>
        %gather3A_1789 = vector.shape_cast %broadcast_in_dim3A_1788 : vector<16x1xi32> to vector<16xi32>
        %gather3A_1790 = tpu.dynamic_gather %select_n3A_1769[%gather3A_1789] in [0] : vector<16xf32>, vector<16xi32> -> vector<16xf32>
        %add3A_1791 = arith.addf %select_n3A_1769, %gather3A_1790 : vector<16xf32>
        %xor3A_1792 = arith.constant 1 : i32
        %xor3A_1793 = vector.broadcast %xor3A_1792 : i32 to vector<16xi32>
        %xor3A_1794 = arith.xori %iota3A, %xor3A_1793 : vector<16xi32>
        %broadcast_in_dim3A_1795 = vector.shape_cast %xor3A_1794 : vector<16xi32> to vector<16x1xi32>
        %gather3A_1796 = vector.shape_cast %broadcast_in_dim3A_1795 : vector<16x1xi32> to vector<16xi32>
        %gather3A_1797 = tpu.dynamic_gather %select_n3A_1784[%gather3A_1796] in [0] : vector<16xf32>, vector<16xi32> -> vector<16xf32>
        %add3A_1798 = arith.addf %select_n3A_1784, %gather3A_1797 : vector<16xf32>
        %select_n3A_1799 = arith.select %eq3A_24, %add3A_1791, %add3A_1798 : vector<16xi1>, vector<16xf32>
        %swap3A = arith.index_cast %mul3A_141 : i32 to index
        %swap3A_1800 = tpu.vector_load %arg12[%swap3A] {strides = array<i32>} : memref<256xf32, #tpu.memory_space<vmem>>, vector<16xf32>,
        %swap3A_1801 = vector.shape_cast %swap3A_1800 : vector<16xf32> to vector<16xf32>
        %swap3A_1802 = vector.shape_cast %select_n3A_1799 : vector<16xf32> to vector<16xf32>
        tpu.vector_store %arg12[%swap3A], %swap3A_1802 {strides = array<i32>} : memref<256xf32, #tpu.memory_space<vmem>>, vector<16xf32>,
      }
      %scan3A_124 = arith.constant 16 : i32
      %mul3A_125 = arith.constant 256 : i32
      %mul3A_126 = arith.muli %add3A_101, %mul3A_125 : i32
      %min3A_127 = arith.constant 9744 : i32
      %min3A_128 = arith.minsi %mul3A_126, %min3A_127 : i32
      %add3A_129 = arith.addi %mul3A_2, %min3A_128 : i32
      %dma_start3A_130 = tpu.memref_slice %arg4[%add3A_129] : memref<320000xf32, #tpu.memory_space<hbm>> -> memref<256xf32, #tpu.memory_space<hbm>>
      %dma_start3A_131 = tpu.memref_slice %arg4[%add3A_129] : memref<320000xf32, #tpu.memory_space<hbm>> -> memref<256xf32, #tpu.memory_space<hbm>>
      tpu.enqueue_dma source(%arg12 : memref<256xf32, #tpu.memory_space<vmem>>) target(%dma_start3A_131 : memref<256xf32, #tpu.memory_space<hbm>>) target_semaphore(%arg16 : memref<!tpu.dma_semaphore, #tpu.memory_space<semaphore_mem>>)
      %add3A_132 = arith.constant 2 : i32
      %add3A_133 = arith.addi %add3A_101, %add3A_132 : i32
      %lt3A_134 = arith.constant 40 : i32
      %lt3A_135 = arith.cmpi slt, %add3A_133, %lt3A_134 : i32
      %convert_element_type3A_136 = arith.extui %lt3A_135 : i1 to i32
      %cond3A_137 = arith.constant 0 : i32
      %cond3A_138 = arith.cmpi ne, %convert_element_type3A_136, %cond3A_137 : i32
      scf.if %cond3A_138 {
        %add3A_139 = arith.constant 2 : i32
        %add3A_140 = arith.addi %add3A_101, %add3A_139 : i32
        %mul3A_141 = arith.constant 256 : i32
        %mul3A_142 = arith.muli %add3A_140, %mul3A_141 : i32
        %min3A_143 = arith.constant 9744 : i32
        %min3A_144 = arith.minsi %mul3A_142, %min3A_143 : i32
        %dma_start3A_145 = tpu.memref_slice %arg5[%min3A_144] : memref<10000xi32, #tpu.memory_space<vmem>> -> memref<256xi32, #tpu.memory_space<vmem>>
        %dma_start3A_146 = arith.constant 0 : i32
        %dma_start3A_147 = arith.constant 0 : i32
        %dma_start3A_148 = tpu.memref_slice %arg17[%dma_start3A_146, %dma_start3A_147] : memref<10000x64xi32, #tpu.memory_space<vmem_shared>> -> memref<10000x64xi32, #tpu.memory_space<vmem_shared>>
        tpu.enqueue_indirect_dma source(%dma_start3A_148 : memref<10000x64xi32, #tpu.memory_space<vmem_shared>>) target(%arg9 : memref<256x64xi32, #tpu.memory_space<vmem>>) offsets(%dma_start3A_145 : memref<256xi32, #tpu.memory_space<vmem>>) semaphore(%arg14 : memref<!tpu.dma_semaphore, #tpu.memory_space<semaphore_mem>>)
        %dma_start3A_149 = tpu.memref_slice %arg6[%min3A_144] : memref<10000xi32, #tpu.memory_space<vmem>> -> memref<256xi32, #tpu.memory_space<vmem>>
        %dma_start3A_150 = arith.constant 0 : i32
        %dma_start3A_151 = arith.constant 0 : i32
        %dma_start3A_152 = tpu.memref_slice %arg17[%dma_start3A_150, %dma_start3A_151] : memref<10000x64xi32, #tpu.memory_space<vmem_shared>> -> memref<10000x64xi32, #tpu.memory_space<vmem_shared>>
        tpu.enqueue_indirect_dma source(%dma_start3A_152 : memref<10000x64xi32, #tpu.memory_space<vmem_shared>>) target(%arg10 : memref<256x64xi32, #tpu.memory_space<vmem>>) offsets(%dma_start3A_149 : memref<256xi32, #tpu.memory_space<vmem>>) semaphore(%arg14 : memref<!tpu.dma_semaphore, #tpu.memory_space<semaphore_mem>>)
      } else {
      }
    }
    %scan3A_54 = arith.constant 20 : i32
    %dma_wait3A = tpu.memref_slice %arg4[%mul3A_2] : memref<320000xf32, #tpu.memory_space<hbm>> -> memref<256xf32, #tpu.memory_space<hbm>>
    %dma_wait3A_55 = tpu.memref_slice %arg4[%mul3A_2] : memref<320000xf32, #tpu.memory_space<hbm>> -> memref<256xf32, #tpu.memory_space<hbm>>
    tpu.wait_dma2 semaphore(%arg15 : memref<!tpu.dma_semaphore, #tpu.memory_space<semaphore_mem>>) src(%arg11 : memref<256xf32, #tpu.memory_space<vmem>>) dst(%dma_wait3A_55 : memref<256xf32, #tpu.memory_space<hbm>>)
    %dma_wait3A_56 = tpu.memref_slice %arg4[%mul3A_2] : memref<320000xf32, #tpu.memory_space<hbm>> -> memref<256xf32, #tpu.memory_space<hbm>>
    %dma_wait3A_57 = tpu.memref_slice %arg4[%mul3A_2] : memref<320000xf32, #tpu.memory_space<hbm>> -> memref<256xf32, #tpu.memory_space<hbm>>
    tpu.wait_dma2 semaphore(%arg16 : memref<!tpu.dma_semaphore, #tpu.memory_space<semaphore_mem>>) src(%arg12 : memref<256xf32, #tpu.memory_space<vmem>>) dst(%dma_wait3A_57 : memref<256xf32, #tpu.memory_space<hbm>>)
    return
  }
}

</mosaic_0001>

<sc_bundles>
// kernel: kernel.3.cloned.1.call-start
scs
__scs_entry_jumppad:
0x0: {  	(pc) =	sbr.rel $0x88, $3  }
0x1: {  	(tag) =	ssettag $0x0;
	lr =	simm.s32 $0x1  }
0x2: {  	[smem:$0x3F9F] =	sst lr;
	_ =	strace $0xD0000000  }
0x3: {  	_ = 	snop  }
0x4: {  	_ = 	snop  }
0x5: {  	_ = 	snop  }
0x6: {  	_ = 	snop  }
0x7: {  	_ = 	snop  }
__scs_overlays_trampoline_lowered:
0x8: {  	[smem:$0x3FAE] =	sst s0  }
0x9: {  	[smem:$0x3FAF] =	sst s1  }
0xa: {  	[smem:$0x3FB0] =	sst s2  }
0xb: {  	[smem:$0x3FB1] =	sst s3  }
0xc: {  	[smem:$0x3FB2] =	sst s4  }
0xd: {  	[smem:$0x3FB3] =	sst s5  }
0xe: {  	[smem:$0x3FB4] =	sst s6  }
0xf: {  	[smem:$0x3FB5] =	sst s7  }
0x10: {  	[smem:$0x3FB6] =	sst s8  }
0x11: {  	[smem:$0x3FB7] =	sst s9;
	s0 =	simm.s32 @!p0 $0x0  }
0x12: {  	s1 =	sld [smem:$0x3F9D];
	s0 =	simm.s32 @p0 $0x1  }
0x13: {  	[smem:$0x3FB8] =	sst s0;
	s0 =	simm.s32 @!p1 $0x0  }
0x14: {  	s2 =	sld [smem:$0x3F9C];
	s0 =	simm.s32 @p1 $0x1  }
0x15: {  	[smem:$0x3FB9] =	sst s0;
	s0 =	simm.s32 @!p2 $0x0  }
0x16: {  	s3 =	sld [smem:$0x3FDB];
	s0 =	simm.s32 @p2 $0x1  }
0x17: {  	s4 =	simm.s32 $0x1BF5;
	[smem:$0x3FBB] =	sst s0  }
0x18: {  	s0 =	sld [smem:$0x3F9E];
	_ =	swait.ge [sflag:s4], $0x0  }
0x19: {  	s7 =	sld [smem:$0x3F9F]  }
0x1a: {  	s8 =	sadd.s32 $0xFFFFE003, lr  }
0x1b: {  	s9 =	sadd.s32 $0xFFFFFEF7, lr;
	s5 =	simm.s32 $0xFFFFFFFF;
	p2 =	slt.u32 s8, $0xFFFFF086  }
0x1c: {  	p1 =	slt.u32 s9, $0xF7A;
	s5 =	simm.s32 @!p2 $0x0  }
0x1d: {  	s5 =	simm.s32 @p1 $0x1;
	p0 =	seq.s32 s7, s2  }
0x1e: {  	s7 =	smul.u32 @!p0 $0xF7A, s2;
	p2 =	seq.s32 @!p0 s5, $0x0  }
0x1f: {  	s9 =	smul.u32 $0xF7A, s1;
	s8 =	simm.s32 @!p0 $0x1BF5;
	p2 =	por !p2, p0  }
0x20: {  	[sflag:s8] =	ssyncset.s32 @!p0 $0xFFFFF086;
	s6 =	sadd.s32 @!p0 s3, s7;
	s7 =	simm.s32 @!p0 $0x108  }
0x21: {  	s3 =	sadd.s32 s3, s9;
	s6 =	sadd.s32 @!p0 $0x88, s6;
	s7 =	simm.s32 @p2 $0x1082  }
0x22: {  	[simem:s7], [sflag:s8] =	dma.local @!p0 [hbm:s6], $0xF7A  }
0x23: {  	s9 =	sor.u32 $0xD0000000, s2;
	s6 =	simm.s32 $0x108;
	_ =	swait.ge @!p0 [sflag:s8], $0x0  }
0x24: {  	s3 =	sadd.s32 $0x88, s3;
	s6 =	simm.s32 @!p1 $0x1082;
	[sflag:s4] =	ssyncset.s32 $0xFFFFF086  }
0x25: {  	[simem:s6], [sflag:s4] =	dma.local [hbm:s3], $0xF7A  }
0x26: {  	[smem:$0x3F9F] =	sst s1;
	(tag) =	ssettag s2;
	_ =	strace s9  }
0x27: {  	s1 =	sld [smem:$0x3FAF]  }
0x28: {  	s2 =	sld [smem:$0x3FB0]  }
0x29: {  	s4 =	sld [smem:$0x3FB2]  }
0x2a: {  	p0 =	seq.s32 s5, $0x0;
	s5 =	sld [smem:$0x3FB3]  }
0x2b: {  	s6 =	sld [smem:$0x3FB4]  }
0x2c: {  	s7 =	sld [smem:$0x3FB5]  }
0x2d: {  	s3 =	simm.s32 $0x108;
	s8 =	sld [smem:$0x3FB6]  }
0x2e: {  	s3 =	simm.s32 @!p0 $0x1082;
	s9 =	sld [smem:$0x3FB7]  }
0x2f: {  	lr =	sadd.s32 s0, s3;
	s0 =	sld [smem:$0x3FAE]  }
0x30: {  	s3 =	sld [smem:$0x3FB1]  }
0x31: {  	[smem:$0x3FBA] =	sst s10  }
0x32: {  	s10 =	sld [smem:$0x3FB8];
	_ =	sdelay $0x3  }
0x33: {  	p0 =	seq.s32 s10, $0x1;
	s10 =	sld [smem:$0x3FBA];
	_ =	sdelay $0x3  }
0x34: {  	[smem:$0x3FBA] =	sst s10  }
0x35: {  	s10 =	sld [smem:$0x3FB9];
	_ =	sdelay $0x3  }
0x36: {  	p1 =	seq.s32 s10, $0x1;
	s10 =	sld [smem:$0x3FBA];
	_ =	sdelay $0x3  }
0x37: {  	[smem:$0x3FBA] =	sst s10  }
0x38: {  	s10 =	sld [smem:$0x3FBB]  }
0x39: {  	_ = 	snop;
	(pc) =	sbr.ind lr, $3  }
0x3a: {  	_ = 	snop  }
0x3b: {  	_ = 	snop  }
0x3c: {  	p2 =	seq.s32 s10, $0x1;
	s10 =	sld [smem:$0x3FBA]  }
0x3d: {  	_ =	shalt  }
0x3e: {  	_ =	shalt  }
0x3f: {  	_ =	shalt  }
0x40: {  	_ =	shalt  }
0x41: {  	_ =	shalt  }
0x42: {  	_ =	shalt  }
0x43: {  	_ =	shalt  }
0x44: {  	_ =	shalt  }
0x45: {  	_ =	shalt  }
0x46: {  	_ =	shalt  }
0x47: {  	_ =	shalt  }
0x48: {  	_ =	shalt  }
0x49: {  	_ =	shalt  }
0x4a: {  	_ =	shalt  }
0x4b: {  	_ =	shalt  }
0x4c: {  	_ =	shalt  }
0x4d: {  	_ =	shalt  }
0x4e: {  	_ =	shalt  }
0x4f: {  	_ =	shalt  }
0x50: {  	_ =	shalt  }
0x51: {  	_ =	shalt  }
0x52: {  	_ =	shalt  }
0x53: {  	_ =	shalt  }
0x54: {  	_ =	shalt  }
0x55: {  	_ =	shalt  }
0x56: {  	_ =	shalt  }
0x57: {  	_ =	shalt  }
0x58: {  	_ =	shalt  }
0x59: {  	_ =	shalt  }
0x5a: {  	_ =	shalt  }
0x5b: {  	_ =	shalt  }
0x5c: {  	_ =	shalt  }
0x5d: {  	_ =	shalt  }
0x5e: {  	_ =	shalt  }
0x5f: {  	_ =	shalt  }
0x60: {  	_ =	shalt  }
0x61: {  	_ =	shalt  }
0x62: {  	_ =	shalt  }
0x63: {  	_ =	shalt  }
0x64: {  	_ =	shalt  }
0x65: {  	_ =	shalt  }
0x66: {  	_ =	shalt  }
0x67: {  	_ =	shalt  }
0x68: {  	_ =	shalt  }
0x69: {  	_ =	shalt  }
0x6a: {  	_ =	shalt  }
0x6b: {  	_ =	shalt  }
0x6c: {  	_ =	shalt  }
0x6d: {  	_ =	shalt  }
0x6e: {  	_ =	shalt  }
0x6f: {  	_ =	shalt  }
0x70: {  	_ =	shalt  }
0x71: {  	_ =	shalt  }
0x72: {  	_ =	shalt  }
0x73: {  	_ =	shalt  }
0x74: {  	_ =	shalt  }
0x75: {  	_ =	shalt  }
0x76: {  	_ =	shalt  }
0x77: {  	_ =	shalt  }
0x78: {  	_ =	shalt  }
0x79: {  	_ =	shalt  }
0x7a: {  	_ =	shalt  }
0x7b: {  	_ =	shalt  }
0x7c: {  	_ =	shalt  }
0x7d: {  	_ =	shalt  }
0x7e: {  	_ =	shalt  }
0x7f: {  	_ =	shalt  }
0x80: {  	_ =	shalt  }
0x81: {  	_ =	shalt  }
0x82: {  	_ =	shalt  }
0x83: {  	_ =	shalt  }
0x84: {  	_ =	shalt  }
0x85: {  	_ =	shalt  }
0x86: {  	_ =	shalt  }
0x87: {  	_ =	shalt  }
.Lfunc_end0:
.L_simem_size_0:
called_computation_lowered:
.L_overlay_start_0:
0x88: {  	s2 =	sld [smem:$0x3FD9]  }
0x89: {  	s3 =	sld [smem:$0x3FFE];
	_ =	sdelay $0x1  }
0x8a: {  	s1 =	srdreg.scid  }
0x8b: {  	s0 =	sand.u32 $0x1, s1  }
0x8c: {  	s16 =	sshll.u32 s0, $0xA;
	s2 =	sadd.s32 s3, s2  }
0x8d: {  	s2 =	sadd.s32 s2, s16  }
0x8e: {  	[smem:$0x3FC6] =	sst s2  }
0x8f: {  	_ = 	snop  }
0x90: {  	(tm) =	ssettm $0x1  }
0x91: {  	s17 =	sld [smem:$0x3FFB];
	_ =	sdelay $0x3  }
0x92: {  	_ =	strace s17  }
0x93: {  	s2 =	sld [smem:$0x3FFC];
	_ =	sdelay $0x3  }
0x94: {  	_ =	strace s2  }
0x95: {  	s2 =	sld [smem:$0x3FFD];
	_ =	sdelay $0x3  }
0x96: {  	_ =	strace s2  }
0x97: {  	_ =	strace $0x8FFFFFFF  }
0x98: {  	s18 =	sld [smem:$0x3FDB];
	_ =	sdelay $0x1  }
0x99: {  	s19 =	simm.s32 $_scs_section_size  }
0x9a: {  	s4 =	simm.s32 $_size__tile_overlayer_lowered;
	s5 =	simm.s32 $_tile_overlayer_lowered  }
0x9b: {  	s22 =	simm.s32 $0x1BFF;
	s21 =	sshll.u32 s5, $0x1;
	s2 =	sadd.s32 s19, s18  }
0x9c: {  	s6 =	simm.s32 $0x0;
	s20 =	sshll.u32 s4, $0x1;
	s4 =	sadd.s32 s21, s2  }
0x9d: {  	[timem:s6], [sflag:s22] =	dma.local [hbm:s4], s20  }
0x9e: {  	_ =	swait.ge [sflag:s22], s20  }
0x9f: {  	s3 =	ssub.s32 $0x0, s20;
	[sflag:s22] =	ssyncset.done $0x0  }
0xa0: {  	[sflag:s22] =	ssyncadd.s32 s3;
	_ =	sdelay $0x1  }
0xa1: {  	s23 =	simm.s32 $0x1B8B  }
0xa2: {  	_ =	swait.ge [sflag:s23], $0x1  }
0xa3: {  	[sflag:s23] =	ssyncset.done $0x0  }
0xa4: {  	s25 =	simm.s32 $0x1B8E;
	s24 =	sld [smem:$0x3FFE];
	[sflag:s23] =	ssyncadd.s32 $0xFFFFFFFF  }
0xa5: {  	s26 =	simm.s32 $execute0_lowered;
	[smem:$0x3FD2] =	sst s25  }
0xa6: {  	s4 =	sshll.u32 s26, $0x1;
	_ =	strace $0x80000046;
	[dreg:$0x1] =	wrdreg $0xFFFFFFFF  }
0xa7: {  	s28 =	simm.s32 $_size_execute0_lowered;
	s2 =	sadd.s32 s2, s4;
	[dreg:$0x0] =	wrdreg $0x0  }
0xa8: {  	s4 =	sshll.u32 s28, $0x1;
	[dreg:$0x2] =	wrdreg s2  }
0xa9: {  	[dreg:$0x3] =	wrdreg s4  }
0xaa: {  	[dreg:$0x4] =	wrdreg $0xC0  }
0xab: {  	_ =	task [dreg:s6], $0x5FFFF  }
0xac: {  	[dreg:$0x1] =	wrdreg $0xFFFFFFFF  }
0xad: {  	[dreg:$0x0] =	wrdreg $0x60  }
0xae: {  	[dreg:$0x2] =	wrdreg s24  }
0xaf: {  	[dreg:$0x3] =	wrdreg $0x150200  }
0xb0: {  	[dreg:$0x4] =	wrdreg $0x9  }
0xb1: {  	_ =	task.clear_ibuf [dreg:s6], $0x5FFFF;
	_ =	strace $0x90000046  }
0xb2: {  	s29 =	simm.s32 $0x9;
	_ =	strace $0x80000048  }
0xb3: {  	_ =	swait.ge [sflag:s29], $0x1  }
0xb4: {  	[sflag:s29] =	ssyncadd.s32 $0xFFFFFFFF  }
0xb5: {  	_ =	strace $0x90000048  }
0xb6: {  	_ =	sfence  }
0xb7: {  	s30 =	sld [smem:$0x0];
	_ =	sdelay $0x2  }
0xb8: {  	s31 =	sshll.u32 s1, $0xD;
	s1 =	sshrl.u32 s1, $0x2  }
0xb9: {  	s3 =	sand.u32 $0x4000, s31;
	s1 =	sadd.s32 s1, s30  }
0xba: {  	s0 =	sor.u32 s3, s0;
	s1 =	sshll.u32 s1, $0x11  }
0xbb: {  	s0 =	sor.u32 s1, s0  }
0xbc: {  	s0 =	sadd.s32 $0x8F2B, s0  }
0xbd: {  	[sflag:s0] =	ssyncadd.remote.s32 $0x1  }
0xbe: {  	_ =	sfence.sel $0xFFFF  }
0xbf: {  	[dreg:$0x0] =	wrdreg $0xFFFFFFFF;
	(pc) =	sbr.abs _section_cstart, $3  }
0xc0: {  	[dreg:$0x1] =	wrdreg $0xFFFFFFFF  }
0xc1: {  	_ =	task.clear_ibuf [dreg:s6], $0x2FFFF;
	_ =	strace $0x9FFFFFFF  }
0xc2: {  	(tm) =	ssettm $0x7FFFFFFF  }
0xc3: {  	_ =	shalt  }
tec
execute0_lowered:
.L_overlay_start_1:
0x0: {  	(tag) =	ssettag $0x1  }
0x1: {  	v0 =	vimm.s32 $0x76543210;
	v1 =	vimm.s32 $0xFEDCBA98;
	v2 =	vimm.s32 $0xBA98FEDC  }
0x2: {  	v3 =	vimm.s32 $0x32107654;
	v4 =	vimm.s32 $0xDCFE98BA;
	v5 =	vimm.s32 $0x54761032  }
0x3: {  	vm0 =	vcmask $0x2F20;
	vm1 =	vcmask $0xF00;
	vm2 =	vcmask $0x1710  }
0x4: {  	vm3 =	vcmask $0x700;
	vm4 =	vcmask $0x300;
	v1 =	vunpack.c.l.s4.s8 v1  }
0x5: {  	v0 =	vunpack.c.l.s4.s8 v0;
	v2 =	vunpack.c.l.s4.s8 v2;
	v3 =	vunpack.c.l.s4.s8 v3  }
0x6: {  	v4 =	vunpack.c.l.s4.s8 v4;
	vm0 =	vmor vm1, vm0;
	v1 =	vunpack.c.0.s8.s32 v1  }
0x7: {  	s5 =	rddreg [dreg:$0x0];
	s1 =	srdreg.scid;
	v0 =	vunpack.c.0.s8.s32 v0;
	v2 =	vunpack.c.0.s8.s32 v2;
	v3 =	vunpack.c.0.s8.s32 v3  }
0x8: {  	s7 =	stileid.u32;
	s0 =	rddreg [dreg:$0x1];
	vm1 =	vmor vm3, vm2;
	vm3 =	vcmask $0xB08;
	v1 =	vand.u32 $0xF, v1  }
0x9: {  	s2 =	simm.s32 $0x0;
	s10 =	simm.s32 $0x5;
	s11 =	simm.s32 $0x2710;
	v0 =	vcombine.low v1, v0;
	v1 =	vcombine.low v3, v2;
	v2 =	vunpack.c.l.s4.s8 v5  }
0xa: {  	s12 =	simm.s32 $0x100;
	s13 =	simm.s32 $0x4E20;
	s14 =	simm.s32 $0x8E20;
	vm2 =	vcmask $0x2720;
	vm3 =	vmor vm4, vm3  }
0xb: {  	s15 =	simm.s32 $0xCE20;
	s16 =	simm.s32 $0x2810;
	s17 =	simm.s32 $0x10E20;
	vm4 =	vcmask $0x1310;
	v3 =	vunpack.c.0.s8.s32 v4;
	v2 =	vunpack.c.0.s8.s32 v2  }
0xc: {  	s18 =	simm.s32 $0x1;
	s19 =	simm.s32 $0x14E20;
	s20 =	simm.s32 $0x2;
	vm1 =	vmor vm1, vm2;
	vm2 =	vcmask $0x3730;
	vm3 =	vmor vm3, vm4  }
0xd: {  	s21 =	simm.s32 $0x14F20;
	s6 =	sand.u32 $0x1, s1;
	s3 =	sshll.u32 s7, $0x1;
	v4 =	vimm.s32 $0x67452301;
	v2 =	vcombine.low v2, v3;
	v3 =	vimm.s32 $0xEFCDAB89  }
0xe: {  	s22 =	simm.s32 $0x3;
	s23 =	simm.s32 $0x4;
	s3 =	sor.u32 s6, s3;
	vm4 =	vcmask $0x1B18;
	v4 =	vunpack.c.l.s4.s8 v4;
	v3 =	vunpack.c.l.s4.s8 v3  }
0xf: {  	s24 =	simm.s32 $0x0;
	s1 =	rddreg [dreg:$0x2];
	s3 =	smul.u32 $0x2710, s3;
	vm1 =	vmor vm1, vm2;
	vm2 =	vmor vm3, vm4  }
.Ltmp0:
0x10: {  	[smem:$0x7FF] =	sst s2;
	s4 =	sadd.s32 $0x200, s5;
	vm3 =	vcmask $0x2320;
	v4 =	vunpack.c.0.s8.s32 v4;
	v3 =	vunpack.c.0.s8.s32 v3;
	(pc) =	sbr.rel .LBB2_1-.Ltmp0, $4  }
0x11: {  	p0 =	sne.s32 s7, $0x0;
	s6 =	ssub.s32 $0x2, s6;
	vm4 =	vcmask $0x2B28;
	s8 =	sshrl.u32 s3, $0x3;
	vm3 =	vmor vm2, vm3;
	vm2 =	vmmov $0xff  }
0x12: {  	_ =	strace $0x80000047;
	s9 =	sshrl.u32 s6, $0x1;
	s8 =	sadd.s32 s8, s5;
	vm3 =	vmor vm3, vm4;
	vm4 =	vcmask $0x3330;
	v3 =	vcombine.low v4, v3  }
0x13: {  	s9 =	ssub.s32 s6, s9;
	s5 =	sadd.s32 $0x27600, s5;
	s6 =	sadd.s32 $0x13C00, s8;
	vm3 =	vmor vm3, vm4;
	vm4 =	vcmask $0x3B38;
	v1 =	vand.u32 $0xF, v1  }
0x14: {  	s7 =	sadd.s32 $0x1D840, s8;
	s8 =	smax.u32 s9, $0x1;
	s9 =	sshrl.u32 @!p0 s0, $0x3;
	vm3 =	vmor vm3, vm4;
	v2 =	vand.u32 $0xF, v2;
	v3 =	vand.u32 $0xF, v3  }
.LBB2_8:
0x15: {  	s24 =	sadd.s32 $0x1, s24  }
0x16: {  	_ =	swait.ge [sflag:s22], $0x100;
	p1 =	sne.s32 s24, s8  }
.Ltmp1:
0x17: {  	[sflag:s22] =	ssyncset.done $0x0;
	(pc) =	sbr.rel @!p1 .LBB2_9-.Ltmp1, $4  }
0x18: {  	[sflag:s22] =	ssyncadd.s32 $0xFFFFFF00  }
0x19: {  	_ =	swait.ge [sflag:s23], $0x100  }
0x1a: {  	[sflag:s23] =	ssyncset.done $0x0  }
0x1b: {  	[sflag:s23] =	ssyncadd.s32 $0xFFFFFF00  }
.LBB2_1:
0x1c: {  	s25 =	simm.s32 @!p0 $0x1C05  }
0x1d: {  	[spmem:s9], [sflag:s25] =	dma.local @!p0 [hbm:s4], $0x13880  }
0x1e: {  	s25 =	simm.s32 @!p0 $0x5  }
0x1f: {  	_ =	swait.ge @!p0 [sflag:s25], $0x13880  }
0x20: {  	[sflag:s25] =	ssyncset.done @!p0 $0x0  }
0x21: {  	[sflag:s25] =	ssyncadd.s32 @!p0 $0xFFFEC780  }
0x22: {  	[tilespmem:s2], [sflag:$0x5] =	stream.linear.gather [hbm4b:s6+s2], $0x2710, $0x38;
	[tilespmem:$0x1EC60] =	vst v63  }
0x23: {  	_ =	swait.ge [sflag:s10], $0x2710  }
0x24: {  	[sflag:s10] =	ssyncset.done $0x0  }
0x25: {  	[sflag:s10] =	ssyncadd.s32 $0xFFFFD8F0  }
0x26: {  	[tilespmem:s11], [sflag:$0x5] =	stream.linear.gather [hbm4b:s7+s2], $0x2710, $0x38;
	[tilespmem:$0x1EC60] =	vst v63  }
0x27: {  	_ =	swait.ge [sflag:s10], $0x2710  }
0x28: {  	[sflag:s10] =	ssyncset.done $0x0  }
0x29: {  	[sflag:s10] =	ssyncadd.s32 $0xFFFFD8F0  }
0x2a: {  	[bflag:$0x0] =	sbarrier.arrive $0xFFFF  }
0x2b: {  	[tilespmem:s13], [sflag:$0x1] =	stream.indirect.gather [spmem:s0], $0x40, s2, s12, $0xb8;
	[tilespmem:$0x1EC60] =	vst v63  }
0x2c: {  	_ = 	snop  }
0x2d: {  	[tilespmem:s14], [sflag:$0x1] =	stream.indirect.gather [spmem:s0], $0x40, s11, s12, $0xb8;
	[tilespmem:$0x1EC60] =	vst v63  }
0x2e: {  	_ = 	snop  }
0x2f: {  	[tilespmem:s15], [sflag:$0x2] =	stream.indirect.gather [spmem:s0], $0x40, s12, s12, $0xb8;
	[tilespmem:$0x1EC60] =	vst v63  }
0x30: {  	s25 =	simm.s32 $0x0  }
0x31: {  	[tilespmem:s17], [sflag:$0x2] =	stream.indirect.gather [spmem:s0], $0x40, s16, s12, $0xb8;
	[tilespmem:$0x1EC60] =	vst v63  }
.LBB2_2:
0x32: {  	_ =	swait.ge [sflag:s18], $0x4000  }
0x33: {  	[sflag:s18] =	ssyncset.done $0x0  }
0x34: {  	[sflag:s18] =	ssyncadd.s32 $0xFFFFC000  }
0x35: {  	_ =	swait.ge [sflag:s18], $0x4000  }
0x36: {  	p1 =	seq.s32 s25, $0x0;
	[sflag:s18] =	ssyncset.done $0x0  }
0x37: {  	s26 =	simm.s32 @!p1 $0x3;
	[sflag:s18] =	ssyncadd.s32 $0xFFFFC000  }
0x38: {  	_ =	swait.ge @!p1 [sflag:s26], $0x100  }
0x39: {  	[sflag:s26] =	ssyncset.done @!p1 $0x0  }
0x3a: {  	s31 =	simm.s32 $0x0;
	[sflag:s26] =	ssyncadd.s32 @!p1 $0xFFFFFF00  }
0x3b: {  	v4 =	vld [tilespmem:s31+$0x4E50]  }
0x3c: {  	v5 =	vld [tilespmem:s31+$0x8E50]  }
0x3d: {  	v6 =	vld [tilespmem:s31+$0x5050]  }
0x3e: {  	v7 =	vld [tilespmem:s31+$0x9050]  }
0x3f: {  	v8 =	vld [tilespmem:s31+$0x4F50]  }
0x40: {  	v9 =	vld [tilespmem:s31+$0x8F50]  }
0x41: {  	v10 =	vld [tilespmem:s31+$0x5150]  }
0x42: {  	v11 =	vld [tilespmem:s31+$0x9150]  }
0x43: {  	v12 =	vld [tilespmem:s31+$0x4ED0]  }
0x44: {  	v13 =	vld [tilespmem:s31+$0x8ED0]  }
0x45: {  	v16 =	vld [tilespmem:s31+$0x50D0]  }
0x46: {  	v17 =	vld [tilespmem:s31+$0x90D0]  }
0x47: {  	v20 =	vld [tilespmem:s31+$0x4FD0]  }
0x48: {  	v21 =	vld [tilespmem:s31+$0x8FD0]  }
0x49: {  	v22 =	vld [tilespmem:s31+$0x51D0]  }
0x4a: {  	v23 =	vld [tilespmem:s31+$0x91D0]  }
0x4b: {  	v30 =	vld [tilespmem:s31+$0x8F10]  }
0x4c: {  	v24 =	vld [tilespmem:s31+$0x4E90]  }
0x4d: {  	v25 =	vld [tilespmem:s31+$0x8E90]  }
0x4e: {  	v47 =	vld [tilespmem:s31+$0x91C0];
	v14 =	vshll.u32 v4, $0x10;
	v15 =	vshll.u32 v5, $0x10  }
0x4f: {  	v26 =	vld [tilespmem:s31+$0x5090];
	v4 =	vmul.f32 v5, v4;
	v14 =	vmul.f32 v15, v14  }
0x50: {  	v27 =	vld [tilespmem:s31+$0x4F90];
	v19 =	vshll.u32 v7, $0x10;
	v28 =	vshll.u32 v11, $0x10;
	v34 =	vshll.u32 v30, $0x10  }
0x51: {  	v42 =	vld [tilespmem:s31+$0x4E20];
	v15 =	vshll.u32 v6, $0x10;
	v6 =	vmul.f32 v7, v6;
	v18 =	vadd.f32 v14, v4  }
0x52: {  	v54 =	vld [tilespmem:s31+$0x4E30];
	v4 =	vmul.f32 v19, v15;
	v14 =	vshll.u32 v8, $0x10;
	v15 =	vshll.u32 v9, $0x10  }
0x53: {  	v29 =	vld [tilespmem:s31+$0x9190];
	v53 =	vshll.u32 v47, $0x10;
	v8 =	vmul.f32 v9, v8;
	v14 =	vmul.f32 v15, v14  }
0x54: {  	v31 =	vld [tilespmem:s31+$0x9110];
	v15 =	vshll.u32 v10, $0x10;
	v10 =	vmul.f32 v11, v10;
	v11 =	vshll.u32 v12, $0x10  }
0x55: {  	v32 =	vld [tilespmem:s31+$0x5010];
	v19 =	vadd.f32 v4, v6;
	v6 =	vmul.f32 v28, v15;
	v28 =	vshll.u32 v13, $0x10  }
0x56: {  	v33 =	vld [tilespmem:s31+$0x5040];
	v58 =	vshll.u32 v42, $0x10;
	v15 =	vadd.f32 v14, v8;
	v8 =	vmul.f32 v28, v11  }
0x57: {  	v35 =	vld [tilespmem:s31+$0x5140];
	v60 =	vshll.u32 v54, $0x10;
	v11 =	vmul.f32 v13, v12;
	v12 =	vmul.f32 v17, v16  }
0x58: {  	v44 =	vld [tilespmem:s31+$0x4EC0];
	v14 =	vadd.f32 v6, v10;
	v6 =	vshll.u32 v16, $0x10;
	v10 =	vshll.u32 v17, $0x10  }
0x59: {  	v5 =	vld [tilespmem:s31+$0x9090];
	v13 =	vshll.u32 v21, $0x10;
	v6 =	vmul.f32 v10, v6;
	v10 =	vshll.u32 v20, $0x10  }
0x5a: {  	v56 =	vld [tilespmem:s31+$0x8E30];
	v16 =	vadd.f32 v8, v11;
	v8 =	vmul.f32 v13, v10;
	v10 =	vmul.f32 v21, v20  }
0x5b: {  	v7 =	vld [tilespmem:s31+$0x8F90];
	v11 =	vshll.u32 v23, $0x10;
	v17 =	vadd.f32 v6, v12;
	v6 =	vshll.u32 v22, $0x10  }
0x5c: {  	v36 =	vld [tilespmem:s31+$0x8EC0];
	v12 =	vmul.f32 v25, v24;
	v13 =	vadd.f32 v8, v10;
	v6 =	vmul.f32 v11, v6  }
0x5d: {  	v9 =	vld [tilespmem:s31+$0x5190];
	v8 =	vmul.f32 v23, v22;
	v10 =	vshll.u32 v24, $0x10;
	v11 =	vshll.u32 v25, $0x10  }
0x5e: {  	v4 =	vld [tilespmem:s31+$0x4F10];
	v25 =	vshll.u32 v5, $0x10;
	v10 =	vmul.f32 v11, v10;
	v11 =	vshll.u32 v26, $0x10  }
0x5f: {  	v61 =	vshll.u32 v56, $0x10;
	v22 =	vld [tilespmem:s31+$0x9210];
	v5 =	vmul.f32 v5, v26;
	v25 =	vmul.f32 v25, v11  }
0x60: {  	v24 =	vld [tilespmem:s31+$0x8E40];
	v11 =	vadd.f32 v6, v8;
	v6 =	vshll.u32 v27, $0x10;
	v8 =	vshll.u32 v7, $0x10  }
0x61: {  	v28 =	vld [tilespmem:s31+$0x5110];
	v12 =	vadd.f32 v10, v12;
	v10 =	vadd.f32 v25, v5;
	v5 =	vmul.f32 v8, v6  }
0x62: {  	v20 =	vld [tilespmem:s31+$0x9010];
	v6 =	vmul.f32 v7, v27;
	v7 =	vshll.u32 v9, $0x10;
	v8 =	vshll.u32 v29, $0x10  }
0x63: {  	v21 =	vld [tilespmem:s31+$0x5210];
	v9 =	vmul.f32 v29, v9;
	v29 =	vshll.u32 v4, $0x10;
	v4 =	vmul.f32 v30, v4  }
0x64: {  	v23 =	vld [tilespmem:s31+$0x4E40];
	v7 =	vmul.f32 v8, v7;
	v29 =	vmul.f32 v34, v29;
	v45 =	vshll.u32 v22, $0x10  }
0x65: {  	v27 =	vld [tilespmem:s31+$0x8F40];
	v46 =	vshll.u32 v24, $0x10;
	v34 =	vmul.f32 v36, v44;
	v8 =	vadd.f32 v5, v6  }
0x66: {  	v30 =	vld [tilespmem:s31+$0x9140];
	v5 =	vshll.u32 v28, $0x10;
	v6 =	vshll.u32 v31, $0x10;
	v9 =	vadd.f32 v7, v9  }
0x67: {  	v40 =	vld [tilespmem:s31+$0x9080];
	v4 =	vadd.f32 v29, v4;
	v5 =	vmul.f32 v6, v5;
	v6 =	vmul.f32 v31, v28  }
0x68: {  	v26 =	vld [tilespmem:s31+$0x9040];
	v7 =	vshll.u32 v32, $0x10;
	v29 =	vshll.u32 v20, $0x10;
	v20 =	vmul.f32 v20, v32  }
0x69: {  	v49 =	vld [tilespmem:s31+$0x4F80];
	v32 =	vmul.f32 v56, v54;
	v7 =	vmul.f32 v29, v7;
	v29 =	vshll.u32 v21, $0x10  }
0x6a: {  	v25 =	vld [tilespmem:s31+$0x4F40];
	v21 =	vmul.f32 v22, v21;
	v22 =	vshll.u32 v23, $0x10;
	v5 =	vadd.f32 v5, v6  }
0x6b: {  	v31 =	vld [tilespmem:s31+$0x90C0];
	v29 =	vmul.f32 v45, v29;
	v48 =	vshll.u32 v27, $0x10;
	v39 =	vshll.u32 v30, $0x10  }
0x6c: {  	v28 =	vld [tilespmem:s31+$0x50C0];
	v45 =	vshll.u32 v40, $0x10;
	v6 =	vadd.f32 v7, v20;
	v20 =	vmul.f32 v46, v22  }
0x6d: {  	v37 =	vld [tilespmem:s31+$0x4FC0];
	v22 =	vmul.f32 v24, v23;
	v24 =	vshll.u32 v26, $0x10;
	v26 =	vmul.f32 v26, v33  }
0x6e: {  	v23 =	vld [tilespmem:s31+$0x51C0];
	v46 =	vshll.u32 v49, $0x10;
	v7 =	vadd.f32 v29, v21;
	v21 =	vshll.u32 v33, $0x10  }
0x6f: {  	v38 =	vld [tilespmem:s31+$0x8FC0];
	v29 =	vshll.u32 v25, $0x10;
	v25 =	vmul.f32 v27, v25;
	v21 =	vmul.f32 v24, v21  }
0x70: {  	v51 =	vld [tilespmem:s31+$0x8F80];
	v20 =	vadd.f32 v20, v22;
	v29 =	vmul.f32 v48, v29;
	v50 =	vshll.u32 v31, $0x10  }
0x71: {  	v24 =	vld [tilespmem:s31+$0x4E80];
	v31 =	vmul.f32 v31, v28;
	v33 =	vadd.f32 v21, v26;
	v26 =	vshll.u32 v35, $0x10  }
0x72: {  	v22 =	vld [tilespmem:s31+$0x8E80];
	v27 =	vadd.f32 v29, v25;
	v29 =	vshll.u32 v44, $0x10;
	v25 =	vmul.f32 v39, v26  }
0x73: {  	v57 =	vld [tilespmem:s31+$0x5020];
	v26 =	vmul.f32 v30, v35;
	v30 =	vshll.u32 v36, $0x10;
	v52 =	vshll.u32 v23, $0x10  }
0x74: {  	v41 =	vld [tilespmem:s31+$0x5180];
	v23 =	vmul.f32 v47, v23;
	v30 =	vmul.f32 v30, v29;
	v29 =	vshll.u32 v28, $0x10  }
0x75: {  	v21 =	vld [tilespmem:s31+$0x5080];
	v47 =	vshll.u32 v51, $0x10;
	v35 =	vmul.f32 v51, v49;
	v36 =	vmul.f32 v50, v29  }
0x76: {  	v63 =	vld [tilespmem:s31+$0x5030];
	v29 =	vadd.f32 v25, v26;
	v25 =	vshll.u32 v37, $0x10;
	v26 =	vshll.u32 v38, $0x10  }
0x77: {  	v48 =	vld [tilespmem:s31+$0x9030];
	v55 =	vshll.u32 v24, $0x10;
	v43 =	vshll.u32 v22, $0x10;
	v22 =	vmul.f32 v22, v24  }
0x78: {  	v62 =	vld [tilespmem:s31+$0x4F00];
	v50 =	vshll.u32 v57, $0x10;
	v28 =	vadd.f32 v30, v34;
	v25 =	vmul.f32 v26, v25  }
0x79: {  	v34 =	vld [tilespmem:s31+$0x9180];
	v26 =	vmul.f32 v38, v37;
	v38 =	vmul.f32 v43, v55;
	v30 =	vadd.f32 v36, v31  }
0x7a: {  	v31 =	vld [tilespmem:s31+$0x8E20];
	v36 =	vmul.f32 v53, v52;
	v44 =	vshll.u32 v21, $0x10;
	v21 =	vmul.f32 v40, v21  }
0x7b: {  	v54 =	vld [tilespmem:s31+$0x9100];
	v26 =	vadd.f32 v25, v26;
	v25 =	vadd.f32 v38, v22;
	v22 =	vmul.f32 v45, v44  }
0x7c: {  	v52 =	vld [tilespmem:s31+$0x8F00];
	v53 =	vshll.u32 v63, $0x10;
	v24 =	vadd.f32 v36, v23;
	v36 =	vmul.f32 v48, v63  }
0x7d: {  	v23 =	vld [tilespmem:s31+$0x9020];
	v22 =	vadd.f32 v22, v21;
	v21 =	vmul.f32 v47, v46;
	v46 =	vshll.u32 v48, $0x10  }
0x7e: {  	v55 =	vld [tilespmem:s31+$0x5000];
	v49 =	vmul.f32 v34, v41;
	v41 =	vshll.u32 v41, $0x10;
	v45 =	vmul.f32 v46, v53  }
0x7f: {  	v47 =	vld [tilespmem:s31+$0x5100];
	v34 =	vshll.u32 v34, $0x10;
	v59 =	vshll.u32 v31, $0x10;
	v31 =	vmul.f32 v31, v42  }
0x80: {  	v39 =	vld [tilespmem:s31+$0x5120];
	v63 =	vshll.u32 v62, $0x10;
	v42 =	vmul.f32 v61, v60;
	v34 =	vmul.f32 v34, v41  }
0x81: {  	v38 =	vld [tilespmem:s31+$0x4F30];
	v60 =	vshll.u32 v54, $0x10;
	v40 =	vmul.f32 v59, v58;
	v36 =	vadd.f32 v45, v36  }
0x82: {  	v48 =	vld [tilespmem:s31+$0x4F20];
	v58 =	vmul.f32 v52, v62;
	v51 =	vshll.u32 v23, $0x10;
	v23 =	vmul.f32 v23, v57  }
0x83: {  	v32 =	vadd.f32 v42, v32;
	v44 =	vmul.f32 v51, v50;
	v31 =	vadd.f32 v40, v31;
	v51 =	vld [tilespmem:s31+$0x8F20]  }
0x84: {  	v62 =	vshll.u32 v55, $0x10;
	v57 =	vld [tilespmem:s31+$0x9000];
	v50 =	vshll.u32 v52, $0x10;
	v59 =	vshll.u32 v47, $0x10  }
0x85: {  	v61 =	vmul.f32 v54, v47;
	v56 =	vadd.f32 v44, v23;
	v31 =	vadd.f32 v32, v31;
	v44 =	vld [tilespmem:s31+$0x9120]  }
0x86: {  	v23 =	vadd.f32 v21, v35;
	v21 =	vadd.f32 v34, v49;
	v34 =	vmul.f32 v50, v63  }
0x87: {  	v37 =	vld [tilespmem:s31+$0x4EA0];
	v32 =	vmul.f32 v60, v59;
	v49 =	vadd.f32 v36, v56;
	v20 =	vadd.f32 v20, v31  }
0x88: {  	v59 =	vshll.u32 v38, $0x10;
	v56 =	vshll.u32 v48, $0x10;
	v35 =	vmul.f32 v51, v48;
	v48 =	vld [tilespmem:s31+$0x4EB0]  }
0x89: {  	v52 =	vmul.f32 v57, v55;
	v31 =	vadd.f32 v33, v49;
	v33 =	vld [tilespmem:s31+$0x8F30];
	v63 =	vadd.f32 v18, v20  }
0x8a: {  	v55 =	vld [tilespmem:s31+$0x9130];
	v18 =	vadd.f32 v34, v58;
	v49 =	vshll.u32 v39, $0x10;
	v50 =	vshll.u32 v44, $0x10  }
0x8b: {  	v34 =	vld [tilespmem:s31+$0x5130];
	v39 =	vmul.f32 v44, v39;
	v31 =	vadd.f32 v19, v31;
	v19 =	vshll.u32 v57, $0x10  }
0x8c: {  	v58 =	vld [tilespmem:s31+$0x8EA0];
	v53 =	vperm.xlane v63, v0;
	v57 =	vshll.u32 v51, $0x10;
	v20 =	vmul.f32 v19, v62  }
0x8d: {  	v19 =	vadd.f32 v32, v61;
	v42 =	vmul.f32 v57, v56;
	v54 =	vperm.xlane v31, v0  }
0x8e: {  	v44 =	vld [tilespmem:s31+$0x50B0];
	v36 =	vadd.f32 v53, v63;
	v57 =	vshll.u32 v48, $0x10;
	v60 =	vshll.u32 v33, $0x10  }
0x8f: {  	v61 =	vld [tilespmem:s31+$0x8EB0];
	v33 =	vmul.f32 v33, v38;
	v20 =	vadd.f32 v20, v52;
	v35 =	vadd.f32 v42, v35  }
0x90: {  	v62 =	vld [tilespmem:s31+$0x50A0];
	v42 =	vmul.f32 v50, v49;
	v51 =	vshll.u32 v34, $0x10;
	v52 =	vshll.u32 v55, $0x10  }
0x91: {  	v63 =	vld [tilespmem:s31+$0x90A0];
	v32 =	vmul.f32 v55, v34;
	v55 =	vshll.u32 v37, $0x10;
	v56 =	vshll.u32 v58, $0x10  }
0x92: {  	v53 =	vld [tilespmem:s31+$0x90B0];
	v37 =	vmul.f32 v58, v37;
	v46 =	vmul.f32 v60, v59;
	v31 =	vadd.f32 v31, v54  }
0x93: {  	v54 =	vmul.f32 v52, v51;
	v34 =	vmul.f32 v56, v55;
	v39 =	vadd.f32 v42, v39  }
0x94: {  	v33 =	vadd.f32 v46, v33;
	v58 =	vshll.u32 v61, $0x10;
	v38 =	vmul.f32 v61, v48  }
0x95: {  	v59 =	vshll.u32 v62, $0x10;
	v32 =	vadd.f32 v54, v32;
	v34 =	vadd.f32 v34, v37  }
0x96: {  	v52 =	vld [tilespmem:s31+$0x9200];
	v43 =	vmul.f32 v58, v57;
	v60 =	vshll.u32 v63, $0x10;
	v40 =	vmul.f32 v63, v62  }
0x97: {  	v61 =	vld [tilespmem:s31+$0x5200];
	v62 =	vshll.u32 v44, $0x10;
	v63 =	vshll.u32 v53, $0x10;
	v44 =	vmul.f32 v53, v44  }
0x98: {  	v58 =	vld [tilespmem:s31+$0x4FA0];
	v33 =	vadd.f32 v33, v35;
	v42 =	vmul.f32 v60, v59;
	v45 =	vmul.f32 v63, v62  }
0x99: {  	v32 =	vadd.f32 v32, v39;
	v63 =	vld [tilespmem:s31+$0x8FB0];
	v53 =	vadd.f32 v43, v38  }
0x9a: {  	v31 =	vsel vm2, v36, v31;
	v54 =	vadd.f32 v42, v40;
	v55 =	vadd.f32 v45, v44  }
0x9b: {  	v47 =	vld [tilespmem:s31+$0x91A0];
	v60 =	vshll.u32 v52, $0x10;
	v27 =	vadd.f32 v27, v33;
	v45 =	vperm.xlane v31, v1  }
0x9c: {  	v56 =	vshll.u32 v61, $0x10;
	v34 =	vadd.f32 v53, v34;
	v57 =	vadd.f32 v55, v54  }
0x9d: {  	v59 =	vmul.f32 v52, v61;
	v61 =	vld [tilespmem:s31+$0x4FB0];
	v27 =	vadd.f32 v15, v27;
	v15 =	vadd.f32 v29, v32  }
0x9e: {  	v52 =	vld [tilespmem:s31+$0x4E60];
	v49 =	vshll.u32 v58, $0x10;
	v28 =	vadd.f32 v28, v34;
	v54 =	vshll.u32 v63, $0x10  }
0x9f: {  	v29 =	vld [tilespmem:s31+$0x8FA0];
	v30 =	vadd.f32 v30, v57;
	v62 =	vadd.f32 v14, v15;
	v14 =	vmul.f32 v60, v56  }
0xa0: {  	v55 =	vld [tilespmem:s31+$0x8E60];
	v60 =	vshll.u32 v47, $0x10;
	v16 =	vadd.f32 v16, v28;
	v28 =	vperm.xlane v27, v0  }
0xa1: {  	v51 =	vld [tilespmem:s31+$0x91B0];
	v17 =	vadd.f32 v17, v30;
	v46 =	vperm.xlane v62, v0;
	v15 =	vadd.f32 v14, v59  }
0xa2: {  	v14 =	vadd.f32 v45, v31;
	v53 =	vshll.u32 v61, $0x10;
	v34 =	vmul.f32 v63, v61  }
0xa3: {  	v57 =	vld [tilespmem:s31+$0x4E70];
	v40 =	vshll.u32 v52, $0x10;
	v31 =	vperm.xlane v16, v0;
	v27 =	vadd.f32 v28, v27  }
0xa4: {  	v30 =	vld [tilespmem:s31+$0x51A0];
	v50 =	vshll.u32 v29, $0x10;
	v29 =	vmul.f32 v29, v58;
	v56 =	vmul.f32 v54, v53  }
0xa5: {  	v28 =	vld [tilespmem:s31+$0x51B0];
	v42 =	vshll.u32 v55, $0x10;
	v44 =	vmul.f32 v55, v52;
	v48 =	vperm.xlane v17, v0  }
0xa6: {  	v38 =	vmul.f32 v50, v49;
	v33 =	vadd.f32 v62, v46;
	v62 =	vshll.u32 v51, $0x10  }
0xa7: {  	v16 =	vadd.f32 v31, v16;
	v31 =	vld [tilespmem:s31+$0x8E70];
	v58 =	vadd.f32 v56, v34;
	v34 =	vmul.f32 v42, v40  }
0xa8: {  	v46 =	vshll.u32 v57, $0x10;
	v17 =	vadd.f32 v17, v48;
	v27 =	vsel vm2, v27, v33  }
0xa9: {  	v49 =	vld [tilespmem:s31+$0x5070];
	v29 =	vadd.f32 v38, v29;
	v59 =	vshll.u32 v30, $0x10;
	v30 =	vmul.f32 v47, v30  }
0xaa: {  	v48 =	vld [tilespmem:s31+$0x9060];
	v50 =	vperm.xlane v27, v1;
	v33 =	vmul.f32 v60, v59;
	v61 =	vshll.u32 v28, $0x10  }
0xab: {  	v45 =	vld [tilespmem:s31+$0x5060];
	v29 =	vadd.f32 v58, v29;
	v28 =	vmul.f32 v51, v28;
	v51 =	vadd.f32 v34, v44  }
0xac: {  	v41 =	vld [tilespmem:s31+$0x50E0];
	v16 =	vsel vm2, v16, v17;
	v63 =	vmul.f32 v62, v61;
	v47 =	vshll.u32 v31, $0x10  }
0xad: {  	v31 =	vmul.f32 v31, v57;
	v26 =	vadd.f32 v26, v29;
	v29 =	vld [tilespmem:s31+$0x9070];
	v35 =	vmul.f32 v47, v46  }
0xae: {  	v54 =	vld [tilespmem:s31+$0x8F60];
	v55 =	vshll.u32 v49, $0x10;
	v30 =	vadd.f32 v33, v30;
	v28 =	vadd.f32 v63, v28  }
0xaf: {  	v42 =	vld [tilespmem:s31+$0x90E0];
	v52 =	vshll.u32 v48, $0x10;
	v17 =	vadd.f32 v13, v26;
	v31 =	vadd.f32 v35, v31  }
0xb0: {  	v59 =	vld [tilespmem:s31+$0x5170];
	v53 =	vmul.f32 v48, v45;
	v13 =	vadd.f32 v50, v27;
	v28 =	vadd.f32 v28, v30  }
0xb1: {  	v27 =	vld [tilespmem:s31+$0x4F60];
	v30 =	vperm.xlane v16, v1;
	v26 =	vadd.f32 v31, v51;
	v31 =	vshll.u32 v45, $0x10  }
0xb2: {  	v58 =	vld [tilespmem:s31+$0x8F70];
	v56 =	vshll.u32 v29, $0x10;
	v29 =	vmul.f32 v29, v49;
	v24 =	vadd.f32 v24, v28  }
0xb3: {  	v16 =	vadd.f32 v30, v16;
	v45 =	vld [tilespmem:s31+$0x91E0];
	v31 =	vmul.f32 v52, v31;
	v32 =	vmul.f32 v56, v55  }
0xb4: {  	v57 =	vld [tilespmem:s31+$0x4F70];
	v28 =	vperm.xlane v17, v0;
	v25 =	vadd.f32 v25, v26;
	v11 =	vadd.f32 v11, v24  }
0xb5: {  	v63 =	vshll.u32 v59, $0x10;
	v26 =	vld [tilespmem:s31+$0x5160];
	v30 =	vadd.f32 v31, v53;
	v29 =	vadd.f32 v32, v29  }
0xb6: {  	v17 =	vadd.f32 v28, v17;
	v28 =	vshll.u32 v27, $0x10;
	v27 =	vmul.f32 v54, v27;
	v31 =	vld [tilespmem:s31+$0x9160]  }
0xb7: {  	v32 =	vmul.f32 v42, v41;
	v12 =	vadd.f32 v12, v25;
	v25 =	vld [tilespmem:s31+$0x9170];
	v24 =	vadd.f32 v29, v30  }
0xb8: {  	v29 =	vshll.u32 v54, $0x10;
	v30 =	vshll.u32 v58, $0x10;
	v53 =	vshll.u32 v45, $0x10  }
0xb9: {  	v28 =	vmul.f32 v29, v28;
	v29 =	vshll.u32 v57, $0x10;
	v22 =	vadd.f32 v22, v24  }
0xba: {  	v29 =	vmul.f32 v30, v29;
	v30 =	vmul.f32 v58, v57;
	v61 =	vshll.u32 v26, $0x10  }
0xbb: {  	v60 =	vld [tilespmem:s31+$0x8EE0];
	v62 =	vshll.u32 v31, $0x10;
	v26 =	vmul.f32 v31, v26;
	v27 =	vadd.f32 v28, v27  }
0xbc: {  	v24 =	vld [tilespmem:s31+$0x4EE0];
	v34 =	vmul.f32 v62, v61;
	v40 =	vshll.u32 v25, $0x10;
	v10 =	vadd.f32 v10, v22  }
0xbd: {  	v31 =	vld [tilespmem:s31+$0x4EF0];
	v25 =	vmul.f32 v25, v59;
	v28 =	vadd.f32 v29, v30;
	v35 =	vmul.f32 v40, v63  }
0xbe: {  	v22 =	vld [tilespmem:s31+$0x8EF0];
	v29 =	vperm.xlane v11, v0;
	v30 =	vperm.xlane v12, v0;
	v26 =	vadd.f32 v34, v26  }
0xbf: {  	v44 =	vld [tilespmem:s31+$0x50F0];
	v43 =	vperm.xlane v10, v0;
	v27 =	vadd.f32 v28, v27;
	v25 =	vadd.f32 v35, v25  }
0xc0: {  	v47 =	vld [tilespmem:s31+$0x51F0];
	v11 =	vadd.f32 v11, v29;
	v12 =	vadd.f32 v30, v12;
	v29 =	vshll.u32 v60, $0x10  }
0xc1: {  	v28 =	vld [tilespmem:s31+$0x90F0];
	v23 =	vadd.f32 v23, v27;
	v27 =	vshll.u32 v24, $0x10;
	v25 =	vadd.f32 v25, v26  }
0xc2: {  	v24 =	vmul.f32 v60, v24;
	v26 =	vld [tilespmem:s31+$0x4FE0];
	v27 =	vmul.f32 v29, v27;
	v29 =	vshll.u32 v31, $0x10  }
0xc3: {  	v30 =	vshll.u32 v22, $0x10;
	v8 =	vadd.f32 v8, v23;
	v23 =	vld [tilespmem:s31+$0x4FF0];
	v21 =	vadd.f32 v21, v25  }
0xc4: {  	v22 =	vmul.f32 v22, v31;
	v31 =	vshll.u32 v42, $0x10;
	v25 =	vld [tilespmem:s31+$0x8FE0];
	v24 =	vadd.f32 v27, v24  }
0xc5: {  	v27 =	vmul.f32 v30, v29;
	v30 =	vshll.u32 v41, $0x10;
	v9 =	vadd.f32 v9, v21;
	v21 =	vld [tilespmem:s31+$0x8FF0]  }
0xc6: {  	v29 =	vld [tilespmem:s31+$0x51E0];
	v46 =	vshll.u32 v28, $0x10;
	v30 =	vmul.f32 v31, v30;
	v31 =	vshll.u32 v44, $0x10  }
0xc7: {  	v54 =	vshll.u32 v47, $0x10;
	v22 =	vadd.f32 v27, v22;
	v27 =	vmul.f32 v46, v31;
	v31 =	vld [tilespmem:s31+$0x91F0]  }
0xc8: {  	v10 =	vadd.f32 v10, v43;
	v28 =	vmul.f32 v28, v44;
	v48 =	vshll.u32 v26, $0x10  }
0xc9: {  	v30 =	vadd.f32 v30, v32;
	v50 =	vshll.u32 v23, $0x10;
	v49 =	vshll.u32 v25, $0x10  }
0xca: {  	v25 =	vmul.f32 v25, v26;
	v26 =	vmul.f32 v49, v48;
	v51 =	vshll.u32 v21, $0x10  }
0xcb: {  	v21 =	vmul.f32 v21, v23;
	v23 =	vshll.u32 v29, $0x10;
	v29 =	vmul.f32 v45, v29  }
0xcc: {  	v55 =	vshll.u32 v31, $0x10;
	v31 =	vmul.f32 v31, v47;
	v52 =	vmul.f32 v51, v50  }
0xcd: {  	v27 =	vadd.f32 v27, v28;
	v23 =	vmul.f32 v53, v23;
	v28 =	vmul.f32 v55, v54  }
0xce: {  	v25 =	vadd.f32 v26, v25;
	v21 =	vadd.f32 v52, v21  }
0xcf: {  	v23 =	vadd.f32 v23, v29;
	v26 =	vadd.f32 v28, v31  }
0xd0: {  	v22 =	vadd.f32 v22, v24;
	v24 =	vadd.f32 v27, v30  }
0xd1: {  	v21 =	vadd.f32 v21, v25;
	v23 =	vadd.f32 v26, v23  }
0xd2: {  	v18 =	vadd.f32 v18, v22;
	v19 =	vadd.f32 v19, v24  }
0xd3: {  	v20 =	vadd.f32 v20, v21;
	v15 =	vadd.f32 v15, v23  }
0xd4: {  	v4 =	vadd.f32 v4, v18;
	v18 =	vperm.xlane v8, v0;
	v5 =	vadd.f32 v5, v19  }
0xd5: {  	v19 =	vperm.xlane v9, v0;
	v6 =	vadd.f32 v6, v20;
	v7 =	vadd.f32 v7, v15  }
0xd6: {  	v8 =	vadd.f32 v18, v8;
	v15 =	vperm.xlane v4, v0;
	v20 =	vperm.xlane v5, v0  }
0xd7: {  	v9 =	vadd.f32 v9, v19;
	v18 =	vperm.xlane v6, v0;
	v19 =	vperm.xlane v7, v0  }
0xd8: {  	v11 =	vsel vm2, v17, v11;
	v4 =	vadd.f32 v15, v4;
	v5 =	vadd.f32 v5, v20  }
0xd9: {  	v10 =	vsel vm2, v12, v10;
	v6 =	vadd.f32 v18, v6;
	v7 =	vadd.f32 v7, v19  }
0xda: {  	v12 =	vperm.xlane v11, v1;
	v8 =	vsel vm2, v8, v9;
	v9 =	vperm.xlane v10, v1  }
0xdb: {  	v4 =	vsel vm2, v4, v5;
	v5 =	vsel vm2, v6, v7;
	v6 =	vperm.xlane v8, v1  }
0xdc: {  	v7 =	vadd.f32 v12, v11;
	v11 =	vperm.xlane v4, v1;
	v12 =	vperm.xlane v5, v1  }
0xdd: {  	v9 =	vadd.f32 v9, v10;
	v6 =	vadd.f32 v6, v8  }
0xde: {  	v8 =	vsel vm0, v14, v13;
	v4 =	vadd.f32 v11, v4;
	v5 =	vadd.f32 v12, v5  }
0xdf: {  	v7 =	vsel vm0, v16, v7;
	v10 =	vperm.xlane v8, v2  }
0xe0: {  	v6 =	vsel vm0, v9, v6;
	v4 =	vsel vm0, v4, v5;
	v5 =	vperm.xlane v7, v2  }
0xe1: {  	v9 =	vperm.xlane v6, v2;
	v11 =	vperm.xlane v4, v2  }
0xe2: {  	v8 =	vadd.f32 v10, v8;
	v5 =	vadd.f32 v5, v7  }
0xe3: {  	v6 =	vadd.f32 v9, v6;
	v4 =	vadd.f32 v11, v4;
	_ =	sdelay $0x1  }
0xe4: {  	v5 =	vsel vm1, v8, v5;
	v4 =	vsel vm1, v6, v4  }
0xe5: {  	v6 =	vperm.xlane v5, v3;
	v7 =	vperm.xlane v4, v3;
	_ =	sdelay $0x1  }
0xe6: {  	v5 =	vadd.f32 v6, v5;
	v4 =	vadd.f32 v7, v4;
	_ =	sdelay $0x1  }
0xe7: {  	s28 =	simm.s32 $0x14E20;
	v4 =	vsel vm3, v5, v4  }
0xe8: {  	s29 =	simm.s32 $0x400;
	[tilespmem:s28+$0x0] =	vst v4  }
0xe9: {  	v4 =	vld [tilespmem:s29+$0x4E50]  }
0xea: {  	v5 =	vld [tilespmem:s29+$0x8E50]  }
0xeb: {  	v6 =	vld [tilespmem:s29+$0x5050]  }
0xec: {  	v7 =	vld [tilespmem:s29+$0x9050]  }
0xed: {  	v9 =	vld [tilespmem:s29+$0x4F50]  }
0xee: {  	v10 =	vld [tilespmem:s29+$0x8F50]  }
0xef: {  	v11 =	vld [tilespmem:s29+$0x5150]  }
0xf0: {  	v12 =	vld [tilespmem:s29+$0x9150]  }
0xf1: {  	v13 =	vld [tilespmem:s29+$0x4ED0]  }
0xf2: {  	v14 =	vld [tilespmem:s29+$0x8ED0]  }
0xf3: {  	v15 =	vld [tilespmem:s29+$0x50D0]  }
0xf4: {  	v16 =	vld [tilespmem:s29+$0x90D0]  }
0xf5: {  	v60 =	vld [tilespmem:s29+$0x8EC0]  }
0xf6: {  	v61 =	vld [tilespmem:s29+$0x90C0]  }
0xf7: {  	v52 =	vld [tilespmem:s29+$0x4F80]  }
0xf8: {  	v54 =	vld [tilespmem:s29+$0x8F80]  }
0xf9: {  	v32 =	vld [tilespmem:s29+$0x5180]  }
0xfa: {  	v35 =	vld [tilespmem:s29+$0x9180]  }
0xfb: {  	v18 =	vld [tilespmem:s29+$0x4FD0]  }
0xfc: {  	v20 =	vld [tilespmem:s29+$0x8FD0];
	v8 =	vshll.u32 v4, $0x10  }
0xfd: {  	v21 =	vld [tilespmem:s29+$0x51D0];
	v17 =	vshll.u32 v5, $0x10;
	v4 =	vmul.f32 v5, v4;
	v19 =	vshll.u32 v7, $0x10  }
0xfe: {  	v22 =	vld [tilespmem:s29+$0x91D0];
	v28 =	vshll.u32 v12, $0x10;
	v50 =	vshll.u32 v60, $0x10;
	v36 =	vmul.f32 v54, v52  }
0xff: {  	v23 =	vld [tilespmem:s29+$0x4E90];
	v53 =	vshll.u32 v61, $0x10;
	v39 =	vmul.f32 v35, v32;
	v8 =	vmul.f32 v17, v8  }
0x100: {  	v24 =	vld [tilespmem:s29+$0x8E90];
	v32 =	vshll.u32 v32, $0x10;
	v35 =	vshll.u32 v35, $0x10;
	v17 =	vshll.u32 v6, $0x10  }
0x101: {  	v25 =	vld [tilespmem:s29+$0x5090];
	v6 =	vmul.f32 v7, v6;
	v32 =	vmul.f32 v35, v32;
	v8 =	vadd.f32 v8, v4  }
0x102: {  	v26 =	vld [tilespmem:s29+$0x4F90];
	v4 =	vmul.f32 v19, v17;
	v17 =	vshll.u32 v9, $0x10;
	v19 =	vshll.u32 v10, $0x10  }
0x103: {  	v27 =	vld [tilespmem:s29+$0x5190];
	v10 =	vmul.f32 v10, v9;
	v17 =	vmul.f32 v19, v17;
	v19 =	vshll.u32 v11, $0x10  }
0x104: {  	v29 =	vld [tilespmem:s29+$0x9190];
	v11 =	vmul.f32 v12, v11;
	v12 =	vshll.u32 v13, $0x10;
	v9 =	vadd.f32 v4, v6  }
0x105: {  	v30 =	vld [tilespmem:s29+$0x5110];
	v6 =	vmul.f32 v28, v19;
	v19 =	vshll.u32 v14, $0x10;
	v17 =	vadd.f32 v17, v10  }
0x106: {  	v5 =	vld [tilespmem:s29+$0x9090];
	v10 =	vmul.f32 v19, v12;
	v12 =	vmul.f32 v14, v13;
	v13 =	vshll.u32 v16, $0x10  }
0x107: {  	v31 =	vld [tilespmem:s29+$0x9110];
	v14 =	vmul.f32 v16, v15;
	v11 =	vadd.f32 v6, v11;
	v6 =	vshll.u32 v15, $0x10  }
0x108: {  	v56 =	vld [tilespmem:s29+$0x5010];
	v15 =	vshll.u32 v20, $0x10;
	v6 =	vmul.f32 v13, v6;
	v13 =	vshll.u32 v18, $0x10  }
0x109: {  	v58 =	vld [tilespmem:s29+$0x5210];
	v19 =	vadd.f32 v10, v12;
	v12 =	vmul.f32 v20, v18;
	v10 =	vmul.f32 v15, v13  }
0x10a: {  	v7 =	vld [tilespmem:s29+$0x8F90];
	v13 =	vshll.u32 v22, $0x10;
	v20 =	vadd.f32 v6, v14;
	v6 =	vshll.u32 v21, $0x10  }
0x10b: {  	v4 =	vld [tilespmem:s29+$0x4F10];
	v15 =	vshll.u32 v5, $0x10;
	v18 =	vadd.f32 v10, v12;
	v6 =	vmul.f32 v13, v6  }
0x10c: {  	v28 =	vld [tilespmem:s29+$0x8F10];
	v10 =	vmul.f32 v22, v21;
	v12 =	vshll.u32 v23, $0x10;
	v13 =	vshll.u32 v24, $0x10  }
0x10d: {  	v14 =	vmul.f32 v24, v23;
	v21 =	vld [tilespmem:s29+$0x9210];
	v12 =	vmul.f32 v13, v12;
	v13 =	vshll.u32 v25, $0x10  }
0x10e: {  	v5 =	vmul.f32 v5, v25;
	v22 =	vld [tilespmem:s29+$0x4E40];
	v13 =	vmul.f32 v15, v13;
	v15 =	vadd.f32 v6, v10  }
0x10f: {  	v23 =	vld [tilespmem:s29+$0x8E40];
	v6 =	vshll.u32 v26, $0x10;
	v16 =	vadd.f32 v12, v14;
	v12 =	vshll.u32 v7, $0x10  }
0x110: {  	v57 =	vld [tilespmem:s29+$0x9010];
	v14 =	vadd.f32 v13, v5;
	v5 =	vmul.f32 v12, v6;
	v6 =	vmul.f32 v7, v26  }
0x111: {  	v59 =	vld [tilespmem:s29+$0x5140];
	v7 =	vshll.u32 v27, $0x10;
	v12 =	vshll.u32 v29, $0x10;
	v13 =	vmul.f32 v29, v27  }
0x112: {  	v63 =	vld [tilespmem:s29+$0x4FC0];
	v27 =	vshll.u32 v4, $0x10;
	v29 =	vshll.u32 v28, $0x10;
	v4 =	vmul.f32 v28, v4  }
0x113: {  	v24 =	vld [tilespmem:s29+$0x5040];
	v7 =	vmul.f32 v12, v7;
	v27 =	vmul.f32 v29, v27;
	v62 =	vshll.u32 v21, $0x10  }
0x114: {  	v25 =	vld [tilespmem:s29+$0x4F40];
	v21 =	vmul.f32 v21, v58;
	v43 =	vshll.u32 v22, $0x10;
	v44 =	vshll.u32 v23, $0x10  }
0x115: {  	v26 =	vld [tilespmem:s29+$0x8F40];
	v12 =	vadd.f32 v5, v6;
	v5 =	vshll.u32 v30, $0x10;
	v6 =	vshll.u32 v31, $0x10  }
0x116: {  	v10 =	vld [tilespmem:s29+$0x9040];
	v13 =	vadd.f32 v7, v13;
	v4 =	vadd.f32 v27, v4;
	v5 =	vmul.f32 v6, v5  }
0x117: {  	v28 =	vld [tilespmem:s29+$0x9140];
	v6 =	vmul.f32 v31, v30;
	v7 =	vshll.u32 v56, $0x10;
	v27 =	vshll.u32 v57, $0x10  }
0x118: {  	v29 =	vld [tilespmem:s29+$0x4EC0];
	v31 =	vmul.f32 v57, v56;
	v7 =	vmul.f32 v27, v7;
	v27 =	vshll.u32 v58, $0x10  }
0x119: {  	v22 =	vmul.f32 v23, v22;
	v23 =	vld [tilespmem:s29+$0x51C0];
	v5 =	vadd.f32 v5, v6;
	v27 =	vmul.f32 v62, v27  }
0x11a: {  	v45 =	vld [tilespmem:s29+$0x8FC0];
	v47 =	vshll.u32 v26, $0x10;
	v6 =	vadd.f32 v7, v31;
	v31 =	vmul.f32 v44, v43  }
0x11b: {  	v49 =	vld [tilespmem:s29+$0x9080];
	v7 =	vadd.f32 v27, v21;
	v21 =	vshll.u32 v24, $0x10;
	v27 =	vshll.u32 v10, $0x10  }
0x11c: {  	v30 =	vld [tilespmem:s29+$0x50C0];
	v10 =	vmul.f32 v10, v24;
	v21 =	vmul.f32 v27, v21;
	v27 =	vshll.u32 v25, $0x10  }
0x11d: {  	v48 =	vshll.u32 v28, $0x10;
	v24 =	vld [tilespmem:s29+$0x91C0];
	v25 =	vmul.f32 v26, v25;
	v27 =	vmul.f32 v47, v27  }
0x11e: {  	v46 =	vld [tilespmem:s29+$0x4E80];
	v51 =	vmul.f32 v60, v29;
	v57 =	vshll.u32 v23, $0x10;
	v31 =	vadd.f32 v31, v22  }
0x11f: {  	v55 =	vld [tilespmem:s29+$0x4E20];
	v26 =	vshll.u32 v59, $0x10;
	v10 =	vadd.f32 v21, v10;
	v27 =	vadd.f32 v27, v25  }
0x120: {  	v22 =	vld [tilespmem:s29+$0x8E80];
	v25 =	vmul.f32 v48, v26;
	v26 =	vmul.f32 v28, v59;
	v28 =	vshll.u32 v29, $0x10  }
0x121: {  	v29 =	vshll.u32 v30, $0x10;
	v30 =	vmul.f32 v61, v30;
	v48 =	vshll.u32 v49, $0x10  }
0x122: {  	v42 =	vld [tilespmem:s29+$0x4F00];
	v28 =	vmul.f32 v50, v28;
	v34 =	vmul.f32 v53, v29;
	v58 =	vshll.u32 v24, $0x10  }
0x123: {  	v56 =	vld [tilespmem:s29+$0x8E20];
	v23 =	vmul.f32 v24, v23;
	v24 =	vshll.u32 v46, $0x10;
	v50 =	vshll.u32 v52, $0x10  }
0x124: {  	v21 =	vld [tilespmem:s29+$0x5080];
	v53 =	vshll.u32 v55, $0x10;
	v29 =	vadd.f32 v25, v26;
	v25 =	vshll.u32 v63, $0x10  }
0x125: {  	v59 =	vld [tilespmem:s29+$0x4E30];
	v26 =	vshll.u32 v45, $0x10;
	v60 =	vshll.u32 v22, $0x10;
	v37 =	vmul.f32 v58, v57  }
0x126: {  	v61 =	vld [tilespmem:s29+$0x8E30];
	v22 =	vmul.f32 v22, v46;
	v28 =	vadd.f32 v28, v51;
	v25 =	vmul.f32 v26, v25  }
0x127: {  	v62 =	vld [tilespmem:s29+$0x5020];
	v30 =	vadd.f32 v34, v30;
	v26 =	vmul.f32 v45, v63;
	v43 =	vmul.f32 v60, v24  }
0x128: {  	v52 =	vld [tilespmem:s29+$0x9030];
	v51 =	vshll.u32 v54, $0x10;
	v54 =	vshll.u32 v56, $0x10;
	v34 =	vmul.f32 v56, v55  }
0x129: {  	v63 =	vshll.u32 v21, $0x10;
	v24 =	vadd.f32 v37, v23;
	v23 =	vld [tilespmem:s29+$0x9020];
	v21 =	vmul.f32 v49, v21  }
0x12a: {  	v49 =	vld [tilespmem:s29+$0x5030];
	v55 =	vmul.f32 v54, v53;
	v26 =	vadd.f32 v25, v26;
	v25 =	vadd.f32 v43, v22  }
0x12b: {  	v60 =	vld [tilespmem:s29+$0x8F00];
	v22 =	vmul.f32 v48, v63;
	v56 =	vshll.u32 v59, $0x10;
	v57 =	vshll.u32 v61, $0x10  }
0x12c: {  	v58 =	vshll.u32 v62, $0x10;
	v53 =	vld [tilespmem:s29+$0x5000];
	v38 =	vmul.f32 v61, v59;
	v43 =	vmul.f32 v57, v56  }
0x12d: {  	v63 =	vld [tilespmem:s29+$0x5100];
	v34 =	vadd.f32 v55, v34;
	v22 =	vadd.f32 v22, v21;
	v21 =	vmul.f32 v51, v50  }
0x12e: {  	v57 =	vld [tilespmem:s29+$0x8F20];
	v38 =	vadd.f32 v43, v38;
	v59 =	vshll.u32 v23, $0x10;
	v23 =	vmul.f32 v23, v62  }
0x12f: {  	v51 =	vld [tilespmem:s29+$0x4F20];
	v61 =	vshll.u32 v49, $0x10;
	v62 =	vshll.u32 v52, $0x10;
	v37 =	vmul.f32 v52, v49  }
0x130: {  	v50 =	vshll.u32 v42, $0x10;
	v52 =	vld [tilespmem:s29+$0x9100];
	v44 =	vmul.f32 v59, v58;
	v45 =	vmul.f32 v62, v61  }
0x131: {  	v56 =	vshll.u32 v60, $0x10;
	v33 =	vmul.f32 v60, v42;
	v49 =	vld [tilespmem:s29+$0x9000];
	v54 =	vadd.f32 v38, v34  }
0x132: {  	v60 =	vld [tilespmem:s29+$0x8F30];
	v58 =	vshll.u32 v63, $0x10;
	v48 =	vadd.f32 v44, v23;
	v37 =	vadd.f32 v45, v37  }
0x133: {  	v62 =	vshll.u32 v53, $0x10;
	v38 =	vld [tilespmem:s29+$0x4EA0];
	v23 =	vadd.f32 v21, v36;
	v21 =	vadd.f32 v32, v39  }
0x134: {  	v36 =	vmul.f32 v56, v50;
	v39 =	vld [tilespmem:s29+$0x4F30];
	v31 =	vadd.f32 v31, v54;
	v54 =	vshll.u32 v51, $0x10  }
0x135: {  	v56 =	vld [tilespmem:s29+$0x8EA0];
	v55 =	vadd.f32 v37, v48;
	v59 =	vshll.u32 v52, $0x10;
	v61 =	vmul.f32 v52, v63  }
0x136: {  	v31 =	vadd.f32 v8, v31;
	v8 =	vadd.f32 v36, v33;
	v35 =	vmul.f32 v49, v53  }
0x137: {  	v44 =	vld [tilespmem:s29+$0x9120];
	v37 =	vmul.f32 v57, v51;
	v32 =	vmul.f32 v59, v58;
	v58 =	vshll.u32 v60, $0x10  }
0x138: {  	v33 =	vld [tilespmem:s29+$0x5130];
	v10 =	vadd.f32 v10, v55;
	v52 =	vperm.xlane v31, v0;
	v55 =	vshll.u32 v57, $0x10  }
0x139: {  	v59 =	vld [tilespmem:s29+$0x4EB0];
	v43 =	vmul.f32 v55, v54;
	v57 =	vshll.u32 v39, $0x10;
	v34 =	vmul.f32 v60, v39  }
0x13a: {  	v40 =	vld [tilespmem:s29+$0x5120];
	v54 =	vshll.u32 v38, $0x10;
	v55 =	vshll.u32 v56, $0x10;
	v38 =	vmul.f32 v56, v38  }
0x13b: {  	v60 =	vld [tilespmem:s29+$0x8EB0];
	v63 =	vadd.f32 v9, v10;
	v9 =	vshll.u32 v49, $0x10;
	v46 =	vmul.f32 v58, v57  }
0x13c: {  	v31 =	vadd.f32 v52, v31;
	v10 =	vmul.f32 v9, v62;
	v9 =	vadd.f32 v32, v61;
	v32 =	vld [tilespmem:s29+$0x9130]  }
0x13d: {  	v49 =	vshll.u32 v44, $0x10;
	v61 =	vld [tilespmem:s29+$0x50A0];
	v37 =	vadd.f32 v43, v37;
	v53 =	vperm.xlane v63, v0  }
0x13e: {  	v62 =	vld [tilespmem:s29+$0x90A0];
	v50 =	vshll.u32 v33, $0x10;
	v34 =	vadd.f32 v46, v34;
	v56 =	vshll.u32 v59, $0x10  }
0x13f: {  	v52 =	vld [tilespmem:s29+$0x90B0];
	v10 =	vadd.f32 v10, v35;
	v35 =	vadd.f32 v63, v53;
	v63 =	vshll.u32 v40, $0x10  }
0x140: {  	v40 =	vmul.f32 v44, v40;
	v57 =	vshll.u32 v60, $0x10;
	v36 =	vmul.f32 v60, v59  }
0x141: {  	v34 =	vadd.f32 v34, v37;
	v42 =	vmul.f32 v49, v63;
	v43 =	vmul.f32 v57, v56  }
0x142: {  	v44 =	vld [tilespmem:s29+$0x50B0];
	v51 =	vshll.u32 v32, $0x10;
	v32 =	vmul.f32 v32, v33;
	v33 =	vmul.f32 v55, v54  }
0x143: {  	v58 =	vshll.u32 v61, $0x10;
	v59 =	vshll.u32 v62, $0x10;
	v39 =	vmul.f32 v62, v61  }
0x144: {  	v60 =	vld [tilespmem:s29+$0x5200];
	v62 =	vshll.u32 v52, $0x10;
	v27 =	vadd.f32 v27, v34;
	v31 =	vsel vm2, v31, v35  }
0x145: {  	v63 =	vld [tilespmem:s29+$0x9200];
	v53 =	vmul.f32 v51, v50;
	v40 =	vadd.f32 v42, v40;
	v42 =	vmul.f32 v59, v58  }
0x146: {  	v36 =	vadd.f32 v43, v36;
	v50 =	vld [tilespmem:s29+$0x4FA0];
	v56 =	vperm.xlane v31, v1;
	v33 =	vadd.f32 v33, v38  }
0x147: {  	v55 =	vld [tilespmem:s29+$0x8FB0];
	v27 =	vadd.f32 v17, v27;
	v61 =	vshll.u32 v44, $0x10;
	v32 =	vadd.f32 v53, v32  }
0x148: {  	v44 =	vmul.f32 v52, v44;
	v53 =	vld [tilespmem:s29+$0x4FB0];
	v45 =	vmul.f32 v62, v61;
	v33 =	vadd.f32 v36, v33  }
0x149: {  	v43 =	vadd.f32 v42, v39;
	v47 =	vshll.u32 v60, $0x10;
	v32 =	vadd.f32 v32, v40  }
0x14a: {  	v58 =	vld [tilespmem:s29+$0x91A0];
	v51 =	vmul.f32 v63, v60;
	v46 =	vadd.f32 v45, v44;
	v28 =	vadd.f32 v28, v33  }
0x14b: {  	v52 =	vshll.u32 v63, $0x10;
	v60 =	vshll.u32 v50, $0x10;
	v17 =	vadd.f32 v29, v32  }
0x14c: {  	v63 =	vld [tilespmem:s29+$0x4E60];
	v49 =	vadd.f32 v46, v43;
	v19 =	vadd.f32 v19, v28;
	v28 =	vperm.xlane v27, v0  }
0x14d: {  	v29 =	vld [tilespmem:s29+$0x8FA0];
	v45 =	vshll.u32 v53, $0x10;
	v46 =	vshll.u32 v55, $0x10;
	v33 =	vmul.f32 v55, v53  }
0x14e: {  	v62 =	vld [tilespmem:s29+$0x91B0];
	v54 =	vadd.f32 v11, v17;
	v11 =	vmul.f32 v52, v47;
	v48 =	vmul.f32 v46, v45  }
0x14f: {  	v47 =	vld [tilespmem:s29+$0x8E60];
	v52 =	vshll.u32 v58, $0x10;
	v30 =	vadd.f32 v30, v49;
	v27 =	vadd.f32 v28, v27  }
0x150: {  	v28 =	vld [tilespmem:s29+$0x51B0];
	v57 =	vperm.xlane v54, v0;
	v17 =	vadd.f32 v11, v51;
	v11 =	vadd.f32 v56, v31  }
0x151: {  	v49 =	vld [tilespmem:s29+$0x4E70];
	v31 =	vperm.xlane v19, v0;
	v56 =	vshll.u32 v63, $0x10;
	v20 =	vadd.f32 v20, v30  }
0x152: {  	v61 =	vshll.u32 v29, $0x10;
	v29 =	vmul.f32 v29, v50;
	v50 =	vadd.f32 v48, v33  }
0x153: {  	v30 =	vld [tilespmem:s29+$0x51A0];
	v38 =	vmul.f32 v61, v60;
	v34 =	vadd.f32 v54, v57;
	v19 =	vadd.f32 v31, v19  }
0x154: {  	v31 =	vld [tilespmem:s29+$0x8E70];
	v54 =	vshll.u32 v62, $0x10;
	v59 =	vperm.xlane v20, v0;
	v57 =	vshll.u32 v47, $0x10  }
0x155: {  	v27 =	vsel vm2, v27, v34;
	v29 =	vadd.f32 v38, v29;
	v53 =	vshll.u32 v28, $0x10  }
0x156: {  	v28 =	vmul.f32 v62, v28;
	v34 =	vmul.f32 v57, v56;
	v60 =	vshll.u32 v49, $0x10  }
0x157: {  	v62 =	vld [tilespmem:s29+$0x9060];
	v20 =	vadd.f32 v20, v59;
	v55 =	vmul.f32 v54, v53;
	v39 =	vperm.xlane v27, v1  }
0x158: {  	v59 =	vld [tilespmem:s29+$0x5060];
	v51 =	vshll.u32 v30, $0x10;
	v30 =	vmul.f32 v58, v30;
	v29 =	vadd.f32 v50, v29  }
0x159: {  	v58 =	vmul.f32 v47, v63;
	v33 =	vmul.f32 v52, v51;
	v61 =	vshll.u32 v31, $0x10  }
0x15a: {  	v63 =	vld [tilespmem:s29+$0x5070];
	v31 =	vmul.f32 v31, v49;
	v28 =	vadd.f32 v55, v28;
	v35 =	vmul.f32 v61, v60  }
0x15b: {  	v19 =	vsel vm2, v19, v20;
	v26 =	vadd.f32 v26, v29;
	v29 =	vld [tilespmem:s29+$0x9070];
	v41 =	vadd.f32 v34, v58  }
0x15c: {  	v44 =	vld [tilespmem:s29+$0x8F60];
	v30 =	vadd.f32 v33, v30;
	v42 =	vshll.u32 v62, $0x10;
	v31 =	vadd.f32 v35, v31  }
0x15d: {  	v48 =	vld [tilespmem:s29+$0x8F70];
	v20 =	vadd.f32 v18, v26;
	v18 =	vadd.f32 v39, v27;
	v43 =	vmul.f32 v62, v59  }
0x15e: {  	v49 =	vld [tilespmem:s29+$0x5170];
	v28 =	vadd.f32 v28, v30;
	v26 =	vadd.f32 v31, v41;
	v31 =	vshll.u32 v59, $0x10  }
0x15f: {  	v27 =	vld [tilespmem:s29+$0x4F60];
	v30 =	vperm.xlane v19, v1;
	v45 =	vshll.u32 v63, $0x10;
	v31 =	vmul.f32 v42, v31  }
0x160: {  	v47 =	vld [tilespmem:s29+$0x4F70];
	v46 =	vshll.u32 v29, $0x10;
	v29 =	vmul.f32 v29, v63;
	v24 =	vadd.f32 v24, v28  }
0x161: {  	v19 =	vadd.f32 v30, v19;
	v32 =	vmul.f32 v46, v45;
	v25 =	vadd.f32 v25, v26;
	v26 =	vld [tilespmem:s29+$0x5160]  }
0x162: {  	v28 =	vperm.xlane v20, v0;
	v30 =	vadd.f32 v31, v43;
	v31 =	vld [tilespmem:s29+$0x9160];
	v15 =	vadd.f32 v15, v24  }
0x163: {  	v53 =	vshll.u32 v49, $0x10;
	v29 =	vadd.f32 v32, v29;
	v16 =	vadd.f32 v16, v25;
	v25 =	vld [tilespmem:s29+$0x9170]  }
0x164: {  	v20 =	vadd.f32 v28, v20;
	v28 =	vshll.u32 v27, $0x10;
	v27 =	vmul.f32 v44, v27  }
0x165: {  	v24 =	vadd.f32 v29, v30;
	v29 =	vshll.u32 v44, $0x10;
	v30 =	vshll.u32 v48, $0x10  }
0x166: {  	v56 =	vld [tilespmem:s29+$0x8EF0];
	v28 =	vmul.f32 v29, v28;
	v29 =	vshll.u32 v47, $0x10;
	v51 =	vshll.u32 v26, $0x10  }
0x167: {  	v57 =	vld [tilespmem:s29+$0x50E0];
	v22 =	vadd.f32 v22, v24;
	v24 =	vmul.f32 v30, v29;
	v29 =	vmul.f32 v48, v47  }
0x168: {  	v50 =	vld [tilespmem:s29+$0x4EE0];
	v52 =	vshll.u32 v31, $0x10;
	v26 =	vmul.f32 v31, v26;
	v54 =	vshll.u32 v25, $0x10  }
0x169: {  	v30 =	vld [tilespmem:s29+$0x8EE0];
	v34 =	vmul.f32 v52, v51;
	v55 =	vadd.f32 v14, v22;
	v14 =	vmul.f32 v54, v53  }
0x16a: {  	v31 =	vld [tilespmem:s29+$0x4EF0];
	v22 =	vmul.f32 v25, v49;
	v25 =	vadd.f32 v28, v27;
	v24 =	vadd.f32 v24, v29  }
0x16b: {  	v27 =	vperm.xlane v15, v0;
	v28 =	vperm.xlane v16, v0;
	v29 =	vld [tilespmem:s29+$0x90E0];
	v26 =	vadd.f32 v34, v26  }
0x16c: {  	v58 =	vadd.f32 v14, v22;
	v22 =	vld [tilespmem:s29+$0x50F0];
	v25 =	vadd.f32 v24, v25  }
0x16d: {  	v59 =	vperm.xlane v55, v0;
	v14 =	vadd.f32 v15, v27;
	v15 =	vadd.f32 v28, v16;
	v24 =	vld [tilespmem:s29+$0x90F0]  }
0x16e: {  	v27 =	vshll.u32 v50, $0x10;
	v28 =	vshll.u32 v30, $0x10;
	v25 =	vadd.f32 v23, v25;
	v23 =	vld [tilespmem:s29+$0x4FE0]  }
0x16f: {  	v60 =	vshll.u32 v31, $0x10;
	v26 =	vadd.f32 v58, v26;
	v28 =	vmul.f32 v28, v27;
	v27 =	vld [tilespmem:s29+$0x8FF0]  }
0x170: {  	v34 =	vmul.f32 v56, v31;
	v63 =	vshll.u32 v29, $0x10;
	v31 =	vmul.f32 v29, v57;
	v29 =	vld [tilespmem:s29+$0x51F0]  }
0x171: {  	v61 =	vshll.u32 v56, $0x10;
	v30 =	vmul.f32 v30, v50;
	v21 =	vadd.f32 v21, v26;
	v26 =	vld [tilespmem:s29+$0x8FE0]  }
0x172: {  	v62 =	vshll.u32 v57, $0x10;
	v16 =	vadd.f32 v55, v59;
	v12 =	vadd.f32 v12, v25;
	v25 =	vld [tilespmem:s29+$0x4FF0]  }
0x173: {  	v33 =	vmul.f32 v61, v60;
	v13 =	vadd.f32 v13, v21;
	v21 =	vadd.f32 v28, v30;
	v28 =	vld [tilespmem:s29+$0x51E0]  }
0x174: {  	s30 =	simm.s32 $0x2000;
	s26 =	sshll.u32 s25, $0x9;
	v32 =	vmul.f32 v63, v62;
	v35 =	vshll.u32 v22, $0x10;
	v36 =	vshll.u32 v24, $0x10;
	v30 =	vld [tilespmem:s29+$0x91E0]  }
.LBB2_3:
0x175: {  	p2 =	sne.s32 s30, $0xF000;
	v33 =	vadd.f32 v33, v34;
	v34 =	vmul.f32 v36, v35;
	v22 =	vmul.f32 v24, v22;
	v24 =	vld [tilespmem:s29+$0x91F0]  }
0x176: {  	v35 =	vshll.u32 v23, $0x10;
	v36 =	vshll.u32 v26, $0x10;
	v23 =	vmul.f32 v26, v23  }
0x177: {  	v26 =	vmul.f32 v36, v35;
	v35 =	vshll.u32 v25, $0x10;
	v36 =	vshll.u32 v27, $0x10  }
0x178: {  	v31 =	vadd.f32 v32, v31;
	v25 =	vmul.f32 v27, v25;
	v32 =	vmul.f32 v36, v35  }
0x179: {  	v27 =	vshll.u32 v28, $0x10;
	v35 =	vshll.u32 v30, $0x10;
	v28 =	vmul.f32 v30, v28  }
0x17a: {  	v27 =	vmul.f32 v35, v27;
	v30 =	vshll.u32 v29, $0x10;
	v35 =	vshll.u32 v24, $0x10  }
0x17b: {  	v22 =	vadd.f32 v34, v22;
	v24 =	vmul.f32 v24, v29;
	v30 =	vmul.f32 v35, v30  }
0x17c: {  	v23 =	vadd.f32 v26, v23;
	v25 =	vadd.f32 v32, v25  }
0x17d: {  	v26 =	vadd.f32 v27, v28;
	v24 =	vadd.f32 v30, v24  }
0x17e: {  	v21 =	vadd.f32 v33, v21;
	v22 =	vadd.f32 v22, v31  }
0x17f: {  	v23 =	vadd.f32 v25, v23;
	v24 =	vadd.f32 v24, v26  }
0x180: {  	v8 =	vadd.f32 v8, v21;
	v9 =	vadd.f32 v9, v22  }
0x181: {  	v10 =	vadd.f32 v10, v23;
	v17 =	vadd.f32 v17, v24  }
0x182: {  	v4 =	vadd.f32 v4, v8;
	v8 =	vperm.xlane v12, v0;
	v5 =	vadd.f32 v5, v9  }
0x183: {  	v9 =	vperm.xlane v13, v0;
	v6 =	vadd.f32 v6, v10;
	v7 =	vadd.f32 v7, v17  }
0x184: {  	v8 =	vadd.f32 v8, v12;
	v10 =	vperm.xlane v4, v0;
	v17 =	vperm.xlane v5, v0  }
0x185: {  	v9 =	vadd.f32 v13, v9;
	v12 =	vperm.xlane v6, v0;
	v13 =	vperm.xlane v7, v0  }
0x186: {  	v4 =	vadd.f32 v10, v4;
	v10 =	vsel vm2, v20, v14;
	v5 =	vadd.f32 v5, v17  }
0x187: {  	v14 =	vsel vm2, v15, v16;
	v6 =	vadd.f32 v12, v6;
	v7 =	vadd.f32 v7, v13  }
0x188: {  	v8 =	vsel vm2, v8, v9;
	v9 =	vperm.xlane v14, v1;
	v12 =	vperm.xlane v10, v1  }
0x189: {  	v4 =	vsel vm2, v4, v5;
	v5 =	vsel vm2, v6, v7;
	v6 =	vperm.xlane v8, v1  }
0x18a: {  	v7 =	vadd.f32 v12, v10;
	v10 =	vperm.xlane v4, v1;
	v12 =	vperm.xlane v5, v1  }
0x18b: {  	v9 =	vadd.f32 v9, v14;
	v6 =	vadd.f32 v6, v8  }
0x18c: {  	v8 =	vsel vm0, v11, v18;
	v4 =	vadd.f32 v10, v4;
	v5 =	vadd.f32 v12, v5  }
0x18d: {  	v7 =	vsel vm0, v19, v7;
	v10 =	vperm.xlane v8, v2  }
0x18e: {  	v6 =	vsel vm0, v9, v6;
	v4 =	vsel vm0, v4, v5;
	v5 =	vperm.xlane v7, v2  }
0x18f: {  	v9 =	vperm.xlane v6, v2;
	v11 =	vperm.xlane v4, v2  }
0x190: {  	v8 =	vadd.f32 v10, v8;
	v5 =	vadd.f32 v5, v7  }
0x191: {  	v6 =	vadd.f32 v9, v6;
	v4 =	vadd.f32 v11, v4;
	_ =	sdelay $0x1  }
0x192: {  	v5 =	vsel vm1, v8, v5;
	v4 =	vsel vm1, v6, v4  }
0x193: {  	v6 =	vperm.xlane v5, v3;
	v7 =	vperm.xlane v4, v3;
	_ =	sdelay $0x1  }
0x194: {  	v5 =	vadd.f32 v6, v5;
	v4 =	vadd.f32 v7, v4;
	_ =	sdelay $0x1  }
0x195: {  	s28 =	sadd.s32 $0x10, s28;
	v4 =	vsel vm3, v5, v4  }
0x196: {  	s29 =	sshra.s32 s30, $0x2;
	[tilespmem:s28+$0x0] =	vst v4  }
0x197: {  	v4 =	vld [tilespmem:s29+$0x4E50]  }
0x198: {  	v5 =	vld [tilespmem:s29+$0x8E50]  }
0x199: {  	v6 =	vld [tilespmem:s29+$0x5050]  }
0x19a: {  	v7 =	vld [tilespmem:s29+$0x9050]  }
0x19b: {  	v9 =	vld [tilespmem:s29+$0x4F50]  }
0x19c: {  	v10 =	vld [tilespmem:s29+$0x8F50]  }
0x19d: {  	v11 =	vld [tilespmem:s29+$0x5150]  }
0x19e: {  	v12 =	vld [tilespmem:s29+$0x9150]  }
0x19f: {  	v13 =	vld [tilespmem:s29+$0x4ED0]  }
0x1a0: {  	v14 =	vld [tilespmem:s29+$0x8ED0]  }
0x1a1: {  	v15 =	vld [tilespmem:s29+$0x50D0]  }
0x1a2: {  	v16 =	vld [tilespmem:s29+$0x90D0]  }
0x1a3: {  	v18 =	vld [tilespmem:s29+$0x4FD0]  }
0x1a4: {  	v20 =	vld [tilespmem:s29+$0x8FD0]  }
0x1a5: {  	v21 =	vld [tilespmem:s29+$0x51D0]  }
0x1a6: {  	v22 =	vld [tilespmem:s29+$0x91D0]  }
0x1a7: {  	v23 =	vld [tilespmem:s29+$0x4E90]  }
0x1a8: {  	v24 =	vld [tilespmem:s29+$0x8E90]  }
0x1a9: {  	v8 =	vshll.u32 v4, $0x10;
	v17 =	vshll.u32 v5, $0x10;
	v25 =	vld [tilespmem:s29+$0x5090]  }
0x1aa: {  	v4 =	vmul.f32 v5, v4;
	v8 =	vmul.f32 v17, v8;
	v5 =	vld [tilespmem:s29+$0x9090]  }
0x1ab: {  	v17 =	vshll.u32 v6, $0x10;
	v19 =	vshll.u32 v7, $0x10;
	v26 =	vld [tilespmem:s29+$0x4F90]  }
0x1ac: {  	v6 =	vmul.f32 v7, v6;
	v8 =	vadd.f32 v8, v4;
	v4 =	vmul.f32 v19, v17;
	v7 =	vld [tilespmem:s29+$0x8F90]  }
0x1ad: {  	v17 =	vshll.u32 v9, $0x10;
	v19 =	vshll.u32 v10, $0x10;
	v10 =	vmul.f32 v10, v9;
	v27 =	vld [tilespmem:s29+$0x5190]  }
0x1ae: {  	v17 =	vmul.f32 v19, v17;
	v19 =	vshll.u32 v11, $0x10;
	v28 =	vshll.u32 v12, $0x10;
	v29 =	vld [tilespmem:s29+$0x9190]  }
0x1af: {  	v9 =	vadd.f32 v4, v6;
	v11 =	vmul.f32 v12, v11;
	v6 =	vmul.f32 v28, v19;
	v4 =	vld [tilespmem:s29+$0x4F10]  }
0x1b0: {  	v12 =	vshll.u32 v13, $0x10;
	v17 =	vadd.f32 v17, v10;
	v19 =	vshll.u32 v14, $0x10;
	v28 =	vld [tilespmem:s29+$0x8F10]  }
0x1b1: {  	v10 =	vmul.f32 v19, v12;
	v12 =	vmul.f32 v14, v13;
	v11 =	vadd.f32 v6, v11;
	v30 =	vld [tilespmem:s29+$0x5110]  }
0x1b2: {  	v6 =	vshll.u32 v15, $0x10;
	v13 =	vshll.u32 v16, $0x10;
	v14 =	vmul.f32 v16, v15;
	v31 =	vld [tilespmem:s29+$0x9110]  }
0x1b3: {  	v6 =	vmul.f32 v13, v6;
	v13 =	vshll.u32 v18, $0x10;
	v15 =	vshll.u32 v20, $0x10;
	v32 =	vld [tilespmem:s29+$0x5010]  }
0x1b4: {  	v19 =	vadd.f32 v10, v12;
	v12 =	vmul.f32 v20, v18;
	v10 =	vmul.f32 v15, v13;
	v33 =	vld [tilespmem:s29+$0x9010]  }
0x1b5: {  	v20 =	vadd.f32 v6, v14;
	v6 =	vshll.u32 v21, $0x10;
	v13 =	vshll.u32 v22, $0x10;
	v34 =	vld [tilespmem:s29+$0x5210]  }
0x1b6: {  	v18 =	vadd.f32 v10, v12;
	v6 =	vmul.f32 v13, v6;
	v10 =	vmul.f32 v22, v21;
	v21 =	vld [tilespmem:s29+$0x9210]  }
0x1b7: {  	v12 =	vshll.u32 v23, $0x10;
	v13 =	vshll.u32 v24, $0x10;
	v14 =	vmul.f32 v24, v23;
	v22 =	vld [tilespmem:s29+$0x4E40]  }
0x1b8: {  	v12 =	vmul.f32 v13, v12;
	v13 =	vshll.u32 v25, $0x10;
	v15 =	vshll.u32 v5, $0x10;
	v23 =	vld [tilespmem:s29+$0x8E40]  }
0x1b9: {  	v16 =	vadd.f32 v6, v10;
	v5 =	vmul.f32 v5, v25;
	v13 =	vmul.f32 v15, v13;
	v24 =	vld [tilespmem:s29+$0x5040]  }
0x1ba: {  	v15 =	vadd.f32 v12, v14;
	v6 =	vshll.u32 v26, $0x10;
	v12 =	vshll.u32 v7, $0x10;
	v10 =	vld [tilespmem:s29+$0x9040]  }
0x1bb: {  	v14 =	vadd.f32 v13, v5;
	v5 =	vmul.f32 v12, v6;
	v6 =	vmul.f32 v7, v26;
	v25 =	vld [tilespmem:s29+$0x4F40]  }
0x1bc: {  	v7 =	vshll.u32 v27, $0x10;
	v12 =	vshll.u32 v29, $0x10;
	v13 =	vmul.f32 v29, v27;
	v26 =	vld [tilespmem:s29+$0x8F40]  }
0x1bd: {  	v27 =	vshll.u32 v4, $0x10;
	v7 =	vmul.f32 v12, v7;
	v29 =	vshll.u32 v28, $0x10;
	v35 =	vld [tilespmem:s29+$0x5140]  }
0x1be: {  	v12 =	vadd.f32 v5, v6;
	v4 =	vmul.f32 v28, v4;
	v27 =	vmul.f32 v29, v27;
	v28 =	vld [tilespmem:s29+$0x9140]  }
0x1bf: {  	v5 =	vshll.u32 v30, $0x10;
	v13 =	vadd.f32 v7, v13;
	v6 =	vshll.u32 v31, $0x10;
	v29 =	vld [tilespmem:s29+$0x4EC0]  }
0x1c0: {  	v4 =	vadd.f32 v27, v4;
	v5 =	vmul.f32 v6, v5;
	v6 =	vmul.f32 v31, v30;
	v36 =	vld [tilespmem:s29+$0x8EC0]  }
0x1c1: {  	v7 =	vshll.u32 v32, $0x10;
	v27 =	vshll.u32 v33, $0x10;
	v31 =	vmul.f32 v33, v32;
	v30 =	vld [tilespmem:s29+$0x50C0]  }
0x1c2: {  	v7 =	vmul.f32 v27, v7;
	v27 =	vshll.u32 v34, $0x10;
	v33 =	vshll.u32 v21, $0x10;
	v32 =	vld [tilespmem:s29+$0x90C0]  }
0x1c3: {  	v5 =	vadd.f32 v5, v6;
	v21 =	vmul.f32 v21, v34;
	v27 =	vmul.f32 v33, v27;
	v37 =	vld [tilespmem:s29+$0x4FC0]  }
0x1c4: {  	v33 =	vshll.u32 v22, $0x10;
	v6 =	vadd.f32 v7, v31;
	v34 =	vshll.u32 v23, $0x10;
	v38 =	vld [tilespmem:s29+$0x8FC0]  }
0x1c5: {  	v22 =	vmul.f32 v23, v22;
	v31 =	vmul.f32 v34, v33;
	v7 =	vadd.f32 v27, v21;
	v23 =	vld [tilespmem:s29+$0x51C0]  }
0x1c6: {  	v21 =	vshll.u32 v24, $0x10;
	v27 =	vshll.u32 v10, $0x10;
	v10 =	vmul.f32 v10, v24;
	v24 =	vld [tilespmem:s29+$0x91C0]  }
0x1c7: {  	v21 =	vmul.f32 v27, v21;
	v27 =	vshll.u32 v25, $0x10;
	v34 =	vshll.u32 v26, $0x10;
	v33 =	vld [tilespmem:s29+$0x4E80]  }
0x1c8: {  	v31 =	vadd.f32 v31, v22;
	v25 =	vmul.f32 v26, v25;
	v27 =	vmul.f32 v34, v27;
	v22 =	vld [tilespmem:s29+$0x8E80]  }
0x1c9: {  	v10 =	vadd.f32 v21, v10;
	v26 =	vshll.u32 v35, $0x10;
	v34 =	vshll.u32 v28, $0x10;
	v21 =	vld [tilespmem:s29+$0x5080]  }
0x1ca: {  	v27 =	vadd.f32 v27, v25;
	v25 =	vmul.f32 v34, v26;
	v26 =	vmul.f32 v28, v35;
	v39 =	vld [tilespmem:s29+$0x9080]  }
0x1cb: {  	v28 =	vshll.u32 v29, $0x10;
	v34 =	vshll.u32 v36, $0x10;
	v35 =	vmul.f32 v36, v29;
	v36 =	vld [tilespmem:s29+$0x4F80]  }
0x1cc: {  	v28 =	vmul.f32 v34, v28;
	v29 =	vshll.u32 v30, $0x10;
	v34 =	vshll.u32 v32, $0x10;
	v40 =	vld [tilespmem:s29+$0x8F80]  }
0x1cd: {  	v30 =	vmul.f32 v32, v30;
	v34 =	vmul.f32 v34, v29;
	v29 =	vadd.f32 v25, v26;
	v32 =	vld [tilespmem:s29+$0x5180]  }
0x1ce: {  	v28 =	vadd.f32 v28, v35;
	v25 =	vshll.u32 v37, $0x10;
	v26 =	vshll.u32 v38, $0x10;
	v35 =	vld [tilespmem:s29+$0x9180]  }
0x1cf: {  	v30 =	vadd.f32 v34, v30;
	v25 =	vmul.f32 v26, v25;
	v26 =	vmul.f32 v38, v37;
	v41 =	vld [tilespmem:s29+$0x4E20]  }
0x1d0: {  	v37 =	vshll.u32 v23, $0x10;
	v38 =	vshll.u32 v24, $0x10;
	v23 =	vmul.f32 v24, v23;
	v34 =	vld [tilespmem:s29+$0x8E20]  }
0x1d1: {  	v24 =	vshll.u32 v33, $0x10;
	v37 =	vmul.f32 v38, v37;
	v43 =	vshll.u32 v22, $0x10;
	v42 =	vld [tilespmem:s29+$0x4E30]  }
0x1d2: {  	v26 =	vadd.f32 v25, v26;
	v22 =	vmul.f32 v22, v33;
	v43 =	vmul.f32 v43, v24;
	v38 =	vld [tilespmem:s29+$0x8E30]  }
0x1d3: {  	v44 =	vshll.u32 v21, $0x10;
	v24 =	vadd.f32 v37, v23;
	v45 =	vshll.u32 v39, $0x10;
	v33 =	vld [tilespmem:s29+$0x5020]  }
0x1d4: {  	v21 =	vmul.f32 v39, v21;
	v25 =	vadd.f32 v43, v22;
	v22 =	vmul.f32 v45, v44;
	v23 =	vld [tilespmem:s29+$0x9020]  }
0x1d5: {  	v39 =	vshll.u32 v36, $0x10;
	v43 =	vshll.u32 v40, $0x10;
	v36 =	vmul.f32 v40, v36;
	v37 =	vld [tilespmem:s29+$0x5030]  }
0x1d6: {  	v22 =	vadd.f32 v22, v21;
	v21 =	vmul.f32 v43, v39;
	v39 =	vmul.f32 v35, v32;
	v40 =	vld [tilespmem:s29+$0x9030]  }
0x1d7: {  	v43 =	vshll.u32 v41, $0x10;
	v44 =	vshll.u32 v34, $0x10;
	v34 =	vmul.f32 v34, v41  }
0x1d8: {  	v41 =	vmul.f32 v44, v43;
	v43 =	vshll.u32 v42, $0x10;
	v44 =	vshll.u32 v38, $0x10  }
0x1d9: {  	v32 =	vshll.u32 v32, $0x10;
	v38 =	vmul.f32 v38, v42;
	v43 =	vmul.f32 v44, v43;
	v42 =	vld [tilespmem:s29+$0x4F00]  }
0x1da: {  	v44 =	vshll.u32 v33, $0x10;
	v45 =	vshll.u32 v23, $0x10;
	v23 =	vmul.f32 v23, v33;
	v33 =	vld [tilespmem:s29+$0x8F00]  }
0x1db: {  	v44 =	vmul.f32 v45, v44;
	v45 =	vshll.u32 v37, $0x10;
	v46 =	vshll.u32 v40, $0x10;
	v47 =	vld [tilespmem:s29+$0x5100]  }
0x1dc: {  	v35 =	vshll.u32 v35, $0x10;
	v37 =	vmul.f32 v40, v37;
	v45 =	vmul.f32 v46, v45;
	v40 =	vld [tilespmem:s29+$0x9100]  }
0x1dd: {  	v32 =	vmul.f32 v35, v32;
	v34 =	vadd.f32 v41, v34;
	v38 =	vadd.f32 v43, v38;
	v35 =	vld [tilespmem:s29+$0x5000]  }
0x1de: {  	v41 =	vadd.f32 v44, v23;
	v37 =	vadd.f32 v45, v37;
	v43 =	vld [tilespmem:s29+$0x9000]  }
0x1df: {  	v23 =	vadd.f32 v21, v36;
	v21 =	vadd.f32 v32, v39;
	v44 =	vshll.u32 v42, $0x10;
	v45 =	vld [tilespmem:s29+$0x4F20]  }
0x1e0: {  	v32 =	vadd.f32 v38, v34;
	v36 =	vshll.u32 v33, $0x10;
	v34 =	vadd.f32 v37, v41;
	v37 =	vld [tilespmem:s29+$0x8F20]  }
0x1e1: {  	v33 =	vmul.f32 v33, v42;
	v36 =	vmul.f32 v36, v44;
	v38 =	vshll.u32 v47, $0x10;
	v39 =	vld [tilespmem:s29+$0x4F30]  }
0x1e2: {  	v31 =	vadd.f32 v31, v32;
	v32 =	vshll.u32 v40, $0x10;
	v10 =	vadd.f32 v10, v34;
	v34 =	vld [tilespmem:s29+$0x8F30]  }
0x1e3: {  	v32 =	vmul.f32 v32, v38;
	v38 =	vmul.f32 v40, v47;
	v41 =	vshll.u32 v35, $0x10;
	v40 =	vld [tilespmem:s29+$0x5120]  }
0x1e4: {  	v31 =	vadd.f32 v8, v31;
	v42 =	vadd.f32 v9, v10;
	v44 =	vld [tilespmem:s29+$0x9120];
	v9 =	vshll.u32 v43, $0x10  }
0x1e5: {  	v8 =	vadd.f32 v36, v33;
	v35 =	vmul.f32 v43, v35;
	v33 =	vld [tilespmem:s29+$0x5130];
	v10 =	vmul.f32 v9, v41  }
0x1e6: {  	v36 =	vperm.xlane v31, v0;
	v9 =	vadd.f32 v32, v38;
	v41 =	vperm.xlane v42, v0;
	v32 =	vld [tilespmem:s29+$0x9130]  }
0x1e7: {  	v43 =	vshll.u32 v45, $0x10;
	v46 =	vshll.u32 v37, $0x10;
	v37 =	vmul.f32 v37, v45;
	v38 =	vld [tilespmem:s29+$0x4EA0]  }
0x1e8: {  	v43 =	vmul.f32 v46, v43;
	v46 =	vshll.u32 v39, $0x10;
	v47 =	vshll.u32 v34, $0x10;
	v45 =	vld [tilespmem:s29+$0x8EA0]  }
0x1e9: {  	v34 =	vmul.f32 v34, v39;
	v10 =	vadd.f32 v10, v35;
	v46 =	vmul.f32 v47, v46;
	v48 =	vld [tilespmem:s29+$0x4EB0]  }
0x1ea: {  	v31 =	vadd.f32 v36, v31;
	v35 =	vadd.f32 v42, v41;
	v36 =	vld [tilespmem:s29+$0x8EB0]  }
0x1eb: {  	v37 =	vadd.f32 v43, v37;
	v34 =	vadd.f32 v46, v34;
	v39 =	vld [tilespmem:s29+$0x50A0]  }
0x1ec: {  	v42 =	vshll.u32 v40, $0x10;
	v43 =	vshll.u32 v44, $0x10;
	v40 =	vmul.f32 v44, v40;
	v41 =	vld [tilespmem:s29+$0x90A0]  }
0x1ed: {  	v42 =	vmul.f32 v43, v42;
	v43 =	vshll.u32 v33, $0x10;
	v46 =	vshll.u32 v32, $0x10;
	v44 =	vld [tilespmem:s29+$0x50B0]  }
0x1ee: {  	v32 =	vmul.f32 v32, v33;
	v34 =	vadd.f32 v34, v37;
	v37 =	vmul.f32 v46, v43;
	v47 =	vld [tilespmem:s29+$0x90B0]  }
0x1ef: {  	v33 =	vshll.u32 v38, $0x10;
	v43 =	vshll.u32 v45, $0x10;
	v38 =	vmul.f32 v45, v38  }
0x1f0: {  	v33 =	vmul.f32 v43, v33;
	v43 =	vshll.u32 v48, $0x10;
	v45 =	vshll.u32 v36, $0x10  }
0x1f1: {  	v40 =	vadd.f32 v42, v40;
	v36 =	vmul.f32 v36, v48;
	v43 =	vmul.f32 v45, v43  }
0x1f2: {  	v42 =	vshll.u32 v39, $0x10;
	v45 =	vshll.u32 v41, $0x10;
	v39 =	vmul.f32 v41, v39;
	v41 =	vld [tilespmem:s29+$0x5200]  }
0x1f3: {  	v42 =	vmul.f32 v45, v42;
	v45 =	vshll.u32 v44, $0x10;
	v46 =	vshll.u32 v47, $0x10;
	v48 =	vld [tilespmem:s29+$0x9200]  }
0x1f4: {  	v32 =	vadd.f32 v37, v32;
	v44 =	vmul.f32 v47, v44;
	v45 =	vmul.f32 v46, v45  }
0x1f5: {  	v33 =	vadd.f32 v33, v38;
	v36 =	vadd.f32 v43, v36  }
0x1f6: {  	v37 =	vadd.f32 v42, v39;
	v38 =	vadd.f32 v45, v44  }
0x1f7: {  	v27 =	vadd.f32 v27, v34;
	v32 =	vadd.f32 v32, v40;
	v34 =	vshll.u32 v41, $0x10  }
0x1f8: {  	v33 =	vadd.f32 v36, v33;
	v36 =	vadd.f32 v38, v37;
	v37 =	vld [tilespmem:s29+$0x4FA0];
	v38 =	vmul.f32 v48, v41  }
0x1f9: {  	v27 =	vadd.f32 v17, v27;
	v17 =	vadd.f32 v29, v32;
	v32 =	vshll.u32 v48, $0x10;
	v29 =	vld [tilespmem:s29+$0x8FA0]  }
0x1fa: {  	v31 =	vsel vm2, v31, v35;
	v28 =	vadd.f32 v28, v33;
	v30 =	vadd.f32 v30, v36;
	v33 =	vld [tilespmem:s29+$0x4FB0]  }
0x1fb: {  	v35 =	vadd.f32 v11, v17;
	v11 =	vmul.f32 v32, v34;
	v32 =	vperm.xlane v31, v1;
	v36 =	vld [tilespmem:s29+$0x8FB0]  }
0x1fc: {  	v19 =	vadd.f32 v19, v28;
	v28 =	vperm.xlane v27, v0;
	v20 =	vadd.f32 v20, v30;
	v30 =	vld [tilespmem:s29+$0x51A0]  }
0x1fd: {  	v34 =	vperm.xlane v35, v0;
	v17 =	vadd.f32 v11, v38;
	v11 =	vadd.f32 v32, v31;
	v39 =	vld [tilespmem:s29+$0x91A0]  }
0x1fe: {  	v27 =	vadd.f32 v28, v27;
	v31 =	vperm.xlane v19, v0;
	v32 =	vperm.xlane v20, v0;
	v28 =	vld [tilespmem:s29+$0x51B0]  }
0x1ff: {  	v38 =	vshll.u32 v37, $0x10;
	v40 =	vshll.u32 v29, $0x10;
	v29 =	vmul.f32 v29, v37;
	v37 =	vld [tilespmem:s29+$0x91B0]  }
0x200: {  	v38 =	vmul.f32 v40, v38;
	v40 =	vshll.u32 v33, $0x10;
	v41 =	vld [tilespmem:s29+$0x4E60];
	v42 =	vshll.u32 v36, $0x10  }
0x201: {  	v34 =	vadd.f32 v35, v34;
	v33 =	vmul.f32 v36, v33;
	v43 =	vld [tilespmem:s29+$0x8E60];
	v35 =	vmul.f32 v42, v40  }
0x202: {  	v19 =	vadd.f32 v31, v19;
	v20 =	vadd.f32 v20, v32;
	v36 =	vld [tilespmem:s29+$0x4E70]  }
0x203: {  	v27 =	vsel vm2, v27, v34;
	v29 =	vadd.f32 v38, v29;
	v31 =	vld [tilespmem:s29+$0x8E70];
	v32 =	vadd.f32 v35, v33  }
0x204: {  	v34 =	vshll.u32 v39, $0x10;
	v33 =	vshll.u32 v30, $0x10;
	v30 =	vmul.f32 v39, v30  }
0x205: {  	v33 =	vmul.f32 v34, v33;
	v34 =	vshll.u32 v28, $0x10;
	v35 =	vshll.u32 v37, $0x10  }
0x206: {  	v28 =	vmul.f32 v37, v28;
	v29 =	vadd.f32 v32, v29;
	v32 =	vmul.f32 v35, v34  }
0x207: {  	v34 =	vshll.u32 v41, $0x10;
	v35 =	vshll.u32 v43, $0x10;
	v37 =	vmul.f32 v43, v41;
	v38 =	vld [tilespmem:s29+$0x5060]  }
0x208: {  	v34 =	vmul.f32 v35, v34;
	v35 =	vshll.u32 v36, $0x10;
	v39 =	vshll.u32 v31, $0x10;
	v40 =	vld [tilespmem:s29+$0x9060]  }
0x209: {  	v26 =	vadd.f32 v26, v29;
	v31 =	vmul.f32 v31, v36;
	v35 =	vmul.f32 v39, v35;
	v36 =	vld [tilespmem:s29+$0x5070]  }
0x20a: {  	v30 =	vadd.f32 v33, v30;
	v28 =	vadd.f32 v32, v28;
	v32 =	vperm.xlane v27, v1;
	v29 =	vld [tilespmem:s29+$0x9070]  }
0x20b: {  	v33 =	vadd.f32 v34, v37;
	v31 =	vadd.f32 v35, v31  }
0x20c: {  	v19 =	vsel vm2, v19, v20;
	v20 =	vadd.f32 v18, v26;
	v18 =	vadd.f32 v32, v27  }
0x20d: {  	v28 =	vadd.f32 v28, v30;
	v30 =	vperm.xlane v19, v1;
	v26 =	vadd.f32 v31, v33;
	v27 =	vld [tilespmem:s29+$0x4F60]  }
0x20e: {  	v31 =	vshll.u32 v38, $0x10;
	v32 =	vshll.u32 v40, $0x10;
	v33 =	vmul.f32 v40, v38;
	v34 =	vld [tilespmem:s29+$0x8F60]  }
0x20f: {  	v31 =	vmul.f32 v32, v31;
	v32 =	vshll.u32 v36, $0x10;
	v35 =	vshll.u32 v29, $0x10;
	v37 =	vld [tilespmem:s29+$0x4F70]  }
0x210: {  	v19 =	vadd.f32 v30, v19;
	v29 =	vmul.f32 v29, v36;
	v32 =	vmul.f32 v35, v32;
	v35 =	vld [tilespmem:s29+$0x8F70]  }
0x211: {  	v24 =	vadd.f32 v24, v28;
	v28 =	vperm.xlane v20, v0;
	v25 =	vadd.f32 v25, v26;
	v26 =	vld [tilespmem:s29+$0x5160]  }
0x212: {  	v30 =	vadd.f32 v31, v33;
	v29 =	vadd.f32 v32, v29;
	v31 =	vld [tilespmem:s29+$0x9160]  }
0x213: {  	v16 =	vadd.f32 v16, v24;
	v20 =	vadd.f32 v28, v20;
	v32 =	vld [tilespmem:s29+$0x5170]  }
0x214: {  	v15 =	vadd.f32 v15, v25;
	v24 =	vadd.f32 v29, v30;
	v25 =	vld [tilespmem:s29+$0x9170]  }
0x215: {  	v28 =	vshll.u32 v27, $0x10;
	v27 =	vmul.f32 v34, v27;
	v29 =	vshll.u32 v34, $0x10  }
0x216: {  	v28 =	vmul.f32 v29, v28;
	v29 =	vshll.u32 v37, $0x10;
	v30 =	vshll.u32 v35, $0x10  }
0x217: {  	v22 =	vadd.f32 v22, v24;
	v24 =	vmul.f32 v30, v29;
	v29 =	vmul.f32 v35, v37;
	v33 =	vld [tilespmem:s29+$0x4EE0]  }
0x218: {  	v34 =	vshll.u32 v26, $0x10;
	v35 =	vshll.u32 v31, $0x10;
	v26 =	vmul.f32 v31, v26;
	v30 =	vld [tilespmem:s29+$0x8EE0]  }
0x219: {  	v34 =	vmul.f32 v35, v34;
	v35 =	vshll.u32 v32, $0x10;
	v31 =	vld [tilespmem:s29+$0x4EF0];
	v36 =	vshll.u32 v25, $0x10  }
0x21a: {  	v37 =	vadd.f32 v14, v22;
	v22 =	vmul.f32 v25, v32;
	v38 =	vld [tilespmem:s29+$0x8EF0];
	v14 =	vmul.f32 v36, v35  }
0x21b: {  	v24 =	vadd.f32 v24, v29;
	v25 =	vadd.f32 v28, v27;
	v27 =	vperm.xlane v16, v0;
	v32 =	vld [tilespmem:s29+$0x50E0]  }
0x21c: {  	v28 =	vperm.xlane v15, v0;
	v26 =	vadd.f32 v34, v26;
	v29 =	vld [tilespmem:s29+$0x90E0];
	v34 =	vadd.f32 v14, v22  }
0x21d: {  	v35 =	vperm.xlane v37, v0;
	v25 =	vadd.f32 v24, v25;
	v14 =	vadd.f32 v16, v27;
	v22 =	vld [tilespmem:s29+$0x50F0]  }
0x21e: {  	v15 =	vadd.f32 v28, v15;
	v24 =	vld [tilespmem:s29+$0x90F0];
	v26 =	vadd.f32 v34, v26  }
0x21f: {  	v16 =	vadd.f32 v37, v35;
	v25 =	vadd.f32 v23, v25;
	v23 =	vld [tilespmem:s29+$0x4FE0]  }
0x220: {  	v27 =	vshll.u32 v33, $0x10;
	v28 =	vshll.u32 v30, $0x10;
	v21 =	vadd.f32 v21, v26;
	v26 =	vld [tilespmem:s29+$0x8FE0]  }
.Ltmp2:
0x221: {  	v30 =	vmul.f32 v30, v33;
	v28 =	vmul.f32 v28, v27;
	v12 =	vadd.f32 v12, v25;
	v25 =	vld [tilespmem:s29+$0x4FF0];
	(pc) =	sbr.rel @p2 .LBB2_3-.Ltmp2, $4  }
0x222: {  	v33 =	vshll.u32 v31, $0x10;
	v34 =	vshll.u32 v38, $0x10;
	v13 =	vadd.f32 v13, v21;
	v27 =	vld [tilespmem:s29+$0x8FF0]  }
0x223: {  	v33 =	vmul.f32 v34, v33;
	v34 =	vmul.f32 v38, v31;
	v21 =	vadd.f32 v28, v30;
	v28 =	vld [tilespmem:s29+$0x51E0]  }
0x224: {  	v35 =	vshll.u32 v32, $0x10;
	v36 =	vshll.u32 v29, $0x10;
	v31 =	vmul.f32 v29, v32;
	v30 =	vld [tilespmem:s29+$0x91E0]  }
0x225: {  	s30 =	sadd.s32 $0x1000, s30;
	v32 =	vmul.f32 v36, v35;
	v35 =	vshll.u32 v22, $0x10;
	v36 =	vshll.u32 v24, $0x10;
	v29 =	vld [tilespmem:s29+$0x51F0]  }
0x226: {  	v33 =	vadd.f32 v33, v34;
	v51 =	vmul.f32 v36, v35;
	v22 =	vmul.f32 v24, v22;
	v24 =	vld [tilespmem:s29+$0x91F0]  }
0x227: {  	v52 =	vshll.u32 v23, $0x10;
	v53 =	vshll.u32 v26, $0x10;
	v23 =	vmul.f32 v26, v23  }
0x228: {  	v54 =	vshll.u32 v25, $0x10;
	v26 =	vmul.f32 v53, v52;
	v55 =	vshll.u32 v27, $0x10  }
0x229: {  	v31 =	vadd.f32 v32, v31;
	v25 =	vmul.f32 v27, v25;
	v56 =	vmul.f32 v55, v54  }
0x22a: {  	v27 =	vshll.u32 v28, $0x10;
	v57 =	vshll.u32 v30, $0x10;
	v28 =	vmul.f32 v30, v28  }
0x22b: {  	v27 =	vmul.f32 v57, v27;
	v30 =	vshll.u32 v29, $0x10;
	v58 =	vshll.u32 v24, $0x10  }
0x22c: {  	v22 =	vadd.f32 v51, v22;
	v24 =	vmul.f32 v24, v29;
	v30 =	vmul.f32 v58, v30  }
0x22d: {  	v23 =	vadd.f32 v26, v23;
	v25 =	vadd.f32 v56, v25  }
0x22e: {  	v26 =	vadd.f32 v27, v28;
	v24 =	vadd.f32 v30, v24  }
0x22f: {  	v21 =	vadd.f32 v33, v21;
	v23 =	vadd.f32 v25, v23  }
0x230: {  	v22 =	vadd.f32 v22, v31;
	v24 =	vadd.f32 v24, v26  }
0x231: {  	v8 =	vadd.f32 v8, v21;
	v10 =	vadd.f32 v10, v23  }
0x232: {  	v9 =	vadd.f32 v9, v22;
	v17 =	vadd.f32 v17, v24  }
0x233: {  	v4 =	vadd.f32 v4, v8;
	v8 =	vperm.xlane v12, v0;
	v6 =	vadd.f32 v6, v10  }
0x234: {  	v5 =	vadd.f32 v5, v9;
	v9 =	vperm.xlane v13, v0;
	v7 =	vadd.f32 v7, v17  }
0x235: {  	v8 =	vadd.f32 v8, v12;
	v10 =	vperm.xlane v4, v0;
	v12 =	vperm.xlane v6, v0  }
0x236: {  	v9 =	vadd.f32 v13, v9;
	v17 =	vperm.xlane v5, v0;
	v13 =	vperm.xlane v7, v0  }
0x237: {  	v4 =	vadd.f32 v10, v4;
	v10 =	vsel vm2, v20, v14;
	v6 =	vadd.f32 v12, v6  }
0x238: {  	v14 =	vsel vm2, v15, v16;
	v5 =	vadd.f32 v5, v17;
	v7 =	vadd.f32 v7, v13  }
0x239: {  	v8 =	vsel vm2, v8, v9;
	v9 =	vperm.xlane v14, v1;
	v12 =	vperm.xlane v10, v1  }
0x23a: {  	v4 =	vsel vm2, v4, v5;
	v5 =	vsel vm2, v6, v7;
	v6 =	vperm.xlane v8, v1  }
0x23b: {  	v7 =	vadd.f32 v12, v10;
	v10 =	vperm.xlane v4, v1;
	v12 =	vperm.xlane v5, v1  }
0x23c: {  	v9 =	vadd.f32 v9, v14;
	v6 =	vadd.f32 v6, v8  }
0x23d: {  	v8 =	vsel vm0, v11, v18;
	v4 =	vadd.f32 v10, v4;
	v5 =	vadd.f32 v12, v5  }
0x23e: {  	v7 =	vsel vm0, v19, v7;
	v10 =	vperm.xlane v8, v2  }
0x23f: {  	v6 =	vsel vm0, v9, v6;
	v4 =	vsel vm0, v4, v5;
	v5 =	vperm.xlane v7, v2  }
0x240: {  	v9 =	vperm.xlane v6, v2;
	v11 =	vperm.xlane v4, v2  }
0x241: {  	v8 =	vadd.f32 v10, v8;
	v5 =	vadd.f32 v5, v7  }
0x242: {  	v6 =	vadd.f32 v9, v6;
	v4 =	vadd.f32 v11, v4;
	_ =	sdelay $0x1  }
0x243: {  	v5 =	vsel vm1, v8, v5;
	v4 =	vsel vm1, v6, v4  }
0x244: {  	v6 =	vperm.xlane v5, v3;
	v7 =	vperm.xlane v4, v3;
	_ =	sdelay $0x1  }
0x245: {  	v5 =	vadd.f32 v6, v5;
	v4 =	vadd.f32 v7, v4  }
0x246: {  	s29 =	sadd.s32 s3, s26  }
0x247: {  	s28 =	sadd.s32 $0x10, s28;
	s29 =	sshrl.u32 s29, $0x3;
	v4 =	vsel vm3, v5, v4  }
0x248: {  	p2 =	seq.s32 s25, $0x13;
	[tilespmem:s28+$0x0] =	vst v4;
	s28 =	sadd.s32 s5, s29  }
0x249: {  	[hbm4b:s28+s2] =	stream.linear.scatter [tilespmem:s19], [sflag:$0x3], $0x100, $0x38;
	[tilespmem:$0x1EC60] =	vst v63  }
0x24a: {  	s28 =	smin.u32 @!p2 s26, $0x2410  }
0x24b: {  	s30 =	simm.s32 @!p2 $0x100;
	s31 =	simm.s32 @!p2 $0x4E20;
	s29 =	sadd.s32 @!p2 $0x200, s28  }
0x24c: {  	[tilespmem:s31], [sflag:$0x1] =	stream.indirect.gather @!p2 [spmem:s0], $0x40, s29, s30, $0xb8;
	[tilespmem:$0x1EC60] =	vst v63  }
0x24d: {  	s28 =	sadd.s32 @!p2 $0x2910, s28;
	s29 =	simm.s32 @!p2 $0x8E20  }
0x24e: {  	[tilespmem:s29], [sflag:$0x1] =	stream.indirect.gather @!p2 [spmem:s0], $0x40, s28, s30, $0xb8;
	[tilespmem:$0x1EC60] =	vst v63  }
0x24f: {  	_ =	swait.ge [sflag:s20], $0x4000  }
0x250: {  	[sflag:s20] =	ssyncset.done $0x0  }
0x251: {  	[sflag:s20] =	ssyncadd.s32 $0xFFFFC000  }
0x252: {  	_ =	swait.ge [sflag:s20], $0x4000  }
0x253: {  	[sflag:s20] =	ssyncset.done $0x0  }
0x254: {  	s28 =	simm.s32 @!p1 $0x4;
	[sflag:s20] =	ssyncadd.s32 $0xFFFFC000  }
0x255: {  	_ =	swait.ge @!p1 [sflag:s28], $0x100  }
0x256: {  	[sflag:s28] =	ssyncset.done @!p1 $0x0  }
0x257: {  	[sflag:s28] =	ssyncadd.s32 @!p1 $0xFFFFFF00;
	s28 =	simm.s32 $0x0  }
0x258: {  	v4 =	vld [tilespmem:s28+$0xCE50]  }
0x259: {  	v5 =	vld [tilespmem:s28+$0x10E50]  }
0x25a: {  	v6 =	vld [tilespmem:s28+$0xD050]  }
0x25b: {  	v7 =	vld [tilespmem:s28+$0x11050]  }
0x25c: {  	v8 =	vld [tilespmem:s28+$0xCF50]  }
0x25d: {  	v9 =	vld [tilespmem:s28+$0x10F50]  }
0x25e: {  	v10 =	vld [tilespmem:s28+$0xD150]  }
0x25f: {  	v11 =	vld [tilespmem:s28+$0x11150]  }
0x260: {  	v12 =	vld [tilespmem:s28+$0xCED0]  }
0x261: {  	v13 =	vld [tilespmem:s28+$0x10ED0]  }
0x262: {  	v16 =	vld [tilespmem:s28+$0xD0D0]  }
0x263: {  	v17 =	vld [tilespmem:s28+$0x110D0]  }
0x264: {  	v20 =	vld [tilespmem:s28+$0xCFD0]  }
0x265: {  	v21 =	vld [tilespmem:s28+$0x10FD0]  }
0x266: {  	v63 =	vld [tilespmem:s28+$0xCEC0]  }
0x267: {  	v44 =	vld [tilespmem:s28+$0x10EC0]  }
0x268: {  	v49 =	vld [tilespmem:s28+$0xCF80]  }
0x269: {  	v51 =	vld [tilespmem:s28+$0x10F80]  }
0x26a: {  	v22 =	vld [tilespmem:s28+$0xD1D0]  }
0x26b: {  	v23 =	vld [tilespmem:s28+$0x111D0]  }
0x26c: {  	v24 =	vld [tilespmem:s28+$0xCE90];
	v14 =	vshll.u32 v4, $0x10;
	v15 =	vshll.u32 v5, $0x10  }
0x26d: {  	v25 =	vld [tilespmem:s28+$0x10E90];
	v4 =	vmul.f32 v5, v4;
	v14 =	vmul.f32 v15, v14  }
0x26e: {  	v54 =	vld [tilespmem:s28+$0xCE30];
	v19 =	vshll.u32 v7, $0x10;
	v34 =	vmul.f32 v44, v63;
	v35 =	vmul.f32 v51, v49  }
0x26f: {  	v56 =	vld [tilespmem:s28+$0x10E30];
	v15 =	vshll.u32 v6, $0x10;
	v6 =	vmul.f32 v7, v6;
	v18 =	vadd.f32 v14, v4  }
0x270: {  	v30 =	vld [tilespmem:s28+$0x10F10];
	v4 =	vmul.f32 v19, v15;
	v14 =	vshll.u32 v8, $0x10;
	v15 =	vshll.u32 v9, $0x10  }
0x271: {  	v26 =	vld [tilespmem:s28+$0xD090];
	v28 =	vshll.u32 v11, $0x10;
	v8 =	vmul.f32 v9, v8;
	v14 =	vmul.f32 v15, v14  }
0x272: {  	v27 =	vld [tilespmem:s28+$0xCF90];
	v15 =	vshll.u32 v10, $0x10;
	v10 =	vmul.f32 v11, v10;
	v11 =	vshll.u32 v12, $0x10  }
0x273: {  	v29 =	vld [tilespmem:s28+$0x11190];
	v19 =	vadd.f32 v4, v6;
	v6 =	vmul.f32 v28, v15;
	v28 =	vshll.u32 v13, $0x10  }
0x274: {  	v31 =	vld [tilespmem:s28+$0x11110];
	v32 =	vmul.f32 v56, v54;
	v15 =	vadd.f32 v14, v8;
	v8 =	vmul.f32 v28, v11  }
0x275: {  	v59 =	vld [tilespmem:s28+$0xD010];
	v61 =	vshll.u32 v30, $0x10;
	v11 =	vmul.f32 v13, v12;
	v12 =	vmul.f32 v17, v16  }
0x276: {  	v60 =	vld [tilespmem:s28+$0xD040];
	v14 =	vadd.f32 v6, v10;
	v6 =	vshll.u32 v16, $0x10;
	v10 =	vshll.u32 v17, $0x10  }
0x277: {  	v5 =	vld [tilespmem:s28+$0x11090];
	v13 =	vshll.u32 v21, $0x10;
	v6 =	vmul.f32 v10, v6;
	v10 =	vshll.u32 v20, $0x10  }
0x278: {  	v47 =	vld [tilespmem:s28+$0x111C0];
	v16 =	vadd.f32 v8, v11;
	v8 =	vmul.f32 v13, v10;
	v10 =	vmul.f32 v21, v20  }
0x279: {  	v7 =	vld [tilespmem:s28+$0x10F90];
	v11 =	vshll.u32 v23, $0x10;
	v17 =	vadd.f32 v6, v12;
	v6 =	vshll.u32 v22, $0x10  }
0x27a: {  	v42 =	vld [tilespmem:s28+$0xCE20];
	v12 =	vmul.f32 v25, v24;
	v13 =	vadd.f32 v8, v10;
	v6 =	vmul.f32 v11, v6  }
0x27b: {  	v9 =	vld [tilespmem:s28+$0xD190];
	v8 =	vmul.f32 v23, v22;
	v10 =	vshll.u32 v24, $0x10;
	v11 =	vshll.u32 v25, $0x10  }
0x27c: {  	v4 =	vld [tilespmem:s28+$0xCF10];
	v25 =	vshll.u32 v5, $0x10;
	v10 =	vmul.f32 v11, v10;
	v11 =	vshll.u32 v26, $0x10  }
0x27d: {  	v53 =	vshll.u32 v47, $0x10;
	v22 =	vld [tilespmem:s28+$0x11210];
	v5 =	vmul.f32 v5, v26;
	v25 =	vmul.f32 v25, v11  }
0x27e: {  	v24 =	vld [tilespmem:s28+$0x10E40];
	v11 =	vadd.f32 v6, v8;
	v6 =	vshll.u32 v27, $0x10;
	v8 =	vshll.u32 v7, $0x10  }
0x27f: {  	v28 =	vld [tilespmem:s28+$0xD110];
	v12 =	vadd.f32 v10, v12;
	v10 =	vadd.f32 v25, v5;
	v5 =	vmul.f32 v8, v6  }
0x280: {  	v20 =	vld [tilespmem:s28+$0x11010];
	v6 =	vmul.f32 v7, v27;
	v7 =	vshll.u32 v9, $0x10;
	v8 =	vshll.u32 v29, $0x10  }
0x281: {  	v21 =	vld [tilespmem:s28+$0xD210];
	v9 =	vmul.f32 v29, v9;
	v29 =	vshll.u32 v4, $0x10;
	v4 =	vmul.f32 v30, v4  }
0x282: {  	v58 =	vshll.u32 v42, $0x10;
	v23 =	vld [tilespmem:s28+$0xCE40];
	v7 =	vmul.f32 v8, v7;
	v29 =	vmul.f32 v61, v29  }
0x283: {  	v27 =	vld [tilespmem:s28+$0x10F40];
	v45 =	vshll.u32 v22, $0x10;
	v46 =	vshll.u32 v24, $0x10;
	v61 =	vshll.u32 v56, $0x10  }
0x284: {  	v30 =	vld [tilespmem:s28+$0x11140];
	v8 =	vadd.f32 v5, v6;
	v5 =	vshll.u32 v28, $0x10;
	v6 =	vshll.u32 v31, $0x10  }
0x285: {  	v40 =	vld [tilespmem:s28+$0x11080];
	v9 =	vadd.f32 v7, v9;
	v4 =	vadd.f32 v29, v4;
	v5 =	vmul.f32 v6, v5  }
0x286: {  	v26 =	vld [tilespmem:s28+$0x11040];
	v6 =	vmul.f32 v31, v28;
	v7 =	vshll.u32 v59, $0x10;
	v29 =	vshll.u32 v20, $0x10  }
0x287: {  	v20 =	vmul.f32 v20, v59;
	v7 =	vmul.f32 v29, v7;
	v29 =	vshll.u32 v21, $0x10  }
0x288: {  	v25 =	vld [tilespmem:s28+$0xCF40];
	v21 =	vmul.f32 v22, v21;
	v22 =	vshll.u32 v23, $0x10;
	v5 =	vadd.f32 v5, v6  }
0x289: {  	v28 =	vld [tilespmem:s28+$0xD0C0];
	v29 =	vmul.f32 v45, v29;
	v48 =	vshll.u32 v27, $0x10;
	v39 =	vshll.u32 v30, $0x10  }
0x28a: {  	v31 =	vld [tilespmem:s28+$0x110C0];
	v45 =	vshll.u32 v40, $0x10;
	v6 =	vadd.f32 v7, v20;
	v20 =	vmul.f32 v46, v22  }
0x28b: {  	v62 =	vld [tilespmem:s28+$0xD140];
	v22 =	vmul.f32 v24, v23;
	v24 =	vshll.u32 v26, $0x10;
	v26 =	vmul.f32 v26, v60  }
0x28c: {  	v37 =	vld [tilespmem:s28+$0xCFC0];
	v46 =	vshll.u32 v49, $0x10;
	v7 =	vadd.f32 v29, v21;
	v21 =	vshll.u32 v60, $0x10  }
0x28d: {  	v23 =	vld [tilespmem:s28+$0xD1C0];
	v29 =	vshll.u32 v25, $0x10;
	v25 =	vmul.f32 v27, v25;
	v21 =	vmul.f32 v24, v21  }
0x28e: {  	v38 =	vld [tilespmem:s28+$0x10FC0];
	v60 =	vshll.u32 v54, $0x10;
	v20 =	vadd.f32 v20, v22;
	v29 =	vmul.f32 v48, v29  }
0x28f: {  	v24 =	vld [tilespmem:s28+$0xCE80];
	v50 =	vshll.u32 v31, $0x10;
	v31 =	vmul.f32 v31, v28;
	v33 =	vadd.f32 v21, v26  }
0x290: {  	v22 =	vld [tilespmem:s28+$0x10E80];
	v26 =	vshll.u32 v62, $0x10;
	v27 =	vadd.f32 v29, v25;
	v29 =	vshll.u32 v63, $0x10  }
0x291: {  	v57 =	vld [tilespmem:s28+$0xD020];
	v25 =	vmul.f32 v39, v26;
	v26 =	vmul.f32 v30, v62;
	v30 =	vshll.u32 v44, $0x10  }
0x292: {  	v41 =	vld [tilespmem:s28+$0xD180];
	v52 =	vshll.u32 v23, $0x10;
	v30 =	vmul.f32 v30, v29;
	v29 =	vshll.u32 v28, $0x10  }
0x293: {  	v21 =	vld [tilespmem:s28+$0xD080];
	v23 =	vmul.f32 v47, v23;
	v47 =	vshll.u32 v51, $0x10;
	v36 =	vmul.f32 v50, v29  }
0x294: {  	v48 =	vld [tilespmem:s28+$0x11030];
	v29 =	vadd.f32 v25, v26;
	v25 =	vshll.u32 v37, $0x10;
	v26 =	vshll.u32 v38, $0x10  }
0x295: {  	v63 =	vld [tilespmem:s28+$0xD030];
	v55 =	vshll.u32 v24, $0x10;
	v43 =	vshll.u32 v22, $0x10;
	v22 =	vmul.f32 v22, v24  }
0x296: {  	v54 =	vld [tilespmem:s28+$0x11100];
	v50 =	vshll.u32 v57, $0x10;
	v28 =	vadd.f32 v30, v34;
	v25 =	vmul.f32 v26, v25  }
0x297: {  	v34 =	vld [tilespmem:s28+$0x11180];
	v26 =	vmul.f32 v38, v37;
	v38 =	vmul.f32 v43, v55;
	v30 =	vadd.f32 v36, v31  }
0x298: {  	v31 =	vld [tilespmem:s28+$0x10E20];
	v36 =	vmul.f32 v53, v52;
	v44 =	vshll.u32 v21, $0x10;
	v21 =	vmul.f32 v40, v21  }
0x299: {  	v62 =	vld [tilespmem:s28+$0xCF00];
	v26 =	vadd.f32 v25, v26;
	v25 =	vadd.f32 v38, v22;
	v22 =	vmul.f32 v45, v44  }
0x29a: {  	v52 =	vld [tilespmem:s28+$0x10F00];
	v53 =	vshll.u32 v63, $0x10;
	v24 =	vadd.f32 v36, v23;
	v36 =	vmul.f32 v48, v63  }
0x29b: {  	v23 =	vld [tilespmem:s28+$0x11020];
	v22 =	vadd.f32 v22, v21;
	v21 =	vmul.f32 v47, v46;
	v46 =	vshll.u32 v48, $0x10  }
0x29c: {  	v55 =	vld [tilespmem:s28+$0xD000];
	v49 =	vmul.f32 v34, v41;
	v41 =	vshll.u32 v41, $0x10;
	v45 =	vmul.f32 v46, v53  }
0x29d: {  	v47 =	vld [tilespmem:s28+$0xD100];
	v34 =	vshll.u32 v34, $0x10;
	v59 =	vshll.u32 v31, $0x10;
	v31 =	vmul.f32 v31, v42  }
0x29e: {  	v39 =	vld [tilespmem:s28+$0xD120];
	v63 =	vshll.u32 v62, $0x10;
	v42 =	vmul.f32 v61, v60;
	v34 =	vmul.f32 v34, v41  }
0x29f: {  	v38 =	vld [tilespmem:s28+$0xCF30];
	v60 =	vshll.u32 v54, $0x10;
	v40 =	vmul.f32 v59, v58;
	v36 =	vadd.f32 v45, v36  }
0x2a0: {  	v48 =	vld [tilespmem:s28+$0xCF20];
	v58 =	vmul.f32 v52, v62;
	v51 =	vshll.u32 v23, $0x10;
	v23 =	vmul.f32 v23, v57  }
0x2a1: {  	v32 =	vadd.f32 v42, v32;
	v44 =	vmul.f32 v51, v50;
	v31 =	vadd.f32 v40, v31;
	v51 =	vld [tilespmem:s28+$0x10F20]  }
0x2a2: {  	v62 =	vshll.u32 v55, $0x10;
	v57 =	vld [tilespmem:s28+$0x11000];
	v50 =	vshll.u32 v52, $0x10;
	v59 =	vshll.u32 v47, $0x10  }
0x2a3: {  	v61 =	vmul.f32 v54, v47;
	v56 =	vadd.f32 v44, v23;
	v31 =	vadd.f32 v32, v31;
	v44 =	vld [tilespmem:s28+$0x11120]  }
0x2a4: {  	v23 =	vadd.f32 v21, v35;
	v21 =	vadd.f32 v34, v49;
	v34 =	vmul.f32 v50, v63  }
0x2a5: {  	v37 =	vld [tilespmem:s28+$0xCEA0];
	v32 =	vmul.f32 v60, v59;
	v49 =	vadd.f32 v36, v56;
	v20 =	vadd.f32 v20, v31  }
0x2a6: {  	v59 =	vshll.u32 v38, $0x10;
	v56 =	vshll.u32 v48, $0x10;
	v35 =	vmul.f32 v51, v48;
	v48 =	vld [tilespmem:s28+$0xCEB0]  }
0x2a7: {  	v52 =	vmul.f32 v57, v55;
	v31 =	vadd.f32 v33, v49;
	v33 =	vld [tilespmem:s28+$0x10F30];
	v63 =	vadd.f32 v18, v20  }
0x2a8: {  	v55 =	vld [tilespmem:s28+$0x11130];
	v18 =	vadd.f32 v34, v58;
	v49 =	vshll.u32 v39, $0x10;
	v50 =	vshll.u32 v44, $0x10  }
0x2a9: {  	v34 =	vld [tilespmem:s28+$0xD130];
	v39 =	vmul.f32 v44, v39;
	v31 =	vadd.f32 v19, v31;
	v19 =	vshll.u32 v57, $0x10  }
0x2aa: {  	v58 =	vld [tilespmem:s28+$0x10EA0];
	v53 =	vperm.xlane v63, v0;
	v57 =	vshll.u32 v51, $0x10;
	v20 =	vmul.f32 v19, v62  }
0x2ab: {  	v19 =	vadd.f32 v32, v61;
	v42 =	vmul.f32 v57, v56;
	v54 =	vperm.xlane v31, v0  }
0x2ac: {  	v44 =	vld [tilespmem:s28+$0xD0B0];
	v36 =	vadd.f32 v53, v63;
	v57 =	vshll.u32 v48, $0x10;
	v60 =	vshll.u32 v33, $0x10  }
0x2ad: {  	v61 =	vld [tilespmem:s28+$0x10EB0];
	v33 =	vmul.f32 v33, v38;
	v20 =	vadd.f32 v20, v52;
	v35 =	vadd.f32 v42, v35  }
0x2ae: {  	v62 =	vld [tilespmem:s28+$0xD0A0];
	v42 =	vmul.f32 v50, v49;
	v51 =	vshll.u32 v34, $0x10;
	v52 =	vshll.u32 v55, $0x10  }
0x2af: {  	v63 =	vld [tilespmem:s28+$0x110A0];
	v32 =	vmul.f32 v55, v34;
	v55 =	vshll.u32 v37, $0x10;
	v56 =	vshll.u32 v58, $0x10  }
0x2b0: {  	v53 =	vld [tilespmem:s28+$0x110B0];
	v37 =	vmul.f32 v58, v37;
	v46 =	vmul.f32 v60, v59;
	v31 =	vadd.f32 v31, v54  }
0x2b1: {  	v54 =	vmul.f32 v52, v51;
	v34 =	vmul.f32 v56, v55;
	v39 =	vadd.f32 v42, v39  }
0x2b2: {  	v33 =	vadd.f32 v46, v33;
	v58 =	vshll.u32 v61, $0x10;
	v38 =	vmul.f32 v61, v48  }
0x2b3: {  	v59 =	vshll.u32 v62, $0x10;
	v32 =	vadd.f32 v54, v32;
	v34 =	vadd.f32 v34, v37  }
0x2b4: {  	v52 =	vld [tilespmem:s28+$0x11200];
	v43 =	vmul.f32 v58, v57;
	v60 =	vshll.u32 v63, $0x10;
	v40 =	vmul.f32 v63, v62  }
0x2b5: {  	v61 =	vld [tilespmem:s28+$0xD200];
	v62 =	vshll.u32 v44, $0x10;
	v63 =	vshll.u32 v53, $0x10;
	v44 =	vmul.f32 v53, v44  }
0x2b6: {  	v58 =	vld [tilespmem:s28+$0xCFA0];
	v33 =	vadd.f32 v33, v35;
	v42 =	vmul.f32 v60, v59;
	v45 =	vmul.f32 v63, v62  }
0x2b7: {  	v32 =	vadd.f32 v32, v39;
	v63 =	vld [tilespmem:s28+$0x10FB0];
	v53 =	vadd.f32 v43, v38  }
0x2b8: {  	v31 =	vsel vm2, v36, v31;
	v54 =	vadd.f32 v42, v40;
	v55 =	vadd.f32 v45, v44  }
0x2b9: {  	v47 =	vld [tilespmem:s28+$0x111A0];
	v60 =	vshll.u32 v52, $0x10;
	v27 =	vadd.f32 v27, v33;
	v45 =	vperm.xlane v31, v1  }
0x2ba: {  	v56 =	vshll.u32 v61, $0x10;
	v34 =	vadd.f32 v53, v34;
	v57 =	vadd.f32 v55, v54  }
0x2bb: {  	v59 =	vmul.f32 v52, v61;
	v61 =	vld [tilespmem:s28+$0xCFB0];
	v27 =	vadd.f32 v15, v27;
	v15 =	vadd.f32 v29, v32  }
0x2bc: {  	v52 =	vld [tilespmem:s28+$0xCE60];
	v49 =	vshll.u32 v58, $0x10;
	v28 =	vadd.f32 v28, v34;
	v54 =	vshll.u32 v63, $0x10  }
0x2bd: {  	v29 =	vld [tilespmem:s28+$0x10FA0];
	v30 =	vadd.f32 v30, v57;
	v62 =	vadd.f32 v14, v15;
	v14 =	vmul.f32 v60, v56  }
0x2be: {  	v55 =	vld [tilespmem:s28+$0x10E60];
	v60 =	vshll.u32 v47, $0x10;
	v16 =	vadd.f32 v16, v28;
	v28 =	vperm.xlane v27, v0  }
0x2bf: {  	v51 =	vld [tilespmem:s28+$0x111B0];
	v17 =	vadd.f32 v17, v30;
	v46 =	vperm.xlane v62, v0;
	v15 =	vadd.f32 v14, v59  }
0x2c0: {  	v14 =	vadd.f32 v45, v31;
	v53 =	vshll.u32 v61, $0x10;
	v34 =	vmul.f32 v63, v61  }
0x2c1: {  	v57 =	vld [tilespmem:s28+$0xCE70];
	v40 =	vshll.u32 v52, $0x10;
	v31 =	vperm.xlane v16, v0;
	v27 =	vadd.f32 v28, v27  }
0x2c2: {  	v30 =	vld [tilespmem:s28+$0xD1A0];
	v50 =	vshll.u32 v29, $0x10;
	v29 =	vmul.f32 v29, v58;
	v56 =	vmul.f32 v54, v53  }
0x2c3: {  	v28 =	vld [tilespmem:s28+$0xD1B0];
	v42 =	vshll.u32 v55, $0x10;
	v44 =	vmul.f32 v55, v52;
	v48 =	vperm.xlane v17, v0  }
0x2c4: {  	v38 =	vmul.f32 v50, v49;
	v33 =	vadd.f32 v62, v46;
	v62 =	vshll.u32 v51, $0x10  }
0x2c5: {  	v16 =	vadd.f32 v31, v16;
	v31 =	vld [tilespmem:s28+$0x10E70];
	v58 =	vadd.f32 v56, v34;
	v34 =	vmul.f32 v42, v40  }
0x2c6: {  	v46 =	vshll.u32 v57, $0x10;
	v17 =	vadd.f32 v17, v48;
	v27 =	vsel vm2, v27, v33  }
0x2c7: {  	v49 =	vld [tilespmem:s28+$0xD070];
	v29 =	vadd.f32 v38, v29;
	v59 =	vshll.u32 v30, $0x10;
	v30 =	vmul.f32 v47, v30  }
0x2c8: {  	v48 =	vld [tilespmem:s28+$0x11060];
	v50 =	vperm.xlane v27, v1;
	v33 =	vmul.f32 v60, v59;
	v61 =	vshll.u32 v28, $0x10  }
0x2c9: {  	v45 =	vld [tilespmem:s28+$0xD060];
	v29 =	vadd.f32 v58, v29;
	v28 =	vmul.f32 v51, v28;
	v51 =	vadd.f32 v34, v44  }
0x2ca: {  	v41 =	vld [tilespmem:s28+$0xD0E0];
	v16 =	vsel vm2, v16, v17;
	v63 =	vmul.f32 v62, v61;
	v47 =	vshll.u32 v31, $0x10  }
0x2cb: {  	v31 =	vmul.f32 v31, v57;
	v26 =	vadd.f32 v26, v29;
	v29 =	vld [tilespmem:s28+$0x11070];
	v35 =	vmul.f32 v47, v46  }
0x2cc: {  	v54 =	vld [tilespmem:s28+$0x10F60];
	v55 =	vshll.u32 v49, $0x10;
	v30 =	vadd.f32 v33, v30;
	v28 =	vadd.f32 v63, v28  }
0x2cd: {  	v42 =	vld [tilespmem:s28+$0x110E0];
	v52 =	vshll.u32 v48, $0x10;
	v17 =	vadd.f32 v13, v26;
	v31 =	vadd.f32 v35, v31  }
0x2ce: {  	v59 =	vld [tilespmem:s28+$0xD170];
	v53 =	vmul.f32 v48, v45;
	v13 =	vadd.f32 v50, v27;
	v28 =	vadd.f32 v28, v30  }
0x2cf: {  	v27 =	vld [tilespmem:s28+$0xCF60];
	v30 =	vperm.xlane v16, v1;
	v26 =	vadd.f32 v31, v51;
	v31 =	vshll.u32 v45, $0x10  }
0x2d0: {  	v58 =	vld [tilespmem:s28+$0x10F70];
	v56 =	vshll.u32 v29, $0x10;
	v29 =	vmul.f32 v29, v49;
	v24 =	vadd.f32 v24, v28  }
0x2d1: {  	v16 =	vadd.f32 v30, v16;
	v45 =	vld [tilespmem:s28+$0x111E0];
	v31 =	vmul.f32 v52, v31;
	v32 =	vmul.f32 v56, v55  }
0x2d2: {  	v57 =	vld [tilespmem:s28+$0xCF70];
	v28 =	vperm.xlane v17, v0;
	v25 =	vadd.f32 v25, v26;
	v11 =	vadd.f32 v11, v24  }
0x2d3: {  	v63 =	vshll.u32 v59, $0x10;
	v26 =	vld [tilespmem:s28+$0xD160];
	v30 =	vadd.f32 v31, v53;
	v29 =	vadd.f32 v32, v29  }
0x2d4: {  	v17 =	vadd.f32 v28, v17;
	v28 =	vshll.u32 v27, $0x10;
	v27 =	vmul.f32 v54, v27;
	v31 =	vld [tilespmem:s28+$0x11160]  }
0x2d5: {  	v32 =	vmul.f32 v42, v41;
	v12 =	vadd.f32 v12, v25;
	v25 =	vld [tilespmem:s28+$0x11170];
	v24 =	vadd.f32 v29, v30  }
0x2d6: {  	v29 =	vshll.u32 v54, $0x10;
	v30 =	vshll.u32 v58, $0x10;
	v53 =	vshll.u32 v45, $0x10  }
0x2d7: {  	v28 =	vmul.f32 v29, v28;
	v29 =	vshll.u32 v57, $0x10;
	v22 =	vadd.f32 v22, v24  }
0x2d8: {  	v29 =	vmul.f32 v30, v29;
	v30 =	vmul.f32 v58, v57;
	v61 =	vshll.u32 v26, $0x10  }
0x2d9: {  	v60 =	vld [tilespmem:s28+$0x10EE0];
	v62 =	vshll.u32 v31, $0x10;
	v26 =	vmul.f32 v31, v26;
	v27 =	vadd.f32 v28, v27  }
0x2da: {  	v24 =	vld [tilespmem:s28+$0xCEE0];
	v34 =	vmul.f32 v62, v61;
	v40 =	vshll.u32 v25, $0x10;
	v10 =	vadd.f32 v10, v22  }
0x2db: {  	v31 =	vld [tilespmem:s28+$0xCEF0];
	v25 =	vmul.f32 v25, v59;
	v28 =	vadd.f32 v29, v30;
	v35 =	vmul.f32 v40, v63  }
0x2dc: {  	v22 =	vld [tilespmem:s28+$0x10EF0];
	v29 =	vperm.xlane v11, v0;
	v30 =	vperm.xlane v12, v0;
	v26 =	vadd.f32 v34, v26  }
0x2dd: {  	v44 =	vld [tilespmem:s28+$0xD0F0];
	v43 =	vperm.xlane v10, v0;
	v27 =	vadd.f32 v28, v27;
	v25 =	vadd.f32 v35, v25  }
0x2de: {  	v47 =	vld [tilespmem:s28+$0xD1F0];
	v11 =	vadd.f32 v11, v29;
	v12 =	vadd.f32 v30, v12;
	v29 =	vshll.u32 v60, $0x10  }
0x2df: {  	v28 =	vld [tilespmem:s28+$0x110F0];
	v23 =	vadd.f32 v23, v27;
	v27 =	vshll.u32 v24, $0x10;
	v25 =	vadd.f32 v25, v26  }
0x2e0: {  	v24 =	vmul.f32 v60, v24;
	v26 =	vld [tilespmem:s28+$0xCFE0];
	v27 =	vmul.f32 v29, v27;
	v29 =	vshll.u32 v31, $0x10  }
0x2e1: {  	v30 =	vshll.u32 v22, $0x10;
	v8 =	vadd.f32 v8, v23;
	v23 =	vld [tilespmem:s28+$0xCFF0];
	v21 =	vadd.f32 v21, v25  }
0x2e2: {  	v22 =	vmul.f32 v22, v31;
	v31 =	vshll.u32 v42, $0x10;
	v25 =	vld [tilespmem:s28+$0x10FE0];
	v24 =	vadd.f32 v27, v24  }
0x2e3: {  	v27 =	vmul.f32 v30, v29;
	v30 =	vshll.u32 v41, $0x10;
	v9 =	vadd.f32 v9, v21;
	v21 =	vld [tilespmem:s28+$0x10FF0]  }
0x2e4: {  	v29 =	vld [tilespmem:s28+$0xD1E0];
	v46 =	vshll.u32 v28, $0x10;
	v30 =	vmul.f32 v31, v30;
	v31 =	vshll.u32 v44, $0x10  }
0x2e5: {  	v54 =	vshll.u32 v47, $0x10;
	v22 =	vadd.f32 v27, v22;
	v27 =	vmul.f32 v46, v31;
	v31 =	vld [tilespmem:s28+$0x111F0]  }
0x2e6: {  	v10 =	vadd.f32 v10, v43;
	v28 =	vmul.f32 v28, v44;
	v48 =	vshll.u32 v26, $0x10  }
0x2e7: {  	v30 =	vadd.f32 v30, v32;
	v50 =	vshll.u32 v23, $0x10;
	v49 =	vshll.u32 v25, $0x10  }
0x2e8: {  	v25 =	vmul.f32 v25, v26;
	v26 =	vmul.f32 v49, v48;
	v51 =	vshll.u32 v21, $0x10  }
0x2e9: {  	v21 =	vmul.f32 v21, v23;
	v23 =	vshll.u32 v29, $0x10;
	v29 =	vmul.f32 v45, v29  }
0x2ea: {  	v55 =	vshll.u32 v31, $0x10;
	v31 =	vmul.f32 v31, v47;
	v52 =	vmul.f32 v51, v50  }
0x2eb: {  	v27 =	vadd.f32 v27, v28;
	v23 =	vmul.f32 v53, v23;
	v28 =	vmul.f32 v55, v54  }
0x2ec: {  	v25 =	vadd.f32 v26, v25;
	v21 =	vadd.f32 v52, v21  }
0x2ed: {  	v23 =	vadd.f32 v23, v29;
	v26 =	vadd.f32 v28, v31  }
0x2ee: {  	v22 =	vadd.f32 v22, v24;
	v24 =	vadd.f32 v27, v30  }
0x2ef: {  	v21 =	vadd.f32 v21, v25;
	v23 =	vadd.f32 v26, v23  }
0x2f0: {  	v18 =	vadd.f32 v18, v22;
	v19 =	vadd.f32 v19, v24  }
0x2f1: {  	v20 =	vadd.f32 v20, v21;
	v15 =	vadd.f32 v15, v23  }
0x2f2: {  	v4 =	vadd.f32 v4, v18;
	v18 =	vperm.xlane v8, v0;
	v5 =	vadd.f32 v5, v19  }
0x2f3: {  	v19 =	vperm.xlane v9, v0;
	v6 =	vadd.f32 v6, v20;
	v7 =	vadd.f32 v7, v15  }
0x2f4: {  	v8 =	vadd.f32 v18, v8;
	v15 =	vperm.xlane v4, v0;
	v20 =	vperm.xlane v5, v0  }
0x2f5: {  	v9 =	vadd.f32 v9, v19;
	v18 =	vperm.xlane v6, v0;
	v19 =	vperm.xlane v7, v0  }
0x2f6: {  	v11 =	vsel vm2, v17, v11;
	v4 =	vadd.f32 v15, v4;
	v5 =	vadd.f32 v5, v20  }
0x2f7: {  	v10 =	vsel vm2, v12, v10;
	v6 =	vadd.f32 v18, v6;
	v7 =	vadd.f32 v7, v19  }
0x2f8: {  	v12 =	vperm.xlane v11, v1;
	v8 =	vsel vm2, v8, v9;
	v9 =	vperm.xlane v10, v1  }
0x2f9: {  	v4 =	vsel vm2, v4, v5;
	v5 =	vsel vm2, v6, v7;
	v6 =	vperm.xlane v8, v1  }
0x2fa: {  	v7 =	vadd.f32 v12, v11;
	v11 =	vperm.xlane v4, v1;
	v12 =	vperm.xlane v5, v1  }
0x2fb: {  	v9 =	vadd.f32 v9, v10;
	v6 =	vadd.f32 v6, v8  }
0x2fc: {  	v8 =	vsel vm0, v14, v13;
	v4 =	vadd.f32 v11, v4;
	v5 =	vadd.f32 v12, v5  }
0x2fd: {  	v7 =	vsel vm0, v16, v7;
	v10 =	vperm.xlane v8, v2  }
0x2fe: {  	v6 =	vsel vm0, v9, v6;
	v4 =	vsel vm0, v4, v5;
	v5 =	vperm.xlane v7, v2  }
0x2ff: {  	v9 =	vperm.xlane v6, v2;
	v11 =	vperm.xlane v4, v2  }
0x300: {  	v8 =	vadd.f32 v10, v8;
	v5 =	vadd.f32 v5, v7  }
0x301: {  	v6 =	vadd.f32 v9, v6;
	v4 =	vadd.f32 v11, v4;
	_ =	sdelay $0x1  }
0x302: {  	v5 =	vsel vm1, v8, v5;
	v4 =	vsel vm1, v6, v4  }
0x303: {  	v6 =	vperm.xlane v5, v3;
	v7 =	vperm.xlane v4, v3;
	_ =	sdelay $0x1  }
0x304: {  	v5 =	vadd.f32 v6, v5;
	v4 =	vadd.f32 v7, v4;
	_ =	sdelay $0x1  }
0x305: {  	s28 =	simm.s32 $0x14F20;
	v4 =	vsel vm3, v5, v4  }
0x306: {  	s29 =	simm.s32 $0x400;
	[tilespmem:s28+$0x0] =	vst v4  }
0x307: {  	v4 =	vld [tilespmem:s29+$0xCE50]  }
0x308: {  	v5 =	vld [tilespmem:s29+$0x10E50]  }
0x309: {  	v6 =	vld [tilespmem:s29+$0xD050]  }
0x30a: {  	v7 =	vld [tilespmem:s29+$0x11050]  }
0x30b: {  	v9 =	vld [tilespmem:s29+$0xCF50]  }
0x30c: {  	v10 =	vld [tilespmem:s29+$0x10F50]  }
0x30d: {  	v11 =	vld [tilespmem:s29+$0xD150]  }
0x30e: {  	v12 =	vld [tilespmem:s29+$0x11150]  }
0x30f: {  	v13 =	vld [tilespmem:s29+$0xCED0]  }
0x310: {  	v14 =	vld [tilespmem:s29+$0x10ED0]  }
0x311: {  	v15 =	vld [tilespmem:s29+$0xD0D0]  }
0x312: {  	v16 =	vld [tilespmem:s29+$0x110D0]  }
0x313: {  	v60 =	vld [tilespmem:s29+$0x10EC0]  }
0x314: {  	v61 =	vld [tilespmem:s29+$0x110C0]  }
0x315: {  	v52 =	vld [tilespmem:s29+$0xCF80]  }
0x316: {  	v54 =	vld [tilespmem:s29+$0x10F80]  }
0x317: {  	v32 =	vld [tilespmem:s29+$0xD180]  }
0x318: {  	v35 =	vld [tilespmem:s29+$0x11180]  }
0x319: {  	v18 =	vld [tilespmem:s29+$0xCFD0]  }
0x31a: {  	v20 =	vld [tilespmem:s29+$0x10FD0];
	v8 =	vshll.u32 v4, $0x10  }
0x31b: {  	v21 =	vld [tilespmem:s29+$0xD1D0];
	v17 =	vshll.u32 v5, $0x10;
	v4 =	vmul.f32 v5, v4;
	v19 =	vshll.u32 v7, $0x10  }
0x31c: {  	v22 =	vld [tilespmem:s29+$0x111D0];
	v28 =	vshll.u32 v12, $0x10;
	v50 =	vshll.u32 v60, $0x10;
	v36 =	vmul.f32 v54, v52  }
0x31d: {  	v23 =	vld [tilespmem:s29+$0xCE90];
	v53 =	vshll.u32 v61, $0x10;
	v39 =	vmul.f32 v35, v32;
	v8 =	vmul.f32 v17, v8  }
0x31e: {  	v24 =	vld [tilespmem:s29+$0x10E90];
	v32 =	vshll.u32 v32, $0x10;
	v35 =	vshll.u32 v35, $0x10;
	v17 =	vshll.u32 v6, $0x10  }
0x31f: {  	v25 =	vld [tilespmem:s29+$0xD090];
	v6 =	vmul.f32 v7, v6;
	v32 =	vmul.f32 v35, v32;
	v8 =	vadd.f32 v8, v4  }
0x320: {  	v26 =	vld [tilespmem:s29+$0xCF90];
	v4 =	vmul.f32 v19, v17;
	v17 =	vshll.u32 v9, $0x10;
	v19 =	vshll.u32 v10, $0x10  }
0x321: {  	v27 =	vld [tilespmem:s29+$0xD190];
	v10 =	vmul.f32 v10, v9;
	v17 =	vmul.f32 v19, v17;
	v19 =	vshll.u32 v11, $0x10  }
0x322: {  	v29 =	vld [tilespmem:s29+$0x11190];
	v11 =	vmul.f32 v12, v11;
	v12 =	vshll.u32 v13, $0x10;
	v9 =	vadd.f32 v4, v6  }
0x323: {  	v30 =	vld [tilespmem:s29+$0xD110];
	v6 =	vmul.f32 v28, v19;
	v19 =	vshll.u32 v14, $0x10;
	v17 =	vadd.f32 v17, v10  }
0x324: {  	v5 =	vld [tilespmem:s29+$0x11090];
	v10 =	vmul.f32 v19, v12;
	v12 =	vmul.f32 v14, v13;
	v13 =	vshll.u32 v16, $0x10  }
0x325: {  	v31 =	vld [tilespmem:s29+$0x11110];
	v14 =	vmul.f32 v16, v15;
	v11 =	vadd.f32 v6, v11;
	v6 =	vshll.u32 v15, $0x10  }
0x326: {  	v56 =	vld [tilespmem:s29+$0xD010];
	v15 =	vshll.u32 v20, $0x10;
	v6 =	vmul.f32 v13, v6;
	v13 =	vshll.u32 v18, $0x10  }
0x327: {  	v58 =	vld [tilespmem:s29+$0xD210];
	v19 =	vadd.f32 v10, v12;
	v12 =	vmul.f32 v20, v18;
	v10 =	vmul.f32 v15, v13  }
0x328: {  	v7 =	vld [tilespmem:s29+$0x10F90];
	v13 =	vshll.u32 v22, $0x10;
	v20 =	vadd.f32 v6, v14;
	v6 =	vshll.u32 v21, $0x10  }
0x329: {  	v4 =	vld [tilespmem:s29+$0xCF10];
	v15 =	vshll.u32 v5, $0x10;
	v18 =	vadd.f32 v10, v12;
	v6 =	vmul.f32 v13, v6  }
0x32a: {  	v28 =	vld [tilespmem:s29+$0x10F10];
	v10 =	vmul.f32 v22, v21;
	v12 =	vshll.u32 v23, $0x10;
	v13 =	vshll.u32 v24, $0x10  }
0x32b: {  	v14 =	vmul.f32 v24, v23;
	v21 =	vld [tilespmem:s29+$0x11210];
	v12 =	vmul.f32 v13, v12;
	v13 =	vshll.u32 v25, $0x10  }
0x32c: {  	v5 =	vmul.f32 v5, v25;
	v22 =	vld [tilespmem:s29+$0xCE40];
	v13 =	vmul.f32 v15, v13;
	v15 =	vadd.f32 v6, v10  }
0x32d: {  	v23 =	vld [tilespmem:s29+$0x10E40];
	v6 =	vshll.u32 v26, $0x10;
	v16 =	vadd.f32 v12, v14;
	v12 =	vshll.u32 v7, $0x10  }
0x32e: {  	v57 =	vld [tilespmem:s29+$0x11010];
	v14 =	vadd.f32 v13, v5;
	v5 =	vmul.f32 v12, v6;
	v6 =	vmul.f32 v7, v26  }
0x32f: {  	v59 =	vld [tilespmem:s29+$0xD140];
	v7 =	vshll.u32 v27, $0x10;
	v12 =	vshll.u32 v29, $0x10;
	v13 =	vmul.f32 v29, v27  }
0x330: {  	v63 =	vld [tilespmem:s29+$0xCFC0];
	v27 =	vshll.u32 v4, $0x10;
	v29 =	vshll.u32 v28, $0x10;
	v4 =	vmul.f32 v28, v4  }
0x331: {  	v24 =	vld [tilespmem:s29+$0xD040];
	v7 =	vmul.f32 v12, v7;
	v27 =	vmul.f32 v29, v27;
	v62 =	vshll.u32 v21, $0x10  }
0x332: {  	v25 =	vld [tilespmem:s29+$0xCF40];
	v21 =	vmul.f32 v21, v58;
	v43 =	vshll.u32 v22, $0x10;
	v44 =	vshll.u32 v23, $0x10  }
0x333: {  	v26 =	vld [tilespmem:s29+$0x10F40];
	v12 =	vadd.f32 v5, v6;
	v5 =	vshll.u32 v30, $0x10;
	v6 =	vshll.u32 v31, $0x10  }
0x334: {  	v10 =	vld [tilespmem:s29+$0x11040];
	v13 =	vadd.f32 v7, v13;
	v4 =	vadd.f32 v27, v4;
	v5 =	vmul.f32 v6, v5  }
0x335: {  	v28 =	vld [tilespmem:s29+$0x11140];
	v6 =	vmul.f32 v31, v30;
	v7 =	vshll.u32 v56, $0x10;
	v27 =	vshll.u32 v57, $0x10  }
0x336: {  	v29 =	vld [tilespmem:s29+$0xCEC0];
	v31 =	vmul.f32 v57, v56;
	v7 =	vmul.f32 v27, v7;
	v27 =	vshll.u32 v58, $0x10  }
0x337: {  	v22 =	vmul.f32 v23, v22;
	v23 =	vld [tilespmem:s29+$0xD1C0];
	v5 =	vadd.f32 v5, v6;
	v27 =	vmul.f32 v62, v27  }
0x338: {  	v45 =	vld [tilespmem:s29+$0x10FC0];
	v47 =	vshll.u32 v26, $0x10;
	v6 =	vadd.f32 v7, v31;
	v31 =	vmul.f32 v44, v43  }
0x339: {  	v49 =	vld [tilespmem:s29+$0x11080];
	v7 =	vadd.f32 v27, v21;
	v21 =	vshll.u32 v24, $0x10;
	v27 =	vshll.u32 v10, $0x10  }
0x33a: {  	v30 =	vld [tilespmem:s29+$0xD0C0];
	v10 =	vmul.f32 v10, v24;
	v21 =	vmul.f32 v27, v21;
	v27 =	vshll.u32 v25, $0x10  }
0x33b: {  	v48 =	vshll.u32 v28, $0x10;
	v24 =	vld [tilespmem:s29+$0x111C0];
	v25 =	vmul.f32 v26, v25;
	v27 =	vmul.f32 v47, v27  }
0x33c: {  	v46 =	vld [tilespmem:s29+$0xCE80];
	v51 =	vmul.f32 v60, v29;
	v57 =	vshll.u32 v23, $0x10;
	v31 =	vadd.f32 v31, v22  }
0x33d: {  	v55 =	vld [tilespmem:s29+$0xCE20];
	v26 =	vshll.u32 v59, $0x10;
	v10 =	vadd.f32 v21, v10;
	v27 =	vadd.f32 v27, v25  }
0x33e: {  	v22 =	vld [tilespmem:s29+$0x10E80];
	v25 =	vmul.f32 v48, v26;
	v26 =	vmul.f32 v28, v59;
	v28 =	vshll.u32 v29, $0x10  }
0x33f: {  	v29 =	vshll.u32 v30, $0x10;
	v30 =	vmul.f32 v61, v30;
	v48 =	vshll.u32 v49, $0x10  }
0x340: {  	v42 =	vld [tilespmem:s29+$0xCF00];
	v28 =	vmul.f32 v50, v28;
	v34 =	vmul.f32 v53, v29;
	v58 =	vshll.u32 v24, $0x10  }
0x341: {  	v56 =	vld [tilespmem:s29+$0x10E20];
	v23 =	vmul.f32 v24, v23;
	v24 =	vshll.u32 v46, $0x10;
	v50 =	vshll.u32 v52, $0x10  }
0x342: {  	v21 =	vld [tilespmem:s29+$0xD080];
	v53 =	vshll.u32 v55, $0x10;
	v29 =	vadd.f32 v25, v26;
	v25 =	vshll.u32 v63, $0x10  }
0x343: {  	v59 =	vld [tilespmem:s29+$0xCE30];
	v26 =	vshll.u32 v45, $0x10;
	v60 =	vshll.u32 v22, $0x10;
	v37 =	vmul.f32 v58, v57  }
0x344: {  	v61 =	vld [tilespmem:s29+$0x10E30];
	v22 =	vmul.f32 v22, v46;
	v28 =	vadd.f32 v28, v51;
	v25 =	vmul.f32 v26, v25  }
0x345: {  	v62 =	vld [tilespmem:s29+$0xD020];
	v30 =	vadd.f32 v34, v30;
	v26 =	vmul.f32 v45, v63;
	v43 =	vmul.f32 v60, v24  }
0x346: {  	v52 =	vld [tilespmem:s29+$0x11030];
	v51 =	vshll.u32 v54, $0x10;
	v54 =	vshll.u32 v56, $0x10;
	v34 =	vmul.f32 v56, v55  }
0x347: {  	v63 =	vshll.u32 v21, $0x10;
	v24 =	vadd.f32 v37, v23;
	v23 =	vld [tilespmem:s29+$0x11020];
	v21 =	vmul.f32 v49, v21  }
0x348: {  	v49 =	vld [tilespmem:s29+$0xD030];
	v55 =	vmul.f32 v54, v53;
	v26 =	vadd.f32 v25, v26;
	v25 =	vadd.f32 v43, v22  }
0x349: {  	v60 =	vld [tilespmem:s29+$0x10F00];
	v22 =	vmul.f32 v48, v63;
	v56 =	vshll.u32 v59, $0x10;
	v57 =	vshll.u32 v61, $0x10  }
0x34a: {  	v58 =	vshll.u32 v62, $0x10;
	v53 =	vld [tilespmem:s29+$0xD000];
	v38 =	vmul.f32 v61, v59;
	v43 =	vmul.f32 v57, v56  }
0x34b: {  	v63 =	vld [tilespmem:s29+$0xD100];
	v34 =	vadd.f32 v55, v34;
	v22 =	vadd.f32 v22, v21;
	v21 =	vmul.f32 v51, v50  }
0x34c: {  	v57 =	vld [tilespmem:s29+$0x10F20];
	v38 =	vadd.f32 v43, v38;
	v59 =	vshll.u32 v23, $0x10;
	v23 =	vmul.f32 v23, v62  }
0x34d: {  	v51 =	vld [tilespmem:s29+$0xCF20];
	v61 =	vshll.u32 v49, $0x10;
	v62 =	vshll.u32 v52, $0x10;
	v37 =	vmul.f32 v52, v49  }
0x34e: {  	v50 =	vshll.u32 v42, $0x10;
	v52 =	vld [tilespmem:s29+$0x11100];
	v44 =	vmul.f32 v59, v58;
	v45 =	vmul.f32 v62, v61  }
0x34f: {  	v56 =	vshll.u32 v60, $0x10;
	v33 =	vmul.f32 v60, v42;
	v49 =	vld [tilespmem:s29+$0x11000];
	v54 =	vadd.f32 v38, v34  }
0x350: {  	v60 =	vld [tilespmem:s29+$0x10F30];
	v58 =	vshll.u32 v63, $0x10;
	v48 =	vadd.f32 v44, v23;
	v37 =	vadd.f32 v45, v37  }
0x351: {  	v62 =	vshll.u32 v53, $0x10;
	v38 =	vld [tilespmem:s29+$0xCEA0];
	v23 =	vadd.f32 v21, v36;
	v21 =	vadd.f32 v32, v39  }
0x352: {  	v36 =	vmul.f32 v56, v50;
	v39 =	vld [tilespmem:s29+$0xCF30];
	v31 =	vadd.f32 v31, v54;
	v54 =	vshll.u32 v51, $0x10  }
0x353: {  	v56 =	vld [tilespmem:s29+$0x10EA0];
	v55 =	vadd.f32 v37, v48;
	v59 =	vshll.u32 v52, $0x10;
	v61 =	vmul.f32 v52, v63  }
0x354: {  	v31 =	vadd.f32 v8, v31;
	v8 =	vadd.f32 v36, v33;
	v35 =	vmul.f32 v49, v53  }
0x355: {  	v44 =	vld [tilespmem:s29+$0x11120];
	v37 =	vmul.f32 v57, v51;
	v32 =	vmul.f32 v59, v58;
	v58 =	vshll.u32 v60, $0x10  }
0x356: {  	v33 =	vld [tilespmem:s29+$0xD130];
	v10 =	vadd.f32 v10, v55;
	v52 =	vperm.xlane v31, v0;
	v55 =	vshll.u32 v57, $0x10  }
0x357: {  	v59 =	vld [tilespmem:s29+$0xCEB0];
	v43 =	vmul.f32 v55, v54;
	v57 =	vshll.u32 v39, $0x10;
	v34 =	vmul.f32 v60, v39  }
0x358: {  	v40 =	vld [tilespmem:s29+$0xD120];
	v54 =	vshll.u32 v38, $0x10;
	v55 =	vshll.u32 v56, $0x10;
	v38 =	vmul.f32 v56, v38  }
0x359: {  	v60 =	vld [tilespmem:s29+$0x10EB0];
	v63 =	vadd.f32 v9, v10;
	v9 =	vshll.u32 v49, $0x10;
	v46 =	vmul.f32 v58, v57  }
0x35a: {  	v31 =	vadd.f32 v52, v31;
	v10 =	vmul.f32 v9, v62;
	v9 =	vadd.f32 v32, v61;
	v32 =	vld [tilespmem:s29+$0x11130]  }
0x35b: {  	v49 =	vshll.u32 v44, $0x10;
	v61 =	vld [tilespmem:s29+$0xD0A0];
	v37 =	vadd.f32 v43, v37;
	v53 =	vperm.xlane v63, v0  }
0x35c: {  	v62 =	vld [tilespmem:s29+$0x110A0];
	v50 =	vshll.u32 v33, $0x10;
	v34 =	vadd.f32 v46, v34;
	v56 =	vshll.u32 v59, $0x10  }
0x35d: {  	v52 =	vld [tilespmem:s29+$0x110B0];
	v10 =	vadd.f32 v10, v35;
	v35 =	vadd.f32 v63, v53;
	v63 =	vshll.u32 v40, $0x10  }
0x35e: {  	v40 =	vmul.f32 v44, v40;
	v57 =	vshll.u32 v60, $0x10;
	v36 =	vmul.f32 v60, v59  }
0x35f: {  	v34 =	vadd.f32 v34, v37;
	v42 =	vmul.f32 v49, v63;
	v43 =	vmul.f32 v57, v56  }
0x360: {  	v44 =	vld [tilespmem:s29+$0xD0B0];
	v51 =	vshll.u32 v32, $0x10;
	v32 =	vmul.f32 v32, v33;
	v33 =	vmul.f32 v55, v54  }
0x361: {  	v58 =	vshll.u32 v61, $0x10;
	v59 =	vshll.u32 v62, $0x10;
	v39 =	vmul.f32 v62, v61  }
0x362: {  	v60 =	vld [tilespmem:s29+$0xD200];
	v62 =	vshll.u32 v52, $0x10;
	v27 =	vadd.f32 v27, v34;
	v31 =	vsel vm2, v31, v35  }
0x363: {  	v63 =	vld [tilespmem:s29+$0x11200];
	v53 =	vmul.f32 v51, v50;
	v40 =	vadd.f32 v42, v40;
	v42 =	vmul.f32 v59, v58  }
0x364: {  	v36 =	vadd.f32 v43, v36;
	v50 =	vld [tilespmem:s29+$0xCFA0];
	v56 =	vperm.xlane v31, v1;
	v33 =	vadd.f32 v33, v38  }
0x365: {  	v55 =	vld [tilespmem:s29+$0x10FB0];
	v27 =	vadd.f32 v17, v27;
	v61 =	vshll.u32 v44, $0x10;
	v32 =	vadd.f32 v53, v32  }
0x366: {  	v44 =	vmul.f32 v52, v44;
	v53 =	vld [tilespmem:s29+$0xCFB0];
	v45 =	vmul.f32 v62, v61;
	v33 =	vadd.f32 v36, v33  }
0x367: {  	v43 =	vadd.f32 v42, v39;
	v47 =	vshll.u32 v60, $0x10;
	v32 =	vadd.f32 v32, v40  }
0x368: {  	v58 =	vld [tilespmem:s29+$0x111A0];
	v51 =	vmul.f32 v63, v60;
	v46 =	vadd.f32 v45, v44;
	v28 =	vadd.f32 v28, v33  }
0x369: {  	v52 =	vshll.u32 v63, $0x10;
	v60 =	vshll.u32 v50, $0x10;
	v17 =	vadd.f32 v29, v32  }
0x36a: {  	v63 =	vld [tilespmem:s29+$0xCE60];
	v49 =	vadd.f32 v46, v43;
	v19 =	vadd.f32 v19, v28;
	v28 =	vperm.xlane v27, v0  }
0x36b: {  	v29 =	vld [tilespmem:s29+$0x10FA0];
	v45 =	vshll.u32 v53, $0x10;
	v46 =	vshll.u32 v55, $0x10;
	v33 =	vmul.f32 v55, v53  }
0x36c: {  	v62 =	vld [tilespmem:s29+$0x111B0];
	v54 =	vadd.f32 v11, v17;
	v11 =	vmul.f32 v52, v47;
	v48 =	vmul.f32 v46, v45  }
0x36d: {  	v47 =	vld [tilespmem:s29+$0x10E60];
	v52 =	vshll.u32 v58, $0x10;
	v30 =	vadd.f32 v30, v49;
	v27 =	vadd.f32 v28, v27  }
0x36e: {  	v28 =	vld [tilespmem:s29+$0xD1B0];
	v57 =	vperm.xlane v54, v0;
	v17 =	vadd.f32 v11, v51;
	v11 =	vadd.f32 v56, v31  }
0x36f: {  	v49 =	vld [tilespmem:s29+$0xCE70];
	v31 =	vperm.xlane v19, v0;
	v56 =	vshll.u32 v63, $0x10;
	v20 =	vadd.f32 v20, v30  }
0x370: {  	v61 =	vshll.u32 v29, $0x10;
	v29 =	vmul.f32 v29, v50;
	v50 =	vadd.f32 v48, v33  }
0x371: {  	v30 =	vld [tilespmem:s29+$0xD1A0];
	v38 =	vmul.f32 v61, v60;
	v34 =	vadd.f32 v54, v57;
	v19 =	vadd.f32 v31, v19  }
0x372: {  	v31 =	vld [tilespmem:s29+$0x10E70];
	v54 =	vshll.u32 v62, $0x10;
	v59 =	vperm.xlane v20, v0;
	v57 =	vshll.u32 v47, $0x10  }
0x373: {  	v27 =	vsel vm2, v27, v34;
	v29 =	vadd.f32 v38, v29;
	v53 =	vshll.u32 v28, $0x10  }
0x374: {  	v28 =	vmul.f32 v62, v28;
	v34 =	vmul.f32 v57, v56;
	v60 =	vshll.u32 v49, $0x10  }
0x375: {  	v62 =	vld [tilespmem:s29+$0x11060];
	v20 =	vadd.f32 v20, v59;
	v55 =	vmul.f32 v54, v53;
	v39 =	vperm.xlane v27, v1  }
0x376: {  	v59 =	vld [tilespmem:s29+$0xD060];
	v51 =	vshll.u32 v30, $0x10;
	v30 =	vmul.f32 v58, v30;
	v29 =	vadd.f32 v50, v29  }
0x377: {  	v58 =	vmul.f32 v47, v63;
	v33 =	vmul.f32 v52, v51;
	v61 =	vshll.u32 v31, $0x10  }
0x378: {  	v63 =	vld [tilespmem:s29+$0xD070];
	v31 =	vmul.f32 v31, v49;
	v28 =	vadd.f32 v55, v28;
	v35 =	vmul.f32 v61, v60  }
0x379: {  	v19 =	vsel vm2, v19, v20;
	v26 =	vadd.f32 v26, v29;
	v29 =	vld [tilespmem:s29+$0x11070];
	v41 =	vadd.f32 v34, v58  }
0x37a: {  	v44 =	vld [tilespmem:s29+$0x10F60];
	v30 =	vadd.f32 v33, v30;
	v42 =	vshll.u32 v62, $0x10;
	v31 =	vadd.f32 v35, v31  }
0x37b: {  	v48 =	vld [tilespmem:s29+$0x10F70];
	v20 =	vadd.f32 v18, v26;
	v18 =	vadd.f32 v39, v27;
	v43 =	vmul.f32 v62, v59  }
0x37c: {  	v49 =	vld [tilespmem:s29+$0xD170];
	v28 =	vadd.f32 v28, v30;
	v26 =	vadd.f32 v31, v41;
	v31 =	vshll.u32 v59, $0x10  }
0x37d: {  	v27 =	vld [tilespmem:s29+$0xCF60];
	v30 =	vperm.xlane v19, v1;
	v45 =	vshll.u32 v63, $0x10;
	v31 =	vmul.f32 v42, v31  }
0x37e: {  	v47 =	vld [tilespmem:s29+$0xCF70];
	v46 =	vshll.u32 v29, $0x10;
	v29 =	vmul.f32 v29, v63;
	v24 =	vadd.f32 v24, v28  }
0x37f: {  	v19 =	vadd.f32 v30, v19;
	v32 =	vmul.f32 v46, v45;
	v25 =	vadd.f32 v25, v26;
	v26 =	vld [tilespmem:s29+$0xD160]  }
0x380: {  	v28 =	vperm.xlane v20, v0;
	v30 =	vadd.f32 v31, v43;
	v31 =	vld [tilespmem:s29+$0x11160];
	v15 =	vadd.f32 v15, v24  }
0x381: {  	v53 =	vshll.u32 v49, $0x10;
	v29 =	vadd.f32 v32, v29;
	v16 =	vadd.f32 v16, v25;
	v25 =	vld [tilespmem:s29+$0x11170]  }
0x382: {  	v20 =	vadd.f32 v28, v20;
	v28 =	vshll.u32 v27, $0x10;
	v27 =	vmul.f32 v44, v27  }
0x383: {  	v24 =	vadd.f32 v29, v30;
	v29 =	vshll.u32 v44, $0x10;
	v30 =	vshll.u32 v48, $0x10  }
0x384: {  	v56 =	vld [tilespmem:s29+$0x10EF0];
	v28 =	vmul.f32 v29, v28;
	v29 =	vshll.u32 v47, $0x10;
	v51 =	vshll.u32 v26, $0x10  }
0x385: {  	v57 =	vld [tilespmem:s29+$0xD0E0];
	v22 =	vadd.f32 v22, v24;
	v24 =	vmul.f32 v30, v29;
	v29 =	vmul.f32 v48, v47  }
0x386: {  	v50 =	vld [tilespmem:s29+$0xCEE0];
	v52 =	vshll.u32 v31, $0x10;
	v26 =	vmul.f32 v31, v26;
	v54 =	vshll.u32 v25, $0x10  }
0x387: {  	v30 =	vld [tilespmem:s29+$0x10EE0];
	v34 =	vmul.f32 v52, v51;
	v55 =	vadd.f32 v14, v22;
	v14 =	vmul.f32 v54, v53  }
0x388: {  	v31 =	vld [tilespmem:s29+$0xCEF0];
	v22 =	vmul.f32 v25, v49;
	v25 =	vadd.f32 v28, v27;
	v24 =	vadd.f32 v24, v29  }
0x389: {  	v27 =	vperm.xlane v15, v0;
	v28 =	vperm.xlane v16, v0;
	v29 =	vld [tilespmem:s29+$0x110E0];
	v26 =	vadd.f32 v34, v26  }
0x38a: {  	v58 =	vadd.f32 v14, v22;
	v22 =	vld [tilespmem:s29+$0xD0F0];
	v25 =	vadd.f32 v24, v25  }
0x38b: {  	v59 =	vperm.xlane v55, v0;
	v14 =	vadd.f32 v15, v27;
	v15 =	vadd.f32 v28, v16;
	v24 =	vld [tilespmem:s29+$0x110F0]  }
0x38c: {  	v27 =	vshll.u32 v50, $0x10;
	v28 =	vshll.u32 v30, $0x10;
	v25 =	vadd.f32 v23, v25;
	v23 =	vld [tilespmem:s29+$0xCFE0]  }
0x38d: {  	v60 =	vshll.u32 v31, $0x10;
	v26 =	vadd.f32 v58, v26;
	v28 =	vmul.f32 v28, v27;
	v27 =	vld [tilespmem:s29+$0x10FF0]  }
0x38e: {  	v34 =	vmul.f32 v56, v31;
	v63 =	vshll.u32 v29, $0x10;
	v31 =	vmul.f32 v29, v57;
	v29 =	vld [tilespmem:s29+$0xD1F0]  }
0x38f: {  	v61 =	vshll.u32 v56, $0x10;
	v30 =	vmul.f32 v30, v50;
	v21 =	vadd.f32 v21, v26;
	v26 =	vld [tilespmem:s29+$0x10FE0]  }
0x390: {  	v62 =	vshll.u32 v57, $0x10;
	v16 =	vadd.f32 v55, v59;
	v12 =	vadd.f32 v12, v25;
	v25 =	vld [tilespmem:s29+$0xCFF0]  }
0x391: {  	v33 =	vmul.f32 v61, v60;
	v13 =	vadd.f32 v13, v21;
	v21 =	vadd.f32 v28, v30;
	v28 =	vld [tilespmem:s29+$0xD1E0]  }
0x392: {  	s30 =	simm.s32 $0x2000;
	v32 =	vmul.f32 v63, v62;
	v35 =	vshll.u32 v22, $0x10;
	v36 =	vshll.u32 v24, $0x10;
	v30 =	vld [tilespmem:s29+$0x111E0]  }
.LBB2_5:
0x393: {  	p1 =	sne.s32 s30, $0xF000;
	v33 =	vadd.f32 v33, v34;
	v34 =	vmul.f32 v36, v35;
	v22 =	vmul.f32 v24, v22;
	v24 =	vld [tilespmem:s29+$0x111F0]  }
0x394: {  	v35 =	vshll.u32 v23, $0x10;
	v36 =	vshll.u32 v26, $0x10;
	v23 =	vmul.f32 v26, v23  }
0x395: {  	v26 =	vmul.f32 v36, v35;
	v35 =	vshll.u32 v25, $0x10;
	v36 =	vshll.u32 v27, $0x10  }
0x396: {  	v31 =	vadd.f32 v32, v31;
	v25 =	vmul.f32 v27, v25;
	v32 =	vmul.f32 v36, v35  }
0x397: {  	v27 =	vshll.u32 v28, $0x10;
	v35 =	vshll.u32 v30, $0x10;
	v28 =	vmul.f32 v30, v28  }
0x398: {  	v27 =	vmul.f32 v35, v27;
	v30 =	vshll.u32 v29, $0x10;
	v35 =	vshll.u32 v24, $0x10  }
0x399: {  	v22 =	vadd.f32 v34, v22;
	v24 =	vmul.f32 v24, v29;
	v30 =	vmul.f32 v35, v30  }
0x39a: {  	v23 =	vadd.f32 v26, v23;
	v25 =	vadd.f32 v32, v25  }
0x39b: {  	v26 =	vadd.f32 v27, v28;
	v24 =	vadd.f32 v30, v24  }
0x39c: {  	v21 =	vadd.f32 v33, v21;
	v22 =	vadd.f32 v22, v31  }
0x39d: {  	v23 =	vadd.f32 v25, v23;
	v24 =	vadd.f32 v24, v26  }
0x39e: {  	v8 =	vadd.f32 v8, v21;
	v9 =	vadd.f32 v9, v22  }
0x39f: {  	v10 =	vadd.f32 v10, v23;
	v17 =	vadd.f32 v17, v24  }
0x3a0: {  	v4 =	vadd.f32 v4, v8;
	v8 =	vperm.xlane v12, v0;
	v5 =	vadd.f32 v5, v9  }
0x3a1: {  	v9 =	vperm.xlane v13, v0;
	v6 =	vadd.f32 v6, v10;
	v7 =	vadd.f32 v7, v17  }
0x3a2: {  	v8 =	vadd.f32 v8, v12;
	v10 =	vperm.xlane v4, v0;
	v17 =	vperm.xlane v5, v0  }
0x3a3: {  	v9 =	vadd.f32 v13, v9;
	v12 =	vperm.xlane v6, v0;
	v13 =	vperm.xlane v7, v0  }
0x3a4: {  	v4 =	vadd.f32 v10, v4;
	v10 =	vsel vm2, v20, v14;
	v5 =	vadd.f32 v5, v17  }
0x3a5: {  	v14 =	vsel vm2, v15, v16;
	v6 =	vadd.f32 v12, v6;
	v7 =	vadd.f32 v7, v13  }
0x3a6: {  	v8 =	vsel vm2, v8, v9;
	v9 =	vperm.xlane v14, v1;
	v12 =	vperm.xlane v10, v1  }
0x3a7: {  	v4 =	vsel vm2, v4, v5;
	v5 =	vsel vm2, v6, v7;
	v6 =	vperm.xlane v8, v1  }
0x3a8: {  	v7 =	vadd.f32 v12, v10;
	v10 =	vperm.xlane v4, v1;
	v12 =	vperm.xlane v5, v1  }
0x3a9: {  	v9 =	vadd.f32 v9, v14;
	v6 =	vadd.f32 v6, v8  }
0x3aa: {  	v8 =	vsel vm0, v11, v18;
	v4 =	vadd.f32 v10, v4;
	v5 =	vadd.f32 v12, v5  }
0x3ab: {  	v7 =	vsel vm0, v19, v7;
	v10 =	vperm.xlane v8, v2  }
0x3ac: {  	v6 =	vsel vm0, v9, v6;
	v4 =	vsel vm0, v4, v5;
	v5 =	vperm.xlane v7, v2  }
0x3ad: {  	v9 =	vperm.xlane v6, v2;
	v11 =	vperm.xlane v4, v2  }
0x3ae: {  	v8 =	vadd.f32 v10, v8;
	v5 =	vadd.f32 v5, v7  }
0x3af: {  	v6 =	vadd.f32 v9, v6;
	v4 =	vadd.f32 v11, v4;
	_ =	sdelay $0x1  }
0x3b0: {  	v5 =	vsel vm1, v8, v5;
	v4 =	vsel vm1, v6, v4  }
0x3b1: {  	v6 =	vperm.xlane v5, v3;
	v7 =	vperm.xlane v4, v3;
	_ =	sdelay $0x1  }
0x3b2: {  	v5 =	vadd.f32 v6, v5;
	v4 =	vadd.f32 v7, v4;
	_ =	sdelay $0x1  }
0x3b3: {  	s28 =	sadd.s32 $0x10, s28;
	v4 =	vsel vm3, v5, v4  }
0x3b4: {  	s29 =	sshra.s32 s30, $0x2;
	[tilespmem:s28+$0x0] =	vst v4  }
0x3b5: {  	v4 =	vld [tilespmem:s29+$0xCE50]  }
0x3b6: {  	v5 =	vld [tilespmem:s29+$0x10E50]  }
0x3b7: {  	v6 =	vld [tilespmem:s29+$0xD050]  }
0x3b8: {  	v7 =	vld [tilespmem:s29+$0x11050]  }
0x3b9: {  	v9 =	vld [tilespmem:s29+$0xCF50]  }
0x3ba: {  	v10 =	vld [tilespmem:s29+$0x10F50]  }
0x3bb: {  	v11 =	vld [tilespmem:s29+$0xD150]  }
0x3bc: {  	v12 =	vld [tilespmem:s29+$0x11150]  }
0x3bd: {  	v13 =	vld [tilespmem:s29+$0xCED0]  }
0x3be: {  	v14 =	vld [tilespmem:s29+$0x10ED0]  }
0x3bf: {  	v15 =	vld [tilespmem:s29+$0xD0D0]  }
0x3c0: {  	v16 =	vld [tilespmem:s29+$0x110D0]  }
0x3c1: {  	v18 =	vld [tilespmem:s29+$0xCFD0]  }
0x3c2: {  	v20 =	vld [tilespmem:s29+$0x10FD0]  }
0x3c3: {  	v21 =	vld [tilespmem:s29+$0xD1D0]  }
0x3c4: {  	v22 =	vld [tilespmem:s29+$0x111D0]  }
0x3c5: {  	v23 =	vld [tilespmem:s29+$0xCE90]  }
0x3c6: {  	v24 =	vld [tilespmem:s29+$0x10E90]  }
0x3c7: {  	v8 =	vshll.u32 v4, $0x10;
	v17 =	vshll.u32 v5, $0x10;
	v25 =	vld [tilespmem:s29+$0xD090]  }
0x3c8: {  	v4 =	vmul.f32 v5, v4;
	v8 =	vmul.f32 v17, v8;
	v5 =	vld [tilespmem:s29+$0x11090]  }
0x3c9: {  	v17 =	vshll.u32 v6, $0x10;
	v19 =	vshll.u32 v7, $0x10;
	v26 =	vld [tilespmem:s29+$0xCF90]  }
0x3ca: {  	v6 =	vmul.f32 v7, v6;
	v8 =	vadd.f32 v8, v4;
	v4 =	vmul.f32 v19, v17;
	v7 =	vld [tilespmem:s29+$0x10F90]  }
0x3cb: {  	v17 =	vshll.u32 v9, $0x10;
	v19 =	vshll.u32 v10, $0x10;
	v10 =	vmul.f32 v10, v9;
	v27 =	vld [tilespmem:s29+$0xD190]  }
0x3cc: {  	v17 =	vmul.f32 v19, v17;
	v19 =	vshll.u32 v11, $0x10;
	v28 =	vshll.u32 v12, $0x10;
	v29 =	vld [tilespmem:s29+$0x11190]  }
0x3cd: {  	v9 =	vadd.f32 v4, v6;
	v11 =	vmul.f32 v12, v11;
	v6 =	vmul.f32 v28, v19;
	v4 =	vld [tilespmem:s29+$0xCF10]  }
0x3ce: {  	v12 =	vshll.u32 v13, $0x10;
	v17 =	vadd.f32 v17, v10;
	v19 =	vshll.u32 v14, $0x10;
	v28 =	vld [tilespmem:s29+$0x10F10]  }
0x3cf: {  	v10 =	vmul.f32 v19, v12;
	v12 =	vmul.f32 v14, v13;
	v11 =	vadd.f32 v6, v11;
	v30 =	vld [tilespmem:s29+$0xD110]  }
0x3d0: {  	v6 =	vshll.u32 v15, $0x10;
	v13 =	vshll.u32 v16, $0x10;
	v14 =	vmul.f32 v16, v15;
	v31 =	vld [tilespmem:s29+$0x11110]  }
0x3d1: {  	v6 =	vmul.f32 v13, v6;
	v13 =	vshll.u32 v18, $0x10;
	v15 =	vshll.u32 v20, $0x10;
	v32 =	vld [tilespmem:s29+$0xD010]  }
0x3d2: {  	v19 =	vadd.f32 v10, v12;
	v12 =	vmul.f32 v20, v18;
	v10 =	vmul.f32 v15, v13;
	v33 =	vld [tilespmem:s29+$0x11010]  }
0x3d3: {  	v20 =	vadd.f32 v6, v14;
	v6 =	vshll.u32 v21, $0x10;
	v13 =	vshll.u32 v22, $0x10;
	v34 =	vld [tilespmem:s29+$0xD210]  }
0x3d4: {  	v18 =	vadd.f32 v10, v12;
	v6 =	vmul.f32 v13, v6;
	v10 =	vmul.f32 v22, v21;
	v21 =	vld [tilespmem:s29+$0x11210]  }
0x3d5: {  	v12 =	vshll.u32 v23, $0x10;
	v13 =	vshll.u32 v24, $0x10;
	v14 =	vmul.f32 v24, v23;
	v22 =	vld [tilespmem:s29+$0xCE40]  }
0x3d6: {  	v12 =	vmul.f32 v13, v12;
	v13 =	vshll.u32 v25, $0x10;
	v15 =	vshll.u32 v5, $0x10;
	v23 =	vld [tilespmem:s29+$0x10E40]  }
0x3d7: {  	v16 =	vadd.f32 v6, v10;
	v5 =	vmul.f32 v5, v25;
	v13 =	vmul.f32 v15, v13;
	v24 =	vld [tilespmem:s29+$0xD040]  }
0x3d8: {  	v15 =	vadd.f32 v12, v14;
	v6 =	vshll.u32 v26, $0x10;
	v12 =	vshll.u32 v7, $0x10;
	v10 =	vld [tilespmem:s29+$0x11040]  }
0x3d9: {  	v14 =	vadd.f32 v13, v5;
	v5 =	vmul.f32 v12, v6;
	v6 =	vmul.f32 v7, v26;
	v25 =	vld [tilespmem:s29+$0xCF40]  }
0x3da: {  	v7 =	vshll.u32 v27, $0x10;
	v12 =	vshll.u32 v29, $0x10;
	v13 =	vmul.f32 v29, v27;
	v26 =	vld [tilespmem:s29+$0x10F40]  }
0x3db: {  	v27 =	vshll.u32 v4, $0x10;
	v7 =	vmul.f32 v12, v7;
	v29 =	vshll.u32 v28, $0x10;
	v35 =	vld [tilespmem:s29+$0xD140]  }
0x3dc: {  	v12 =	vadd.f32 v5, v6;
	v4 =	vmul.f32 v28, v4;
	v27 =	vmul.f32 v29, v27;
	v28 =	vld [tilespmem:s29+$0x11140]  }
0x3dd: {  	v5 =	vshll.u32 v30, $0x10;
	v13 =	vadd.f32 v7, v13;
	v6 =	vshll.u32 v31, $0x10;
	v29 =	vld [tilespmem:s29+$0xCEC0]  }
0x3de: {  	v4 =	vadd.f32 v27, v4;
	v5 =	vmul.f32 v6, v5;
	v6 =	vmul.f32 v31, v30;
	v36 =	vld [tilespmem:s29+$0x10EC0]  }
0x3df: {  	v7 =	vshll.u32 v32, $0x10;
	v27 =	vshll.u32 v33, $0x10;
	v31 =	vmul.f32 v33, v32;
	v30 =	vld [tilespmem:s29+$0xD0C0]  }
0x3e0: {  	v7 =	vmul.f32 v27, v7;
	v27 =	vshll.u32 v34, $0x10;
	v33 =	vshll.u32 v21, $0x10;
	v32 =	vld [tilespmem:s29+$0x110C0]  }
0x3e1: {  	v5 =	vadd.f32 v5, v6;
	v21 =	vmul.f32 v21, v34;
	v27 =	vmul.f32 v33, v27;
	v37 =	vld [tilespmem:s29+$0xCFC0]  }
0x3e2: {  	v33 =	vshll.u32 v22, $0x10;
	v6 =	vadd.f32 v7, v31;
	v34 =	vshll.u32 v23, $0x10;
	v38 =	vld [tilespmem:s29+$0x10FC0]  }
0x3e3: {  	v22 =	vmul.f32 v23, v22;
	v31 =	vmul.f32 v34, v33;
	v7 =	vadd.f32 v27, v21;
	v23 =	vld [tilespmem:s29+$0xD1C0]  }
0x3e4: {  	v21 =	vshll.u32 v24, $0x10;
	v27 =	vshll.u32 v10, $0x10;
	v10 =	vmul.f32 v10, v24;
	v24 =	vld [tilespmem:s29+$0x111C0]  }
0x3e5: {  	v21 =	vmul.f32 v27, v21;
	v27 =	vshll.u32 v25, $0x10;
	v34 =	vshll.u32 v26, $0x10;
	v33 =	vld [tilespmem:s29+$0xCE80]  }
0x3e6: {  	v31 =	vadd.f32 v31, v22;
	v25 =	vmul.f32 v26, v25;
	v27 =	vmul.f32 v34, v27;
	v22 =	vld [tilespmem:s29+$0x10E80]  }
0x3e7: {  	v10 =	vadd.f32 v21, v10;
	v26 =	vshll.u32 v35, $0x10;
	v34 =	vshll.u32 v28, $0x10;
	v21 =	vld [tilespmem:s29+$0xD080]  }
0x3e8: {  	v27 =	vadd.f32 v27, v25;
	v25 =	vmul.f32 v34, v26;
	v26 =	vmul.f32 v28, v35;
	v39 =	vld [tilespmem:s29+$0x11080]  }
0x3e9: {  	v28 =	vshll.u32 v29, $0x10;
	v34 =	vshll.u32 v36, $0x10;
	v35 =	vmul.f32 v36, v29;
	v36 =	vld [tilespmem:s29+$0xCF80]  }
0x3ea: {  	v28 =	vmul.f32 v34, v28;
	v29 =	vshll.u32 v30, $0x10;
	v34 =	vshll.u32 v32, $0x10;
	v40 =	vld [tilespmem:s29+$0x10F80]  }
0x3eb: {  	v30 =	vmul.f32 v32, v30;
	v34 =	vmul.f32 v34, v29;
	v29 =	vadd.f32 v25, v26;
	v32 =	vld [tilespmem:s29+$0xD180]  }
0x3ec: {  	v28 =	vadd.f32 v28, v35;
	v25 =	vshll.u32 v37, $0x10;
	v26 =	vshll.u32 v38, $0x10;
	v35 =	vld [tilespmem:s29+$0x11180]  }
0x3ed: {  	v30 =	vadd.f32 v34, v30;
	v25 =	vmul.f32 v26, v25;
	v26 =	vmul.f32 v38, v37;
	v41 =	vld [tilespmem:s29+$0xCE20]  }
0x3ee: {  	v37 =	vshll.u32 v23, $0x10;
	v38 =	vshll.u32 v24, $0x10;
	v23 =	vmul.f32 v24, v23;
	v34 =	vld [tilespmem:s29+$0x10E20]  }
0x3ef: {  	v24 =	vshll.u32 v33, $0x10;
	v37 =	vmul.f32 v38, v37;
	v43 =	vshll.u32 v22, $0x10;
	v42 =	vld [tilespmem:s29+$0xCE30]  }
0x3f0: {  	v26 =	vadd.f32 v25, v26;
	v22 =	vmul.f32 v22, v33;
	v43 =	vmul.f32 v43, v24;
	v38 =	vld [tilespmem:s29+$0x10E30]  }
0x3f1: {  	v44 =	vshll.u32 v21, $0x10;
	v24 =	vadd.f32 v37, v23;
	v45 =	vshll.u32 v39, $0x10;
	v33 =	vld [tilespmem:s29+$0xD020]  }
0x3f2: {  	v21 =	vmul.f32 v39, v21;
	v25 =	vadd.f32 v43, v22;
	v22 =	vmul.f32 v45, v44;
	v23 =	vld [tilespmem:s29+$0x11020]  }
0x3f3: {  	v39 =	vshll.u32 v36, $0x10;
	v43 =	vshll.u32 v40, $0x10;
	v36 =	vmul.f32 v40, v36;
	v37 =	vld [tilespmem:s29+$0xD030]  }
0x3f4: {  	v22 =	vadd.f32 v22, v21;
	v21 =	vmul.f32 v43, v39;
	v39 =	vmul.f32 v35, v32;
	v40 =	vld [tilespmem:s29+$0x11030]  }
0x3f5: {  	v43 =	vshll.u32 v41, $0x10;
	v44 =	vshll.u32 v34, $0x10;
	v34 =	vmul.f32 v34, v41  }
0x3f6: {  	v41 =	vmul.f32 v44, v43;
	v43 =	vshll.u32 v42, $0x10;
	v44 =	vshll.u32 v38, $0x10  }
0x3f7: {  	v32 =	vshll.u32 v32, $0x10;
	v38 =	vmul.f32 v38, v42;
	v43 =	vmul.f32 v44, v43;
	v42 =	vld [tilespmem:s29+$0xCF00]  }
0x3f8: {  	v44 =	vshll.u32 v33, $0x10;
	v45 =	vshll.u32 v23, $0x10;
	v23 =	vmul.f32 v23, v33;
	v33 =	vld [tilespmem:s29+$0x10F00]  }
0x3f9: {  	v44 =	vmul.f32 v45, v44;
	v45 =	vshll.u32 v37, $0x10;
	v46 =	vshll.u32 v40, $0x10;
	v47 =	vld [tilespmem:s29+$0xD100]  }
0x3fa: {  	v35 =	vshll.u32 v35, $0x10;
	v37 =	vmul.f32 v40, v37;
	v45 =	vmul.f32 v46, v45;
	v40 =	vld [tilespmem:s29+$0x11100]  }
0x3fb: {  	v32 =	vmul.f32 v35, v32;
	v34 =	vadd.f32 v41, v34;
	v38 =	vadd.f32 v43, v38;
	v35 =	vld [tilespmem:s29+$0xD000]  }
0x3fc: {  	v41 =	vadd.f32 v44, v23;
	v37 =	vadd.f32 v45, v37;
	v43 =	vld [tilespmem:s29+$0x11000]  }
0x3fd: {  	v23 =	vadd.f32 v21, v36;
	v21 =	vadd.f32 v32, v39;
	v44 =	vshll.u32 v42, $0x10;
	v45 =	vld [tilespmem:s29+$0xCF20]  }
0x3fe: {  	v32 =	vadd.f32 v38, v34;
	v36 =	vshll.u32 v33, $0x10;
	v34 =	vadd.f32 v37, v41;
	v37 =	vld [tilespmem:s29+$0x10F20]  }
0x3ff: {  	v33 =	vmul.f32 v33, v42;
	v36 =	vmul.f32 v36, v44;
	v38 =	vshll.u32 v47, $0x10;
	v39 =	vld [tilespmem:s29+$0xCF30]  }
0x400: {  	v31 =	vadd.f32 v31, v32;
	v32 =	vshll.u32 v40, $0x10;
	v10 =	vadd.f32 v10, v34;
	v34 =	vld [tilespmem:s29+$0x10F30]  }
0x401: {  	v32 =	vmul.f32 v32, v38;
	v38 =	vmul.f32 v40, v47;
	v41 =	vshll.u32 v35, $0x10;
	v40 =	vld [tilespmem:s29+$0xD120]  }
0x402: {  	v31 =	vadd.f32 v8, v31;
	v42 =	vadd.f32 v9, v10;
	v44 =	vld [tilespmem:s29+$0x11120];
	v9 =	vshll.u32 v43, $0x10  }
0x403: {  	v8 =	vadd.f32 v36, v33;
	v35 =	vmul.f32 v43, v35;
	v33 =	vld [tilespmem:s29+$0xD130];
	v10 =	vmul.f32 v9, v41  }
0x404: {  	v36 =	vperm.xlane v31, v0;
	v9 =	vadd.f32 v32, v38;
	v41 =	vperm.xlane v42, v0;
	v32 =	vld [tilespmem:s29+$0x11130]  }
0x405: {  	v43 =	vshll.u32 v45, $0x10;
	v46 =	vshll.u32 v37, $0x10;
	v37 =	vmul.f32 v37, v45;
	v38 =	vld [tilespmem:s29+$0xCEA0]  }
0x406: {  	v43 =	vmul.f32 v46, v43;
	v46 =	vshll.u32 v39, $0x10;
	v47 =	vshll.u32 v34, $0x10;
	v45 =	vld [tilespmem:s29+$0x10EA0]  }
0x407: {  	v34 =	vmul.f32 v34, v39;
	v10 =	vadd.f32 v10, v35;
	v46 =	vmul.f32 v47, v46;
	v48 =	vld [tilespmem:s29+$0xCEB0]  }
0x408: {  	v31 =	vadd.f32 v36, v31;
	v35 =	vadd.f32 v42, v41;
	v36 =	vld [tilespmem:s29+$0x10EB0]  }
0x409: {  	v37 =	vadd.f32 v43, v37;
	v34 =	vadd.f32 v46, v34;
	v39 =	vld [tilespmem:s29+$0xD0A0]  }
0x40a: {  	v42 =	vshll.u32 v40, $0x10;
	v43 =	vshll.u32 v44, $0x10;
	v40 =	vmul.f32 v44, v40;
	v41 =	vld [tilespmem:s29+$0x110A0]  }
0x40b: {  	v42 =	vmul.f32 v43, v42;
	v43 =	vshll.u32 v33, $0x10;
	v46 =	vshll.u32 v32, $0x10;
	v44 =	vld [tilespmem:s29+$0xD0B0]  }
0x40c: {  	v32 =	vmul.f32 v32, v33;
	v34 =	vadd.f32 v34, v37;
	v37 =	vmul.f32 v46, v43;
	v47 =	vld [tilespmem:s29+$0x110B0]  }
0x40d: {  	v33 =	vshll.u32 v38, $0x10;
	v43 =	vshll.u32 v45, $0x10;
	v38 =	vmul.f32 v45, v38  }
0x40e: {  	v33 =	vmul.f32 v43, v33;
	v43 =	vshll.u32 v48, $0x10;
	v45 =	vshll.u32 v36, $0x10  }
0x40f: {  	v40 =	vadd.f32 v42, v40;
	v36 =	vmul.f32 v36, v48;
	v43 =	vmul.f32 v45, v43  }
0x410: {  	v42 =	vshll.u32 v39, $0x10;
	v45 =	vshll.u32 v41, $0x10;
	v39 =	vmul.f32 v41, v39;
	v41 =	vld [tilespmem:s29+$0xD200]  }
0x411: {  	v42 =	vmul.f32 v45, v42;
	v45 =	vshll.u32 v44, $0x10;
	v46 =	vshll.u32 v47, $0x10;
	v48 =	vld [tilespmem:s29+$0x11200]  }
0x412: {  	v32 =	vadd.f32 v37, v32;
	v44 =	vmul.f32 v47, v44;
	v45 =	vmul.f32 v46, v45  }
0x413: {  	v33 =	vadd.f32 v33, v38;
	v36 =	vadd.f32 v43, v36  }
0x414: {  	v37 =	vadd.f32 v42, v39;
	v38 =	vadd.f32 v45, v44  }
0x415: {  	v27 =	vadd.f32 v27, v34;
	v32 =	vadd.f32 v32, v40;
	v34 =	vshll.u32 v41, $0x10  }
0x416: {  	v33 =	vadd.f32 v36, v33;
	v36 =	vadd.f32 v38, v37;
	v37 =	vld [tilespmem:s29+$0xCFA0];
	v38 =	vmul.f32 v48, v41  }
0x417: {  	v27 =	vadd.f32 v17, v27;
	v17 =	vadd.f32 v29, v32;
	v32 =	vshll.u32 v48, $0x10;
	v29 =	vld [tilespmem:s29+$0x10FA0]  }
0x418: {  	v31 =	vsel vm2, v31, v35;
	v28 =	vadd.f32 v28, v33;
	v30 =	vadd.f32 v30, v36;
	v33 =	vld [tilespmem:s29+$0xCFB0]  }
0x419: {  	v35 =	vadd.f32 v11, v17;
	v11 =	vmul.f32 v32, v34;
	v32 =	vperm.xlane v31, v1;
	v36 =	vld [tilespmem:s29+$0x10FB0]  }
0x41a: {  	v19 =	vadd.f32 v19, v28;
	v28 =	vperm.xlane v27, v0;
	v20 =	vadd.f32 v20, v30;
	v30 =	vld [tilespmem:s29+$0xD1A0]  }
0x41b: {  	v34 =	vperm.xlane v35, v0;
	v17 =	vadd.f32 v11, v38;
	v11 =	vadd.f32 v32, v31;
	v39 =	vld [tilespmem:s29+$0x111A0]  }
0x41c: {  	v27 =	vadd.f32 v28, v27;
	v31 =	vperm.xlane v19, v0;
	v32 =	vperm.xlane v20, v0;
	v28 =	vld [tilespmem:s29+$0xD1B0]  }
0x41d: {  	v38 =	vshll.u32 v37, $0x10;
	v40 =	vshll.u32 v29, $0x10;
	v29 =	vmul.f32 v29, v37;
	v37 =	vld [tilespmem:s29+$0x111B0]  }
0x41e: {  	v38 =	vmul.f32 v40, v38;
	v40 =	vshll.u32 v33, $0x10;
	v41 =	vld [tilespmem:s29+$0xCE60];
	v42 =	vshll.u32 v36, $0x10  }
0x41f: {  	v34 =	vadd.f32 v35, v34;
	v33 =	vmul.f32 v36, v33;
	v43 =	vld [tilespmem:s29+$0x10E60];
	v35 =	vmul.f32 v42, v40  }
0x420: {  	v19 =	vadd.f32 v31, v19;
	v20 =	vadd.f32 v20, v32;
	v36 =	vld [tilespmem:s29+$0xCE70]  }
0x421: {  	v27 =	vsel vm2, v27, v34;
	v29 =	vadd.f32 v38, v29;
	v31 =	vld [tilespmem:s29+$0x10E70];
	v32 =	vadd.f32 v35, v33  }
0x422: {  	v34 =	vshll.u32 v39, $0x10;
	v33 =	vshll.u32 v30, $0x10;
	v30 =	vmul.f32 v39, v30  }
0x423: {  	v33 =	vmul.f32 v34, v33;
	v34 =	vshll.u32 v28, $0x10;
	v35 =	vshll.u32 v37, $0x10  }
0x424: {  	v28 =	vmul.f32 v37, v28;
	v29 =	vadd.f32 v32, v29;
	v32 =	vmul.f32 v35, v34  }
0x425: {  	v34 =	vshll.u32 v41, $0x10;
	v35 =	vshll.u32 v43, $0x10;
	v37 =	vmul.f32 v43, v41;
	v38 =	vld [tilespmem:s29+$0xD060]  }
0x426: {  	v34 =	vmul.f32 v35, v34;
	v35 =	vshll.u32 v36, $0x10;
	v39 =	vshll.u32 v31, $0x10;
	v40 =	vld [tilespmem:s29+$0x11060]  }
0x427: {  	v26 =	vadd.f32 v26, v29;
	v31 =	vmul.f32 v31, v36;
	v35 =	vmul.f32 v39, v35;
	v36 =	vld [tilespmem:s29+$0xD070]  }
0x428: {  	v30 =	vadd.f32 v33, v30;
	v28 =	vadd.f32 v32, v28;
	v32 =	vperm.xlane v27, v1;
	v29 =	vld [tilespmem:s29+$0x11070]  }
0x429: {  	v33 =	vadd.f32 v34, v37;
	v31 =	vadd.f32 v35, v31  }
0x42a: {  	v19 =	vsel vm2, v19, v20;
	v20 =	vadd.f32 v18, v26;
	v18 =	vadd.f32 v32, v27  }
0x42b: {  	v28 =	vadd.f32 v28, v30;
	v30 =	vperm.xlane v19, v1;
	v26 =	vadd.f32 v31, v33;
	v27 =	vld [tilespmem:s29+$0xCF60]  }
0x42c: {  	v31 =	vshll.u32 v38, $0x10;
	v32 =	vshll.u32 v40, $0x10;
	v33 =	vmul.f32 v40, v38;
	v34 =	vld [tilespmem:s29+$0x10F60]  }
0x42d: {  	v31 =	vmul.f32 v32, v31;
	v32 =	vshll.u32 v36, $0x10;
	v35 =	vshll.u32 v29, $0x10;
	v37 =	vld [tilespmem:s29+$0xCF70]  }
0x42e: {  	v19 =	vadd.f32 v30, v19;
	v29 =	vmul.f32 v29, v36;
	v32 =	vmul.f32 v35, v32;
	v35 =	vld [tilespmem:s29+$0x10F70]  }
0x42f: {  	v24 =	vadd.f32 v24, v28;
	v28 =	vperm.xlane v20, v0;
	v25 =	vadd.f32 v25, v26;
	v26 =	vld [tilespmem:s29+$0xD160]  }
0x430: {  	v30 =	vadd.f32 v31, v33;
	v29 =	vadd.f32 v32, v29;
	v31 =	vld [tilespmem:s29+$0x11160]  }
0x431: {  	v16 =	vadd.f32 v16, v24;
	v20 =	vadd.f32 v28, v20;
	v32 =	vld [tilespmem:s29+$0xD170]  }
0x432: {  	v15 =	vadd.f32 v15, v25;
	v24 =	vadd.f32 v29, v30;
	v25 =	vld [tilespmem:s29+$0x11170]  }
0x433: {  	v28 =	vshll.u32 v27, $0x10;
	v27 =	vmul.f32 v34, v27;
	v29 =	vshll.u32 v34, $0x10  }
0x434: {  	v28 =	vmul.f32 v29, v28;
	v29 =	vshll.u32 v37, $0x10;
	v30 =	vshll.u32 v35, $0x10  }
0x435: {  	v22 =	vadd.f32 v22, v24;
	v24 =	vmul.f32 v30, v29;
	v29 =	vmul.f32 v35, v37;
	v33 =	vld [tilespmem:s29+$0xCEE0]  }
0x436: {  	v34 =	vshll.u32 v26, $0x10;
	v35 =	vshll.u32 v31, $0x10;
	v26 =	vmul.f32 v31, v26;
	v30 =	vld [tilespmem:s29+$0x10EE0]  }
0x437: {  	v34 =	vmul.f32 v35, v34;
	v35 =	vshll.u32 v32, $0x10;
	v31 =	vld [tilespmem:s29+$0xCEF0];
	v36 =	vshll.u32 v25, $0x10  }
0x438: {  	v37 =	vadd.f32 v14, v22;
	v22 =	vmul.f32 v25, v32;
	v38 =	vld [tilespmem:s29+$0x10EF0];
	v14 =	vmul.f32 v36, v35  }
0x439: {  	v24 =	vadd.f32 v24, v29;
	v25 =	vadd.f32 v28, v27;
	v27 =	vperm.xlane v16, v0;
	v32 =	vld [tilespmem:s29+$0xD0E0]  }
0x43a: {  	v28 =	vperm.xlane v15, v0;
	v26 =	vadd.f32 v34, v26;
	v29 =	vld [tilespmem:s29+$0x110E0];
	v34 =	vadd.f32 v14, v22  }
0x43b: {  	v35 =	vperm.xlane v37, v0;
	v25 =	vadd.f32 v24, v25;
	v14 =	vadd.f32 v16, v27;
	v22 =	vld [tilespmem:s29+$0xD0F0]  }
0x43c: {  	v15 =	vadd.f32 v28, v15;
	v24 =	vld [tilespmem:s29+$0x110F0];
	v26 =	vadd.f32 v34, v26  }
0x43d: {  	v16 =	vadd.f32 v37, v35;
	v25 =	vadd.f32 v23, v25;
	v23 =	vld [tilespmem:s29+$0xCFE0]  }
0x43e: {  	v27 =	vshll.u32 v33, $0x10;
	v28 =	vshll.u32 v30, $0x10;
	v21 =	vadd.f32 v21, v26;
	v26 =	vld [tilespmem:s29+$0x10FE0]  }
.Ltmp3:
0x43f: {  	v30 =	vmul.f32 v30, v33;
	v28 =	vmul.f32 v28, v27;
	v12 =	vadd.f32 v12, v25;
	v25 =	vld [tilespmem:s29+$0xCFF0];
	(pc) =	sbr.rel @p1 .LBB2_5-.Ltmp3, $4  }
0x440: {  	v33 =	vshll.u32 v31, $0x10;
	v34 =	vshll.u32 v38, $0x10;
	v13 =	vadd.f32 v13, v21;
	v27 =	vld [tilespmem:s29+$0x10FF0]  }
0x441: {  	v33 =	vmul.f32 v34, v33;
	v34 =	vmul.f32 v38, v31;
	v21 =	vadd.f32 v28, v30;
	v28 =	vld [tilespmem:s29+$0xD1E0]  }
0x442: {  	v35 =	vshll.u32 v32, $0x10;
	v36 =	vshll.u32 v29, $0x10;
	v31 =	vmul.f32 v29, v32;
	v30 =	vld [tilespmem:s29+$0x111E0]  }
0x443: {  	s30 =	sadd.s32 $0x1000, s30;
	v32 =	vmul.f32 v36, v35;
	v35 =	vshll.u32 v22, $0x10;
	v36 =	vshll.u32 v24, $0x10;
	v29 =	vld [tilespmem:s29+$0xD1F0]  }
0x444: {  	v33 =	vadd.f32 v33, v34;
	v56 =	vmul.f32 v36, v35;
	v22 =	vmul.f32 v24, v22;
	v57 =	vld [tilespmem:s29+$0x111F0]  }
0x445: {  	v58 =	vshll.u32 v23, $0x10;
	v59 =	vshll.u32 v26, $0x10;
	v60 =	vmul.f32 v26, v23  }
0x446: {  	v62 =	vshll.u32 v25, $0x10;
	v61 =	vmul.f32 v59, v58;
	v63 =	vshll.u32 v27, $0x10  }
0x447: {  	v31 =	vadd.f32 v32, v31;
	v38 =	vmul.f32 v27, v25;
	v37 =	vmul.f32 v63, v62  }
0x448: {  	v39 =	vshll.u32 v28, $0x10;
	v40 =	vshll.u32 v30, $0x10;
	v41 =	vmul.f32 v30, v28  }
0x449: {  	v27 =	vmul.f32 v40, v39;
	v42 =	vshll.u32 v29, $0x10;
	v43 =	vshll.u32 v57, $0x10  }
0x44a: {  	v22 =	vadd.f32 v56, v22;
	v24 =	vmul.f32 v57, v29;
	v30 =	vmul.f32 v43, v42  }
0x44b: {  	v23 =	vadd.f32 v61, v60;
	v25 =	vadd.f32 v37, v38  }
0x44c: {  	v44 =	vadd.f32 v27, v41;
	v24 =	vadd.f32 v30, v24  }
0x44d: {  	v21 =	vadd.f32 v33, v21;
	v22 =	vadd.f32 v22, v31  }
0x44e: {  	v23 =	vadd.f32 v25, v23;
	v24 =	vadd.f32 v24, v44  }
0x44f: {  	v8 =	vadd.f32 v8, v21;
	v9 =	vadd.f32 v9, v22  }
0x450: {  	v10 =	vadd.f32 v10, v23;
	v17 =	vadd.f32 v17, v24  }
0x451: {  	v45 =	vperm.xlane v12, v0;
	v4 =	vadd.f32 v4, v8;
	v5 =	vadd.f32 v5, v9  }
0x452: {  	v46 =	vperm.xlane v13, v0;
	v6 =	vadd.f32 v6, v10;
	v7 =	vadd.f32 v7, v17  }
0x453: {  	v8 =	vadd.f32 v45, v12;
	v47 =	vperm.xlane v4, v0;
	v48 =	vperm.xlane v5, v0  }
0x454: {  	v9 =	vadd.f32 v13, v46;
	v49 =	vperm.xlane v6, v0;
	v50 =	vperm.xlane v7, v0  }
0x455: {  	v51 =	vsel vm2, v20, v14;
	v4 =	vadd.f32 v47, v4;
	v5 =	vadd.f32 v5, v48  }
0x456: {  	v52 =	vsel vm2, v15, v16;
	v6 =	vadd.f32 v49, v6;
	v7 =	vadd.f32 v7, v50  }
0x457: {  	v53 =	vperm.xlane v52, v1;
	v54 =	vperm.xlane v51, v1;
	v8 =	vsel vm2, v8, v9  }
0x458: {  	v55 =	vperm.xlane v8, v1;
	v4 =	vsel vm2, v4, v5;
	v5 =	vsel vm2, v6, v7  }
0x459: {  	v56 =	vadd.f32 v54, v51;
	v57 =	vperm.xlane v4, v1;
	v58 =	vperm.xlane v5, v1  }
0x45a: {  	v9 =	vadd.f32 v53, v52;
	v6 =	vadd.f32 v55, v8  }
0x45b: {  	v59 =	vsel vm0, v11, v18;
	v4 =	vadd.f32 v57, v4;
	v5 =	vadd.f32 v58, v5  }
0x45c: {  	v60 =	vperm.xlane v59, v2;
	v6 =	vsel vm0, v9, v6  }
0x45d: {  	v7 =	vsel vm0, v19, v56;
	v9 =	vperm.xlane v6, v2;
	v4 =	vsel vm0, v4, v5  }
0x45e: {  	v5 =	vperm.xlane v7, v2;
	v61 =	vperm.xlane v4, v2  }
0x45f: {  	v8 =	vadd.f32 v60, v59;
	v6 =	vadd.f32 v9, v6  }
0x460: {  	v5 =	vadd.f32 v5, v7;
	v4 =	vadd.f32 v61, v4;
	_ =	sdelay $0x1  }
0x461: {  	v5 =	vsel vm1, v8, v5;
	v4 =	vsel vm1, v6, v4  }
0x462: {  	v62 =	vperm.xlane v5, v3;
	v63 =	vperm.xlane v4, v3  }
0x463: {  	s30 =	sor.u32 $0x100, s26  }
.Ltmp4:
0x464: {  	s29 =	smin.u32 s30, $0x2610;
	v5 =	vadd.f32 v62, v5;
	v4 =	vadd.f32 v63, v4;
	(pc) =	sbr.rel @p2 .LBB2_8-.Ltmp4, $4  }
0x465: {  	s29 =	sadd.s32 s3, s29  }
0x466: {  	s28 =	sadd.s32 $0x10, s28;
	s29 =	sshrl.u32 s29, $0x3;
	v4 =	vsel vm3, v5, v4  }
0x467: {  	s31 =	sadd.s32 s5, s29;
	[tilespmem:s28+$0x0] =	vst v4  }
0x468: {  	[hbm4b:s31+s2] =	stream.linear.scatter [tilespmem:s21], [sflag:$0x4], $0x100, $0x38;
	[tilespmem:$0x1EC60] =	vst v63  }
.Ltmp5:
0x469: {  	s26 =	smin.u32 s26, $0x2310;
	(pc) =	sbr.rel .LBB2_2-.Ltmp5, $4  }
0x46a: {  	s28 =	sadd.s32 $0x300, s26  }
0x46b: {  	[tilespmem:s15], [sflag:$0x2] =	stream.indirect.gather [spmem:s0], $0x40, s28, s12, $0xb8;
	[tilespmem:$0x1EC60] =	vst v63  }
0x46c: {  	s25 =	sadd.s32 $0x1, s25;
	s26 =	sadd.s32 $0x2A10, s26  }
0x46d: {  	[tilespmem:s17], [sflag:$0x2] =	stream.indirect.gather [spmem:s0], $0x40, s26, s12, $0xb8;
	[tilespmem:$0x1EC60] =	vst v63  }
.LBB2_9:
0x46e: {  	_ =	sfence.sel $0x180000  }
0x46f: {  	[bflag:$0x0] =	sbarrier.arrive $0xFFFF  }
0x470: {  	_ =	strace $0x90000047  }
0x471: {  	s0 =	sadd.s32 @!p0 $0x100000, s1;
	[bflag:$0x2] =	sbarrier.arrive $0xFFFF  }
0x472: {  	[sflag:s0] =	ssyncadd.tile.s32 @!p0 $0x1;
	_ =	shalt  }
.Lfunc_end2:
_tile_overlayer_lowered:
.L_overlay_start_2:
0x473: {  	(tag) =	ssettag $0x2  }
0x474: {  	s0 =	rddreg [dreg:$0x0];
	s2 =	stileid.u32  }
0x475: {  	s1 =	rddreg [dreg:$0x1];
	p0 =	sne.s32 s2, $0x0  }
0x476: {  	s3 =	rddreg [dreg:$0x2];
	[bflag:$0x3] =	sbarrier.arrive $0xFFFF;
	s2 =	simm.s32 @!p0 $0x1C05  }
0x477: {  	[timem:s3], [sflag:s2] =	dma.local @!p0 [hbm:s0], s1  }
0x478: {  	s0 =	simm.s32 @!p0 $0x5  }
0x479: {  	_ =	swait.ge @!p0 [sflag:s0], s1  }
0x47a: {  	s1 =	ssub.s32 @!p0 $0x0, s1;
	[sflag:s0] =	ssyncset.done @!p0 $0x0  }
0x47b: {  	[sflag:s0] =	ssyncadd.s32 @!p0 s1  }
0x47c: {  	[bflag:$0x3] =	sbarrier.arrive $0xFFFF  }
0x47d: {  	_ =	shalt  }

</sc_bundles>
